<compile_context>
chip_gen: v7x
topology: tpu7x:2x2x1
jax: 0.10.2.dev20260603
libtpu: 0.0.44.dev20260713+nightly
codegen_flags: <defaults>
</compile_context>

<pallas_src>
import functools
import math

import jax
import jax.numpy as jnp
from jax import lax
from jax.experimental import pallas as pl
from jax.experimental.pallas import tpu as pltpu
from jax.experimental.pallas import tpu_sc as plsc
from jax._src.pallas import mpmd as _mpmd

B = 16384
D = 64
V = 1000000
H = 1024
BETA = 0.95

NC = 2
NS = 16
NW = NC * NS
L = 16

BPT = B // NW

_mesh = plsc.VectorSubcoreMesh(core_axis_name="c", subcore_axis_name="s")
_sc_params = pltpu.CompilerParams(use_tc_tiling_on_sc=True,
                                 needs_layout_passes=False)


@functools.partial(
    pl.kernel,
    out_type=(jax.ShapeDtypeStruct((B, D), jnp.float32),
              jax.ShapeDtypeStruct((B, D), jnp.float32)),
    mesh=_mesh,
    compiler_params=_sc_params,
    scratch_types=[
        pltpu.VMEM((BPT + L,), jnp.int32),
        pltpu.VMEM((BPT, D), jnp.float32),
        pltpu.SemaphoreType.DMA,
    ],
)
def _sc_gather(ind_hbm, aux_hbm, proto_hbm, v_out, z_out, idx_v, rows, sem):
    wid = lax.axis_index("s") * NC + lax.axis_index("c")
    base = wid * BPT
    pltpu.sync_copy(ind_hbm.at[pl.ds(base, BPT)], idx_v.at[pl.ds(0, BPT)])

    for tab, out in ((aux_hbm, v_out), (proto_hbm, z_out)):
        def g16(g, carry):
            iv = idx_v[pl.ds(g * L, L)]
            copies = [
                pltpu.async_copy(tab.at[pl.ds(iv[r], 1)],
                                 rows.at[pl.ds(g * L + r, 1)], sem)
                for r in range(L)
            ]
            for c in copies:
                c.wait()
            return carry

        lax.fori_loop(0, BPT // L, g16, 0)
        pltpu.sync_copy(rows, out.at[pl.ds(base, BPT)])


def _vrsqrt(s):
    i = plsc.bitcast(s, jnp.int32)
    y = plsc.bitcast(jnp.int32(0x5F3759DF) - (i >> 1), jnp.float32)
    for _ in range(4):
        y = y * (1.5 - 0.5 * s * y * y)
    return y


def _upd_body(ind_hbm, z_hbm, proto_hbm, out_hbm, idx_v, zz, ssem):
    wid = lax.axis_index("s") * NC + lax.axis_index("c")
    base = wid * BPT
    pltpu.sync_copy(ind_hbm.at[pl.ds(base, BPT)], idx_v.at[pl.ds(0, BPT)])
    pltpu.sync_copy(z_hbm.at[pl.ds(base, BPT)], zz)

    def g16(g, carry):
        iv = idx_v[pl.ds(g * L, L)]
        for r in range(L):
            row = g * L + r
            regs = [zz[row, pl.ds(k * L, L)] for k in range(D // L)]
            t = regs[0] * regs[0]
            for q in regs[1:]:
                t = t + q * q
            s = jnp.maximum(jnp.sum(t), 1e-24)
            sv = jnp.full((L,), s, dtype=jnp.float32)
            scale = BETA + (1.0 - BETA) * _vrsqrt(sv)
            for k in range(D // L):
                zz[row, pl.ds(k * L, L)] = regs[k] * scale
        copies = [
            pltpu.async_copy(zz.at[pl.ds(g * L + r, 1)],
                             out_hbm.at[pl.ds(iv[r], 1)], ssem)
            for r in range(L)
        ]
        for c in copies:
            c.wait()
        return carry

    lax.fori_loop(0, BPT // L, g16, 0)


_sc_update = _mpmd._mpmd_map(
    [(_mesh, _upd_body)],
    (jax.ShapeDtypeStruct((V, D), jnp.float32),),
    input_output_aliases={2: 0},
    compiler_params=_sc_params,
    scratch_types=[
        pltpu.VMEM((BPT + L,), jnp.int32),
        pltpu.VMEM((BPT, D), jnp.float32),
        pltpu.SemaphoreType.DMA,
    ],
)


BB = 512
_INV_SQRT_D = 1.0 / math.sqrt(D)
_INV_SQRT_2 = 1.0 / math.sqrt(2.0)


def _ln(x, g, b, eps=1e-5):
    mu = jnp.mean(x, axis=-1, keepdims=True)
    xc = x - mu
    var = jnp.mean(xc * xc, axis=-1, keepdims=True)
    return xc * lax.rsqrt(var + eps) * g + b


def _tc_body(x_ref, v_ref, z_ref, wq, bq, wk, bk, wv, bv, wo, bo,
             w1, b1, w2, b2, g1, be1, g2, be2, out_ref):
    xb = x_ref[...]
    vb = v_ref[...]
    zb = z_ref[...]
    S = jnp.concatenate([xb, vb, zb], axis=0)
    f32 = jnp.float32
    Q = jnp.dot(S, wq[...], preferred_element_type=f32) + bq[...]
    K = jnp.dot(S, wk[...], preferred_element_type=f32) + bk[...]
    Vv = jnp.dot(S, wv[...], preferred_element_type=f32) + bv[...]
    q = [Q[i * BB:(i + 1) * BB] for i in range(3)]
    k = [K[i * BB:(i + 1) * BB] for i in range(3)]
    v = [Vv[i * BB:(i + 1) * BB] for i in range(3)]
    ao = []
    for i in range(3):
        sc = [jnp.sum(q[i] * k[j], axis=-1, keepdims=True) * _INV_SQRT_D
              for j in range(3)]
        m = jnp.maximum(jnp.maximum(sc[0], sc[1]), sc[2])
        e = [jnp.exp(s - m) for s in sc]
        den = e[0] + e[1] + e[2]
        ao.append((e[0] * v[0] + e[1] * v[1] + e[2] * v[2]) / den)
    AO = jnp.concatenate(ao, axis=0)
    P = jnp.dot(AO, wo[...], preferred_element_type=f32) + bo[...]
    H1 = _ln(S + P, g1[...], be1[...])
    U = jnp.dot(H1, w1[...], preferred_element_type=f32) + b1[...]
    U = 0.5 * U * (1.0 + lax.erf(U * _INV_SQRT_2))
    FF = jnp.dot(U, w2[...], preferred_element_type=f32) + b2[...]
    H2 = _ln(H1 + FF, g2[...], be2[...])
    out_ref[...] = (H2[0:BB] + H2[BB:2 * BB] + H2[2 * BB:3 * BB]) * (1.0 / 3.0)


def _tc_transformer(x, v, z, wq, bq, wk, bk, wv, bv, wo, bo,
                    w1, b1, w2, b2, g1, be1, g2, be2):
    bspec = pl.BlockSpec((BB, D), lambda i: (i, 0))
    full = lambda r, c: pl.BlockSpec((r, c), lambda i: (0, 0))
    return pl.pallas_call(
        _tc_body,
        grid=(B // BB,),
        in_specs=[
            bspec, bspec, bspec,
            full(D, D), full(1, D), full(D, D), full(1, D),
            full(D, D), full(1, D), full(D, D), full(1, D),
            full(D, H), full(1, H), full(H, D), full(1, D),
            full(1, D), full(1, D), full(1, D), full(1, D),
        ],
        out_specs=bspec,
        out_shape=jax.ShapeDtypeStruct((B, D), jnp.float32),
    )(x, v, z, wq, bq, wk, bk, wv, bv, wo, bo, w1, b1, w2, b2,
      g1, be1, g2, be2)


def kernel(x, ind, aux_table, proto_table, Wq, bq, Wk, bk, Wv, bv, Wo, bo,
           W1, b1, W2, b2, ln1_g, ln1_b, ln2_g, ln2_b):
    ind32 = ind.astype(jnp.int32)
    v, z = _sc_gather(ind32, aux_table, proto_table)
    enriched = _tc_transformer(
        x, v, z, Wq, bq.reshape(1, D), Wk, bk.reshape(1, D),
        Wv, bv.reshape(1, D), Wo, bo.reshape(1, D),
        W1, b1.reshape(1, H), W2, b2.reshape(1, D),
        ln1_g.reshape(1, D), ln1_b.reshape(1, D),
        ln2_g.reshape(1, D), ln2_b.reshape(1, D))
    (new_proto,) = _sc_update(ind32, z, proto_table)
    return enriched, new_proto

# --- scband reference (transcript-rebuilt; emitter-appended) ---
"""Pipeline reference for scband-prime-27006754357828 (READ-ONLY COPY).

The authoritative reference and input builder live on the scoring server;
editing this copy changes nothing except your own understanding.
"""

import jax, jax.numpy as jnp
import numpy as np
import math

B = 16384
D = 64
V = 1000000
H = 1024
BETA = 0.95


def _layernorm(x, g, b, eps=1e-5):
    mu = jnp.mean(x, axis=-1, keepdims=True)
    var = jnp.var(x, axis=-1, keepdims=True)
    return (x - mu) / jnp.sqrt(var + eps) * g + b


def setup_inputs(seed: int = 0) -> dict:
    key = jax.random.key(seed)
    ks = jax.random.split(key, 20)
    inp = {}
    inp['x'] = jax.random.normal(ks[0], (B, D), dtype=jnp.float32)
    inp['ind'] = jax.random.randint(ks[1], (B,), 0, V, dtype=jnp.int64) if jax.config.jax_enable_x64 else jax.random.randint(ks[1], (B,), 0, V, dtype=jnp.int32)
    inp['aux_table'] = jax.random.normal(ks[2], (V, D), dtype=jnp.float32) * 0.02
    inp['proto_table'] = jax.random.normal(ks[3], (V, D), dtype=jnp.float32) * 0.02
    s = 1.0 / math.sqrt(D)
    inp['Wq'] = jax.random.normal(ks[4], (D, D), dtype=jnp.float32) * s
    inp['bq'] = jnp.zeros((D,), dtype=jnp.float32)
    inp['Wk'] = jax.random.normal(ks[5], (D, D), dtype=jnp.float32) * s
    inp['bk'] = jnp.zeros((D,), dtype=jnp.float32)
    inp['Wv'] = jax.random.normal(ks[6], (D, D), dtype=jnp.float32) * s
    inp['bv'] = jnp.zeros((D,), dtype=jnp.float32)
    inp['Wo'] = jax.random.normal(ks[7], (D, D), dtype=jnp.float32) * s
    inp['bo'] = jnp.zeros((D,), dtype=jnp.float32)
    inp['W1'] = jax.random.normal(ks[8], (D, H), dtype=jnp.float32) * s
    inp['b1'] = jnp.zeros((H,), dtype=jnp.float32)
    inp['W2'] = jax.random.normal(ks[9], (H, D), dtype=jnp.float32) * (1.0 / math.sqrt(H))
    inp['b2'] = jnp.zeros((D,), dtype=jnp.float32)
    inp['ln1_g'] = jnp.ones((D,), dtype=jnp.float32)
    inp['ln1_b'] = jnp.zeros((D,), dtype=jnp.float32)
    inp['ln2_g'] = jnp.ones((D,), dtype=jnp.float32)
    inp['ln2_b'] = jnp.zeros((D,), dtype=jnp.float32)
    return inp


def reference(x, ind, aux_table, proto_table, Wq, bq, Wk, bk, Wv, bv, Wo, bo,
              W1, b1, W2, b2, ln1_g, ln1_b, ln2_g, ln2_b):
    # --- encode: gather aux vectors and prototypes ---
    v = jnp.take(aux_table, ind, axis=0)      # [B, D] gather
    z = jnp.take(proto_table, ind, axis=0)    # [B, D] gather

    # --- combiner: TransformerEncoder over the bag [x, v, z] (seq_len = 3) ---
    seq = jnp.stack([x, v, z], axis=1)        # [B, 3, D]
    q = seq @ Wq + bq
    k = seq @ Wk + bk
    vv = seq @ Wv + bv
    scores = jnp.einsum('bqd,bkd->bqk', q, k) / math.sqrt(D)
    attn = jax.nn.softmax(scores, axis=-1)
    ao = jnp.einsum('bqk,bkd->bqd', attn, vv) @ Wo + bo
    h = _layernorm(seq + ao, ln1_g, ln1_b)    # post-norm (norm_first=False)
    ff = jax.nn.gelu(h @ W1 + b1, approximate=False) @ W2 + b2
    h2 = _layernorm(h + ff, ln2_g, ln2_b)
    enriched = jnp.mean(h2, axis=1)           # bag-pool over the 3 tokens -> [B, D]

    # --- update_prototypes (training mode): scatter-write rolling update ---
    z_norm = z / jnp.clip(jnp.linalg.norm(z, axis=1, keepdims=True), 1e-12)
    new_rows = BETA * z + (1.0 - BETA) * z_norm
    new_proto_table = proto_table.at[ind].set(new_rows)  # scatter overwrite

    return enriched, new_proto_table

if __name__ == "__main__":
    import jax
    _d = setup_inputs()
    print(jax.jit(kernel)(*tuple(_d.values())))

</pallas_src>

<mosaic_0001>
#map = affine_map<(d0, d1) -> (0)>
#map1 = affine_map<(d0, d1) -> (0, 0)>
module attributes {stable_mosaic.version = 14 : i64} {
  func.func @_sc_gather(%arg0: i32, %arg1: i32, %arg2: memref<16384xi32, #tpu.memory_space<hbm>>, %arg3: memref<1000000x64xf32, #tpu.memory_space<hbm>>, %arg4: memref<1000000x64xf32, #tpu.memory_space<hbm>>, %arg5: memref<16384x64xf32, #tpu.memory_space<hbm>>, %arg6: memref<16384x64xf32, #tpu.memory_space<hbm>>, %arg7: memref<528xi32, #tpu.memory_space<vmem>>, %arg8: memref<512x64xf32, #tpu.memory_space<vmem>>, %arg9: memref<!tpu.dma_semaphore, #tpu.memory_space<semaphore_mem>>) attributes {dimension_semantics = [#tpu.dimension_semantics<core_parallel>, #tpu.dimension_semantics<subcore_parallel>], iteration_bounds = array<i64: 2, 16>, scalar_prefetch = 0 : i64, scratch_operands = 3 : i64, tpu.core_type = #tpu.core_type<sc_vector_subcore>, window_params = [{transform_indices = #map}, {transform_indices = #map1}, {transform_indices = #map1}, {transform_indices = #map1}, {transform_indices = #map1}]} {
    %mul3A = arith.constant 2 : i32
    %mul3A_0 = arith.muli %arg1, %mul3A : i32
    %add3A = arith.addi %mul3A_0, %arg0 : i32
    %mul3A_1 = arith.constant 512 : i32
    %mul3A_2 = arith.muli %add3A, %mul3A_1 : i32
    "tpu.region"() ({
      %run_scoped3A = tpu.sem_alloc : memref<!tpu.dma_semaphore, #tpu.memory_space<semaphore_mem>>
      %dma_start3A = arith.constant 0 : i32
      %dma_start3A_14 = tpu.memref_slice %arg7[%dma_start3A] : memref<528xi32, #tpu.memory_space<vmem>> -> memref<512xi32, #tpu.memory_space<vmem>>
      %dma_start3A_15 = tpu.memref_slice %arg2[%mul3A_2] : memref<16384xi32, #tpu.memory_space<hbm>> -> memref<512xi32, #tpu.memory_space<hbm>>
      %dma_start3A_16 = arith.constant 0 : i32
      %dma_start3A_17 = tpu.memref_slice %arg7[%dma_start3A_16] : memref<528xi32, #tpu.memory_space<vmem>> -> memref<512xi32, #tpu.memory_space<vmem>>
      %dma_start3A_18 = tpu.memref_slice %arg2[%mul3A_2] : memref<16384xi32, #tpu.memory_space<hbm>> -> memref<512xi32, #tpu.memory_space<hbm>>
      tpu.enqueue_dma source(%dma_start3A_18 : memref<512xi32, #tpu.memory_space<hbm>>) target(%dma_start3A_17 : memref<512xi32, #tpu.memory_space<vmem>>) target_semaphore(%run_scoped3A : memref<!tpu.dma_semaphore, #tpu.memory_space<semaphore_mem>>)
      %dma_wait3A = arith.constant 0 : i32
      %dma_wait3A_19 = tpu.memref_slice %arg7[%dma_wait3A] : memref<528xi32, #tpu.memory_space<vmem>> -> memref<512xi32, #tpu.memory_space<vmem>>
      %dma_wait3A_20 = tpu.memref_slice %arg2[%mul3A_2] : memref<16384xi32, #tpu.memory_space<hbm>> -> memref<512xi32, #tpu.memory_space<hbm>>
      %dma_wait3A_21 = arith.constant 0 : i32
      %dma_wait3A_22 = tpu.memref_slice %arg7[%dma_wait3A_21] : memref<528xi32, #tpu.memory_space<vmem>> -> memref<512xi32, #tpu.memory_space<vmem>>
      %dma_wait3A_23 = tpu.memref_slice %arg2[%mul3A_2] : memref<16384xi32, #tpu.memory_space<hbm>> -> memref<512xi32, #tpu.memory_space<hbm>>
      tpu.wait_dma2 semaphore(%run_scoped3A : memref<!tpu.dma_semaphore, #tpu.memory_space<semaphore_mem>>) src(%dma_wait3A_23 : memref<512xi32, #tpu.memory_space<hbm>>) dst(%dma_wait3A_22 : memref<512xi32, #tpu.memory_space<vmem>>)
      tpu.yield
    }) : () -> ()
    %scan3A = arith.constant 0 : i32
    %scan3A_3 = arith.constant 0 : i32
    %scan3A_4 = arith.constant 32 : i32
    %scan3A_5 = arith.addi %scan3A_3, %scan3A_4 : i32
    %scan3A_6 = arith.constant 1 : i32
    scf.for %scan3A_14 = %scan3A_3 to %scan3A_5 step %scan3A_6  : i32 {
      %mul3A_15 = arith.constant 16 : i32
      %mul3A_16 = arith.muli %scan3A_14, %mul3A_15 : i32
      %get3A = arith.index_cast %mul3A_16 : i32 to index
      %get3A_17 = tpu.vector_load %arg7[%get3A] {strides = array<i32>} : memref<528xi32, #tpu.memory_space<vmem>>, vector<16xi32>,
      %slice3A = vector.extract_strided_slice %get3A_17 {offsets = [0], sizes = [1], strides = [1]} : vector<16xi32> to vector<1xi32>
      %squeeze3A = vector.extract %slice3A[0] : i32 from vector<1xi32>
      %mul3A_18 = arith.constant 16 : i32
      %mul3A_19 = arith.muli %scan3A_14, %mul3A_18 : i32
      %add3A_20 = arith.constant 0 : i32
      %add3A_21 = arith.addi %mul3A_19, %add3A_20 : i32
      %dma_start3A = arith.constant 0 : i32
      %dma_start3A_22 = tpu.memref_slice %arg8[%add3A_21, %dma_start3A] : memref<512x64xf32, #tpu.memory_space<vmem>> -> memref<1x64xf32, #tpu.memory_space<vmem>>
      %dma_start3A_23 = arith.constant 0 : i32
      %dma_start3A_24 = tpu.memref_slice %arg3[%squeeze3A, %dma_start3A_23] : memref<1000000x64xf32, #tpu.memory_space<hbm>> -> memref<1x64xf32, #tpu.memory_space<hbm>>
      %dma_start3A_25 = arith.constant 0 : i32
      %dma_start3A_26 = tpu.memref_slice %arg8[%add3A_21, %dma_start3A_25] : memref<512x64xf32, #tpu.memory_space<vmem>> -> memref<1x64xf32, #tpu.memory_space<vmem>>
      %dma_start3A_27 = arith.constant 0 : i32
      %dma_start3A_28 = tpu.memref_slice %arg3[%squeeze3A, %dma_start3A_27] : memref<1000000x64xf32, #tpu.memory_space<hbm>> -> memref<1x64xf32, #tpu.memory_space<hbm>>
      tpu.enqueue_dma source(%dma_start3A_28 : memref<1x64xf32, #tpu.memory_space<hbm>>) target(%dma_start3A_26 : memref<1x64xf32, #tpu.memory_space<vmem>>) target_semaphore(%arg9 : memref<!tpu.dma_semaphore, #tpu.memory_space<semaphore_mem>>)
      %slice3A_29 = vector.extract_strided_slice %get3A_17 {offsets = [1], sizes = [1], strides = [1]} : vector<16xi32> to vector<1xi32>
      %squeeze3A_30 = vector.extract %slice3A_29[0] : i32 from vector<1xi32>
      %mul3A_31 = arith.constant 16 : i32
      %mul3A_32 = arith.muli %scan3A_14, %mul3A_31 : i32
      %add3A_33 = arith.constant 1 : i32
      %add3A_34 = arith.addi %mul3A_32, %add3A_33 : i32
      %dma_start3A_35 = arith.constant 0 : i32
      %dma_start3A_36 = tpu.memref_slice %arg8[%add3A_34, %dma_start3A_35] : memref<512x64xf32, #tpu.memory_space<vmem>> -> memref<1x64xf32, #tpu.memory_space<vmem>>
      %dma_start3A_37 = arith.constant 0 : i32
      %dma_start3A_38 = tpu.memref_slice %arg3[%squeeze3A_30, %dma_start3A_37] : memref<1000000x64xf32, #tpu.memory_space<hbm>> -> memref<1x64xf32, #tpu.memory_space<hbm>>
      %dma_start3A_39 = arith.constant 0 : i32
      %dma_start3A_40 = tpu.memref_slice %arg8[%add3A_34, %dma_start3A_39] : memref<512x64xf32, #tpu.memory_space<vmem>> -> memref<1x64xf32, #tpu.memory_space<vmem>>
      %dma_start3A_41 = arith.constant 0 : i32
      %dma_start3A_42 = tpu.memref_slice %arg3[%squeeze3A_30, %dma_start3A_41] : memref<1000000x64xf32, #tpu.memory_space<hbm>> -> memref<1x64xf32, #tpu.memory_space<hbm>>
      tpu.enqueue_dma source(%dma_start3A_42 : memref<1x64xf32, #tpu.memory_space<hbm>>) target(%dma_start3A_40 : memref<1x64xf32, #tpu.memory_space<vmem>>) target_semaphore(%arg9 : memref<!tpu.dma_semaphore, #tpu.memory_space<semaphore_mem>>)
      %slice3A_43 = vector.extract_strided_slice %get3A_17 {offsets = [2], sizes = [1], strides = [1]} : vector<16xi32> to vector<1xi32>
      %squeeze3A_44 = vector.extract %slice3A_43[0] : i32 from vector<1xi32>
      %mul3A_45 = arith.constant 16 : i32
      %mul3A_46 = arith.muli %scan3A_14, %mul3A_45 : i32
      %add3A_47 = arith.constant 2 : i32
      %add3A_48 = arith.addi %mul3A_46, %add3A_47 : i32
      %dma_start3A_49 = arith.constant 0 : i32
      %dma_start3A_50 = tpu.memref_slice %arg8[%add3A_48, %dma_start3A_49] : memref<512x64xf32, #tpu.memory_space<vmem>> -> memref<1x64xf32, #tpu.memory_space<vmem>>
      %dma_start3A_51 = arith.constant 0 : i32
      %dma_start3A_52 = tpu.memref_slice %arg3[%squeeze3A_44, %dma_start3A_51] : memref<1000000x64xf32, #tpu.memory_space<hbm>> -> memref<1x64xf32, #tpu.memory_space<hbm>>
      %dma_start3A_53 = arith.constant 0 : i32
      %dma_start3A_54 = tpu.memref_slice %arg8[%add3A_48, %dma_start3A_53] : memref<512x64xf32, #tpu.memory_space<vmem>> -> memref<1x64xf32, #tpu.memory_space<vmem>>
      %dma_start3A_55 = arith.constant 0 : i32
      %dma_start3A_56 = tpu.memref_slice %arg3[%squeeze3A_44, %dma_start3A_55] : memref<1000000x64xf32, #tpu.memory_space<hbm>> -> memref<1x64xf32, #tpu.memory_space<hbm>>
      tpu.enqueue_dma source(%dma_start3A_56 : memref<1x64xf32, #tpu.memory_space<hbm>>) target(%dma_start3A_54 : memref<1x64xf32, #tpu.memory_space<vmem>>) target_semaphore(%arg9 : memref<!tpu.dma_semaphore, #tpu.memory_space<semaphore_mem>>)
      %slice3A_57 = vector.extract_strided_slice %get3A_17 {offsets = [3], sizes = [1], strides = [1]} : vector<16xi32> to vector<1xi32>
      %squeeze3A_58 = vector.extract %slice3A_57[0] : i32 from vector<1xi32>
      %mul3A_59 = arith.constant 16 : i32
      %mul3A_60 = arith.muli %scan3A_14, %mul3A_59 : i32
      %add3A_61 = arith.constant 3 : i32
      %add3A_62 = arith.addi %mul3A_60, %add3A_61 : i32
      %dma_start3A_63 = arith.constant 0 : i32
      %dma_start3A_64 = tpu.memref_slice %arg8[%add3A_62, %dma_start3A_63] : memref<512x64xf32, #tpu.memory_space<vmem>> -> memref<1x64xf32, #tpu.memory_space<vmem>>
      %dma_start3A_65 = arith.constant 0 : i32
      %dma_start3A_66 = tpu.memref_slice %arg3[%squeeze3A_58, %dma_start3A_65] : memref<1000000x64xf32, #tpu.memory_space<hbm>> -> memref<1x64xf32, #tpu.memory_space<hbm>>
      %dma_start3A_67 = arith.constant 0 : i32
      %dma_start3A_68 = tpu.memref_slice %arg8[%add3A_62, %dma_start3A_67] : memref<512x64xf32, #tpu.memory_space<vmem>> -> memref<1x64xf32, #tpu.memory_space<vmem>>
      %dma_start3A_69 = arith.constant 0 : i32
      %dma_start3A_70 = tpu.memref_slice %arg3[%squeeze3A_58, %dma_start3A_69] : memref<1000000x64xf32, #tpu.memory_space<hbm>> -> memref<1x64xf32, #tpu.memory_space<hbm>>
      tpu.enqueue_dma source(%dma_start3A_70 : memref<1x64xf32, #tpu.memory_space<hbm>>) target(%dma_start3A_68 : memref<1x64xf32, #tpu.memory_space<vmem>>) target_semaphore(%arg9 : memref<!tpu.dma_semaphore, #tpu.memory_space<semaphore_mem>>)
      %slice3A_71 = vector.extract_strided_slice %get3A_17 {offsets = [4], sizes = [1], strides = [1]} : vector<16xi32> to vector<1xi32>
      %squeeze3A_72 = vector.extract %slice3A_71[0] : i32 from vector<1xi32>
      %mul3A_73 = arith.constant 16 : i32
      %mul3A_74 = arith.muli %scan3A_14, %mul3A_73 : i32
      %add3A_75 = arith.constant 4 : i32
      %add3A_76 = arith.addi %mul3A_74, %add3A_75 : i32
      %dma_start3A_77 = arith.constant 0 : i32
      %dma_start3A_78 = tpu.memref_slice %arg8[%add3A_76, %dma_start3A_77] : memref<512x64xf32, #tpu.memory_space<vmem>> -> memref<1x64xf32, #tpu.memory_space<vmem>>
      %dma_start3A_79 = arith.constant 0 : i32
      %dma_start3A_80 = tpu.memref_slice %arg3[%squeeze3A_72, %dma_start3A_79] : memref<1000000x64xf32, #tpu.memory_space<hbm>> -> memref<1x64xf32, #tpu.memory_space<hbm>>
      %dma_start3A_81 = arith.constant 0 : i32
      %dma_start3A_82 = tpu.memref_slice %arg8[%add3A_76, %dma_start3A_81] : memref<512x64xf32, #tpu.memory_space<vmem>> -> memref<1x64xf32, #tpu.memory_space<vmem>>
      %dma_start3A_83 = arith.constant 0 : i32
      %dma_start3A_84 = tpu.memref_slice %arg3[%squeeze3A_72, %dma_start3A_83] : memref<1000000x64xf32, #tpu.memory_space<hbm>> -> memref<1x64xf32, #tpu.memory_space<hbm>>
      tpu.enqueue_dma source(%dma_start3A_84 : memref<1x64xf32, #tpu.memory_space<hbm>>) target(%dma_start3A_82 : memref<1x64xf32, #tpu.memory_space<vmem>>) target_semaphore(%arg9 : memref<!tpu.dma_semaphore, #tpu.memory_space<semaphore_mem>>)
      %slice3A_85 = vector.extract_strided_slice %get3A_17 {offsets = [5], sizes = [1], strides = [1]} : vector<16xi32> to vector<1xi32>
      %squeeze3A_86 = vector.extract %slice3A_85[0] : i32 from vector<1xi32>
      %mul3A_87 = arith.constant 16 : i32
      %mul3A_88 = arith.muli %scan3A_14, %mul3A_87 : i32
      %add3A_89 = arith.constant 5 : i32
      %add3A_90 = arith.addi %mul3A_88, %add3A_89 : i32
      %dma_start3A_91 = arith.constant 0 : i32
      %dma_start3A_92 = tpu.memref_slice %arg8[%add3A_90, %dma_start3A_91] : memref<512x64xf32, #tpu.memory_space<vmem>> -> memref<1x64xf32, #tpu.memory_space<vmem>>
      %dma_start3A_93 = arith.constant 0 : i32
      %dma_start3A_94 = tpu.memref_slice %arg3[%squeeze3A_86, %dma_start3A_93] : memref<1000000x64xf32, #tpu.memory_space<hbm>> -> memref<1x64xf32, #tpu.memory_space<hbm>>
      %dma_start3A_95 = arith.constant 0 : i32
      %dma_start3A_96 = tpu.memref_slice %arg8[%add3A_90, %dma_start3A_95] : memref<512x64xf32, #tpu.memory_space<vmem>> -> memref<1x64xf32, #tpu.memory_space<vmem>>
      %dma_start3A_97 = arith.constant 0 : i32
      %dma_start3A_98 = tpu.memref_slice %arg3[%squeeze3A_86, %dma_start3A_97] : memref<1000000x64xf32, #tpu.memory_space<hbm>> -> memref<1x64xf32, #tpu.memory_space<hbm>>
      tpu.enqueue_dma source(%dma_start3A_98 : memref<1x64xf32, #tpu.memory_space<hbm>>) target(%dma_start3A_96 : memref<1x64xf32, #tpu.memory_space<vmem>>) target_semaphore(%arg9 : memref<!tpu.dma_semaphore, #tpu.memory_space<semaphore_mem>>)
      %slice3A_99 = vector.extract_strided_slice %get3A_17 {offsets = [6], sizes = [1], strides = [1]} : vector<16xi32> to vector<1xi32>
      %squeeze3A_100 = vector.extract %slice3A_99[0] : i32 from vector<1xi32>
      %mul3A_101 = arith.constant 16 : i32
      %mul3A_102 = arith.muli %scan3A_14, %mul3A_101 : i32
      %add3A_103 = arith.constant 6 : i32
      %add3A_104 = arith.addi %mul3A_102, %add3A_103 : i32
      %dma_start3A_105 = arith.constant 0 : i32
      %dma_start3A_106 = tpu.memref_slice %arg8[%add3A_104, %dma_start3A_105] : memref<512x64xf32, #tpu.memory_space<vmem>> -> memref<1x64xf32, #tpu.memory_space<vmem>>
      %dma_start3A_107 = arith.constant 0 : i32
      %dma_start3A_108 = tpu.memref_slice %arg3[%squeeze3A_100, %dma_start3A_107] : memref<1000000x64xf32, #tpu.memory_space<hbm>> -> memref<1x64xf32, #tpu.memory_space<hbm>>
      %dma_start3A_109 = arith.constant 0 : i32
      %dma_start3A_110 = tpu.memref_slice %arg8[%add3A_104, %dma_start3A_109] : memref<512x64xf32, #tpu.memory_space<vmem>> -> memref<1x64xf32, #tpu.memory_space<vmem>>
      %dma_start3A_111 = arith.constant 0 : i32
      %dma_start3A_112 = tpu.memref_slice %arg3[%squeeze3A_100, %dma_start3A_111] : memref<1000000x64xf32, #tpu.memory_space<hbm>> -> memref<1x64xf32, #tpu.memory_space<hbm>>
      tpu.enqueue_dma source(%dma_start3A_112 : memref<1x64xf32, #tpu.memory_space<hbm>>) target(%dma_start3A_110 : memref<1x64xf32, #tpu.memory_space<vmem>>) target_semaphore(%arg9 : memref<!tpu.dma_semaphore, #tpu.memory_space<semaphore_mem>>)
      %slice3A_113 = vector.extract_strided_slice %get3A_17 {offsets = [7], sizes = [1], strides = [1]} : vector<16xi32> to vector<1xi32>
      %squeeze3A_114 = vector.extract %slice3A_113[0] : i32 from vector<1xi32>
      %mul3A_115 = arith.constant 16 : i32
      %mul3A_116 = arith.muli %scan3A_14, %mul3A_115 : i32
      %add3A_117 = arith.constant 7 : i32
      %add3A_118 = arith.addi %mul3A_116, %add3A_117 : i32
      %dma_start3A_119 = arith.constant 0 : i32
      %dma_start3A_120 = tpu.memref_slice %arg8[%add3A_118, %dma_start3A_119] : memref<512x64xf32, #tpu.memory_space<vmem>> -> memref<1x64xf32, #tpu.memory_space<vmem>>
      %dma_start3A_121 = arith.constant 0 : i32
      %dma_start3A_122 = tpu.memref_slice %arg3[%squeeze3A_114, %dma_start3A_121] : memref<1000000x64xf32, #tpu.memory_space<hbm>> -> memref<1x64xf32, #tpu.memory_space<hbm>>
      %dma_start3A_123 = arith.constant 0 : i32
      %dma_start3A_124 = tpu.memref_slice %arg8[%add3A_118, %dma_start3A_123] : memref<512x64xf32, #tpu.memory_space<vmem>> -> memref<1x64xf32, #tpu.memory_space<vmem>>
      %dma_start3A_125 = arith.constant 0 : i32
      %dma_start3A_126 = tpu.memref_slice %arg3[%squeeze3A_114, %dma_start3A_125] : memref<1000000x64xf32, #tpu.memory_space<hbm>> -> memref<1x64xf32, #tpu.memory_space<hbm>>
      tpu.enqueue_dma source(%dma_start3A_126 : memref<1x64xf32, #tpu.memory_space<hbm>>) target(%dma_start3A_124 : memref<1x64xf32, #tpu.memory_space<vmem>>) target_semaphore(%arg9 : memref<!tpu.dma_semaphore, #tpu.memory_space<semaphore_mem>>)
      %slice3A_127 = vector.extract_strided_slice %get3A_17 {offsets = [8], sizes = [1], strides = [1]} : vector<16xi32> to vector<1xi32>
      %squeeze3A_128 = vector.extract %slice3A_127[0] : i32 from vector<1xi32>
      %mul3A_129 = arith.constant 16 : i32
      %mul3A_130 = arith.muli %scan3A_14, %mul3A_129 : i32
      %add3A_131 = arith.constant 8 : i32
      %add3A_132 = arith.addi %mul3A_130, %add3A_131 : i32
      %dma_start3A_133 = arith.constant 0 : i32
      %dma_start3A_134 = tpu.memref_slice %arg8[%add3A_132, %dma_start3A_133] : memref<512x64xf32, #tpu.memory_space<vmem>> -> memref<1x64xf32, #tpu.memory_space<vmem>>
      %dma_start3A_135 = arith.constant 0 : i32
      %dma_start3A_136 = tpu.memref_slice %arg3[%squeeze3A_128, %dma_start3A_135] : memref<1000000x64xf32, #tpu.memory_space<hbm>> -> memref<1x64xf32, #tpu.memory_space<hbm>>
      %dma_start3A_137 = arith.constant 0 : i32
      %dma_start3A_138 = tpu.memref_slice %arg8[%add3A_132, %dma_start3A_137] : memref<512x64xf32, #tpu.memory_space<vmem>> -> memref<1x64xf32, #tpu.memory_space<vmem>>
      %dma_start3A_139 = arith.constant 0 : i32
      %dma_start3A_140 = tpu.memref_slice %arg3[%squeeze3A_128, %dma_start3A_139] : memref<1000000x64xf32, #tpu.memory_space<hbm>> -> memref<1x64xf32, #tpu.memory_space<hbm>>
      tpu.enqueue_dma source(%dma_start3A_140 : memref<1x64xf32, #tpu.memory_space<hbm>>) target(%dma_start3A_138 : memref<1x64xf32, #tpu.memory_space<vmem>>) target_semaphore(%arg9 : memref<!tpu.dma_semaphore, #tpu.memory_space<semaphore_mem>>)
      %slice3A_141 = vector.extract_strided_slice %get3A_17 {offsets = [9], sizes = [1], strides = [1]} : vector<16xi32> to vector<1xi32>
      %squeeze3A_142 = vector.extract %slice3A_141[0] : i32 from vector<1xi32>
      %mul3A_143 = arith.constant 16 : i32
      %mul3A_144 = arith.muli %scan3A_14, %mul3A_143 : i32
      %add3A_145 = arith.constant 9 : i32
      %add3A_146 = arith.addi %mul3A_144, %add3A_145 : i32
      %dma_start3A_147 = arith.constant 0 : i32
      %dma_start3A_148 = tpu.memref_slice %arg8[%add3A_146, %dma_start3A_147] : memref<512x64xf32, #tpu.memory_space<vmem>> -> memref<1x64xf32, #tpu.memory_space<vmem>>
      %dma_start3A_149 = arith.constant 0 : i32
      %dma_start3A_150 = tpu.memref_slice %arg3[%squeeze3A_142, %dma_start3A_149] : memref<1000000x64xf32, #tpu.memory_space<hbm>> -> memref<1x64xf32, #tpu.memory_space<hbm>>
      %dma_start3A_151 = arith.constant 0 : i32
      %dma_start3A_152 = tpu.memref_slice %arg8[%add3A_146, %dma_start3A_151] : memref<512x64xf32, #tpu.memory_space<vmem>> -> memref<1x64xf32, #tpu.memory_space<vmem>>
      %dma_start3A_153 = arith.constant 0 : i32
      %dma_start3A_154 = tpu.memref_slice %arg3[%squeeze3A_142, %dma_start3A_153] : memref<1000000x64xf32, #tpu.memory_space<hbm>> -> memref<1x64xf32, #tpu.memory_space<hbm>>
      tpu.enqueue_dma source(%dma_start3A_154 : memref<1x64xf32, #tpu.memory_space<hbm>>) target(%dma_start3A_152 : memref<1x64xf32, #tpu.memory_space<vmem>>) target_semaphore(%arg9 : memref<!tpu.dma_semaphore, #tpu.memory_space<semaphore_mem>>)
      %slice3A_155 = vector.extract_strided_slice %get3A_17 {offsets = [10], sizes = [1], strides = [1]} : vector<16xi32> to vector<1xi32>
      %squeeze3A_156 = vector.extract %slice3A_155[0] : i32 from vector<1xi32>
      %mul3A_157 = arith.constant 16 : i32
      %mul3A_158 = arith.muli %scan3A_14, %mul3A_157 : i32
      %add3A_159 = arith.constant 10 : i32
      %add3A_160 = arith.addi %mul3A_158, %add3A_159 : i32
      %dma_start3A_161 = arith.constant 0 : i32
      %dma_start3A_162 = tpu.memref_slice %arg8[%add3A_160, %dma_start3A_161] : memref<512x64xf32, #tpu.memory_space<vmem>> -> memref<1x64xf32, #tpu.memory_space<vmem>>
      %dma_start3A_163 = arith.constant 0 : i32
      %dma_start3A_164 = tpu.memref_slice %arg3[%squeeze3A_156, %dma_start3A_163] : memref<1000000x64xf32, #tpu.memory_space<hbm>> -> memref<1x64xf32, #tpu.memory_space<hbm>>
      %dma_start3A_165 = arith.constant 0 : i32
      %dma_start3A_166 = tpu.memref_slice %arg8[%add3A_160, %dma_start3A_165] : memref<512x64xf32, #tpu.memory_space<vmem>> -> memref<1x64xf32, #tpu.memory_space<vmem>>
      %dma_start3A_167 = arith.constant 0 : i32
      %dma_start3A_168 = tpu.memref_slice %arg3[%squeeze3A_156, %dma_start3A_167] : memref<1000000x64xf32, #tpu.memory_space<hbm>> -> memref<1x64xf32, #tpu.memory_space<hbm>>
      tpu.enqueue_dma source(%dma_start3A_168 : memref<1x64xf32, #tpu.memory_space<hbm>>) target(%dma_start3A_166 : memref<1x64xf32, #tpu.memory_space<vmem>>) target_semaphore(%arg9 : memref<!tpu.dma_semaphore, #tpu.memory_space<semaphore_mem>>)
      %slice3A_169 = vector.extract_strided_slice %get3A_17 {offsets = [11], sizes = [1], strides = [1]} : vector<16xi32> to vector<1xi32>
      %squeeze3A_170 = vector.extract %slice3A_169[0] : i32 from vector<1xi32>
      %mul3A_171 = arith.constant 16 : i32
      %mul3A_172 = arith.muli %scan3A_14, %mul3A_171 : i32
      %add3A_173 = arith.constant 11 : i32
      %add3A_174 = arith.addi %mul3A_172, %add3A_173 : i32
      %dma_start3A_175 = arith.constant 0 : i32
      %dma_start3A_176 = tpu.memref_slice %arg8[%add3A_174, %dma_start3A_175] : memref<512x64xf32, #tpu.memory_space<vmem>> -> memref<1x64xf32, #tpu.memory_space<vmem>>
      %dma_start3A_177 = arith.constant 0 : i32
      %dma_start3A_178 = tpu.memref_slice %arg3[%squeeze3A_170, %dma_start3A_177] : memref<1000000x64xf32, #tpu.memory_space<hbm>> -> memref<1x64xf32, #tpu.memory_space<hbm>>
      %dma_start3A_179 = arith.constant 0 : i32
      %dma_start3A_180 = tpu.memref_slice %arg8[%add3A_174, %dma_start3A_179] : memref<512x64xf32, #tpu.memory_space<vmem>> -> memref<1x64xf32, #tpu.memory_space<vmem>>
      %dma_start3A_181 = arith.constant 0 : i32
      %dma_start3A_182 = tpu.memref_slice %arg3[%squeeze3A_170, %dma_start3A_181] : memref<1000000x64xf32, #tpu.memory_space<hbm>> -> memref<1x64xf32, #tpu.memory_space<hbm>>
      tpu.enqueue_dma source(%dma_start3A_182 : memref<1x64xf32, #tpu.memory_space<hbm>>) target(%dma_start3A_180 : memref<1x64xf32, #tpu.memory_space<vmem>>) target_semaphore(%arg9 : memref<!tpu.dma_semaphore, #tpu.memory_space<semaphore_mem>>)
      %slice3A_183 = vector.extract_strided_slice %get3A_17 {offsets = [12], sizes = [1], strides = [1]} : vector<16xi32> to vector<1xi32>
      %squeeze3A_184 = vector.extract %slice3A_183[0] : i32 from vector<1xi32>
      %mul3A_185 = arith.constant 16 : i32
      %mul3A_186 = arith.muli %scan3A_14, %mul3A_185 : i32
      %add3A_187 = arith.constant 12 : i32
      %add3A_188 = arith.addi %mul3A_186, %add3A_187 : i32
      %dma_start3A_189 = arith.constant 0 : i32
      %dma_start3A_190 = tpu.memref_slice %arg8[%add3A_188, %dma_start3A_189] : memref<512x64xf32, #tpu.memory_space<vmem>> -> memref<1x64xf32, #tpu.memory_space<vmem>>
      %dma_start3A_191 = arith.constant 0 : i32
      %dma_start3A_192 = tpu.memref_slice %arg3[%squeeze3A_184, %dma_start3A_191] : memref<1000000x64xf32, #tpu.memory_space<hbm>> -> memref<1x64xf32, #tpu.memory_space<hbm>>
      %dma_start3A_193 = arith.constant 0 : i32
      %dma_start3A_194 = tpu.memref_slice %arg8[%add3A_188, %dma_start3A_193] : memref<512x64xf32, #tpu.memory_space<vmem>> -> memref<1x64xf32, #tpu.memory_space<vmem>>
      %dma_start3A_195 = arith.constant 0 : i32
      %dma_start3A_196 = tpu.memref_slice %arg3[%squeeze3A_184, %dma_start3A_195] : memref<1000000x64xf32, #tpu.memory_space<hbm>> -> memref<1x64xf32, #tpu.memory_space<hbm>>
      tpu.enqueue_dma source(%dma_start3A_196 : memref<1x64xf32, #tpu.memory_space<hbm>>) target(%dma_start3A_194 : memref<1x64xf32, #tpu.memory_space<vmem>>) target_semaphore(%arg9 : memref<!tpu.dma_semaphore, #tpu.memory_space<semaphore_mem>>)
      %slice3A_197 = vector.extract_strided_slice %get3A_17 {offsets = [13], sizes = [1], strides = [1]} : vector<16xi32> to vector<1xi32>
      %squeeze3A_198 = vector.extract %slice3A_197[0] : i32 from vector<1xi32>
      %mul3A_199 = arith.constant 16 : i32
      %mul3A_200 = arith.muli %scan3A_14, %mul3A_199 : i32
      %add3A_201 = arith.constant 13 : i32
      %add3A_202 = arith.addi %mul3A_200, %add3A_201 : i32
      %dma_start3A_203 = arith.constant 0 : i32
      %dma_start3A_204 = tpu.memref_slice %arg8[%add3A_202, %dma_start3A_203] : memref<512x64xf32, #tpu.memory_space<vmem>> -> memref<1x64xf32, #tpu.memory_space<vmem>>
      %dma_start3A_205 = arith.constant 0 : i32
      %dma_start3A_206 = tpu.memref_slice %arg3[%squeeze3A_198, %dma_start3A_205] : memref<1000000x64xf32, #tpu.memory_space<hbm>> -> memref<1x64xf32, #tpu.memory_space<hbm>>
      %dma_start3A_207 = arith.constant 0 : i32
      %dma_start3A_208 = tpu.memref_slice %arg8[%add3A_202, %dma_start3A_207] : memref<512x64xf32, #tpu.memory_space<vmem>> -> memref<1x64xf32, #tpu.memory_space<vmem>>
      %dma_start3A_209 = arith.constant 0 : i32
      %dma_start3A_210 = tpu.memref_slice %arg3[%squeeze3A_198, %dma_start3A_209] : memref<1000000x64xf32, #tpu.memory_space<hbm>> -> memref<1x64xf32, #tpu.memory_space<hbm>>
      tpu.enqueue_dma source(%dma_start3A_210 : memref<1x64xf32, #tpu.memory_space<hbm>>) target(%dma_start3A_208 : memref<1x64xf32, #tpu.memory_space<vmem>>) target_semaphore(%arg9 : memref<!tpu.dma_semaphore, #tpu.memory_space<semaphore_mem>>)
      %slice3A_211 = vector.extract_strided_slice %get3A_17 {offsets = [14], sizes = [1], strides = [1]} : vector<16xi32> to vector<1xi32>
      %squeeze3A_212 = vector.extract %slice3A_211[0] : i32 from vector<1xi32>
      %mul3A_213 = arith.constant 16 : i32
      %mul3A_214 = arith.muli %scan3A_14, %mul3A_213 : i32
      %add3A_215 = arith.constant 14 : i32
      %add3A_216 = arith.addi %mul3A_214, %add3A_215 : i32
      %dma_start3A_217 = arith.constant 0 : i32
      %dma_start3A_218 = tpu.memref_slice %arg8[%add3A_216, %dma_start3A_217] : memref<512x64xf32, #tpu.memory_space<vmem>> -> memref<1x64xf32, #tpu.memory_space<vmem>>
      %dma_start3A_219 = arith.constant 0 : i32
      %dma_start3A_220 = tpu.memref_slice %arg3[%squeeze3A_212, %dma_start3A_219] : memref<1000000x64xf32, #tpu.memory_space<hbm>> -> memref<1x64xf32, #tpu.memory_space<hbm>>
      %dma_start3A_221 = arith.constant 0 : i32
      %dma_start3A_222 = tpu.memref_slice %arg8[%add3A_216, %dma_start3A_221] : memref<512x64xf32, #tpu.memory_space<vmem>> -> memref<1x64xf32, #tpu.memory_space<vmem>>
      %dma_start3A_223 = arith.constant 0 : i32
      %dma_start3A_224 = tpu.memref_slice %arg3[%squeeze3A_212, %dma_start3A_223] : memref<1000000x64xf32, #tpu.memory_space<hbm>> -> memref<1x64xf32, #tpu.memory_space<hbm>>
      tpu.enqueue_dma source(%dma_start3A_224 : memref<1x64xf32, #tpu.memory_space<hbm>>) target(%dma_start3A_222 : memref<1x64xf32, #tpu.memory_space<vmem>>) target_semaphore(%arg9 : memref<!tpu.dma_semaphore, #tpu.memory_space<semaphore_mem>>)
      %slice3A_225 = vector.extract_strided_slice %get3A_17 {offsets = [15], sizes = [1], strides = [1]} : vector<16xi32> to vector<1xi32>
      %squeeze3A_226 = vector.extract %slice3A_225[0] : i32 from vector<1xi32>
      %mul3A_227 = arith.constant 16 : i32
      %mul3A_228 = arith.muli %scan3A_14, %mul3A_227 : i32
      %add3A_229 = arith.constant 15 : i32
      %add3A_230 = arith.addi %mul3A_228, %add3A_229 : i32
      %dma_start3A_231 = arith.constant 0 : i32
      %dma_start3A_232 = tpu.memref_slice %arg8[%add3A_230, %dma_start3A_231] : memref<512x64xf32, #tpu.memory_space<vmem>> -> memref<1x64xf32, #tpu.memory_space<vmem>>
      %dma_start3A_233 = arith.constant 0 : i32
      %dma_start3A_234 = tpu.memref_slice %arg3[%squeeze3A_226, %dma_start3A_233] : memref<1000000x64xf32, #tpu.memory_space<hbm>> -> memref<1x64xf32, #tpu.memory_space<hbm>>
      %dma_start3A_235 = arith.constant 0 : i32
      %dma_start3A_236 = tpu.memref_slice %arg8[%add3A_230, %dma_start3A_235] : memref<512x64xf32, #tpu.memory_space<vmem>> -> memref<1x64xf32, #tpu.memory_space<vmem>>
      %dma_start3A_237 = arith.constant 0 : i32
      %dma_start3A_238 = tpu.memref_slice %arg3[%squeeze3A_226, %dma_start3A_237] : memref<1000000x64xf32, #tpu.memory_space<hbm>> -> memref<1x64xf32, #tpu.memory_space<hbm>>
      tpu.enqueue_dma source(%dma_start3A_238 : memref<1x64xf32, #tpu.memory_space<hbm>>) target(%dma_start3A_236 : memref<1x64xf32, #tpu.memory_space<vmem>>) target_semaphore(%arg9 : memref<!tpu.dma_semaphore, #tpu.memory_space<semaphore_mem>>)
      %dma_wait3A = arith.constant 0 : i32
      %dma_wait3A_239 = tpu.memref_slice %arg8[%add3A_21, %dma_wait3A] : memref<512x64xf32, #tpu.memory_space<vmem>> -> memref<1x64xf32, #tpu.memory_space<vmem>>
      %dma_wait3A_240 = arith.constant 0 : i32
      %dma_wait3A_241 = tpu.memref_slice %arg3[%squeeze3A, %dma_wait3A_240] : memref<1000000x64xf32, #tpu.memory_space<hbm>> -> memref<1x64xf32, #tpu.memory_space<hbm>>
      %dma_wait3A_242 = arith.constant 0 : i32
      %dma_wait3A_243 = tpu.memref_slice %arg8[%add3A_21, %dma_wait3A_242] : memref<512x64xf32, #tpu.memory_space<vmem>> -> memref<1x64xf32, #tpu.memory_space<vmem>>
      %dma_wait3A_244 = arith.constant 0 : i32
      %dma_wait3A_245 = tpu.memref_slice %arg3[%squeeze3A, %dma_wait3A_244] : memref<1000000x64xf32, #tpu.memory_space<hbm>> -> memref<1x64xf32, #tpu.memory_space<hbm>>
      tpu.wait_dma2 semaphore(%arg9 : memref<!tpu.dma_semaphore, #tpu.memory_space<semaphore_mem>>) src(%dma_wait3A_245 : memref<1x64xf32, #tpu.memory_space<hbm>>) dst(%dma_wait3A_243 : memref<1x64xf32, #tpu.memory_space<vmem>>)
      %dma_wait3A_246 = arith.constant 0 : i32
      %dma_wait3A_247 = tpu.memref_slice %arg8[%add3A_34, %dma_wait3A_246] : memref<512x64xf32, #tpu.memory_space<vmem>> -> memref<1x64xf32, #tpu.memory_space<vmem>>
      %dma_wait3A_248 = arith.constant 0 : i32
      %dma_wait3A_249 = tpu.memref_slice %arg3[%squeeze3A_30, %dma_wait3A_248] : memref<1000000x64xf32, #tpu.memory_space<hbm>> -> memref<1x64xf32, #tpu.memory_space<hbm>>
      %dma_wait3A_250 = arith.constant 0 : i32
      %dma_wait3A_251 = tpu.memref_slice %arg8[%add3A_34, %dma_wait3A_250] : memref<512x64xf32, #tpu.memory_space<vmem>> -> memref<1x64xf32, #tpu.memory_space<vmem>>
      %dma_wait3A_252 = arith.constant 0 : i32
      %dma_wait3A_253 = tpu.memref_slice %arg3[%squeeze3A_30, %dma_wait3A_252] : memref<1000000x64xf32, #tpu.memory_space<hbm>> -> memref<1x64xf32, #tpu.memory_space<hbm>>
      tpu.wait_dma2 semaphore(%arg9 : memref<!tpu.dma_semaphore, #tpu.memory_space<semaphore_mem>>) src(%dma_wait3A_253 : memref<1x64xf32, #tpu.memory_space<hbm>>) dst(%dma_wait3A_251 : memref<1x64xf32, #tpu.memory_space<vmem>>)
      %dma_wait3A_254 = arith.constant 0 : i32
      %dma_wait3A_255 = tpu.memref_slice %arg8[%add3A_48, %dma_wait3A_254] : memref<512x64xf32, #tpu.memory_space<vmem>> -> memref<1x64xf32, #tpu.memory_space<vmem>>
      %dma_wait3A_256 = arith.constant 0 : i32
      %dma_wait3A_257 = tpu.memref_slice %arg3[%squeeze3A_44, %dma_wait3A_256] : memref<1000000x64xf32, #tpu.memory_space<hbm>> -> memref<1x64xf32, #tpu.memory_space<hbm>>
      %dma_wait3A_258 = arith.constant 0 : i32
      %dma_wait3A_259 = tpu.memref_slice %arg8[%add3A_48, %dma_wait3A_258] : memref<512x64xf32, #tpu.memory_space<vmem>> -> memref<1x64xf32, #tpu.memory_space<vmem>>
      %dma_wait3A_260 = arith.constant 0 : i32
      %dma_wait3A_261 = tpu.memref_slice %arg3[%squeeze3A_44, %dma_wait3A_260] : memref<1000000x64xf32, #tpu.memory_space<hbm>> -> memref<1x64xf32, #tpu.memory_space<hbm>>
      tpu.wait_dma2 semaphore(%arg9 : memref<!tpu.dma_semaphore, #tpu.memory_space<semaphore_mem>>) src(%dma_wait3A_261 : memref<1x64xf32, #tpu.memory_space<hbm>>) dst(%dma_wait3A_259 : memref<1x64xf32, #tpu.memory_space<vmem>>)
      %dma_wait3A_262 = arith.constant 0 : i32
      %dma_wait3A_263 = tpu.memref_slice %arg8[%add3A_62, %dma_wait3A_262] : memref<512x64xf32, #tpu.memory_space<vmem>> -> memref<1x64xf32, #tpu.memory_space<vmem>>
      %dma_wait3A_264 = arith.constant 0 : i32
      %dma_wait3A_265 = tpu.memref_slice %arg3[%squeeze3A_58, %dma_wait3A_264] : memref<1000000x64xf32, #tpu.memory_space<hbm>> -> memref<1x64xf32, #tpu.memory_space<hbm>>
      %dma_wait3A_266 = arith.constant 0 : i32
      %dma_wait3A_267 = tpu.memref_slice %arg8[%add3A_62, %dma_wait3A_266] : memref<512x64xf32, #tpu.memory_space<vmem>> -> memref<1x64xf32, #tpu.memory_space<vmem>>
      %dma_wait3A_268 = arith.constant 0 : i32
      %dma_wait3A_269 = tpu.memref_slice %arg3[%squeeze3A_58, %dma_wait3A_268] : memref<1000000x64xf32, #tpu.memory_space<hbm>> -> memref<1x64xf32, #tpu.memory_space<hbm>>
      tpu.wait_dma2 semaphore(%arg9 : memref<!tpu.dma_semaphore, #tpu.memory_space<semaphore_mem>>) src(%dma_wait3A_269 : memref<1x64xf32, #tpu.memory_space<hbm>>) dst(%dma_wait3A_267 : memref<1x64xf32, #tpu.memory_space<vmem>>)
      %dma_wait3A_270 = arith.constant 0 : i32
      %dma_wait3A_271 = tpu.memref_slice %arg8[%add3A_76, %dma_wait3A_270] : memref<512x64xf32, #tpu.memory_space<vmem>> -> memref<1x64xf32, #tpu.memory_space<vmem>>
      %dma_wait3A_272 = arith.constant 0 : i32
      %dma_wait3A_273 = tpu.memref_slice %arg3[%squeeze3A_72, %dma_wait3A_272] : memref<1000000x64xf32, #tpu.memory_space<hbm>> -> memref<1x64xf32, #tpu.memory_space<hbm>>
      %dma_wait3A_274 = arith.constant 0 : i32
      %dma_wait3A_275 = tpu.memref_slice %arg8[%add3A_76, %dma_wait3A_274] : memref<512x64xf32, #tpu.memory_space<vmem>> -> memref<1x64xf32, #tpu.memory_space<vmem>>
      %dma_wait3A_276 = arith.constant 0 : i32
      %dma_wait3A_277 = tpu.memref_slice %arg3[%squeeze3A_72, %dma_wait3A_276] : memref<1000000x64xf32, #tpu.memory_space<hbm>> -> memref<1x64xf32, #tpu.memory_space<hbm>>
      tpu.wait_dma2 semaphore(%arg9 : memref<!tpu.dma_semaphore, #tpu.memory_space<semaphore_mem>>) src(%dma_wait3A_277 : memref<1x64xf32, #tpu.memory_space<hbm>>) dst(%dma_wait3A_275 : memref<1x64xf32, #tpu.memory_space<vmem>>)
      %dma_wait3A_278 = arith.constant 0 : i32
      %dma_wait3A_279 = tpu.memref_slice %arg8[%add3A_90, %dma_wait3A_278] : memref<512x64xf32, #tpu.memory_space<vmem>> -> memref<1x64xf32, #tpu.memory_space<vmem>>
      %dma_wait3A_280 = arith.constant 0 : i32
      %dma_wait3A_281 = tpu.memref_slice %arg3[%squeeze3A_86, %dma_wait3A_280] : memref<1000000x64xf32, #tpu.memory_space<hbm>> -> memref<1x64xf32, #tpu.memory_space<hbm>>
      %dma_wait3A_282 = arith.constant 0 : i32
      %dma_wait3A_283 = tpu.memref_slice %arg8[%add3A_90, %dma_wait3A_282] : memref<512x64xf32, #tpu.memory_space<vmem>> -> memref<1x64xf32, #tpu.memory_space<vmem>>
      %dma_wait3A_284 = arith.constant 0 : i32
      %dma_wait3A_285 = tpu.memref_slice %arg3[%squeeze3A_86, %dma_wait3A_284] : memref<1000000x64xf32, #tpu.memory_space<hbm>> -> memref<1x64xf32, #tpu.memory_space<hbm>>
      tpu.wait_dma2 semaphore(%arg9 : memref<!tpu.dma_semaphore, #tpu.memory_space<semaphore_mem>>) src(%dma_wait3A_285 : memref<1x64xf32, #tpu.memory_space<hbm>>) dst(%dma_wait3A_283 : memref<1x64xf32, #tpu.memory_space<vmem>>)
      %dma_wait3A_286 = arith.constant 0 : i32
      %dma_wait3A_287 = tpu.memref_slice %arg8[%add3A_104, %dma_wait3A_286] : memref<512x64xf32, #tpu.memory_space<vmem>> -> memref<1x64xf32, #tpu.memory_space<vmem>>
      %dma_wait3A_288 = arith.constant 0 : i32
      %dma_wait3A_289 = tpu.memref_slice %arg3[%squeeze3A_100, %dma_wait3A_288] : memref<1000000x64xf32, #tpu.memory_space<hbm>> -> memref<1x64xf32, #tpu.memory_space<hbm>>
      %dma_wait3A_290 = arith.constant 0 : i32
      %dma_wait3A_291 = tpu.memref_slice %arg8[%add3A_104, %dma_wait3A_290] : memref<512x64xf32, #tpu.memory_space<vmem>> -> memref<1x64xf32, #tpu.memory_space<vmem>>
      %dma_wait3A_292 = arith.constant 0 : i32
      %dma_wait3A_293 = tpu.memref_slice %arg3[%squeeze3A_100, %dma_wait3A_292] : memref<1000000x64xf32, #tpu.memory_space<hbm>> -> memref<1x64xf32, #tpu.memory_space<hbm>>
      tpu.wait_dma2 semaphore(%arg9 : memref<!tpu.dma_semaphore, #tpu.memory_space<semaphore_mem>>) src(%dma_wait3A_293 : memref<1x64xf32, #tpu.memory_space<hbm>>) dst(%dma_wait3A_291 : memref<1x64xf32, #tpu.memory_space<vmem>>)
      %dma_wait3A_294 = arith.constant 0 : i32
      %dma_wait3A_295 = tpu.memref_slice %arg8[%add3A_118, %dma_wait3A_294] : memref<512x64xf32, #tpu.memory_space<vmem>> -> memref<1x64xf32, #tpu.memory_space<vmem>>
      %dma_wait3A_296 = arith.constant 0 : i32
      %dma_wait3A_297 = tpu.memref_slice %arg3[%squeeze3A_114, %dma_wait3A_296] : memref<1000000x64xf32, #tpu.memory_space<hbm>> -> memref<1x64xf32, #tpu.memory_space<hbm>>
      %dma_wait3A_298 = arith.constant 0 : i32
      %dma_wait3A_299 = tpu.memref_slice %arg8[%add3A_118, %dma_wait3A_298] : memref<512x64xf32, #tpu.memory_space<vmem>> -> memref<1x64xf32, #tpu.memory_space<vmem>>
      %dma_wait3A_300 = arith.constant 0 : i32
      %dma_wait3A_301 = tpu.memref_slice %arg3[%squeeze3A_114, %dma_wait3A_300] : memref<1000000x64xf32, #tpu.memory_space<hbm>> -> memref<1x64xf32, #tpu.memory_space<hbm>>
      tpu.wait_dma2 semaphore(%arg9 : memref<!tpu.dma_semaphore, #tpu.memory_space<semaphore_mem>>) src(%dma_wait3A_301 : memref<1x64xf32, #tpu.memory_space<hbm>>) dst(%dma_wait3A_299 : memref<1x64xf32, #tpu.memory_space<vmem>>)
      %dma_wait3A_302 = arith.constant 0 : i32
      %dma_wait3A_303 = tpu.memref_slice %arg8[%add3A_132, %dma_wait3A_302] : memref<512x64xf32, #tpu.memory_space<vmem>> -> memref<1x64xf32, #tpu.memory_space<vmem>>
      %dma_wait3A_304 = arith.constant 0 : i32
      %dma_wait3A_305 = tpu.memref_slice %arg3[%squeeze3A_128, %dma_wait3A_304] : memref<1000000x64xf32, #tpu.memory_space<hbm>> -> memref<1x64xf32, #tpu.memory_space<hbm>>
      %dma_wait3A_306 = arith.constant 0 : i32
      %dma_wait3A_307 = tpu.memref_slice %arg8[%add3A_132, %dma_wait3A_306] : memref<512x64xf32, #tpu.memory_space<vmem>> -> memref<1x64xf32, #tpu.memory_space<vmem>>
      %dma_wait3A_308 = arith.constant 0 : i32
      %dma_wait3A_309 = tpu.memref_slice %arg3[%squeeze3A_128, %dma_wait3A_308] : memref<1000000x64xf32, #tpu.memory_space<hbm>> -> memref<1x64xf32, #tpu.memory_space<hbm>>
      tpu.wait_dma2 semaphore(%arg9 : memref<!tpu.dma_semaphore, #tpu.memory_space<semaphore_mem>>) src(%dma_wait3A_309 : memref<1x64xf32, #tpu.memory_space<hbm>>) dst(%dma_wait3A_307 : memref<1x64xf32, #tpu.memory_space<vmem>>)
      %dma_wait3A_310 = arith.constant 0 : i32
      %dma_wait3A_311 = tpu.memref_slice %arg8[%add3A_146, %dma_wait3A_310] : memref<512x64xf32, #tpu.memory_space<vmem>> -> memref<1x64xf32, #tpu.memory_space<vmem>>
      %dma_wait3A_312 = arith.constant 0 : i32
      %dma_wait3A_313 = tpu.memref_slice %arg3[%squeeze3A_142, %dma_wait3A_312] : memref<1000000x64xf32, #tpu.memory_space<hbm>> -> memref<1x64xf32, #tpu.memory_space<hbm>>
      %dma_wait3A_314 = arith.constant 0 : i32
      %dma_wait3A_315 = tpu.memref_slice %arg8[%add3A_146, %dma_wait3A_314] : memref<512x64xf32, #tpu.memory_space<vmem>> -> memref<1x64xf32, #tpu.memory_space<vmem>>
      %dma_wait3A_316 = arith.constant 0 : i32
      %dma_wait3A_317 = tpu.memref_slice %arg3[%squeeze3A_142, %dma_wait3A_316] : memref<1000000x64xf32, #tpu.memory_space<hbm>> -> memref<1x64xf32, #tpu.memory_space<hbm>>
      tpu.wait_dma2 semaphore(%arg9 : memref<!tpu.dma_semaphore, #tpu.memory_space<semaphore_mem>>) src(%dma_wait3A_317 : memref<1x64xf32, #tpu.memory_space<hbm>>) dst(%dma_wait3A_315 : memref<1x64xf32, #tpu.memory_space<vmem>>)
      %dma_wait3A_318 = arith.constant 0 : i32
      %dma_wait3A_319 = tpu.memref_slice %arg8[%add3A_160, %dma_wait3A_318] : memref<512x64xf32, #tpu.memory_space<vmem>> -> memref<1x64xf32, #tpu.memory_space<vmem>>
      %dma_wait3A_320 = arith.constant 0 : i32
      %dma_wait3A_321 = tpu.memref_slice %arg3[%squeeze3A_156, %dma_wait3A_320] : memref<1000000x64xf32, #tpu.memory_space<hbm>> -> memref<1x64xf32, #tpu.memory_space<hbm>>
      %dma_wait3A_322 = arith.constant 0 : i32
      %dma_wait3A_323 = tpu.memref_slice %arg8[%add3A_160, %dma_wait3A_322] : memref<512x64xf32, #tpu.memory_space<vmem>> -> memref<1x64xf32, #tpu.memory_space<vmem>>
      %dma_wait3A_324 = arith.constant 0 : i32
      %dma_wait3A_325 = tpu.memref_slice %arg3[%squeeze3A_156, %dma_wait3A_324] : memref<1000000x64xf32, #tpu.memory_space<hbm>> -> memref<1x64xf32, #tpu.memory_space<hbm>>
      tpu.wait_dma2 semaphore(%arg9 : memref<!tpu.dma_semaphore, #tpu.memory_space<semaphore_mem>>) src(%dma_wait3A_325 : memref<1x64xf32, #tpu.memory_space<hbm>>) dst(%dma_wait3A_323 : memref<1x64xf32, #tpu.memory_space<vmem>>)
      %dma_wait3A_326 = arith.constant 0 : i32
      %dma_wait3A_327 = tpu.memref_slice %arg8[%add3A_174, %dma_wait3A_326] : memref<512x64xf32, #tpu.memory_space<vmem>> -> memref<1x64xf32, #tpu.memory_space<vmem>>
      %dma_wait3A_328 = arith.constant 0 : i32
      %dma_wait3A_329 = tpu.memref_slice %arg3[%squeeze3A_170, %dma_wait3A_328] : memref<1000000x64xf32, #tpu.memory_space<hbm>> -> memref<1x64xf32, #tpu.memory_space<hbm>>
      %dma_wait3A_330 = arith.constant 0 : i32
      %dma_wait3A_331 = tpu.memref_slice %arg8[%add3A_174, %dma_wait3A_330] : memref<512x64xf32, #tpu.memory_space<vmem>> -> memref<1x64xf32, #tpu.memory_space<vmem>>
      %dma_wait3A_332 = arith.constant 0 : i32
      %dma_wait3A_333 = tpu.memref_slice %arg3[%squeeze3A_170, %dma_wait3A_332] : memref<1000000x64xf32, #tpu.memory_space<hbm>> -> memref<1x64xf32, #tpu.memory_space<hbm>>
      tpu.wait_dma2 semaphore(%arg9 : memref<!tpu.dma_semaphore, #tpu.memory_space<semaphore_mem>>) src(%dma_wait3A_333 : memref<1x64xf32, #tpu.memory_space<hbm>>) dst(%dma_wait3A_331 : memref<1x64xf32, #tpu.memory_space<vmem>>)
      %dma_wait3A_334 = arith.constant 0 : i32
      %dma_wait3A_335 = tpu.memref_slice %arg8[%add3A_188, %dma_wait3A_334] : memref<512x64xf32, #tpu.memory_space<vmem>> -> memref<1x64xf32, #tpu.memory_space<vmem>>
      %dma_wait3A_336 = arith.constant 0 : i32
      %dma_wait3A_337 = tpu.memref_slice %arg3[%squeeze3A_184, %dma_wait3A_336] : memref<1000000x64xf32, #tpu.memory_space<hbm>> -> memref<1x64xf32, #tpu.memory_space<hbm>>
      %dma_wait3A_338 = arith.constant 0 : i32
      %dma_wait3A_339 = tpu.memref_slice %arg8[%add3A_188, %dma_wait3A_338] : memref<512x64xf32, #tpu.memory_space<vmem>> -> memref<1x64xf32, #tpu.memory_space<vmem>>
      %dma_wait3A_340 = arith.constant 0 : i32
      %dma_wait3A_341 = tpu.memref_slice %arg3[%squeeze3A_184, %dma_wait3A_340] : memref<1000000x64xf32, #tpu.memory_space<hbm>> -> memref<1x64xf32, #tpu.memory_space<hbm>>
      tpu.wait_dma2 semaphore(%arg9 : memref<!tpu.dma_semaphore, #tpu.memory_space<semaphore_mem>>) src(%dma_wait3A_341 : memref<1x64xf32, #tpu.memory_space<hbm>>) dst(%dma_wait3A_339 : memref<1x64xf32, #tpu.memory_space<vmem>>)
      %dma_wait3A_342 = arith.constant 0 : i32
      %dma_wait3A_343 = tpu.memref_slice %arg8[%add3A_202, %dma_wait3A_342] : memref<512x64xf32, #tpu.memory_space<vmem>> -> memref<1x64xf32, #tpu.memory_space<vmem>>
      %dma_wait3A_344 = arith.constant 0 : i32
      %dma_wait3A_345 = tpu.memref_slice %arg3[%squeeze3A_198, %dma_wait3A_344] : memref<1000000x64xf32, #tpu.memory_space<hbm>> -> memref<1x64xf32, #tpu.memory_space<hbm>>
      %dma_wait3A_346 = arith.constant 0 : i32
      %dma_wait3A_347 = tpu.memref_slice %arg8[%add3A_202, %dma_wait3A_346] : memref<512x64xf32, #tpu.memory_space<vmem>> -> memref<1x64xf32, #tpu.memory_space<vmem>>
      %dma_wait3A_348 = arith.constant 0 : i32
      %dma_wait3A_349 = tpu.memref_slice %arg3[%squeeze3A_198, %dma_wait3A_348] : memref<1000000x64xf32, #tpu.memory_space<hbm>> -> memref<1x64xf32, #tpu.memory_space<hbm>>
      tpu.wait_dma2 semaphore(%arg9 : memref<!tpu.dma_semaphore, #tpu.memory_space<semaphore_mem>>) src(%dma_wait3A_349 : memref<1x64xf32, #tpu.memory_space<hbm>>) dst(%dma_wait3A_347 : memref<1x64xf32, #tpu.memory_space<vmem>>)
      %dma_wait3A_350 = arith.constant 0 : i32
      %dma_wait3A_351 = tpu.memref_slice %arg8[%add3A_216, %dma_wait3A_350] : memref<512x64xf32, #tpu.memory_space<vmem>> -> memref<1x64xf32, #tpu.memory_space<vmem>>
      %dma_wait3A_352 = arith.constant 0 : i32
      %dma_wait3A_353 = tpu.memref_slice %arg3[%squeeze3A_212, %dma_wait3A_352] : memref<1000000x64xf32, #tpu.memory_space<hbm>> -> memref<1x64xf32, #tpu.memory_space<hbm>>
      %dma_wait3A_354 = arith.constant 0 : i32
      %dma_wait3A_355 = tpu.memref_slice %arg8[%add3A_216, %dma_wait3A_354] : memref<512x64xf32, #tpu.memory_space<vmem>> -> memref<1x64xf32, #tpu.memory_space<vmem>>
      %dma_wait3A_356 = arith.constant 0 : i32
      %dma_wait3A_357 = tpu.memref_slice %arg3[%squeeze3A_212, %dma_wait3A_356] : memref<1000000x64xf32, #tpu.memory_space<hbm>> -> memref<1x64xf32, #tpu.memory_space<hbm>>
      tpu.wait_dma2 semaphore(%arg9 : memref<!tpu.dma_semaphore, #tpu.memory_space<semaphore_mem>>) src(%dma_wait3A_357 : memref<1x64xf32, #tpu.memory_space<hbm>>) dst(%dma_wait3A_355 : memref<1x64xf32, #tpu.memory_space<vmem>>)
      %dma_wait3A_358 = arith.constant 0 : i32
      %dma_wait3A_359 = tpu.memref_slice %arg8[%add3A_230, %dma_wait3A_358] : memref<512x64xf32, #tpu.memory_space<vmem>> -> memref<1x64xf32, #tpu.memory_space<vmem>>
      %dma_wait3A_360 = arith.constant 0 : i32
      %dma_wait3A_361 = tpu.memref_slice %arg3[%squeeze3A_226, %dma_wait3A_360] : memref<1000000x64xf32, #tpu.memory_space<hbm>> -> memref<1x64xf32, #tpu.memory_space<hbm>>
      %dma_wait3A_362 = arith.constant 0 : i32
      %dma_wait3A_363 = tpu.memref_slice %arg8[%add3A_230, %dma_wait3A_362] : memref<512x64xf32, #tpu.memory_space<vmem>> -> memref<1x64xf32, #tpu.memory_space<vmem>>
      %dma_wait3A_364 = arith.constant 0 : i32
      %dma_wait3A_365 = tpu.memref_slice %arg3[%squeeze3A_226, %dma_wait3A_364] : memref<1000000x64xf32, #tpu.memory_space<hbm>> -> memref<1x64xf32, #tpu.memory_space<hbm>>
      tpu.wait_dma2 semaphore(%arg9 : memref<!tpu.dma_semaphore, #tpu.memory_space<semaphore_mem>>) src(%dma_wait3A_365 : memref<1x64xf32, #tpu.memory_space<hbm>>) dst(%dma_wait3A_363 : memref<1x64xf32, #tpu.memory_space<vmem>>)
    }
    %scan3A_7 = arith.constant 32 : i32
    "tpu.region"() ({
      %run_scoped3A = tpu.sem_alloc : memref<!tpu.dma_semaphore, #tpu.memory_space<semaphore_mem>>
      %dma_start3A = arith.constant 0 : i32
      %dma_start3A_14 = tpu.memref_slice %arg5[%mul3A_2, %dma_start3A] : memref<16384x64xf32, #tpu.memory_space<hbm>> -> memref<512x64xf32, #tpu.memory_space<hbm>>
      %dma_start3A_15 = arith.constant 0 : i32
      %dma_start3A_16 = tpu.memref_slice %arg5[%mul3A_2, %dma_start3A_15] : memref<16384x64xf32, #tpu.memory_space<hbm>> -> memref<512x64xf32, #tpu.memory_space<hbm>>
      tpu.enqueue_dma source(%arg8 : memref<512x64xf32, #tpu.memory_space<vmem>>) target(%dma_start3A_16 : memref<512x64xf32, #tpu.memory_space<hbm>>) target_semaphore(%run_scoped3A : memref<!tpu.dma_semaphore, #tpu.memory_space<semaphore_mem>>)
      %dma_wait3A = arith.constant 0 : i32
      %dma_wait3A_17 = tpu.memref_slice %arg5[%mul3A_2, %dma_wait3A] : memref<16384x64xf32, #tpu.memory_space<hbm>> -> memref<512x64xf32, #tpu.memory_space<hbm>>
      %dma_wait3A_18 = arith.constant 0 : i32
      %dma_wait3A_19 = tpu.memref_slice %arg5[%mul3A_2, %dma_wait3A_18] : memref<16384x64xf32, #tpu.memory_space<hbm>> -> memref<512x64xf32, #tpu.memory_space<hbm>>
      tpu.wait_dma2 semaphore(%run_scoped3A : memref<!tpu.dma_semaphore, #tpu.memory_space<semaphore_mem>>) src(%arg8 : memref<512x64xf32, #tpu.memory_space<vmem>>) dst(%dma_wait3A_19 : memref<512x64xf32, #tpu.memory_space<hbm>>)
      tpu.yield
    }) : () -> ()
    %scan3A_8 = arith.constant 0 : i32
    %scan3A_9 = arith.constant 0 : i32
    %scan3A_10 = arith.constant 32 : i32
    %scan3A_11 = arith.addi %scan3A_9, %scan3A_10 : i32
    %scan3A_12 = arith.constant 1 : i32
    scf.for %scan3A_14 = %scan3A_9 to %scan3A_11 step %scan3A_12  : i32 {
      %mul3A_15 = arith.constant 16 : i32
      %mul3A_16 = arith.muli %scan3A_14, %mul3A_15 : i32
      %get3A = arith.index_cast %mul3A_16 : i32 to index
      %get3A_17 = tpu.vector_load %arg7[%get3A] {strides = array<i32>} : memref<528xi32, #tpu.memory_space<vmem>>, vector<16xi32>,
      %slice3A = vector.extract_strided_slice %get3A_17 {offsets = [0], sizes = [1], strides = [1]} : vector<16xi32> to vector<1xi32>
      %squeeze3A = vector.extract %slice3A[0] : i32 from vector<1xi32>
      %mul3A_18 = arith.constant 16 : i32
      %mul3A_19 = arith.muli %scan3A_14, %mul3A_18 : i32
      %add3A_20 = arith.constant 0 : i32
      %add3A_21 = arith.addi %mul3A_19, %add3A_20 : i32
      %dma_start3A = arith.constant 0 : i32
      %dma_start3A_22 = tpu.memref_slice %arg8[%add3A_21, %dma_start3A] : memref<512x64xf32, #tpu.memory_space<vmem>> -> memref<1x64xf32, #tpu.memory_space<vmem>>
      %dma_start3A_23 = arith.constant 0 : i32
      %dma_start3A_24 = tpu.memref_slice %arg4[%squeeze3A, %dma_start3A_23] : memref<1000000x64xf32, #tpu.memory_space<hbm>> -> memref<1x64xf32, #tpu.memory_space<hbm>>
      %dma_start3A_25 = arith.constant 0 : i32
      %dma_start3A_26 = tpu.memref_slice %arg8[%add3A_21, %dma_start3A_25] : memref<512x64xf32, #tpu.memory_space<vmem>> -> memref<1x64xf32, #tpu.memory_space<vmem>>
      %dma_start3A_27 = arith.constant 0 : i32
      %dma_start3A_28 = tpu.memref_slice %arg4[%squeeze3A, %dma_start3A_27] : memref<1000000x64xf32, #tpu.memory_space<hbm>> -> memref<1x64xf32, #tpu.memory_space<hbm>>
      tpu.enqueue_dma source(%dma_start3A_28 : memref<1x64xf32, #tpu.memory_space<hbm>>) target(%dma_start3A_26 : memref<1x64xf32, #tpu.memory_space<vmem>>) target_semaphore(%arg9 : memref<!tpu.dma_semaphore, #tpu.memory_space<semaphore_mem>>)
      %slice3A_29 = vector.extract_strided_slice %get3A_17 {offsets = [1], sizes = [1], strides = [1]} : vector<16xi32> to vector<1xi32>
      %squeeze3A_30 = vector.extract %slice3A_29[0] : i32 from vector<1xi32>
      %mul3A_31 = arith.constant 16 : i32
      %mul3A_32 = arith.muli %scan3A_14, %mul3A_31 : i32
      %add3A_33 = arith.constant 1 : i32
      %add3A_34 = arith.addi %mul3A_32, %add3A_33 : i32
      %dma_start3A_35 = arith.constant 0 : i32
      %dma_start3A_36 = tpu.memref_slice %arg8[%add3A_34, %dma_start3A_35] : memref<512x64xf32, #tpu.memory_space<vmem>> -> memref<1x64xf32, #tpu.memory_space<vmem>>
      %dma_start3A_37 = arith.constant 0 : i32
      %dma_start3A_38 = tpu.memref_slice %arg4[%squeeze3A_30, %dma_start3A_37] : memref<1000000x64xf32, #tpu.memory_space<hbm>> -> memref<1x64xf32, #tpu.memory_space<hbm>>
      %dma_start3A_39 = arith.constant 0 : i32
      %dma_start3A_40 = tpu.memref_slice %arg8[%add3A_34, %dma_start3A_39] : memref<512x64xf32, #tpu.memory_space<vmem>> -> memref<1x64xf32, #tpu.memory_space<vmem>>
      %dma_start3A_41 = arith.constant 0 : i32
      %dma_start3A_42 = tpu.memref_slice %arg4[%squeeze3A_30, %dma_start3A_41] : memref<1000000x64xf32, #tpu.memory_space<hbm>> -> memref<1x64xf32, #tpu.memory_space<hbm>>
      tpu.enqueue_dma source(%dma_start3A_42 : memref<1x64xf32, #tpu.memory_space<hbm>>) target(%dma_start3A_40 : memref<1x64xf32, #tpu.memory_space<vmem>>) target_semaphore(%arg9 : memref<!tpu.dma_semaphore, #tpu.memory_space<semaphore_mem>>)
      %slice3A_43 = vector.extract_strided_slice %get3A_17 {offsets = [2], sizes = [1], strides = [1]} : vector<16xi32> to vector<1xi32>
      %squeeze3A_44 = vector.extract %slice3A_43[0] : i32 from vector<1xi32>
      %mul3A_45 = arith.constant 16 : i32
      %mul3A_46 = arith.muli %scan3A_14, %mul3A_45 : i32
      %add3A_47 = arith.constant 2 : i32
      %add3A_48 = arith.addi %mul3A_46, %add3A_47 : i32
      %dma_start3A_49 = arith.constant 0 : i32
      %dma_start3A_50 = tpu.memref_slice %arg8[%add3A_48, %dma_start3A_49] : memref<512x64xf32, #tpu.memory_space<vmem>> -> memref<1x64xf32, #tpu.memory_space<vmem>>
      %dma_start3A_51 = arith.constant 0 : i32
      %dma_start3A_52 = tpu.memref_slice %arg4[%squeeze3A_44, %dma_start3A_51] : memref<1000000x64xf32, #tpu.memory_space<hbm>> -> memref<1x64xf32, #tpu.memory_space<hbm>>
      %dma_start3A_53 = arith.constant 0 : i32
      %dma_start3A_54 = tpu.memref_slice %arg8[%add3A_48, %dma_start3A_53] : memref<512x64xf32, #tpu.memory_space<vmem>> -> memref<1x64xf32, #tpu.memory_space<vmem>>
      %dma_start3A_55 = arith.constant 0 : i32
      %dma_start3A_56 = tpu.memref_slice %arg4[%squeeze3A_44, %dma_start3A_55] : memref<1000000x64xf32, #tpu.memory_space<hbm>> -> memref<1x64xf32, #tpu.memory_space<hbm>>
      tpu.enqueue_dma source(%dma_start3A_56 : memref<1x64xf32, #tpu.memory_space<hbm>>) target(%dma_start3A_54 : memref<1x64xf32, #tpu.memory_space<vmem>>) target_semaphore(%arg9 : memref<!tpu.dma_semaphore, #tpu.memory_space<semaphore_mem>>)
      %slice3A_57 = vector.extract_strided_slice %get3A_17 {offsets = [3], sizes = [1], strides = [1]} : vector<16xi32> to vector<1xi32>
      %squeeze3A_58 = vector.extract %slice3A_57[0] : i32 from vector<1xi32>
      %mul3A_59 = arith.constant 16 : i32
      %mul3A_60 = arith.muli %scan3A_14, %mul3A_59 : i32
      %add3A_61 = arith.constant 3 : i32
      %add3A_62 = arith.addi %mul3A_60, %add3A_61 : i32
      %dma_start3A_63 = arith.constant 0 : i32
      %dma_start3A_64 = tpu.memref_slice %arg8[%add3A_62, %dma_start3A_63] : memref<512x64xf32, #tpu.memory_space<vmem>> -> memref<1x64xf32, #tpu.memory_space<vmem>>
      %dma_start3A_65 = arith.constant 0 : i32
      %dma_start3A_66 = tpu.memref_slice %arg4[%squeeze3A_58, %dma_start3A_65] : memref<1000000x64xf32, #tpu.memory_space<hbm>> -> memref<1x64xf32, #tpu.memory_space<hbm>>
      %dma_start3A_67 = arith.constant 0 : i32
      %dma_start3A_68 = tpu.memref_slice %arg8[%add3A_62, %dma_start3A_67] : memref<512x64xf32, #tpu.memory_space<vmem>> -> memref<1x64xf32, #tpu.memory_space<vmem>>
      %dma_start3A_69 = arith.constant 0 : i32
      %dma_start3A_70 = tpu.memref_slice %arg4[%squeeze3A_58, %dma_start3A_69] : memref<1000000x64xf32, #tpu.memory_space<hbm>> -> memref<1x64xf32, #tpu.memory_space<hbm>>
      tpu.enqueue_dma source(%dma_start3A_70 : memref<1x64xf32, #tpu.memory_space<hbm>>) target(%dma_start3A_68 : memref<1x64xf32, #tpu.memory_space<vmem>>) target_semaphore(%arg9 : memref<!tpu.dma_semaphore, #tpu.memory_space<semaphore_mem>>)
      %slice3A_71 = vector.extract_strided_slice %get3A_17 {offsets = [4], sizes = [1], strides = [1]} : vector<16xi32> to vector<1xi32>
      %squeeze3A_72 = vector.extract %slice3A_71[0] : i32 from vector<1xi32>
      %mul3A_73 = arith.constant 16 : i32
      %mul3A_74 = arith.muli %scan3A_14, %mul3A_73 : i32
      %add3A_75 = arith.constant 4 : i32
      %add3A_76 = arith.addi %mul3A_74, %add3A_75 : i32
      %dma_start3A_77 = arith.constant 0 : i32
      %dma_start3A_78 = tpu.memref_slice %arg8[%add3A_76, %dma_start3A_77] : memref<512x64xf32, #tpu.memory_space<vmem>> -> memref<1x64xf32, #tpu.memory_space<vmem>>
      %dma_start3A_79 = arith.constant 0 : i32
      %dma_start3A_80 = tpu.memref_slice %arg4[%squeeze3A_72, %dma_start3A_79] : memref<1000000x64xf32, #tpu.memory_space<hbm>> -> memref<1x64xf32, #tpu.memory_space<hbm>>
      %dma_start3A_81 = arith.constant 0 : i32
      %dma_start3A_82 = tpu.memref_slice %arg8[%add3A_76, %dma_start3A_81] : memref<512x64xf32, #tpu.memory_space<vmem>> -> memref<1x64xf32, #tpu.memory_space<vmem>>
      %dma_start3A_83 = arith.constant 0 : i32
      %dma_start3A_84 = tpu.memref_slice %arg4[%squeeze3A_72, %dma_start3A_83] : memref<1000000x64xf32, #tpu.memory_space<hbm>> -> memref<1x64xf32, #tpu.memory_space<hbm>>
      tpu.enqueue_dma source(%dma_start3A_84 : memref<1x64xf32, #tpu.memory_space<hbm>>) target(%dma_start3A_82 : memref<1x64xf32, #tpu.memory_space<vmem>>) target_semaphore(%arg9 : memref<!tpu.dma_semaphore, #tpu.memory_space<semaphore_mem>>)
      %slice3A_85 = vector.extract_strided_slice %get3A_17 {offsets = [5], sizes = [1], strides = [1]} : vector<16xi32> to vector<1xi32>
      %squeeze3A_86 = vector.extract %slice3A_85[0] : i32 from vector<1xi32>
      %mul3A_87 = arith.constant 16 : i32
      %mul3A_88 = arith.muli %scan3A_14, %mul3A_87 : i32
      %add3A_89 = arith.constant 5 : i32
      %add3A_90 = arith.addi %mul3A_88, %add3A_89 : i32
      %dma_start3A_91 = arith.constant 0 : i32
      %dma_start3A_92 = tpu.memref_slice %arg8[%add3A_90, %dma_start3A_91] : memref<512x64xf32, #tpu.memory_space<vmem>> -> memref<1x64xf32, #tpu.memory_space<vmem>>
      %dma_start3A_93 = arith.constant 0 : i32
      %dma_start3A_94 = tpu.memref_slice %arg4[%squeeze3A_86, %dma_start3A_93] : memref<1000000x64xf32, #tpu.memory_space<hbm>> -> memref<1x64xf32, #tpu.memory_space<hbm>>
      %dma_start3A_95 = arith.constant 0 : i32
      %dma_start3A_96 = tpu.memref_slice %arg8[%add3A_90, %dma_start3A_95] : memref<512x64xf32, #tpu.memory_space<vmem>> -> memref<1x64xf32, #tpu.memory_space<vmem>>
      %dma_start3A_97 = arith.constant 0 : i32
      %dma_start3A_98 = tpu.memref_slice %arg4[%squeeze3A_86, %dma_start3A_97] : memref<1000000x64xf32, #tpu.memory_space<hbm>> -> memref<1x64xf32, #tpu.memory_space<hbm>>
      tpu.enqueue_dma source(%dma_start3A_98 : memref<1x64xf32, #tpu.memory_space<hbm>>) target(%dma_start3A_96 : memref<1x64xf32, #tpu.memory_space<vmem>>) target_semaphore(%arg9 : memref<!tpu.dma_semaphore, #tpu.memory_space<semaphore_mem>>)
      %slice3A_99 = vector.extract_strided_slice %get3A_17 {offsets = [6], sizes = [1], strides = [1]} : vector<16xi32> to vector<1xi32>
      %squeeze3A_100 = vector.extract %slice3A_99[0] : i32 from vector<1xi32>
      %mul3A_101 = arith.constant 16 : i32
      %mul3A_102 = arith.muli %scan3A_14, %mul3A_101 : i32
      %add3A_103 = arith.constant 6 : i32
      %add3A_104 = arith.addi %mul3A_102, %add3A_103 : i32
      %dma_start3A_105 = arith.constant 0 : i32
      %dma_start3A_106 = tpu.memref_slice %arg8[%add3A_104, %dma_start3A_105] : memref<512x64xf32, #tpu.memory_space<vmem>> -> memref<1x64xf32, #tpu.memory_space<vmem>>
      %dma_start3A_107 = arith.constant 0 : i32
      %dma_start3A_108 = tpu.memref_slice %arg4[%squeeze3A_100, %dma_start3A_107] : memref<1000000x64xf32, #tpu.memory_space<hbm>> -> memref<1x64xf32, #tpu.memory_space<hbm>>
      %dma_start3A_109 = arith.constant 0 : i32
      %dma_start3A_110 = tpu.memref_slice %arg8[%add3A_104, %dma_start3A_109] : memref<512x64xf32, #tpu.memory_space<vmem>> -> memref<1x64xf32, #tpu.memory_space<vmem>>
      %dma_start3A_111 = arith.constant 0 : i32
      %dma_start3A_112 = tpu.memref_slice %arg4[%squeeze3A_100, %dma_start3A_111] : memref<1000000x64xf32, #tpu.memory_space<hbm>> -> memref<1x64xf32, #tpu.memory_space<hbm>>
      tpu.enqueue_dma source(%dma_start3A_112 : memref<1x64xf32, #tpu.memory_space<hbm>>) target(%dma_start3A_110 : memref<1x64xf32, #tpu.memory_space<vmem>>) target_semaphore(%arg9 : memref<!tpu.dma_semaphore, #tpu.memory_space<semaphore_mem>>)
      %slice3A_113 = vector.extract_strided_slice %get3A_17 {offsets = [7], sizes = [1], strides = [1]} : vector<16xi32> to vector<1xi32>
      %squeeze3A_114 = vector.extract %slice3A_113[0] : i32 from vector<1xi32>
      %mul3A_115 = arith.constant 16 : i32
      %mul3A_116 = arith.muli %scan3A_14, %mul3A_115 : i32
      %add3A_117 = arith.constant 7 : i32
      %add3A_118 = arith.addi %mul3A_116, %add3A_117 : i32
      %dma_start3A_119 = arith.constant 0 : i32
      %dma_start3A_120 = tpu.memref_slice %arg8[%add3A_118, %dma_start3A_119] : memref<512x64xf32, #tpu.memory_space<vmem>> -> memref<1x64xf32, #tpu.memory_space<vmem>>
      %dma_start3A_121 = arith.constant 0 : i32
      %dma_start3A_122 = tpu.memref_slice %arg4[%squeeze3A_114, %dma_start3A_121] : memref<1000000x64xf32, #tpu.memory_space<hbm>> -> memref<1x64xf32, #tpu.memory_space<hbm>>
      %dma_start3A_123 = arith.constant 0 : i32
      %dma_start3A_124 = tpu.memref_slice %arg8[%add3A_118, %dma_start3A_123] : memref<512x64xf32, #tpu.memory_space<vmem>> -> memref<1x64xf32, #tpu.memory_space<vmem>>
      %dma_start3A_125 = arith.constant 0 : i32
      %dma_start3A_126 = tpu.memref_slice %arg4[%squeeze3A_114, %dma_start3A_125] : memref<1000000x64xf32, #tpu.memory_space<hbm>> -> memref<1x64xf32, #tpu.memory_space<hbm>>
      tpu.enqueue_dma source(%dma_start3A_126 : memref<1x64xf32, #tpu.memory_space<hbm>>) target(%dma_start3A_124 : memref<1x64xf32, #tpu.memory_space<vmem>>) target_semaphore(%arg9 : memref<!tpu.dma_semaphore, #tpu.memory_space<semaphore_mem>>)
      %slice3A_127 = vector.extract_strided_slice %get3A_17 {offsets = [8], sizes = [1], strides = [1]} : vector<16xi32> to vector<1xi32>
      %squeeze3A_128 = vector.extract %slice3A_127[0] : i32 from vector<1xi32>
      %mul3A_129 = arith.constant 16 : i32
      %mul3A_130 = arith.muli %scan3A_14, %mul3A_129 : i32
      %add3A_131 = arith.constant 8 : i32
      %add3A_132 = arith.addi %mul3A_130, %add3A_131 : i32
      %dma_start3A_133 = arith.constant 0 : i32
      %dma_start3A_134 = tpu.memref_slice %arg8[%add3A_132, %dma_start3A_133] : memref<512x64xf32, #tpu.memory_space<vmem>> -> memref<1x64xf32, #tpu.memory_space<vmem>>
      %dma_start3A_135 = arith.constant 0 : i32
      %dma_start3A_136 = tpu.memref_slice %arg4[%squeeze3A_128, %dma_start3A_135] : memref<1000000x64xf32, #tpu.memory_space<hbm>> -> memref<1x64xf32, #tpu.memory_space<hbm>>
      %dma_start3A_137 = arith.constant 0 : i32
      %dma_start3A_138 = tpu.memref_slice %arg8[%add3A_132, %dma_start3A_137] : memref<512x64xf32, #tpu.memory_space<vmem>> -> memref<1x64xf32, #tpu.memory_space<vmem>>
      %dma_start3A_139 = arith.constant 0 : i32
      %dma_start3A_140 = tpu.memref_slice %arg4[%squeeze3A_128, %dma_start3A_139] : memref<1000000x64xf32, #tpu.memory_space<hbm>> -> memref<1x64xf32, #tpu.memory_space<hbm>>
      tpu.enqueue_dma source(%dma_start3A_140 : memref<1x64xf32, #tpu.memory_space<hbm>>) target(%dma_start3A_138 : memref<1x64xf32, #tpu.memory_space<vmem>>) target_semaphore(%arg9 : memref<!tpu.dma_semaphore, #tpu.memory_space<semaphore_mem>>)
      %slice3A_141 = vector.extract_strided_slice %get3A_17 {offsets = [9], sizes = [1], strides = [1]} : vector<16xi32> to vector<1xi32>
      %squeeze3A_142 = vector.extract %slice3A_141[0] : i32 from vector<1xi32>
      %mul3A_143 = arith.constant 16 : i32
      %mul3A_144 = arith.muli %scan3A_14, %mul3A_143 : i32
      %add3A_145 = arith.constant 9 : i32
      %add3A_146 = arith.addi %mul3A_144, %add3A_145 : i32
      %dma_start3A_147 = arith.constant 0 : i32
      %dma_start3A_148 = tpu.memref_slice %arg8[%add3A_146, %dma_start3A_147] : memref<512x64xf32, #tpu.memory_space<vmem>> -> memref<1x64xf32, #tpu.memory_space<vmem>>
      %dma_start3A_149 = arith.constant 0 : i32
      %dma_start3A_150 = tpu.memref_slice %arg4[%squeeze3A_142, %dma_start3A_149] : memref<1000000x64xf32, #tpu.memory_space<hbm>> -> memref<1x64xf32, #tpu.memory_space<hbm>>
      %dma_start3A_151 = arith.constant 0 : i32
      %dma_start3A_152 = tpu.memref_slice %arg8[%add3A_146, %dma_start3A_151] : memref<512x64xf32, #tpu.memory_space<vmem>> -> memref<1x64xf32, #tpu.memory_space<vmem>>
      %dma_start3A_153 = arith.constant 0 : i32
      %dma_start3A_154 = tpu.memref_slice %arg4[%squeeze3A_142, %dma_start3A_153] : memref<1000000x64xf32, #tpu.memory_space<hbm>> -> memref<1x64xf32, #tpu.memory_space<hbm>>
      tpu.enqueue_dma source(%dma_start3A_154 : memref<1x64xf32, #tpu.memory_space<hbm>>) target(%dma_start3A_152 : memref<1x64xf32, #tpu.memory_space<vmem>>) target_semaphore(%arg9 : memref<!tpu.dma_semaphore, #tpu.memory_space<semaphore_mem>>)
      %slice3A_155 = vector.extract_strided_slice %get3A_17 {offsets = [10], sizes = [1], strides = [1]} : vector<16xi32> to vector<1xi32>
      %squeeze3A_156 = vector.extract %slice3A_155[0] : i32 from vector<1xi32>
      %mul3A_157 = arith.constant 16 : i32
      %mul3A_158 = arith.muli %scan3A_14, %mul3A_157 : i32
      %add3A_159 = arith.constant 10 : i32
      %add3A_160 = arith.addi %mul3A_158, %add3A_159 : i32
      %dma_start3A_161 = arith.constant 0 : i32
      %dma_start3A_162 = tpu.memref_slice %arg8[%add3A_160, %dma_start3A_161] : memref<512x64xf32, #tpu.memory_space<vmem>> -> memref<1x64xf32, #tpu.memory_space<vmem>>
      %dma_start3A_163 = arith.constant 0 : i32
      %dma_start3A_164 = tpu.memref_slice %arg4[%squeeze3A_156, %dma_start3A_163] : memref<1000000x64xf32, #tpu.memory_space<hbm>> -> memref<1x64xf32, #tpu.memory_space<hbm>>
      %dma_start3A_165 = arith.constant 0 : i32
      %dma_start3A_166 = tpu.memref_slice %arg8[%add3A_160, %dma_start3A_165] : memref<512x64xf32, #tpu.memory_space<vmem>> -> memref<1x64xf32, #tpu.memory_space<vmem>>
      %dma_start3A_167 = arith.constant 0 : i32
      %dma_start3A_168 = tpu.memref_slice %arg4[%squeeze3A_156, %dma_start3A_167] : memref<1000000x64xf32, #tpu.memory_space<hbm>> -> memref<1x64xf32, #tpu.memory_space<hbm>>
      tpu.enqueue_dma source(%dma_start3A_168 : memref<1x64xf32, #tpu.memory_space<hbm>>) target(%dma_start3A_166 : memref<1x64xf32, #tpu.memory_space<vmem>>) target_semaphore(%arg9 : memref<!tpu.dma_semaphore, #tpu.memory_space<semaphore_mem>>)
      %slice3A_169 = vector.extract_strided_slice %get3A_17 {offsets = [11], sizes = [1], strides = [1]} : vector<16xi32> to vector<1xi32>
      %squeeze3A_170 = vector.extract %slice3A_169[0] : i32 from vector<1xi32>
      %mul3A_171 = arith.constant 16 : i32
      %mul3A_172 = arith.muli %scan3A_14, %mul3A_171 : i32
      %add3A_173 = arith.constant 11 : i32
      %add3A_174 = arith.addi %mul3A_172, %add3A_173 : i32
      %dma_start3A_175 = arith.constant 0 : i32
      %dma_start3A_176 = tpu.memref_slice %arg8[%add3A_174, %dma_start3A_175] : memref<512x64xf32, #tpu.memory_space<vmem>> -> memref<1x64xf32, #tpu.memory_space<vmem>>
      %dma_start3A_177 = arith.constant 0 : i32
      %dma_start3A_178 = tpu.memref_slice %arg4[%squeeze3A_170, %dma_start3A_177] : memref<1000000x64xf32, #tpu.memory_space<hbm>> -> memref<1x64xf32, #tpu.memory_space<hbm>>
      %dma_start3A_179 = arith.constant 0 : i32
      %dma_start3A_180 = tpu.memref_slice %arg8[%add3A_174, %dma_start3A_179] : memref<512x64xf32, #tpu.memory_space<vmem>> -> memref<1x64xf32, #tpu.memory_space<vmem>>
      %dma_start3A_181 = arith.constant 0 : i32
      %dma_start3A_182 = tpu.memref_slice %arg4[%squeeze3A_170, %dma_start3A_181] : memref<1000000x64xf32, #tpu.memory_space<hbm>> -> memref<1x64xf32, #tpu.memory_space<hbm>>
      tpu.enqueue_dma source(%dma_start3A_182 : memref<1x64xf32, #tpu.memory_space<hbm>>) target(%dma_start3A_180 : memref<1x64xf32, #tpu.memory_space<vmem>>) target_semaphore(%arg9 : memref<!tpu.dma_semaphore, #tpu.memory_space<semaphore_mem>>)
      %slice3A_183 = vector.extract_strided_slice %get3A_17 {offsets = [12], sizes = [1], strides = [1]} : vector<16xi32> to vector<1xi32>
      %squeeze3A_184 = vector.extract %slice3A_183[0] : i32 from vector<1xi32>
      %mul3A_185 = arith.constant 16 : i32
      %mul3A_186 = arith.muli %scan3A_14, %mul3A_185 : i32
      %add3A_187 = arith.constant 12 : i32
      %add3A_188 = arith.addi %mul3A_186, %add3A_187 : i32
      %dma_start3A_189 = arith.constant 0 : i32
      %dma_start3A_190 = tpu.memref_slice %arg8[%add3A_188, %dma_start3A_189] : memref<512x64xf32, #tpu.memory_space<vmem>> -> memref<1x64xf32, #tpu.memory_space<vmem>>
      %dma_start3A_191 = arith.constant 0 : i32
      %dma_start3A_192 = tpu.memref_slice %arg4[%squeeze3A_184, %dma_start3A_191] : memref<1000000x64xf32, #tpu.memory_space<hbm>> -> memref<1x64xf32, #tpu.memory_space<hbm>>
      %dma_start3A_193 = arith.constant 0 : i32
      %dma_start3A_194 = tpu.memref_slice %arg8[%add3A_188, %dma_start3A_193] : memref<512x64xf32, #tpu.memory_space<vmem>> -> memref<1x64xf32, #tpu.memory_space<vmem>>
      %dma_start3A_195 = arith.constant 0 : i32
      %dma_start3A_196 = tpu.memref_slice %arg4[%squeeze3A_184, %dma_start3A_195] : memref<1000000x64xf32, #tpu.memory_space<hbm>> -> memref<1x64xf32, #tpu.memory_space<hbm>>
      tpu.enqueue_dma source(%dma_start3A_196 : memref<1x64xf32, #tpu.memory_space<hbm>>) target(%dma_start3A_194 : memref<1x64xf32, #tpu.memory_space<vmem>>) target_semaphore(%arg9 : memref<!tpu.dma_semaphore, #tpu.memory_space<semaphore_mem>>)
      %slice3A_197 = vector.extract_strided_slice %get3A_17 {offsets = [13], sizes = [1], strides = [1]} : vector<16xi32> to vector<1xi32>
      %squeeze3A_198 = vector.extract %slice3A_197[0] : i32 from vector<1xi32>
      %mul3A_199 = arith.constant 16 : i32
      %mul3A_200 = arith.muli %scan3A_14, %mul3A_199 : i32
      %add3A_201 = arith.constant 13 : i32
      %add3A_202 = arith.addi %mul3A_200, %add3A_201 : i32
      %dma_start3A_203 = arith.constant 0 : i32
      %dma_start3A_204 = tpu.memref_slice %arg8[%add3A_202, %dma_start3A_203] : memref<512x64xf32, #tpu.memory_space<vmem>> -> memref<1x64xf32, #tpu.memory_space<vmem>>
      %dma_start3A_205 = arith.constant 0 : i32
      %dma_start3A_206 = tpu.memref_slice %arg4[%squeeze3A_198, %dma_start3A_205] : memref<1000000x64xf32, #tpu.memory_space<hbm>> -> memref<1x64xf32, #tpu.memory_space<hbm>>
      %dma_start3A_207 = arith.constant 0 : i32
      %dma_start3A_208 = tpu.memref_slice %arg8[%add3A_202, %dma_start3A_207] : memref<512x64xf32, #tpu.memory_space<vmem>> -> memref<1x64xf32, #tpu.memory_space<vmem>>
      %dma_start3A_209 = arith.constant 0 : i32
      %dma_start3A_210 = tpu.memref_slice %arg4[%squeeze3A_198, %dma_start3A_209] : memref<1000000x64xf32, #tpu.memory_space<hbm>> -> memref<1x64xf32, #tpu.memory_space<hbm>>
      tpu.enqueue_dma source(%dma_start3A_210 : memref<1x64xf32, #tpu.memory_space<hbm>>) target(%dma_start3A_208 : memref<1x64xf32, #tpu.memory_space<vmem>>) target_semaphore(%arg9 : memref<!tpu.dma_semaphore, #tpu.memory_space<semaphore_mem>>)
      %slice3A_211 = vector.extract_strided_slice %get3A_17 {offsets = [14], sizes = [1], strides = [1]} : vector<16xi32> to vector<1xi32>
      %squeeze3A_212 = vector.extract %slice3A_211[0] : i32 from vector<1xi32>
      %mul3A_213 = arith.constant 16 : i32
      %mul3A_214 = arith.muli %scan3A_14, %mul3A_213 : i32
      %add3A_215 = arith.constant 14 : i32
      %add3A_216 = arith.addi %mul3A_214, %add3A_215 : i32
      %dma_start3A_217 = arith.constant 0 : i32
      %dma_start3A_218 = tpu.memref_slice %arg8[%add3A_216, %dma_start3A_217] : memref<512x64xf32, #tpu.memory_space<vmem>> -> memref<1x64xf32, #tpu.memory_space<vmem>>
      %dma_start3A_219 = arith.constant 0 : i32
      %dma_start3A_220 = tpu.memref_slice %arg4[%squeeze3A_212, %dma_start3A_219] : memref<1000000x64xf32, #tpu.memory_space<hbm>> -> memref<1x64xf32, #tpu.memory_space<hbm>>
      %dma_start3A_221 = arith.constant 0 : i32
      %dma_start3A_222 = tpu.memref_slice %arg8[%add3A_216, %dma_start3A_221] : memref<512x64xf32, #tpu.memory_space<vmem>> -> memref<1x64xf32, #tpu.memory_space<vmem>>
      %dma_start3A_223 = arith.constant 0 : i32
      %dma_start3A_224 = tpu.memref_slice %arg4[%squeeze3A_212, %dma_start3A_223] : memref<1000000x64xf32, #tpu.memory_space<hbm>> -> memref<1x64xf32, #tpu.memory_space<hbm>>
      tpu.enqueue_dma source(%dma_start3A_224 : memref<1x64xf32, #tpu.memory_space<hbm>>) target(%dma_start3A_222 : memref<1x64xf32, #tpu.memory_space<vmem>>) target_semaphore(%arg9 : memref<!tpu.dma_semaphore, #tpu.memory_space<semaphore_mem>>)
      %slice3A_225 = vector.extract_strided_slice %get3A_17 {offsets = [15], sizes = [1], strides = [1]} : vector<16xi32> to vector<1xi32>
      %squeeze3A_226 = vector.extract %slice3A_225[0] : i32 from vector<1xi32>
      %mul3A_227 = arith.constant 16 : i32
      %mul3A_228 = arith.muli %scan3A_14, %mul3A_227 : i32
      %add3A_229 = arith.constant 15 : i32
      %add3A_230 = arith.addi %mul3A_228, %add3A_229 : i32
      %dma_start3A_231 = arith.constant 0 : i32
      %dma_start3A_232 = tpu.memref_slice %arg8[%add3A_230, %dma_start3A_231] : memref<512x64xf32, #tpu.memory_space<vmem>> -> memref<1x64xf32, #tpu.memory_space<vmem>>
      %dma_start3A_233 = arith.constant 0 : i32
      %dma_start3A_234 = tpu.memref_slice %arg4[%squeeze3A_226, %dma_start3A_233] : memref<1000000x64xf32, #tpu.memory_space<hbm>> -> memref<1x64xf32, #tpu.memory_space<hbm>>
      %dma_start3A_235 = arith.constant 0 : i32
      %dma_start3A_236 = tpu.memref_slice %arg8[%add3A_230, %dma_start3A_235] : memref<512x64xf32, #tpu.memory_space<vmem>> -> memref<1x64xf32, #tpu.memory_space<vmem>>
      %dma_start3A_237 = arith.constant 0 : i32
      %dma_start3A_238 = tpu.memref_slice %arg4[%squeeze3A_226, %dma_start3A_237] : memref<1000000x64xf32, #tpu.memory_space<hbm>> -> memref<1x64xf32, #tpu.memory_space<hbm>>
      tpu.enqueue_dma source(%dma_start3A_238 : memref<1x64xf32, #tpu.memory_space<hbm>>) target(%dma_start3A_236 : memref<1x64xf32, #tpu.memory_space<vmem>>) target_semaphore(%arg9 : memref<!tpu.dma_semaphore, #tpu.memory_space<semaphore_mem>>)
      %dma_wait3A = arith.constant 0 : i32
      %dma_wait3A_239 = tpu.memref_slice %arg8[%add3A_21, %dma_wait3A] : memref<512x64xf32, #tpu.memory_space<vmem>> -> memref<1x64xf32, #tpu.memory_space<vmem>>
      %dma_wait3A_240 = arith.constant 0 : i32
      %dma_wait3A_241 = tpu.memref_slice %arg4[%squeeze3A, %dma_wait3A_240] : memref<1000000x64xf32, #tpu.memory_space<hbm>> -> memref<1x64xf32, #tpu.memory_space<hbm>>
      %dma_wait3A_242 = arith.constant 0 : i32
      %dma_wait3A_243 = tpu.memref_slice %arg8[%add3A_21, %dma_wait3A_242] : memref<512x64xf32, #tpu.memory_space<vmem>> -> memref<1x64xf32, #tpu.memory_space<vmem>>
      %dma_wait3A_244 = arith.constant 0 : i32
      %dma_wait3A_245 = tpu.memref_slice %arg4[%squeeze3A, %dma_wait3A_244] : memref<1000000x64xf32, #tpu.memory_space<hbm>> -> memref<1x64xf32, #tpu.memory_space<hbm>>
      tpu.wait_dma2 semaphore(%arg9 : memref<!tpu.dma_semaphore, #tpu.memory_space<semaphore_mem>>) src(%dma_wait3A_245 : memref<1x64xf32, #tpu.memory_space<hbm>>) dst(%dma_wait3A_243 : memref<1x64xf32, #tpu.memory_space<vmem>>)
      %dma_wait3A_246 = arith.constant 0 : i32
      %dma_wait3A_247 = tpu.memref_slice %arg8[%add3A_34, %dma_wait3A_246] : memref<512x64xf32, #tpu.memory_space<vmem>> -> memref<1x64xf32, #tpu.memory_space<vmem>>
      %dma_wait3A_248 = arith.constant 0 : i32
      %dma_wait3A_249 = tpu.memref_slice %arg4[%squeeze3A_30, %dma_wait3A_248] : memref<1000000x64xf32, #tpu.memory_space<hbm>> -> memref<1x64xf32, #tpu.memory_space<hbm>>
      %dma_wait3A_250 = arith.constant 0 : i32
      %dma_wait3A_251 = tpu.memref_slice %arg8[%add3A_34, %dma_wait3A_250] : memref<512x64xf32, #tpu.memory_space<vmem>> -> memref<1x64xf32, #tpu.memory_space<vmem>>
      %dma_wait3A_252 = arith.constant 0 : i32
      %dma_wait3A_253 = tpu.memref_slice %arg4[%squeeze3A_30, %dma_wait3A_252] : memref<1000000x64xf32, #tpu.memory_space<hbm>> -> memref<1x64xf32, #tpu.memory_space<hbm>>
      tpu.wait_dma2 semaphore(%arg9 : memref<!tpu.dma_semaphore, #tpu.memory_space<semaphore_mem>>) src(%dma_wait3A_253 : memref<1x64xf32, #tpu.memory_space<hbm>>) dst(%dma_wait3A_251 : memref<1x64xf32, #tpu.memory_space<vmem>>)
      %dma_wait3A_254 = arith.constant 0 : i32
      %dma_wait3A_255 = tpu.memref_slice %arg8[%add3A_48, %dma_wait3A_254] : memref<512x64xf32, #tpu.memory_space<vmem>> -> memref<1x64xf32, #tpu.memory_space<vmem>>
      %dma_wait3A_256 = arith.constant 0 : i32
      %dma_wait3A_257 = tpu.memref_slice %arg4[%squeeze3A_44, %dma_wait3A_256] : memref<1000000x64xf32, #tpu.memory_space<hbm>> -> memref<1x64xf32, #tpu.memory_space<hbm>>
      %dma_wait3A_258 = arith.constant 0 : i32
      %dma_wait3A_259 = tpu.memref_slice %arg8[%add3A_48, %dma_wait3A_258] : memref<512x64xf32, #tpu.memory_space<vmem>> -> memref<1x64xf32, #tpu.memory_space<vmem>>
      %dma_wait3A_260 = arith.constant 0 : i32
      %dma_wait3A_261 = tpu.memref_slice %arg4[%squeeze3A_44, %dma_wait3A_260] : memref<1000000x64xf32, #tpu.memory_space<hbm>> -> memref<1x64xf32, #tpu.memory_space<hbm>>
      tpu.wait_dma2 semaphore(%arg9 : memref<!tpu.dma_semaphore, #tpu.memory_space<semaphore_mem>>) src(%dma_wait3A_261 : memref<1x64xf32, #tpu.memory_space<hbm>>) dst(%dma_wait3A_259 : memref<1x64xf32, #tpu.memory_space<vmem>>)
      %dma_wait3A_262 = arith.constant 0 : i32
      %dma_wait3A_263 = tpu.memref_slice %arg8[%add3A_62, %dma_wait3A_262] : memref<512x64xf32, #tpu.memory_space<vmem>> -> memref<1x64xf32, #tpu.memory_space<vmem>>
      %dma_wait3A_264 = arith.constant 0 : i32
      %dma_wait3A_265 = tpu.memref_slice %arg4[%squeeze3A_58, %dma_wait3A_264] : memref<1000000x64xf32, #tpu.memory_space<hbm>> -> memref<1x64xf32, #tpu.memory_space<hbm>>
      %dma_wait3A_266 = arith.constant 0 : i32
      %dma_wait3A_267 = tpu.memref_slice %arg8[%add3A_62, %dma_wait3A_266] : memref<512x64xf32, #tpu.memory_space<vmem>> -> memref<1x64xf32, #tpu.memory_space<vmem>>
      %dma_wait3A_268 = arith.constant 0 : i32
      %dma_wait3A_269 = tpu.memref_slice %arg4[%squeeze3A_58, %dma_wait3A_268] : memref<1000000x64xf32, #tpu.memory_space<hbm>> -> memref<1x64xf32, #tpu.memory_space<hbm>>
      tpu.wait_dma2 semaphore(%arg9 : memref<!tpu.dma_semaphore, #tpu.memory_space<semaphore_mem>>) src(%dma_wait3A_269 : memref<1x64xf32, #tpu.memory_space<hbm>>) dst(%dma_wait3A_267 : memref<1x64xf32, #tpu.memory_space<vmem>>)
      %dma_wait3A_270 = arith.constant 0 : i32
      %dma_wait3A_271 = tpu.memref_slice %arg8[%add3A_76, %dma_wait3A_270] : memref<512x64xf32, #tpu.memory_space<vmem>> -> memref<1x64xf32, #tpu.memory_space<vmem>>
      %dma_wait3A_272 = arith.constant 0 : i32
      %dma_wait3A_273 = tpu.memref_slice %arg4[%squeeze3A_72, %dma_wait3A_272] : memref<1000000x64xf32, #tpu.memory_space<hbm>> -> memref<1x64xf32, #tpu.memory_space<hbm>>
      %dma_wait3A_274 = arith.constant 0 : i32
      %dma_wait3A_275 = tpu.memref_slice %arg8[%add3A_76, %dma_wait3A_274] : memref<512x64xf32, #tpu.memory_space<vmem>> -> memref<1x64xf32, #tpu.memory_space<vmem>>
      %dma_wait3A_276 = arith.constant 0 : i32
      %dma_wait3A_277 = tpu.memref_slice %arg4[%squeeze3A_72, %dma_wait3A_276] : memref<1000000x64xf32, #tpu.memory_space<hbm>> -> memref<1x64xf32, #tpu.memory_space<hbm>>
      tpu.wait_dma2 semaphore(%arg9 : memref<!tpu.dma_semaphore, #tpu.memory_space<semaphore_mem>>) src(%dma_wait3A_277 : memref<1x64xf32, #tpu.memory_space<hbm>>) dst(%dma_wait3A_275 : memref<1x64xf32, #tpu.memory_space<vmem>>)
      %dma_wait3A_278 = arith.constant 0 : i32
      %dma_wait3A_279 = tpu.memref_slice %arg8[%add3A_90, %dma_wait3A_278] : memref<512x64xf32, #tpu.memory_space<vmem>> -> memref<1x64xf32, #tpu.memory_space<vmem>>
      %dma_wait3A_280 = arith.constant 0 : i32
      %dma_wait3A_281 = tpu.memref_slice %arg4[%squeeze3A_86, %dma_wait3A_280] : memref<1000000x64xf32, #tpu.memory_space<hbm>> -> memref<1x64xf32, #tpu.memory_space<hbm>>
      %dma_wait3A_282 = arith.constant 0 : i32
      %dma_wait3A_283 = tpu.memref_slice %arg8[%add3A_90, %dma_wait3A_282] : memref<512x64xf32, #tpu.memory_space<vmem>> -> memref<1x64xf32, #tpu.memory_space<vmem>>
      %dma_wait3A_284 = arith.constant 0 : i32
      %dma_wait3A_285 = tpu.memref_slice %arg4[%squeeze3A_86, %dma_wait3A_284] : memref<1000000x64xf32, #tpu.memory_space<hbm>> -> memref<1x64xf32, #tpu.memory_space<hbm>>
      tpu.wait_dma2 semaphore(%arg9 : memref<!tpu.dma_semaphore, #tpu.memory_space<semaphore_mem>>) src(%dma_wait3A_285 : memref<1x64xf32, #tpu.memory_space<hbm>>) dst(%dma_wait3A_283 : memref<1x64xf32, #tpu.memory_space<vmem>>)
      %dma_wait3A_286 = arith.constant 0 : i32
      %dma_wait3A_287 = tpu.memref_slice %arg8[%add3A_104, %dma_wait3A_286] : memref<512x64xf32, #tpu.memory_space<vmem>> -> memref<1x64xf32, #tpu.memory_space<vmem>>
      %dma_wait3A_288 = arith.constant 0 : i32
      %dma_wait3A_289 = tpu.memref_slice %arg4[%squeeze3A_100, %dma_wait3A_288] : memref<1000000x64xf32, #tpu.memory_space<hbm>> -> memref<1x64xf32, #tpu.memory_space<hbm>>
      %dma_wait3A_290 = arith.constant 0 : i32
      %dma_wait3A_291 = tpu.memref_slice %arg8[%add3A_104, %dma_wait3A_290] : memref<512x64xf32, #tpu.memory_space<vmem>> -> memref<1x64xf32, #tpu.memory_space<vmem>>
      %dma_wait3A_292 = arith.constant 0 : i32
      %dma_wait3A_293 = tpu.memref_slice %arg4[%squeeze3A_100, %dma_wait3A_292] : memref<1000000x64xf32, #tpu.memory_space<hbm>> -> memref<1x64xf32, #tpu.memory_space<hbm>>
      tpu.wait_dma2 semaphore(%arg9 : memref<!tpu.dma_semaphore, #tpu.memory_space<semaphore_mem>>) src(%dma_wait3A_293 : memref<1x64xf32, #tpu.memory_space<hbm>>) dst(%dma_wait3A_291 : memref<1x64xf32, #tpu.memory_space<vmem>>)
      %dma_wait3A_294 = arith.constant 0 : i32
      %dma_wait3A_295 = tpu.memref_slice %arg8[%add3A_118, %dma_wait3A_294] : memref<512x64xf32, #tpu.memory_space<vmem>> -> memref<1x64xf32, #tpu.memory_space<vmem>>
      %dma_wait3A_296 = arith.constant 0 : i32
      %dma_wait3A_297 = tpu.memref_slice %arg4[%squeeze3A_114, %dma_wait3A_296] : memref<1000000x64xf32, #tpu.memory_space<hbm>> -> memref<1x64xf32, #tpu.memory_space<hbm>>
      %dma_wait3A_298 = arith.constant 0 : i32
      %dma_wait3A_299 = tpu.memref_slice %arg8[%add3A_118, %dma_wait3A_298] : memref<512x64xf32, #tpu.memory_space<vmem>> -> memref<1x64xf32, #tpu.memory_space<vmem>>
      %dma_wait3A_300 = arith.constant 0 : i32
      %dma_wait3A_301 = tpu.memref_slice %arg4[%squeeze3A_114, %dma_wait3A_300] : memref<1000000x64xf32, #tpu.memory_space<hbm>> -> memref<1x64xf32, #tpu.memory_space<hbm>>
      tpu.wait_dma2 semaphore(%arg9 : memref<!tpu.dma_semaphore, #tpu.memory_space<semaphore_mem>>) src(%dma_wait3A_301 : memref<1x64xf32, #tpu.memory_space<hbm>>) dst(%dma_wait3A_299 : memref<1x64xf32, #tpu.memory_space<vmem>>)
      %dma_wait3A_302 = arith.constant 0 : i32
      %dma_wait3A_303 = tpu.memref_slice %arg8[%add3A_132, %dma_wait3A_302] : memref<512x64xf32, #tpu.memory_space<vmem>> -> memref<1x64xf32, #tpu.memory_space<vmem>>
      %dma_wait3A_304 = arith.constant 0 : i32
      %dma_wait3A_305 = tpu.memref_slice %arg4[%squeeze3A_128, %dma_wait3A_304] : memref<1000000x64xf32, #tpu.memory_space<hbm>> -> memref<1x64xf32, #tpu.memory_space<hbm>>
      %dma_wait3A_306 = arith.constant 0 : i32
      %dma_wait3A_307 = tpu.memref_slice %arg8[%add3A_132, %dma_wait3A_306] : memref<512x64xf32, #tpu.memory_space<vmem>> -> memref<1x64xf32, #tpu.memory_space<vmem>>
      %dma_wait3A_308 = arith.constant 0 : i32
      %dma_wait3A_309 = tpu.memref_slice %arg4[%squeeze3A_128, %dma_wait3A_308] : memref<1000000x64xf32, #tpu.memory_space<hbm>> -> memref<1x64xf32, #tpu.memory_space<hbm>>
      tpu.wait_dma2 semaphore(%arg9 : memref<!tpu.dma_semaphore, #tpu.memory_space<semaphore_mem>>) src(%dma_wait3A_309 : memref<1x64xf32, #tpu.memory_space<hbm>>) dst(%dma_wait3A_307 : memref<1x64xf32, #tpu.memory_space<vmem>>)
      %dma_wait3A_310 = arith.constant 0 : i32
      %dma_wait3A_311 = tpu.memref_slice %arg8[%add3A_146, %dma_wait3A_310] : memref<512x64xf32, #tpu.memory_space<vmem>> -> memref<1x64xf32, #tpu.memory_space<vmem>>
      %dma_wait3A_312 = arith.constant 0 : i32
      %dma_wait3A_313 = tpu.memref_slice %arg4[%squeeze3A_142, %dma_wait3A_312] : memref<1000000x64xf32, #tpu.memory_space<hbm>> -> memref<1x64xf32, #tpu.memory_space<hbm>>
      %dma_wait3A_314 = arith.constant 0 : i32
      %dma_wait3A_315 = tpu.memref_slice %arg8[%add3A_146, %dma_wait3A_314] : memref<512x64xf32, #tpu.memory_space<vmem>> -> memref<1x64xf32, #tpu.memory_space<vmem>>
      %dma_wait3A_316 = arith.constant 0 : i32
      %dma_wait3A_317 = tpu.memref_slice %arg4[%squeeze3A_142, %dma_wait3A_316] : memref<1000000x64xf32, #tpu.memory_space<hbm>> -> memref<1x64xf32, #tpu.memory_space<hbm>>
      tpu.wait_dma2 semaphore(%arg9 : memref<!tpu.dma_semaphore, #tpu.memory_space<semaphore_mem>>) src(%dma_wait3A_317 : memref<1x64xf32, #tpu.memory_space<hbm>>) dst(%dma_wait3A_315 : memref<1x64xf32, #tpu.memory_space<vmem>>)
      %dma_wait3A_318 = arith.constant 0 : i32
      %dma_wait3A_319 = tpu.memref_slice %arg8[%add3A_160, %dma_wait3A_318] : memref<512x64xf32, #tpu.memory_space<vmem>> -> memref<1x64xf32, #tpu.memory_space<vmem>>
      %dma_wait3A_320 = arith.constant 0 : i32
      %dma_wait3A_321 = tpu.memref_slice %arg4[%squeeze3A_156, %dma_wait3A_320] : memref<1000000x64xf32, #tpu.memory_space<hbm>> -> memref<1x64xf32, #tpu.memory_space<hbm>>
      %dma_wait3A_322 = arith.constant 0 : i32
      %dma_wait3A_323 = tpu.memref_slice %arg8[%add3A_160, %dma_wait3A_322] : memref<512x64xf32, #tpu.memory_space<vmem>> -> memref<1x64xf32, #tpu.memory_space<vmem>>
      %dma_wait3A_324 = arith.constant 0 : i32
      %dma_wait3A_325 = tpu.memref_slice %arg4[%squeeze3A_156, %dma_wait3A_324] : memref<1000000x64xf32, #tpu.memory_space<hbm>> -> memref<1x64xf32, #tpu.memory_space<hbm>>
      tpu.wait_dma2 semaphore(%arg9 : memref<!tpu.dma_semaphore, #tpu.memory_space<semaphore_mem>>) src(%dma_wait3A_325 : memref<1x64xf32, #tpu.memory_space<hbm>>) dst(%dma_wait3A_323 : memref<1x64xf32, #tpu.memory_space<vmem>>)
      %dma_wait3A_326 = arith.constant 0 : i32
      %dma_wait3A_327 = tpu.memref_slice %arg8[%add3A_174, %dma_wait3A_326] : memref<512x64xf32, #tpu.memory_space<vmem>> -> memref<1x64xf32, #tpu.memory_space<vmem>>
      %dma_wait3A_328 = arith.constant 0 : i32
      %dma_wait3A_329 = tpu.memref_slice %arg4[%squeeze3A_170, %dma_wait3A_328] : memref<1000000x64xf32, #tpu.memory_space<hbm>> -> memref<1x64xf32, #tpu.memory_space<hbm>>
      %dma_wait3A_330 = arith.constant 0 : i32
      %dma_wait3A_331 = tpu.memref_slice %arg8[%add3A_174, %dma_wait3A_330] : memref<512x64xf32, #tpu.memory_space<vmem>> -> memref<1x64xf32, #tpu.memory_space<vmem>>
      %dma_wait3A_332 = arith.constant 0 : i32
      %dma_wait3A_333 = tpu.memref_slice %arg4[%squeeze3A_170, %dma_wait3A_332] : memref<1000000x64xf32, #tpu.memory_space<hbm>> -> memref<1x64xf32, #tpu.memory_space<hbm>>
      tpu.wait_dma2 semaphore(%arg9 : memref<!tpu.dma_semaphore, #tpu.memory_space<semaphore_mem>>) src(%dma_wait3A_333 : memref<1x64xf32, #tpu.memory_space<hbm>>) dst(%dma_wait3A_331 : memref<1x64xf32, #tpu.memory_space<vmem>>)
      %dma_wait3A_334 = arith.constant 0 : i32
      %dma_wait3A_335 = tpu.memref_slice %arg8[%add3A_188, %dma_wait3A_334] : memref<512x64xf32, #tpu.memory_space<vmem>> -> memref<1x64xf32, #tpu.memory_space<vmem>>
      %dma_wait3A_336 = arith.constant 0 : i32
      %dma_wait3A_337 = tpu.memref_slice %arg4[%squeeze3A_184, %dma_wait3A_336] : memref<1000000x64xf32, #tpu.memory_space<hbm>> -> memref<1x64xf32, #tpu.memory_space<hbm>>
      %dma_wait3A_338 = arith.constant 0 : i32
      %dma_wait3A_339 = tpu.memref_slice %arg8[%add3A_188, %dma_wait3A_338] : memref<512x64xf32, #tpu.memory_space<vmem>> -> memref<1x64xf32, #tpu.memory_space<vmem>>
      %dma_wait3A_340 = arith.constant 0 : i32
      %dma_wait3A_341 = tpu.memref_slice %arg4[%squeeze3A_184, %dma_wait3A_340] : memref<1000000x64xf32, #tpu.memory_space<hbm>> -> memref<1x64xf32, #tpu.memory_space<hbm>>
      tpu.wait_dma2 semaphore(%arg9 : memref<!tpu.dma_semaphore, #tpu.memory_space<semaphore_mem>>) src(%dma_wait3A_341 : memref<1x64xf32, #tpu.memory_space<hbm>>) dst(%dma_wait3A_339 : memref<1x64xf32, #tpu.memory_space<vmem>>)
      %dma_wait3A_342 = arith.constant 0 : i32
      %dma_wait3A_343 = tpu.memref_slice %arg8[%add3A_202, %dma_wait3A_342] : memref<512x64xf32, #tpu.memory_space<vmem>> -> memref<1x64xf32, #tpu.memory_space<vmem>>
      %dma_wait3A_344 = arith.constant 0 : i32
      %dma_wait3A_345 = tpu.memref_slice %arg4[%squeeze3A_198, %dma_wait3A_344] : memref<1000000x64xf32, #tpu.memory_space<hbm>> -> memref<1x64xf32, #tpu.memory_space<hbm>>
      %dma_wait3A_346 = arith.constant 0 : i32
      %dma_wait3A_347 = tpu.memref_slice %arg8[%add3A_202, %dma_wait3A_346] : memref<512x64xf32, #tpu.memory_space<vmem>> -> memref<1x64xf32, #tpu.memory_space<vmem>>
      %dma_wait3A_348 = arith.constant 0 : i32
      %dma_wait3A_349 = tpu.memref_slice %arg4[%squeeze3A_198, %dma_wait3A_348] : memref<1000000x64xf32, #tpu.memory_space<hbm>> -> memref<1x64xf32, #tpu.memory_space<hbm>>
      tpu.wait_dma2 semaphore(%arg9 : memref<!tpu.dma_semaphore, #tpu.memory_space<semaphore_mem>>) src(%dma_wait3A_349 : memref<1x64xf32, #tpu.memory_space<hbm>>) dst(%dma_wait3A_347 : memref<1x64xf32, #tpu.memory_space<vmem>>)
      %dma_wait3A_350 = arith.constant 0 : i32
      %dma_wait3A_351 = tpu.memref_slice %arg8[%add3A_216, %dma_wait3A_350] : memref<512x64xf32, #tpu.memory_space<vmem>> -> memref<1x64xf32, #tpu.memory_space<vmem>>
      %dma_wait3A_352 = arith.constant 0 : i32
      %dma_wait3A_353 = tpu.memref_slice %arg4[%squeeze3A_212, %dma_wait3A_352] : memref<1000000x64xf32, #tpu.memory_space<hbm>> -> memref<1x64xf32, #tpu.memory_space<hbm>>
      %dma_wait3A_354 = arith.constant 0 : i32
      %dma_wait3A_355 = tpu.memref_slice %arg8[%add3A_216, %dma_wait3A_354] : memref<512x64xf32, #tpu.memory_space<vmem>> -> memref<1x64xf32, #tpu.memory_space<vmem>>
      %dma_wait3A_356 = arith.constant 0 : i32
      %dma_wait3A_357 = tpu.memref_slice %arg4[%squeeze3A_212, %dma_wait3A_356] : memref<1000000x64xf32, #tpu.memory_space<hbm>> -> memref<1x64xf32, #tpu.memory_space<hbm>>
      tpu.wait_dma2 semaphore(%arg9 : memref<!tpu.dma_semaphore, #tpu.memory_space<semaphore_mem>>) src(%dma_wait3A_357 : memref<1x64xf32, #tpu.memory_space<hbm>>) dst(%dma_wait3A_355 : memref<1x64xf32, #tpu.memory_space<vmem>>)
      %dma_wait3A_358 = arith.constant 0 : i32
      %dma_wait3A_359 = tpu.memref_slice %arg8[%add3A_230, %dma_wait3A_358] : memref<512x64xf32, #tpu.memory_space<vmem>> -> memref<1x64xf32, #tpu.memory_space<vmem>>
      %dma_wait3A_360 = arith.constant 0 : i32
      %dma_wait3A_361 = tpu.memref_slice %arg4[%squeeze3A_226, %dma_wait3A_360] : memref<1000000x64xf32, #tpu.memory_space<hbm>> -> memref<1x64xf32, #tpu.memory_space<hbm>>
      %dma_wait3A_362 = arith.constant 0 : i32
      %dma_wait3A_363 = tpu.memref_slice %arg8[%add3A_230, %dma_wait3A_362] : memref<512x64xf32, #tpu.memory_space<vmem>> -> memref<1x64xf32, #tpu.memory_space<vmem>>
      %dma_wait3A_364 = arith.constant 0 : i32
      %dma_wait3A_365 = tpu.memref_slice %arg4[%squeeze3A_226, %dma_wait3A_364] : memref<1000000x64xf32, #tpu.memory_space<hbm>> -> memref<1x64xf32, #tpu.memory_space<hbm>>
      tpu.wait_dma2 semaphore(%arg9 : memref<!tpu.dma_semaphore, #tpu.memory_space<semaphore_mem>>) src(%dma_wait3A_365 : memref<1x64xf32, #tpu.memory_space<hbm>>) dst(%dma_wait3A_363 : memref<1x64xf32, #tpu.memory_space<vmem>>)
    }
    %scan3A_13 = arith.constant 32 : i32
    "tpu.region"() ({
      %run_scoped3A = tpu.sem_alloc : memref<!tpu.dma_semaphore, #tpu.memory_space<semaphore_mem>>
      %dma_start3A = arith.constant 0 : i32
      %dma_start3A_14 = tpu.memref_slice %arg6[%mul3A_2, %dma_start3A] : memref<16384x64xf32, #tpu.memory_space<hbm>> -> memref<512x64xf32, #tpu.memory_space<hbm>>
      %dma_start3A_15 = arith.constant 0 : i32
      %dma_start3A_16 = tpu.memref_slice %arg6[%mul3A_2, %dma_start3A_15] : memref<16384x64xf32, #tpu.memory_space<hbm>> -> memref<512x64xf32, #tpu.memory_space<hbm>>
      tpu.enqueue_dma source(%arg8 : memref<512x64xf32, #tpu.memory_space<vmem>>) target(%dma_start3A_16 : memref<512x64xf32, #tpu.memory_space<hbm>>) target_semaphore(%run_scoped3A : memref<!tpu.dma_semaphore, #tpu.memory_space<semaphore_mem>>)
      %dma_wait3A = arith.constant 0 : i32
      %dma_wait3A_17 = tpu.memref_slice %arg6[%mul3A_2, %dma_wait3A] : memref<16384x64xf32, #tpu.memory_space<hbm>> -> memref<512x64xf32, #tpu.memory_space<hbm>>
      %dma_wait3A_18 = arith.constant 0 : i32
      %dma_wait3A_19 = tpu.memref_slice %arg6[%mul3A_2, %dma_wait3A_18] : memref<16384x64xf32, #tpu.memory_space<hbm>> -> memref<512x64xf32, #tpu.memory_space<hbm>>
      tpu.wait_dma2 semaphore(%run_scoped3A : memref<!tpu.dma_semaphore, #tpu.memory_space<semaphore_mem>>) src(%arg8 : memref<512x64xf32, #tpu.memory_space<vmem>>) dst(%dma_wait3A_19 : memref<512x64xf32, #tpu.memory_space<hbm>>)
      tpu.yield
    }) : () -> ()
    return
  }
}

#map = affine_map<(d0, d1) -> (0)>
#map1 = affine_map<(d0, d1) -> (0, 0)>
module attributes {stable_mosaic.version = 14 : i64} {
  func.func @_upd_body(%arg0: i32, %arg1: i32, %arg2: memref<16384xi32, #tpu.memory_space<hbm>>, %arg3: memref<16384x64xf32, #tpu.memory_space<hbm>>, %arg4: memref<1000000x64xf32, #tpu.memory_space<hbm>>, %arg5: memref<1000000x64xf32, #tpu.memory_space<hbm>>, %arg6: memref<528xi32, #tpu.memory_space<vmem>>, %arg7: memref<512x64xf32, #tpu.memory_space<vmem>>, %arg8: memref<!tpu.dma_semaphore, #tpu.memory_space<semaphore_mem>>) attributes {dimension_semantics = [#tpu.dimension_semantics<core_parallel>, #tpu.dimension_semantics<subcore_parallel>], iteration_bounds = array<i64: 2, 16>, scalar_prefetch = 0 : i64, scratch_operands = 3 : i64, tpu.core_type = #tpu.core_type<sc_vector_subcore>, window_params = [{transform_indices = #map}, {transform_indices = #map1}, {transform_indices = #map1}, {transform_indices = #map1}]} {
    %mul3A = arith.constant 2 : i32
    %mul3A_0 = arith.muli %arg1, %mul3A : i32
    %add3A = arith.addi %mul3A_0, %arg0 : i32
    %mul3A_1 = arith.constant 512 : i32
    %mul3A_2 = arith.muli %add3A, %mul3A_1 : i32
    "tpu.region"() ({
      %run_scoped3A = tpu.sem_alloc : memref<!tpu.dma_semaphore, #tpu.memory_space<semaphore_mem>>
      %dma_start3A = arith.constant 0 : i32
      %dma_start3A_8 = tpu.memref_slice %arg6[%dma_start3A] : memref<528xi32, #tpu.memory_space<vmem>> -> memref<512xi32, #tpu.memory_space<vmem>>
      %dma_start3A_9 = tpu.memref_slice %arg2[%mul3A_2] : memref<16384xi32, #tpu.memory_space<hbm>> -> memref<512xi32, #tpu.memory_space<hbm>>
      %dma_start3A_10 = arith.constant 0 : i32
      %dma_start3A_11 = tpu.memref_slice %arg6[%dma_start3A_10] : memref<528xi32, #tpu.memory_space<vmem>> -> memref<512xi32, #tpu.memory_space<vmem>>
      %dma_start3A_12 = tpu.memref_slice %arg2[%mul3A_2] : memref<16384xi32, #tpu.memory_space<hbm>> -> memref<512xi32, #tpu.memory_space<hbm>>
      tpu.enqueue_dma source(%dma_start3A_12 : memref<512xi32, #tpu.memory_space<hbm>>) target(%dma_start3A_11 : memref<512xi32, #tpu.memory_space<vmem>>) target_semaphore(%run_scoped3A : memref<!tpu.dma_semaphore, #tpu.memory_space<semaphore_mem>>)
      %dma_wait3A = arith.constant 0 : i32
      %dma_wait3A_13 = tpu.memref_slice %arg6[%dma_wait3A] : memref<528xi32, #tpu.memory_space<vmem>> -> memref<512xi32, #tpu.memory_space<vmem>>
      %dma_wait3A_14 = tpu.memref_slice %arg2[%mul3A_2] : memref<16384xi32, #tpu.memory_space<hbm>> -> memref<512xi32, #tpu.memory_space<hbm>>
      %dma_wait3A_15 = arith.constant 0 : i32
      %dma_wait3A_16 = tpu.memref_slice %arg6[%dma_wait3A_15] : memref<528xi32, #tpu.memory_space<vmem>> -> memref<512xi32, #tpu.memory_space<vmem>>
      %dma_wait3A_17 = tpu.memref_slice %arg2[%mul3A_2] : memref<16384xi32, #tpu.memory_space<hbm>> -> memref<512xi32, #tpu.memory_space<hbm>>
      tpu.wait_dma2 semaphore(%run_scoped3A : memref<!tpu.dma_semaphore, #tpu.memory_space<semaphore_mem>>) src(%dma_wait3A_17 : memref<512xi32, #tpu.memory_space<hbm>>) dst(%dma_wait3A_16 : memref<512xi32, #tpu.memory_space<vmem>>)
      tpu.yield
    }) : () -> ()
    "tpu.region"() ({
      %run_scoped3A = tpu.sem_alloc : memref<!tpu.dma_semaphore, #tpu.memory_space<semaphore_mem>>
      %dma_start3A = arith.constant 0 : i32
      %dma_start3A_8 = tpu.memref_slice %arg3[%mul3A_2, %dma_start3A] : memref<16384x64xf32, #tpu.memory_space<hbm>> -> memref<512x64xf32, #tpu.memory_space<hbm>>
      %dma_start3A_9 = arith.constant 0 : i32
      %dma_start3A_10 = tpu.memref_slice %arg3[%mul3A_2, %dma_start3A_9] : memref<16384x64xf32, #tpu.memory_space<hbm>> -> memref<512x64xf32, #tpu.memory_space<hbm>>
      tpu.enqueue_dma source(%dma_start3A_10 : memref<512x64xf32, #tpu.memory_space<hbm>>) target(%arg7 : memref<512x64xf32, #tpu.memory_space<vmem>>) target_semaphore(%run_scoped3A : memref<!tpu.dma_semaphore, #tpu.memory_space<semaphore_mem>>)
      %dma_wait3A = arith.constant 0 : i32
      %dma_wait3A_11 = tpu.memref_slice %arg3[%mul3A_2, %dma_wait3A] : memref<16384x64xf32, #tpu.memory_space<hbm>> -> memref<512x64xf32, #tpu.memory_space<hbm>>
      %dma_wait3A_12 = arith.constant 0 : i32
      %dma_wait3A_13 = tpu.memref_slice %arg3[%mul3A_2, %dma_wait3A_12] : memref<16384x64xf32, #tpu.memory_space<hbm>> -> memref<512x64xf32, #tpu.memory_space<hbm>>
      tpu.wait_dma2 semaphore(%run_scoped3A : memref<!tpu.dma_semaphore, #tpu.memory_space<semaphore_mem>>) src(%dma_wait3A_13 : memref<512x64xf32, #tpu.memory_space<hbm>>) dst(%arg7 : memref<512x64xf32, #tpu.memory_space<vmem>>)
      tpu.yield
    }) : () -> ()
    %scan3A = arith.constant 0 : i32
    %scan3A_3 = arith.constant 0 : i32
    %scan3A_4 = arith.constant 32 : i32
    %scan3A_5 = arith.addi %scan3A_3, %scan3A_4 : i32
    %scan3A_6 = arith.constant 1 : i32
    scf.for %scan3A_8 = %scan3A_3 to %scan3A_5 step %scan3A_6  : i32 {
      %mul3A_9 = arith.constant 16 : i32
      %mul3A_10 = arith.muli %scan3A_8, %mul3A_9 : i32
      %get3A = arith.index_cast %mul3A_10 : i32 to index
      %get3A_11 = tpu.vector_load %arg6[%get3A] {strides = array<i32>} : memref<528xi32, #tpu.memory_space<vmem>>, vector<16xi32>,
      %mul3A_12 = arith.constant 16 : i32
      %mul3A_13 = arith.muli %scan3A_8, %mul3A_12 : i32
      %add3A_14 = arith.constant 0 : i32
      %add3A_15 = arith.addi %mul3A_13, %add3A_14 : i32
      %get3A_16 = arith.index_cast %add3A_15 : i32 to index
      %get3A_17 = arith.constant 0 : index
      %get3A_18 = tpu.vector_load %arg7[%get3A_16, %get3A_17] {strides = array<i32>} : memref<512x64xf32, #tpu.memory_space<vmem>>, vector<16xf32>,
      %get3A_19 = arith.index_cast %add3A_15 : i32 to index
      %get3A_20 = arith.constant 16 : index
      %get3A_21 = tpu.vector_load %arg7[%get3A_19, %get3A_20] {strides = array<i32>} : memref<512x64xf32, #tpu.memory_space<vmem>>, vector<16xf32>,
      %get3A_22 = arith.index_cast %add3A_15 : i32 to index
      %get3A_23 = arith.constant 32 : index
      %get3A_24 = tpu.vector_load %arg7[%get3A_22, %get3A_23] {strides = array<i32>} : memref<512x64xf32, #tpu.memory_space<vmem>>, vector<16xf32>,
      %get3A_25 = arith.index_cast %add3A_15 : i32 to index
      %get3A_26 = arith.constant 48 : index
      %get3A_27 = tpu.vector_load %arg7[%get3A_25, %get3A_26] {strides = array<i32>} : memref<512x64xf32, #tpu.memory_space<vmem>>, vector<16xf32>,
      %mul3A_28 = arith.mulf %get3A_18, %get3A_18 : vector<16xf32>
      %mul3A_29 = arith.mulf %get3A_21, %get3A_21 : vector<16xf32>
      %add3A_30 = arith.addf %mul3A_28, %mul3A_29 : vector<16xf32>
      %mul3A_31 = arith.mulf %get3A_24, %get3A_24 : vector<16xf32>
      %add3A_32 = arith.addf %add3A_30, %mul3A_31 : vector<16xf32>
      %mul3A_33 = arith.mulf %get3A_27, %get3A_27 : vector<16xf32>
      %add3A_34 = arith.addf %add3A_32, %mul3A_33 : vector<16xf32>
      %reduce_sum3A = arith.constant true
      %reduce_sum3A_35 = vector.broadcast %reduce_sum3A : i1 to vector<16xi1>
      %reduce_sum3A_36 = tpu.scan <sum>, %add3A_34 masked %reduce_sum3A_35 : vector<16xf32>, vector<16xi1> -> vector<16xf32>
      %reduce_sum3A_37 = vector.extract %reduce_sum3A_36[15] : f32 from vector<16xf32>
      %max3A = arith.constant 1.000000e-24 : f32
      %max3A_38 = arith.maximumf %reduce_sum3A_37, %max3A : f32
      %broadcast_in_dim3A = vector.broadcast %max3A_38 : f32 to vector<16xf32>
      %bitcast3A = vector.bitcast %broadcast_in_dim3A : vector<16xf32> to vector<16xi32>
      %shift_right_arithmetic3A = arith.constant 1 : i32
      %shift_right_arithmetic3A_39 = vector.broadcast %shift_right_arithmetic3A : i32 to vector<16xi32>
      %shift_right_arithmetic3A_40 = arith.shrsi %bitcast3A, %shift_right_arithmetic3A_39 : vector<16xi32>
      %sub3A = arith.constant 1597463007 : i32
      %sub3A_41 = vector.broadcast %sub3A : i32 to vector<16xi32>
      %sub3A_42 = arith.subi %sub3A_41, %shift_right_arithmetic3A_40 : vector<16xi32>
      %bitcast3A_43 = vector.bitcast %sub3A_42 : vector<16xi32> to vector<16xf32>
      %mul3A_44 = arith.constant 5.000000e-01 : f32
      %mul3A_45 = vector.broadcast %mul3A_44 : f32 to vector<16xf32>
      %mul3A_46 = arith.mulf %mul3A_45, %broadcast_in_dim3A : vector<16xf32>
      %mul3A_47 = arith.mulf %mul3A_46, %bitcast3A_43 : vector<16xf32>
      %mul3A_48 = arith.mulf %mul3A_47, %bitcast3A_43 : vector<16xf32>
      %sub3A_49 = arith.constant 1.500000e+00 : f32
      %sub3A_50 = vector.broadcast %sub3A_49 : f32 to vector<16xf32>
      %sub3A_51 = arith.subf %sub3A_50, %mul3A_48 : vector<16xf32>
      %mul3A_52 = arith.mulf %bitcast3A_43, %sub3A_51 : vector<16xf32>
      %mul3A_53 = arith.constant 5.000000e-01 : f32
      %mul3A_54 = vector.broadcast %mul3A_53 : f32 to vector<16xf32>
      %mul3A_55 = arith.mulf %mul3A_54, %broadcast_in_dim3A : vector<16xf32>
      %mul3A_56 = arith.mulf %mul3A_55, %mul3A_52 : vector<16xf32>
      %mul3A_57 = arith.mulf %mul3A_56, %mul3A_52 : vector<16xf32>
      %sub3A_58 = arith.constant 1.500000e+00 : f32
      %sub3A_59 = vector.broadcast %sub3A_58 : f32 to vector<16xf32>
      %sub3A_60 = arith.subf %sub3A_59, %mul3A_57 : vector<16xf32>
      %mul3A_61 = arith.mulf %mul3A_52, %sub3A_60 : vector<16xf32>
      %mul3A_62 = arith.constant 5.000000e-01 : f32
      %mul3A_63 = vector.broadcast %mul3A_62 : f32 to vector<16xf32>
      %mul3A_64 = arith.mulf %mul3A_63, %broadcast_in_dim3A : vector<16xf32>
      %mul3A_65 = arith.mulf %mul3A_64, %mul3A_61 : vector<16xf32>
      %mul3A_66 = arith.mulf %mul3A_65, %mul3A_61 : vector<16xf32>
      %sub3A_67 = arith.constant 1.500000e+00 : f32
      %sub3A_68 = vector.broadcast %sub3A_67 : f32 to vector<16xf32>
      %sub3A_69 = arith.subf %sub3A_68, %mul3A_66 : vector<16xf32>
      %mul3A_70 = arith.mulf %mul3A_61, %sub3A_69 : vector<16xf32>
      %mul3A_71 = arith.constant 5.000000e-01 : f32
      %mul3A_72 = vector.broadcast %mul3A_71 : f32 to vector<16xf32>
      %mul3A_73 = arith.mulf %mul3A_72, %broadcast_in_dim3A : vector<16xf32>
      %mul3A_74 = arith.mulf %mul3A_73, %mul3A_70 : vector<16xf32>
      %mul3A_75 = arith.mulf %mul3A_74, %mul3A_70 : vector<16xf32>
      %sub3A_76 = arith.constant 1.500000e+00 : f32
      %sub3A_77 = vector.broadcast %sub3A_76 : f32 to vector<16xf32>
      %sub3A_78 = arith.subf %sub3A_77, %mul3A_75 : vector<16xf32>
      %mul3A_79 = arith.mulf %mul3A_70, %sub3A_78 : vector<16xf32>
      %mul3A_80 = arith.constant 5.000000e-02 : f32
      %mul3A_81 = vector.broadcast %mul3A_80 : f32 to vector<16xf32>
      %mul3A_82 = arith.mulf %mul3A_81, %mul3A_79 : vector<16xf32>
      %add3A_83 = arith.constant 0.949999988 : f32
      %add3A_84 = vector.broadcast %add3A_83 : f32 to vector<16xf32>
      %add3A_85 = arith.addf %add3A_84, %mul3A_82 : vector<16xf32>
      %mul3A_86 = arith.mulf %get3A_18, %add3A_85 : vector<16xf32>
      %swap3A = arith.index_cast %add3A_15 : i32 to index
      %swap3A_87 = arith.constant 0 : index
      %swap3A_88 = tpu.vector_load %arg7[%swap3A, %swap3A_87] {strides = array<i32>} : memref<512x64xf32, #tpu.memory_space<vmem>>, vector<16xf32>,
      tpu.vector_store %arg7[%swap3A, %swap3A_87], %mul3A_86 {strides = array<i32>} : memref<512x64xf32, #tpu.memory_space<vmem>>, vector<16xf32>,
      %mul3A_89 = arith.mulf %get3A_21, %add3A_85 : vector<16xf32>
      %swap3A_90 = arith.index_cast %add3A_15 : i32 to index
      %swap3A_91 = arith.constant 16 : index
      %swap3A_92 = tpu.vector_load %arg7[%swap3A_90, %swap3A_91] {strides = array<i32>} : memref<512x64xf32, #tpu.memory_space<vmem>>, vector<16xf32>,
      tpu.vector_store %arg7[%swap3A_90, %swap3A_91], %mul3A_89 {strides = array<i32>} : memref<512x64xf32, #tpu.memory_space<vmem>>, vector<16xf32>,
      %mul3A_93 = arith.mulf %get3A_24, %add3A_85 : vector<16xf32>
      %swap3A_94 = arith.index_cast %add3A_15 : i32 to index
      %swap3A_95 = arith.constant 32 : index
      %swap3A_96 = tpu.vector_load %arg7[%swap3A_94, %swap3A_95] {strides = array<i32>} : memref<512x64xf32, #tpu.memory_space<vmem>>, vector<16xf32>,
      tpu.vector_store %arg7[%swap3A_94, %swap3A_95], %mul3A_93 {strides = array<i32>} : memref<512x64xf32, #tpu.memory_space<vmem>>, vector<16xf32>,
      %mul3A_97 = arith.mulf %get3A_27, %add3A_85 : vector<16xf32>
      %swap3A_98 = arith.index_cast %add3A_15 : i32 to index
      %swap3A_99 = arith.constant 48 : index
      %swap3A_100 = tpu.vector_load %arg7[%swap3A_98, %swap3A_99] {strides = array<i32>} : memref<512x64xf32, #tpu.memory_space<vmem>>, vector<16xf32>,
      tpu.vector_store %arg7[%swap3A_98, %swap3A_99], %mul3A_97 {strides = array<i32>} : memref<512x64xf32, #tpu.memory_space<vmem>>, vector<16xf32>,
      %mul3A_101 = arith.constant 16 : i32
      %mul3A_102 = arith.muli %scan3A_8, %mul3A_101 : i32
      %add3A_103 = arith.constant 1 : i32
      %add3A_104 = arith.addi %mul3A_102, %add3A_103 : i32
      %get3A_105 = arith.index_cast %add3A_104 : i32 to index
      %get3A_106 = arith.constant 0 : index
      %get3A_107 = tpu.vector_load %arg7[%get3A_105, %get3A_106] {strides = array<i32>} : memref<512x64xf32, #tpu.memory_space<vmem>>, vector<16xf32>,
      %get3A_108 = arith.index_cast %add3A_104 : i32 to index
      %get3A_109 = arith.constant 16 : index
      %get3A_110 = tpu.vector_load %arg7[%get3A_108, %get3A_109] {strides = array<i32>} : memref<512x64xf32, #tpu.memory_space<vmem>>, vector<16xf32>,
      %get3A_111 = arith.index_cast %add3A_104 : i32 to index
      %get3A_112 = arith.constant 32 : index
      %get3A_113 = tpu.vector_load %arg7[%get3A_111, %get3A_112] {strides = array<i32>} : memref<512x64xf32, #tpu.memory_space<vmem>>, vector<16xf32>,
      %get3A_114 = arith.index_cast %add3A_104 : i32 to index
      %get3A_115 = arith.constant 48 : index
      %get3A_116 = tpu.vector_load %arg7[%get3A_114, %get3A_115] {strides = array<i32>} : memref<512x64xf32, #tpu.memory_space<vmem>>, vector<16xf32>,
      %mul3A_117 = arith.mulf %get3A_107, %get3A_107 : vector<16xf32>
      %mul3A_118 = arith.mulf %get3A_110, %get3A_110 : vector<16xf32>
      %add3A_119 = arith.addf %mul3A_117, %mul3A_118 : vector<16xf32>
      %mul3A_120 = arith.mulf %get3A_113, %get3A_113 : vector<16xf32>
      %add3A_121 = arith.addf %add3A_119, %mul3A_120 : vector<16xf32>
      %mul3A_122 = arith.mulf %get3A_116, %get3A_116 : vector<16xf32>
      %add3A_123 = arith.addf %add3A_121, %mul3A_122 : vector<16xf32>
      %reduce_sum3A_124 = arith.constant true
      %reduce_sum3A_125 = vector.broadcast %reduce_sum3A_124 : i1 to vector<16xi1>
      %reduce_sum3A_126 = tpu.scan <sum>, %add3A_123 masked %reduce_sum3A_125 : vector<16xf32>, vector<16xi1> -> vector<16xf32>
      %reduce_sum3A_127 = vector.extract %reduce_sum3A_126[15] : f32 from vector<16xf32>
      %max3A_128 = arith.constant 1.000000e-24 : f32
      %max3A_129 = arith.maximumf %reduce_sum3A_127, %max3A_128 : f32
      %broadcast_in_dim3A_130 = vector.broadcast %max3A_129 : f32 to vector<16xf32>
      %bitcast3A_131 = vector.bitcast %broadcast_in_dim3A_130 : vector<16xf32> to vector<16xi32>
      %shift_right_arithmetic3A_132 = arith.constant 1 : i32
      %shift_right_arithmetic3A_133 = vector.broadcast %shift_right_arithmetic3A_132 : i32 to vector<16xi32>
      %shift_right_arithmetic3A_134 = arith.shrsi %bitcast3A_131, %shift_right_arithmetic3A_133 : vector<16xi32>
      %sub3A_135 = arith.constant 1597463007 : i32
      %sub3A_136 = vector.broadcast %sub3A_135 : i32 to vector<16xi32>
      %sub3A_137 = arith.subi %sub3A_136, %shift_right_arithmetic3A_134 : vector<16xi32>
      %bitcast3A_138 = vector.bitcast %sub3A_137 : vector<16xi32> to vector<16xf32>
      %mul3A_139 = arith.constant 5.000000e-01 : f32
      %mul3A_140 = vector.broadcast %mul3A_139 : f32 to vector<16xf32>
      %mul3A_141 = arith.mulf %mul3A_140, %broadcast_in_dim3A_130 : vector<16xf32>
      %mul3A_142 = arith.mulf %mul3A_141, %bitcast3A_138 : vector<16xf32>
      %mul3A_143 = arith.mulf %mul3A_142, %bitcast3A_138 : vector<16xf32>
      %sub3A_144 = arith.constant 1.500000e+00 : f32
      %sub3A_145 = vector.broadcast %sub3A_144 : f32 to vector<16xf32>
      %sub3A_146 = arith.subf %sub3A_145, %mul3A_143 : vector<16xf32>
      %mul3A_147 = arith.mulf %bitcast3A_138, %sub3A_146 : vector<16xf32>
      %mul3A_148 = arith.constant 5.000000e-01 : f32
      %mul3A_149 = vector.broadcast %mul3A_148 : f32 to vector<16xf32>
      %mul3A_150 = arith.mulf %mul3A_149, %broadcast_in_dim3A_130 : vector<16xf32>
      %mul3A_151 = arith.mulf %mul3A_150, %mul3A_147 : vector<16xf32>
      %mul3A_152 = arith.mulf %mul3A_151, %mul3A_147 : vector<16xf32>
      %sub3A_153 = arith.constant 1.500000e+00 : f32
      %sub3A_154 = vector.broadcast %sub3A_153 : f32 to vector<16xf32>
      %sub3A_155 = arith.subf %sub3A_154, %mul3A_152 : vector<16xf32>
      %mul3A_156 = arith.mulf %mul3A_147, %sub3A_155 : vector<16xf32>
      %mul3A_157 = arith.constant 5.000000e-01 : f32
      %mul3A_158 = vector.broadcast %mul3A_157 : f32 to vector<16xf32>
      %mul3A_159 = arith.mulf %mul3A_158, %broadcast_in_dim3A_130 : vector<16xf32>
      %mul3A_160 = arith.mulf %mul3A_159, %mul3A_156 : vector<16xf32>
      %mul3A_161 = arith.mulf %mul3A_160, %mul3A_156 : vector<16xf32>
      %sub3A_162 = arith.constant 1.500000e+00 : f32
      %sub3A_163 = vector.broadcast %sub3A_162 : f32 to vector<16xf32>
      %sub3A_164 = arith.subf %sub3A_163, %mul3A_161 : vector<16xf32>
      %mul3A_165 = arith.mulf %mul3A_156, %sub3A_164 : vector<16xf32>
      %mul3A_166 = arith.constant 5.000000e-01 : f32
      %mul3A_167 = vector.broadcast %mul3A_166 : f32 to vector<16xf32>
      %mul3A_168 = arith.mulf %mul3A_167, %broadcast_in_dim3A_130 : vector<16xf32>
      %mul3A_169 = arith.mulf %mul3A_168, %mul3A_165 : vector<16xf32>
      %mul3A_170 = arith.mulf %mul3A_169, %mul3A_165 : vector<16xf32>
      %sub3A_171 = arith.constant 1.500000e+00 : f32
      %sub3A_172 = vector.broadcast %sub3A_171 : f32 to vector<16xf32>
      %sub3A_173 = arith.subf %sub3A_172, %mul3A_170 : vector<16xf32>
      %mul3A_174 = arith.mulf %mul3A_165, %sub3A_173 : vector<16xf32>
      %mul3A_175 = arith.constant 5.000000e-02 : f32
      %mul3A_176 = vector.broadcast %mul3A_175 : f32 to vector<16xf32>
      %mul3A_177 = arith.mulf %mul3A_176, %mul3A_174 : vector<16xf32>
      %add3A_178 = arith.constant 0.949999988 : f32
      %add3A_179 = vector.broadcast %add3A_178 : f32 to vector<16xf32>
      %add3A_180 = arith.addf %add3A_179, %mul3A_177 : vector<16xf32>
      %mul3A_181 = arith.mulf %get3A_107, %add3A_180 : vector<16xf32>
      %swap3A_182 = arith.index_cast %add3A_104 : i32 to index
      %swap3A_183 = arith.constant 0 : index
      %swap3A_184 = tpu.vector_load %arg7[%swap3A_182, %swap3A_183] {strides = array<i32>} : memref<512x64xf32, #tpu.memory_space<vmem>>, vector<16xf32>,
      tpu.vector_store %arg7[%swap3A_182, %swap3A_183], %mul3A_181 {strides = array<i32>} : memref<512x64xf32, #tpu.memory_space<vmem>>, vector<16xf32>,
      %mul3A_185 = arith.mulf %get3A_110, %add3A_180 : vector<16xf32>
      %swap3A_186 = arith.index_cast %add3A_104 : i32 to index
      %swap3A_187 = arith.constant 16 : index
      %swap3A_188 = tpu.vector_load %arg7[%swap3A_186, %swap3A_187] {strides = array<i32>} : memref<512x64xf32, #tpu.memory_space<vmem>>, vector<16xf32>,
      tpu.vector_store %arg7[%swap3A_186, %swap3A_187], %mul3A_185 {strides = array<i32>} : memref<512x64xf32, #tpu.memory_space<vmem>>, vector<16xf32>,
      %mul3A_189 = arith.mulf %get3A_113, %add3A_180 : vector<16xf32>
      %swap3A_190 = arith.index_cast %add3A_104 : i32 to index
      %swap3A_191 = arith.constant 32 : index
      %swap3A_192 = tpu.vector_load %arg7[%swap3A_190, %swap3A_191] {strides = array<i32>} : memref<512x64xf32, #tpu.memory_space<vmem>>, vector<16xf32>,
      tpu.vector_store %arg7[%swap3A_190, %swap3A_191], %mul3A_189 {strides = array<i32>} : memref<512x64xf32, #tpu.memory_space<vmem>>, vector<16xf32>,
      %mul3A_193 = arith.mulf %get3A_116, %add3A_180 : vector<16xf32>
      %swap3A_194 = arith.index_cast %add3A_104 : i32 to index
      %swap3A_195 = arith.constant 48 : index
      %swap3A_196 = tpu.vector_load %arg7[%swap3A_194, %swap3A_195] {strides = array<i32>} : memref<512x64xf32, #tpu.memory_space<vmem>>, vector<16xf32>,
      tpu.vector_store %arg7[%swap3A_194, %swap3A_195], %mul3A_193 {strides = array<i32>} : memref<512x64xf32, #tpu.memory_space<vmem>>, vector<16xf32>,
      %mul3A_197 = arith.constant 16 : i32
      %mul3A_198 = arith.muli %scan3A_8, %mul3A_197 : i32
      %add3A_199 = arith.constant 2 : i32
      %add3A_200 = arith.addi %mul3A_198, %add3A_199 : i32
      %get3A_201 = arith.index_cast %add3A_200 : i32 to index
      %get3A_202 = arith.constant 0 : index
      %get3A_203 = tpu.vector_load %arg7[%get3A_201, %get3A_202] {strides = array<i32>} : memref<512x64xf32, #tpu.memory_space<vmem>>, vector<16xf32>,
      %get3A_204 = arith.index_cast %add3A_200 : i32 to index
      %get3A_205 = arith.constant 16 : index
      %get3A_206 = tpu.vector_load %arg7[%get3A_204, %get3A_205] {strides = array<i32>} : memref<512x64xf32, #tpu.memory_space<vmem>>, vector<16xf32>,
      %get3A_207 = arith.index_cast %add3A_200 : i32 to index
      %get3A_208 = arith.constant 32 : index
      %get3A_209 = tpu.vector_load %arg7[%get3A_207, %get3A_208] {strides = array<i32>} : memref<512x64xf32, #tpu.memory_space<vmem>>, vector<16xf32>,
      %get3A_210 = arith.index_cast %add3A_200 : i32 to index
      %get3A_211 = arith.constant 48 : index
      %get3A_212 = tpu.vector_load %arg7[%get3A_210, %get3A_211] {strides = array<i32>} : memref<512x64xf32, #tpu.memory_space<vmem>>, vector<16xf32>,
      %mul3A_213 = arith.mulf %get3A_203, %get3A_203 : vector<16xf32>
      %mul3A_214 = arith.mulf %get3A_206, %get3A_206 : vector<16xf32>
      %add3A_215 = arith.addf %mul3A_213, %mul3A_214 : vector<16xf32>
      %mul3A_216 = arith.mulf %get3A_209, %get3A_209 : vector<16xf32>
      %add3A_217 = arith.addf %add3A_215, %mul3A_216 : vector<16xf32>
      %mul3A_218 = arith.mulf %get3A_212, %get3A_212 : vector<16xf32>
      %add3A_219 = arith.addf %add3A_217, %mul3A_218 : vector<16xf32>
      %reduce_sum3A_220 = arith.constant true
      %reduce_sum3A_221 = vector.broadcast %reduce_sum3A_220 : i1 to vector<16xi1>
      %reduce_sum3A_222 = tpu.scan <sum>, %add3A_219 masked %reduce_sum3A_221 : vector<16xf32>, vector<16xi1> -> vector<16xf32>
      %reduce_sum3A_223 = vector.extract %reduce_sum3A_222[15] : f32 from vector<16xf32>
      %max3A_224 = arith.constant 1.000000e-24 : f32
      %max3A_225 = arith.maximumf %reduce_sum3A_223, %max3A_224 : f32
      %broadcast_in_dim3A_226 = vector.broadcast %max3A_225 : f32 to vector<16xf32>
      %bitcast3A_227 = vector.bitcast %broadcast_in_dim3A_226 : vector<16xf32> to vector<16xi32>
      %shift_right_arithmetic3A_228 = arith.constant 1 : i32
      %shift_right_arithmetic3A_229 = vector.broadcast %shift_right_arithmetic3A_228 : i32 to vector<16xi32>
      %shift_right_arithmetic3A_230 = arith.shrsi %bitcast3A_227, %shift_right_arithmetic3A_229 : vector<16xi32>
      %sub3A_231 = arith.constant 1597463007 : i32
      %sub3A_232 = vector.broadcast %sub3A_231 : i32 to vector<16xi32>
      %sub3A_233 = arith.subi %sub3A_232, %shift_right_arithmetic3A_230 : vector<16xi32>
      %bitcast3A_234 = vector.bitcast %sub3A_233 : vector<16xi32> to vector<16xf32>
      %mul3A_235 = arith.constant 5.000000e-01 : f32
      %mul3A_236 = vector.broadcast %mul3A_235 : f32 to vector<16xf32>
      %mul3A_237 = arith.mulf %mul3A_236, %broadcast_in_dim3A_226 : vector<16xf32>
      %mul3A_238 = arith.mulf %mul3A_237, %bitcast3A_234 : vector<16xf32>
      %mul3A_239 = arith.mulf %mul3A_238, %bitcast3A_234 : vector<16xf32>
      %sub3A_240 = arith.constant 1.500000e+00 : f32
      %sub3A_241 = vector.broadcast %sub3A_240 : f32 to vector<16xf32>
      %sub3A_242 = arith.subf %sub3A_241, %mul3A_239 : vector<16xf32>
      %mul3A_243 = arith.mulf %bitcast3A_234, %sub3A_242 : vector<16xf32>
      %mul3A_244 = arith.constant 5.000000e-01 : f32
      %mul3A_245 = vector.broadcast %mul3A_244 : f32 to vector<16xf32>
      %mul3A_246 = arith.mulf %mul3A_245, %broadcast_in_dim3A_226 : vector<16xf32>
      %mul3A_247 = arith.mulf %mul3A_246, %mul3A_243 : vector<16xf32>
      %mul3A_248 = arith.mulf %mul3A_247, %mul3A_243 : vector<16xf32>
      %sub3A_249 = arith.constant 1.500000e+00 : f32
      %sub3A_250 = vector.broadcast %sub3A_249 : f32 to vector<16xf32>
      %sub3A_251 = arith.subf %sub3A_250, %mul3A_248 : vector<16xf32>
      %mul3A_252 = arith.mulf %mul3A_243, %sub3A_251 : vector<16xf32>
      %mul3A_253 = arith.constant 5.000000e-01 : f32
      %mul3A_254 = vector.broadcast %mul3A_253 : f32 to vector<16xf32>
      %mul3A_255 = arith.mulf %mul3A_254, %broadcast_in_dim3A_226 : vector<16xf32>
      %mul3A_256 = arith.mulf %mul3A_255, %mul3A_252 : vector<16xf32>
      %mul3A_257 = arith.mulf %mul3A_256, %mul3A_252 : vector<16xf32>
      %sub3A_258 = arith.constant 1.500000e+00 : f32
      %sub3A_259 = vector.broadcast %sub3A_258 : f32 to vector<16xf32>
      %sub3A_260 = arith.subf %sub3A_259, %mul3A_257 : vector<16xf32>
      %mul3A_261 = arith.mulf %mul3A_252, %sub3A_260 : vector<16xf32>
      %mul3A_262 = arith.constant 5.000000e-01 : f32
      %mul3A_263 = vector.broadcast %mul3A_262 : f32 to vector<16xf32>
      %mul3A_264 = arith.mulf %mul3A_263, %broadcast_in_dim3A_226 : vector<16xf32>
      %mul3A_265 = arith.mulf %mul3A_264, %mul3A_261 : vector<16xf32>
      %mul3A_266 = arith.mulf %mul3A_265, %mul3A_261 : vector<16xf32>
      %sub3A_267 = arith.constant 1.500000e+00 : f32
      %sub3A_268 = vector.broadcast %sub3A_267 : f32 to vector<16xf32>
      %sub3A_269 = arith.subf %sub3A_268, %mul3A_266 : vector<16xf32>
      %mul3A_270 = arith.mulf %mul3A_261, %sub3A_269 : vector<16xf32>
      %mul3A_271 = arith.constant 5.000000e-02 : f32
      %mul3A_272 = vector.broadcast %mul3A_271 : f32 to vector<16xf32>
      %mul3A_273 = arith.mulf %mul3A_272, %mul3A_270 : vector<16xf32>
      %add3A_274 = arith.constant 0.949999988 : f32
      %add3A_275 = vector.broadcast %add3A_274 : f32 to vector<16xf32>
      %add3A_276 = arith.addf %add3A_275, %mul3A_273 : vector<16xf32>
      %mul3A_277 = arith.mulf %get3A_203, %add3A_276 : vector<16xf32>
      %swap3A_278 = arith.index_cast %add3A_200 : i32 to index
      %swap3A_279 = arith.constant 0 : index
      %swap3A_280 = tpu.vector_load %arg7[%swap3A_278, %swap3A_279] {strides = array<i32>} : memref<512x64xf32, #tpu.memory_space<vmem>>, vector<16xf32>,
      tpu.vector_store %arg7[%swap3A_278, %swap3A_279], %mul3A_277 {strides = array<i32>} : memref<512x64xf32, #tpu.memory_space<vmem>>, vector<16xf32>,
      %mul3A_281 = arith.mulf %get3A_206, %add3A_276 : vector<16xf32>
      %swap3A_282 = arith.index_cast %add3A_200 : i32 to index
      %swap3A_283 = arith.constant 16 : index
      %swap3A_284 = tpu.vector_load %arg7[%swap3A_282, %swap3A_283] {strides = array<i32>} : memref<512x64xf32, #tpu.memory_space<vmem>>, vector<16xf32>,
      tpu.vector_store %arg7[%swap3A_282, %swap3A_283], %mul3A_281 {strides = array<i32>} : memref<512x64xf32, #tpu.memory_space<vmem>>, vector<16xf32>,
      %mul3A_285 = arith.mulf %get3A_209, %add3A_276 : vector<16xf32>
      %swap3A_286 = arith.index_cast %add3A_200 : i32 to index
      %swap3A_287 = arith.constant 32 : index
      %swap3A_288 = tpu.vector_load %arg7[%swap3A_286, %swap3A_287] {strides = array<i32>} : memref<512x64xf32, #tpu.memory_space<vmem>>, vector<16xf32>,
      tpu.vector_store %arg7[%swap3A_286, %swap3A_287], %mul3A_285 {strides = array<i32>} : memref<512x64xf32, #tpu.memory_space<vmem>>, vector<16xf32>,
      %mul3A_289 = arith.mulf %get3A_212, %add3A_276 : vector<16xf32>
      %swap3A_290 = arith.index_cast %add3A_200 : i32 to index
      %swap3A_291 = arith.constant 48 : index
      %swap3A_292 = tpu.vector_load %arg7[%swap3A_290, %swap3A_291] {strides = array<i32>} : memref<512x64xf32, #tpu.memory_space<vmem>>, vector<16xf32>,
      tpu.vector_store %arg7[%swap3A_290, %swap3A_291], %mul3A_289 {strides = array<i32>} : memref<512x64xf32, #tpu.memory_space<vmem>>, vector<16xf32>,
      %mul3A_293 = arith.constant 16 : i32
      %mul3A_294 = arith.muli %scan3A_8, %mul3A_293 : i32
      %add3A_295 = arith.constant 3 : i32
      %add3A_296 = arith.addi %mul3A_294, %add3A_295 : i32
      %get3A_297 = arith.index_cast %add3A_296 : i32 to index
      %get3A_298 = arith.constant 0 : index
      %get3A_299 = tpu.vector_load %arg7[%get3A_297, %get3A_298] {strides = array<i32>} : memref<512x64xf32, #tpu.memory_space<vmem>>, vector<16xf32>,
      %get3A_300 = arith.index_cast %add3A_296 : i32 to index
      %get3A_301 = arith.constant 16 : index
      %get3A_302 = tpu.vector_load %arg7[%get3A_300, %get3A_301] {strides = array<i32>} : memref<512x64xf32, #tpu.memory_space<vmem>>, vector<16xf32>,
      %get3A_303 = arith.index_cast %add3A_296 : i32 to index
      %get3A_304 = arith.constant 32 : index
      %get3A_305 = tpu.vector_load %arg7[%get3A_303, %get3A_304] {strides = array<i32>} : memref<512x64xf32, #tpu.memory_space<vmem>>, vector<16xf32>,
      %get3A_306 = arith.index_cast %add3A_296 : i32 to index
      %get3A_307 = arith.constant 48 : index
      %get3A_308 = tpu.vector_load %arg7[%get3A_306, %get3A_307] {strides = array<i32>} : memref<512x64xf32, #tpu.memory_space<vmem>>, vector<16xf32>,
      %mul3A_309 = arith.mulf %get3A_299, %get3A_299 : vector<16xf32>
      %mul3A_310 = arith.mulf %get3A_302, %get3A_302 : vector<16xf32>
      %add3A_311 = arith.addf %mul3A_309, %mul3A_310 : vector<16xf32>
      %mul3A_312 = arith.mulf %get3A_305, %get3A_305 : vector<16xf32>
      %add3A_313 = arith.addf %add3A_311, %mul3A_312 : vector<16xf32>
      %mul3A_314 = arith.mulf %get3A_308, %get3A_308 : vector<16xf32>
      %add3A_315 = arith.addf %add3A_313, %mul3A_314 : vector<16xf32>
      %reduce_sum3A_316 = arith.constant true
      %reduce_sum3A_317 = vector.broadcast %reduce_sum3A_316 : i1 to vector<16xi1>
      %reduce_sum3A_318 = tpu.scan <sum>, %add3A_315 masked %reduce_sum3A_317 : vector<16xf32>, vector<16xi1> -> vector<16xf32>
      %reduce_sum3A_319 = vector.extract %reduce_sum3A_318[15] : f32 from vector<16xf32>
      %max3A_320 = arith.constant 1.000000e-24 : f32
      %max3A_321 = arith.maximumf %reduce_sum3A_319, %max3A_320 : f32
      %broadcast_in_dim3A_322 = vector.broadcast %max3A_321 : f32 to vector<16xf32>
      %bitcast3A_323 = vector.bitcast %broadcast_in_dim3A_322 : vector<16xf32> to vector<16xi32>
      %shift_right_arithmetic3A_324 = arith.constant 1 : i32
      %shift_right_arithmetic3A_325 = vector.broadcast %shift_right_arithmetic3A_324 : i32 to vector<16xi32>
      %shift_right_arithmetic3A_326 = arith.shrsi %bitcast3A_323, %shift_right_arithmetic3A_325 : vector<16xi32>
      %sub3A_327 = arith.constant 1597463007 : i32
      %sub3A_328 = vector.broadcast %sub3A_327 : i32 to vector<16xi32>
      %sub3A_329 = arith.subi %sub3A_328, %shift_right_arithmetic3A_326 : vector<16xi32>
      %bitcast3A_330 = vector.bitcast %sub3A_329 : vector<16xi32> to vector<16xf32>
      %mul3A_331 = arith.constant 5.000000e-01 : f32
      %mul3A_332 = vector.broadcast %mul3A_331 : f32 to vector<16xf32>
      %mul3A_333 = arith.mulf %mul3A_332, %broadcast_in_dim3A_322 : vector<16xf32>
      %mul3A_334 = arith.mulf %mul3A_333, %bitcast3A_330 : vector<16xf32>
      %mul3A_335 = arith.mulf %mul3A_334, %bitcast3A_330 : vector<16xf32>
      %sub3A_336 = arith.constant 1.500000e+00 : f32
      %sub3A_337 = vector.broadcast %sub3A_336 : f32 to vector<16xf32>
      %sub3A_338 = arith.subf %sub3A_337, %mul3A_335 : vector<16xf32>
      %mul3A_339 = arith.mulf %bitcast3A_330, %sub3A_338 : vector<16xf32>
      %mul3A_340 = arith.constant 5.000000e-01 : f32
      %mul3A_341 = vector.broadcast %mul3A_340 : f32 to vector<16xf32>
      %mul3A_342 = arith.mulf %mul3A_341, %broadcast_in_dim3A_322 : vector<16xf32>
      %mul3A_343 = arith.mulf %mul3A_342, %mul3A_339 : vector<16xf32>
      %mul3A_344 = arith.mulf %mul3A_343, %mul3A_339 : vector<16xf32>
      %sub3A_345 = arith.constant 1.500000e+00 : f32
      %sub3A_346 = vector.broadcast %sub3A_345 : f32 to vector<16xf32>
      %sub3A_347 = arith.subf %sub3A_346, %mul3A_344 : vector<16xf32>
      %mul3A_348 = arith.mulf %mul3A_339, %sub3A_347 : vector<16xf32>
      %mul3A_349 = arith.constant 5.000000e-01 : f32
      %mul3A_350 = vector.broadcast %mul3A_349 : f32 to vector<16xf32>
      %mul3A_351 = arith.mulf %mul3A_350, %broadcast_in_dim3A_322 : vector<16xf32>
      %mul3A_352 = arith.mulf %mul3A_351, %mul3A_348 : vector<16xf32>
      %mul3A_353 = arith.mulf %mul3A_352, %mul3A_348 : vector<16xf32>
      %sub3A_354 = arith.constant 1.500000e+00 : f32
      %sub3A_355 = vector.broadcast %sub3A_354 : f32 to vector<16xf32>
      %sub3A_356 = arith.subf %sub3A_355, %mul3A_353 : vector<16xf32>
      %mul3A_357 = arith.mulf %mul3A_348, %sub3A_356 : vector<16xf32>
      %mul3A_358 = arith.constant 5.000000e-01 : f32
      %mul3A_359 = vector.broadcast %mul3A_358 : f32 to vector<16xf32>
      %mul3A_360 = arith.mulf %mul3A_359, %broadcast_in_dim3A_322 : vector<16xf32>
      %mul3A_361 = arith.mulf %mul3A_360, %mul3A_357 : vector<16xf32>
      %mul3A_362 = arith.mulf %mul3A_361, %mul3A_357 : vector<16xf32>
      %sub3A_363 = arith.constant 1.500000e+00 : f32
      %sub3A_364 = vector.broadcast %sub3A_363 : f32 to vector<16xf32>
      %sub3A_365 = arith.subf %sub3A_364, %mul3A_362 : vector<16xf32>
      %mul3A_366 = arith.mulf %mul3A_357, %sub3A_365 : vector<16xf32>
      %mul3A_367 = arith.constant 5.000000e-02 : f32
      %mul3A_368 = vector.broadcast %mul3A_367 : f32 to vector<16xf32>
      %mul3A_369 = arith.mulf %mul3A_368, %mul3A_366 : vector<16xf32>
      %add3A_370 = arith.constant 0.949999988 : f32
      %add3A_371 = vector.broadcast %add3A_370 : f32 to vector<16xf32>
      %add3A_372 = arith.addf %add3A_371, %mul3A_369 : vector<16xf32>
      %mul3A_373 = arith.mulf %get3A_299, %add3A_372 : vector<16xf32>
      %swap3A_374 = arith.index_cast %add3A_296 : i32 to index
      %swap3A_375 = arith.constant 0 : index
      %swap3A_376 = tpu.vector_load %arg7[%swap3A_374, %swap3A_375] {strides = array<i32>} : memref<512x64xf32, #tpu.memory_space<vmem>>, vector<16xf32>,
      tpu.vector_store %arg7[%swap3A_374, %swap3A_375], %mul3A_373 {strides = array<i32>} : memref<512x64xf32, #tpu.memory_space<vmem>>, vector<16xf32>,
      %mul3A_377 = arith.mulf %get3A_302, %add3A_372 : vector<16xf32>
      %swap3A_378 = arith.index_cast %add3A_296 : i32 to index
      %swap3A_379 = arith.constant 16 : index
      %swap3A_380 = tpu.vector_load %arg7[%swap3A_378, %swap3A_379] {strides = array<i32>} : memref<512x64xf32, #tpu.memory_space<vmem>>, vector<16xf32>,
      tpu.vector_store %arg7[%swap3A_378, %swap3A_379], %mul3A_377 {strides = array<i32>} : memref<512x64xf32, #tpu.memory_space<vmem>>, vector<16xf32>,
      %mul3A_381 = arith.mulf %get3A_305, %add3A_372 : vector<16xf32>
      %swap3A_382 = arith.index_cast %add3A_296 : i32 to index
      %swap3A_383 = arith.constant 32 : index
      %swap3A_384 = tpu.vector_load %arg7[%swap3A_382, %swap3A_383] {strides = array<i32>} : memref<512x64xf32, #tpu.memory_space<vmem>>, vector<16xf32>,
      tpu.vector_store %arg7[%swap3A_382, %swap3A_383], %mul3A_381 {strides = array<i32>} : memref<512x64xf32, #tpu.memory_space<vmem>>, vector<16xf32>,
      %mul3A_385 = arith.mulf %get3A_308, %add3A_372 : vector<16xf32>
      %swap3A_386 = arith.index_cast %add3A_296 : i32 to index
      %swap3A_387 = arith.constant 48 : index
      %swap3A_388 = tpu.vector_load %arg7[%swap3A_386, %swap3A_387] {strides = array<i32>} : memref<512x64xf32, #tpu.memory_space<vmem>>, vector<16xf32>,
      tpu.vector_store %arg7[%swap3A_386, %swap3A_387], %mul3A_385 {strides = array<i32>} : memref<512x64xf32, #tpu.memory_space<vmem>>, vector<16xf32>,
      %mul3A_389 = arith.constant 16 : i32
      %mul3A_390 = arith.muli %scan3A_8, %mul3A_389 : i32
      %add3A_391 = arith.constant 4 : i32
      %add3A_392 = arith.addi %mul3A_390, %add3A_391 : i32
      %get3A_393 = arith.index_cast %add3A_392 : i32 to index
      %get3A_394 = arith.constant 0 : index
      %get3A_395 = tpu.vector_load %arg7[%get3A_393, %get3A_394] {strides = array<i32>} : memref<512x64xf32, #tpu.memory_space<vmem>>, vector<16xf32>,
      %get3A_396 = arith.index_cast %add3A_392 : i32 to index
      %get3A_397 = arith.constant 16 : index
      %get3A_398 = tpu.vector_load %arg7[%get3A_396, %get3A_397] {strides = array<i32>} : memref<512x64xf32, #tpu.memory_space<vmem>>, vector<16xf32>,
      %get3A_399 = arith.index_cast %add3A_392 : i32 to index
      %get3A_400 = arith.constant 32 : index
      %get3A_401 = tpu.vector_load %arg7[%get3A_399, %get3A_400] {strides = array<i32>} : memref<512x64xf32, #tpu.memory_space<vmem>>, vector<16xf32>,
      %get3A_402 = arith.index_cast %add3A_392 : i32 to index
      %get3A_403 = arith.constant 48 : index
      %get3A_404 = tpu.vector_load %arg7[%get3A_402, %get3A_403] {strides = array<i32>} : memref<512x64xf32, #tpu.memory_space<vmem>>, vector<16xf32>,
      %mul3A_405 = arith.mulf %get3A_395, %get3A_395 : vector<16xf32>
      %mul3A_406 = arith.mulf %get3A_398, %get3A_398 : vector<16xf32>
      %add3A_407 = arith.addf %mul3A_405, %mul3A_406 : vector<16xf32>
      %mul3A_408 = arith.mulf %get3A_401, %get3A_401 : vector<16xf32>
      %add3A_409 = arith.addf %add3A_407, %mul3A_408 : vector<16xf32>
      %mul3A_410 = arith.mulf %get3A_404, %get3A_404 : vector<16xf32>
      %add3A_411 = arith.addf %add3A_409, %mul3A_410 : vector<16xf32>
      %reduce_sum3A_412 = arith.constant true
      %reduce_sum3A_413 = vector.broadcast %reduce_sum3A_412 : i1 to vector<16xi1>
      %reduce_sum3A_414 = tpu.scan <sum>, %add3A_411 masked %reduce_sum3A_413 : vector<16xf32>, vector<16xi1> -> vector<16xf32>
      %reduce_sum3A_415 = vector.extract %reduce_sum3A_414[15] : f32 from vector<16xf32>
      %max3A_416 = arith.constant 1.000000e-24 : f32
      %max3A_417 = arith.maximumf %reduce_sum3A_415, %max3A_416 : f32
      %broadcast_in_dim3A_418 = vector.broadcast %max3A_417 : f32 to vector<16xf32>
      %bitcast3A_419 = vector.bitcast %broadcast_in_dim3A_418 : vector<16xf32> to vector<16xi32>
      %shift_right_arithmetic3A_420 = arith.constant 1 : i32
      %shift_right_arithmetic3A_421 = vector.broadcast %shift_right_arithmetic3A_420 : i32 to vector<16xi32>
      %shift_right_arithmetic3A_422 = arith.shrsi %bitcast3A_419, %shift_right_arithmetic3A_421 : vector<16xi32>
      %sub3A_423 = arith.constant 1597463007 : i32
      %sub3A_424 = vector.broadcast %sub3A_423 : i32 to vector<16xi32>
      %sub3A_425 = arith.subi %sub3A_424, %shift_right_arithmetic3A_422 : vector<16xi32>
      %bitcast3A_426 = vector.bitcast %sub3A_425 : vector<16xi32> to vector<16xf32>
      %mul3A_427 = arith.constant 5.000000e-01 : f32
      %mul3A_428 = vector.broadcast %mul3A_427 : f32 to vector<16xf32>
      %mul3A_429 = arith.mulf %mul3A_428, %broadcast_in_dim3A_418 : vector<16xf32>
      %mul3A_430 = arith.mulf %mul3A_429, %bitcast3A_426 : vector<16xf32>
      %mul3A_431 = arith.mulf %mul3A_430, %bitcast3A_426 : vector<16xf32>
      %sub3A_432 = arith.constant 1.500000e+00 : f32
      %sub3A_433 = vector.broadcast %sub3A_432 : f32 to vector<16xf32>
      %sub3A_434 = arith.subf %sub3A_433, %mul3A_431 : vector<16xf32>
      %mul3A_435 = arith.mulf %bitcast3A_426, %sub3A_434 : vector<16xf32>
      %mul3A_436 = arith.constant 5.000000e-01 : f32
      %mul3A_437 = vector.broadcast %mul3A_436 : f32 to vector<16xf32>
      %mul3A_438 = arith.mulf %mul3A_437, %broadcast_in_dim3A_418 : vector<16xf32>
      %mul3A_439 = arith.mulf %mul3A_438, %mul3A_435 : vector<16xf32>
      %mul3A_440 = arith.mulf %mul3A_439, %mul3A_435 : vector<16xf32>
      %sub3A_441 = arith.constant 1.500000e+00 : f32
      %sub3A_442 = vector.broadcast %sub3A_441 : f32 to vector<16xf32>
      %sub3A_443 = arith.subf %sub3A_442, %mul3A_440 : vector<16xf32>
      %mul3A_444 = arith.mulf %mul3A_435, %sub3A_443 : vector<16xf32>
      %mul3A_445 = arith.constant 5.000000e-01 : f32
      %mul3A_446 = vector.broadcast %mul3A_445 : f32 to vector<16xf32>
      %mul3A_447 = arith.mulf %mul3A_446, %broadcast_in_dim3A_418 : vector<16xf32>
      %mul3A_448 = arith.mulf %mul3A_447, %mul3A_444 : vector<16xf32>
      %mul3A_449 = arith.mulf %mul3A_448, %mul3A_444 : vector<16xf32>
      %sub3A_450 = arith.constant 1.500000e+00 : f32
      %sub3A_451 = vector.broadcast %sub3A_450 : f32 to vector<16xf32>
      %sub3A_452 = arith.subf %sub3A_451, %mul3A_449 : vector<16xf32>
      %mul3A_453 = arith.mulf %mul3A_444, %sub3A_452 : vector<16xf32>
      %mul3A_454 = arith.constant 5.000000e-01 : f32
      %mul3A_455 = vector.broadcast %mul3A_454 : f32 to vector<16xf32>
      %mul3A_456 = arith.mulf %mul3A_455, %broadcast_in_dim3A_418 : vector<16xf32>
      %mul3A_457 = arith.mulf %mul3A_456, %mul3A_453 : vector<16xf32>
      %mul3A_458 = arith.mulf %mul3A_457, %mul3A_453 : vector<16xf32>
      %sub3A_459 = arith.constant 1.500000e+00 : f32
      %sub3A_460 = vector.broadcast %sub3A_459 : f32 to vector<16xf32>
      %sub3A_461 = arith.subf %sub3A_460, %mul3A_458 : vector<16xf32>
      %mul3A_462 = arith.mulf %mul3A_453, %sub3A_461 : vector<16xf32>
      %mul3A_463 = arith.constant 5.000000e-02 : f32
      %mul3A_464 = vector.broadcast %mul3A_463 : f32 to vector<16xf32>
      %mul3A_465 = arith.mulf %mul3A_464, %mul3A_462 : vector<16xf32>
      %add3A_466 = arith.constant 0.949999988 : f32
      %add3A_467 = vector.broadcast %add3A_466 : f32 to vector<16xf32>
      %add3A_468 = arith.addf %add3A_467, %mul3A_465 : vector<16xf32>
      %mul3A_469 = arith.mulf %get3A_395, %add3A_468 : vector<16xf32>
      %swap3A_470 = arith.index_cast %add3A_392 : i32 to index
      %swap3A_471 = arith.constant 0 : index
      %swap3A_472 = tpu.vector_load %arg7[%swap3A_470, %swap3A_471] {strides = array<i32>} : memref<512x64xf32, #tpu.memory_space<vmem>>, vector<16xf32>,
      tpu.vector_store %arg7[%swap3A_470, %swap3A_471], %mul3A_469 {strides = array<i32>} : memref<512x64xf32, #tpu.memory_space<vmem>>, vector<16xf32>,
      %mul3A_473 = arith.mulf %get3A_398, %add3A_468 : vector<16xf32>
      %swap3A_474 = arith.index_cast %add3A_392 : i32 to index
      %swap3A_475 = arith.constant 16 : index
      %swap3A_476 = tpu.vector_load %arg7[%swap3A_474, %swap3A_475] {strides = array<i32>} : memref<512x64xf32, #tpu.memory_space<vmem>>, vector<16xf32>,
      tpu.vector_store %arg7[%swap3A_474, %swap3A_475], %mul3A_473 {strides = array<i32>} : memref<512x64xf32, #tpu.memory_space<vmem>>, vector<16xf32>,
      %mul3A_477 = arith.mulf %get3A_401, %add3A_468 : vector<16xf32>
      %swap3A_478 = arith.index_cast %add3A_392 : i32 to index
      %swap3A_479 = arith.constant 32 : index
      %swap3A_480 = tpu.vector_load %arg7[%swap3A_478, %swap3A_479] {strides = array<i32>} : memref<512x64xf32, #tpu.memory_space<vmem>>, vector<16xf32>,
      tpu.vector_store %arg7[%swap3A_478, %swap3A_479], %mul3A_477 {strides = array<i32>} : memref<512x64xf32, #tpu.memory_space<vmem>>, vector<16xf32>,
      %mul3A_481 = arith.mulf %get3A_404, %add3A_468 : vector<16xf32>
      %swap3A_482 = arith.index_cast %add3A_392 : i32 to index
      %swap3A_483 = arith.constant 48 : index
      %swap3A_484 = tpu.vector_load %arg7[%swap3A_482, %swap3A_483] {strides = array<i32>} : memref<512x64xf32, #tpu.memory_space<vmem>>, vector<16xf32>,
      tpu.vector_store %arg7[%swap3A_482, %swap3A_483], %mul3A_481 {strides = array<i32>} : memref<512x64xf32, #tpu.memory_space<vmem>>, vector<16xf32>,
      %mul3A_485 = arith.constant 16 : i32
      %mul3A_486 = arith.muli %scan3A_8, %mul3A_485 : i32
      %add3A_487 = arith.constant 5 : i32
      %add3A_488 = arith.addi %mul3A_486, %add3A_487 : i32
      %get3A_489 = arith.index_cast %add3A_488 : i32 to index
      %get3A_490 = arith.constant 0 : index
      %get3A_491 = tpu.vector_load %arg7[%get3A_489, %get3A_490] {strides = array<i32>} : memref<512x64xf32, #tpu.memory_space<vmem>>, vector<16xf32>,
      %get3A_492 = arith.index_cast %add3A_488 : i32 to index
      %get3A_493 = arith.constant 16 : index
      %get3A_494 = tpu.vector_load %arg7[%get3A_492, %get3A_493] {strides = array<i32>} : memref<512x64xf32, #tpu.memory_space<vmem>>, vector<16xf32>,
      %get3A_495 = arith.index_cast %add3A_488 : i32 to index
      %get3A_496 = arith.constant 32 : index
      %get3A_497 = tpu.vector_load %arg7[%get3A_495, %get3A_496] {strides = array<i32>} : memref<512x64xf32, #tpu.memory_space<vmem>>, vector<16xf32>,
      %get3A_498 = arith.index_cast %add3A_488 : i32 to index
      %get3A_499 = arith.constant 48 : index
      %get3A_500 = tpu.vector_load %arg7[%get3A_498, %get3A_499] {strides = array<i32>} : memref<512x64xf32, #tpu.memory_space<vmem>>, vector<16xf32>,
      %mul3A_501 = arith.mulf %get3A_491, %get3A_491 : vector<16xf32>
      %mul3A_502 = arith.mulf %get3A_494, %get3A_494 : vector<16xf32>
      %add3A_503 = arith.addf %mul3A_501, %mul3A_502 : vector<16xf32>
      %mul3A_504 = arith.mulf %get3A_497, %get3A_497 : vector<16xf32>
      %add3A_505 = arith.addf %add3A_503, %mul3A_504 : vector<16xf32>
      %mul3A_506 = arith.mulf %get3A_500, %get3A_500 : vector<16xf32>
      %add3A_507 = arith.addf %add3A_505, %mul3A_506 : vector<16xf32>
      %reduce_sum3A_508 = arith.constant true
      %reduce_sum3A_509 = vector.broadcast %reduce_sum3A_508 : i1 to vector<16xi1>
      %reduce_sum3A_510 = tpu.scan <sum>, %add3A_507 masked %reduce_sum3A_509 : vector<16xf32>, vector<16xi1> -> vector<16xf32>
      %reduce_sum3A_511 = vector.extract %reduce_sum3A_510[15] : f32 from vector<16xf32>
      %max3A_512 = arith.constant 1.000000e-24 : f32
      %max3A_513 = arith.maximumf %reduce_sum3A_511, %max3A_512 : f32
      %broadcast_in_dim3A_514 = vector.broadcast %max3A_513 : f32 to vector<16xf32>
      %bitcast3A_515 = vector.bitcast %broadcast_in_dim3A_514 : vector<16xf32> to vector<16xi32>
      %shift_right_arithmetic3A_516 = arith.constant 1 : i32
      %shift_right_arithmetic3A_517 = vector.broadcast %shift_right_arithmetic3A_516 : i32 to vector<16xi32>
      %shift_right_arithmetic3A_518 = arith.shrsi %bitcast3A_515, %shift_right_arithmetic3A_517 : vector<16xi32>
      %sub3A_519 = arith.constant 1597463007 : i32
      %sub3A_520 = vector.broadcast %sub3A_519 : i32 to vector<16xi32>
      %sub3A_521 = arith.subi %sub3A_520, %shift_right_arithmetic3A_518 : vector<16xi32>
      %bitcast3A_522 = vector.bitcast %sub3A_521 : vector<16xi32> to vector<16xf32>
      %mul3A_523 = arith.constant 5.000000e-01 : f32
      %mul3A_524 = vector.broadcast %mul3A_523 : f32 to vector<16xf32>
      %mul3A_525 = arith.mulf %mul3A_524, %broadcast_in_dim3A_514 : vector<16xf32>
      %mul3A_526 = arith.mulf %mul3A_525, %bitcast3A_522 : vector<16xf32>
      %mul3A_527 = arith.mulf %mul3A_526, %bitcast3A_522 : vector<16xf32>
      %sub3A_528 = arith.constant 1.500000e+00 : f32
      %sub3A_529 = vector.broadcast %sub3A_528 : f32 to vector<16xf32>
      %sub3A_530 = arith.subf %sub3A_529, %mul3A_527 : vector<16xf32>
      %mul3A_531 = arith.mulf %bitcast3A_522, %sub3A_530 : vector<16xf32>
      %mul3A_532 = arith.constant 5.000000e-01 : f32
      %mul3A_533 = vector.broadcast %mul3A_532 : f32 to vector<16xf32>
      %mul3A_534 = arith.mulf %mul3A_533, %broadcast_in_dim3A_514 : vector<16xf32>
      %mul3A_535 = arith.mulf %mul3A_534, %mul3A_531 : vector<16xf32>
      %mul3A_536 = arith.mulf %mul3A_535, %mul3A_531 : vector<16xf32>
      %sub3A_537 = arith.constant 1.500000e+00 : f32
      %sub3A_538 = vector.broadcast %sub3A_537 : f32 to vector<16xf32>
      %sub3A_539 = arith.subf %sub3A_538, %mul3A_536 : vector<16xf32>
      %mul3A_540 = arith.mulf %mul3A_531, %sub3A_539 : vector<16xf32>
      %mul3A_541 = arith.constant 5.000000e-01 : f32
      %mul3A_542 = vector.broadcast %mul3A_541 : f32 to vector<16xf32>
      %mul3A_543 = arith.mulf %mul3A_542, %broadcast_in_dim3A_514 : vector<16xf32>
      %mul3A_544 = arith.mulf %mul3A_543, %mul3A_540 : vector<16xf32>
      %mul3A_545 = arith.mulf %mul3A_544, %mul3A_540 : vector<16xf32>
      %sub3A_546 = arith.constant 1.500000e+00 : f32
      %sub3A_547 = vector.broadcast %sub3A_546 : f32 to vector<16xf32>
      %sub3A_548 = arith.subf %sub3A_547, %mul3A_545 : vector<16xf32>
      %mul3A_549 = arith.mulf %mul3A_540, %sub3A_548 : vector<16xf32>
      %mul3A_550 = arith.constant 5.000000e-01 : f32
      %mul3A_551 = vector.broadcast %mul3A_550 : f32 to vector<16xf32>
      %mul3A_552 = arith.mulf %mul3A_551, %broadcast_in_dim3A_514 : vector<16xf32>
      %mul3A_553 = arith.mulf %mul3A_552, %mul3A_549 : vector<16xf32>
      %mul3A_554 = arith.mulf %mul3A_553, %mul3A_549 : vector<16xf32>
      %sub3A_555 = arith.constant 1.500000e+00 : f32
      %sub3A_556 = vector.broadcast %sub3A_555 : f32 to vector<16xf32>
      %sub3A_557 = arith.subf %sub3A_556, %mul3A_554 : vector<16xf32>
      %mul3A_558 = arith.mulf %mul3A_549, %sub3A_557 : vector<16xf32>
      %mul3A_559 = arith.constant 5.000000e-02 : f32
      %mul3A_560 = vector.broadcast %mul3A_559 : f32 to vector<16xf32>
      %mul3A_561 = arith.mulf %mul3A_560, %mul3A_558 : vector<16xf32>
      %add3A_562 = arith.constant 0.949999988 : f32
      %add3A_563 = vector.broadcast %add3A_562 : f32 to vector<16xf32>
      %add3A_564 = arith.addf %add3A_563, %mul3A_561 : vector<16xf32>
      %mul3A_565 = arith.mulf %get3A_491, %add3A_564 : vector<16xf32>
      %swap3A_566 = arith.index_cast %add3A_488 : i32 to index
      %swap3A_567 = arith.constant 0 : index
      %swap3A_568 = tpu.vector_load %arg7[%swap3A_566, %swap3A_567] {strides = array<i32>} : memref<512x64xf32, #tpu.memory_space<vmem>>, vector<16xf32>,
      tpu.vector_store %arg7[%swap3A_566, %swap3A_567], %mul3A_565 {strides = array<i32>} : memref<512x64xf32, #tpu.memory_space<vmem>>, vector<16xf32>,
      %mul3A_569 = arith.mulf %get3A_494, %add3A_564 : vector<16xf32>
      %swap3A_570 = arith.index_cast %add3A_488 : i32 to index
      %swap3A_571 = arith.constant 16 : index
      %swap3A_572 = tpu.vector_load %arg7[%swap3A_570, %swap3A_571] {strides = array<i32>} : memref<512x64xf32, #tpu.memory_space<vmem>>, vector<16xf32>,
      tpu.vector_store %arg7[%swap3A_570, %swap3A_571], %mul3A_569 {strides = array<i32>} : memref<512x64xf32, #tpu.memory_space<vmem>>, vector<16xf32>,
      %mul3A_573 = arith.mulf %get3A_497, %add3A_564 : vector<16xf32>
      %swap3A_574 = arith.index_cast %add3A_488 : i32 to index
      %swap3A_575 = arith.constant 32 : index
      %swap3A_576 = tpu.vector_load %arg7[%swap3A_574, %swap3A_575] {strides = array<i32>} : memref<512x64xf32, #tpu.memory_space<vmem>>, vector<16xf32>,
      tpu.vector_store %arg7[%swap3A_574, %swap3A_575], %mul3A_573 {strides = array<i32>} : memref<512x64xf32, #tpu.memory_space<vmem>>, vector<16xf32>,
      %mul3A_577 = arith.mulf %get3A_500, %add3A_564 : vector<16xf32>
      %swap3A_578 = arith.index_cast %add3A_488 : i32 to index
      %swap3A_579 = arith.constant 48 : index
      %swap3A_580 = tpu.vector_load %arg7[%swap3A_578, %swap3A_579] {strides = array<i32>} : memref<512x64xf32, #tpu.memory_space<vmem>>, vector<16xf32>,
      tpu.vector_store %arg7[%swap3A_578, %swap3A_579], %mul3A_577 {strides = array<i32>} : memref<512x64xf32, #tpu.memory_space<vmem>>, vector<16xf32>,
      %mul3A_581 = arith.constant 16 : i32
      %mul3A_582 = arith.muli %scan3A_8, %mul3A_581 : i32
      %add3A_583 = arith.constant 6 : i32
      %add3A_584 = arith.addi %mul3A_582, %add3A_583 : i32
      %get3A_585 = arith.index_cast %add3A_584 : i32 to index
      %get3A_586 = arith.constant 0 : index
      %get3A_587 = tpu.vector_load %arg7[%get3A_585, %get3A_586] {strides = array<i32>} : memref<512x64xf32, #tpu.memory_space<vmem>>, vector<16xf32>,
      %get3A_588 = arith.index_cast %add3A_584 : i32 to index
      %get3A_589 = arith.constant 16 : index
      %get3A_590 = tpu.vector_load %arg7[%get3A_588, %get3A_589] {strides = array<i32>} : memref<512x64xf32, #tpu.memory_space<vmem>>, vector<16xf32>,
      %get3A_591 = arith.index_cast %add3A_584 : i32 to index
      %get3A_592 = arith.constant 32 : index
      %get3A_593 = tpu.vector_load %arg7[%get3A_591, %get3A_592] {strides = array<i32>} : memref<512x64xf32, #tpu.memory_space<vmem>>, vector<16xf32>,
      %get3A_594 = arith.index_cast %add3A_584 : i32 to index
      %get3A_595 = arith.constant 48 : index
      %get3A_596 = tpu.vector_load %arg7[%get3A_594, %get3A_595] {strides = array<i32>} : memref<512x64xf32, #tpu.memory_space<vmem>>, vector<16xf32>,
      %mul3A_597 = arith.mulf %get3A_587, %get3A_587 : vector<16xf32>
      %mul3A_598 = arith.mulf %get3A_590, %get3A_590 : vector<16xf32>
      %add3A_599 = arith.addf %mul3A_597, %mul3A_598 : vector<16xf32>
      %mul3A_600 = arith.mulf %get3A_593, %get3A_593 : vector<16xf32>
      %add3A_601 = arith.addf %add3A_599, %mul3A_600 : vector<16xf32>
      %mul3A_602 = arith.mulf %get3A_596, %get3A_596 : vector<16xf32>
      %add3A_603 = arith.addf %add3A_601, %mul3A_602 : vector<16xf32>
      %reduce_sum3A_604 = arith.constant true
      %reduce_sum3A_605 = vector.broadcast %reduce_sum3A_604 : i1 to vector<16xi1>
      %reduce_sum3A_606 = tpu.scan <sum>, %add3A_603 masked %reduce_sum3A_605 : vector<16xf32>, vector<16xi1> -> vector<16xf32>
      %reduce_sum3A_607 = vector.extract %reduce_sum3A_606[15] : f32 from vector<16xf32>
      %max3A_608 = arith.constant 1.000000e-24 : f32
      %max3A_609 = arith.maximumf %reduce_sum3A_607, %max3A_608 : f32
      %broadcast_in_dim3A_610 = vector.broadcast %max3A_609 : f32 to vector<16xf32>
      %bitcast3A_611 = vector.bitcast %broadcast_in_dim3A_610 : vector<16xf32> to vector<16xi32>
      %shift_right_arithmetic3A_612 = arith.constant 1 : i32
      %shift_right_arithmetic3A_613 = vector.broadcast %shift_right_arithmetic3A_612 : i32 to vector<16xi32>
      %shift_right_arithmetic3A_614 = arith.shrsi %bitcast3A_611, %shift_right_arithmetic3A_613 : vector<16xi32>
      %sub3A_615 = arith.constant 1597463007 : i32
      %sub3A_616 = vector.broadcast %sub3A_615 : i32 to vector<16xi32>
      %sub3A_617 = arith.subi %sub3A_616, %shift_right_arithmetic3A_614 : vector<16xi32>
      %bitcast3A_618 = vector.bitcast %sub3A_617 : vector<16xi32> to vector<16xf32>
      %mul3A_619 = arith.constant 5.000000e-01 : f32
      %mul3A_620 = vector.broadcast %mul3A_619 : f32 to vector<16xf32>
      %mul3A_621 = arith.mulf %mul3A_620, %broadcast_in_dim3A_610 : vector<16xf32>
      %mul3A_622 = arith.mulf %mul3A_621, %bitcast3A_618 : vector<16xf32>
      %mul3A_623 = arith.mulf %mul3A_622, %bitcast3A_618 : vector<16xf32>
      %sub3A_624 = arith.constant 1.500000e+00 : f32
      %sub3A_625 = vector.broadcast %sub3A_624 : f32 to vector<16xf32>
      %sub3A_626 = arith.subf %sub3A_625, %mul3A_623 : vector<16xf32>
      %mul3A_627 = arith.mulf %bitcast3A_618, %sub3A_626 : vector<16xf32>
      %mul3A_628 = arith.constant 5.000000e-01 : f32
      %mul3A_629 = vector.broadcast %mul3A_628 : f32 to vector<16xf32>
      %mul3A_630 = arith.mulf %mul3A_629, %broadcast_in_dim3A_610 : vector<16xf32>
      %mul3A_631 = arith.mulf %mul3A_630, %mul3A_627 : vector<16xf32>
      %mul3A_632 = arith.mulf %mul3A_631, %mul3A_627 : vector<16xf32>
      %sub3A_633 = arith.constant 1.500000e+00 : f32
      %sub3A_634 = vector.broadcast %sub3A_633 : f32 to vector<16xf32>
      %sub3A_635 = arith.subf %sub3A_634, %mul3A_632 : vector<16xf32>
      %mul3A_636 = arith.mulf %mul3A_627, %sub3A_635 : vector<16xf32>
      %mul3A_637 = arith.constant 5.000000e-01 : f32
      %mul3A_638 = vector.broadcast %mul3A_637 : f32 to vector<16xf32>
      %mul3A_639 = arith.mulf %mul3A_638, %broadcast_in_dim3A_610 : vector<16xf32>
      %mul3A_640 = arith.mulf %mul3A_639, %mul3A_636 : vector<16xf32>
      %mul3A_641 = arith.mulf %mul3A_640, %mul3A_636 : vector<16xf32>
      %sub3A_642 = arith.constant 1.500000e+00 : f32
      %sub3A_643 = vector.broadcast %sub3A_642 : f32 to vector<16xf32>
      %sub3A_644 = arith.subf %sub3A_643, %mul3A_641 : vector<16xf32>
      %mul3A_645 = arith.mulf %mul3A_636, %sub3A_644 : vector<16xf32>
      %mul3A_646 = arith.constant 5.000000e-01 : f32
      %mul3A_647 = vector.broadcast %mul3A_646 : f32 to vector<16xf32>
      %mul3A_648 = arith.mulf %mul3A_647, %broadcast_in_dim3A_610 : vector<16xf32>
      %mul3A_649 = arith.mulf %mul3A_648, %mul3A_645 : vector<16xf32>
      %mul3A_650 = arith.mulf %mul3A_649, %mul3A_645 : vector<16xf32>
      %sub3A_651 = arith.constant 1.500000e+00 : f32
      %sub3A_652 = vector.broadcast %sub3A_651 : f32 to vector<16xf32>
      %sub3A_653 = arith.subf %sub3A_652, %mul3A_650 : vector<16xf32>
      %mul3A_654 = arith.mulf %mul3A_645, %sub3A_653 : vector<16xf32>
      %mul3A_655 = arith.constant 5.000000e-02 : f32
      %mul3A_656 = vector.broadcast %mul3A_655 : f32 to vector<16xf32>
      %mul3A_657 = arith.mulf %mul3A_656, %mul3A_654 : vector<16xf32>
      %add3A_658 = arith.constant 0.949999988 : f32
      %add3A_659 = vector.broadcast %add3A_658 : f32 to vector<16xf32>
      %add3A_660 = arith.addf %add3A_659, %mul3A_657 : vector<16xf32>
      %mul3A_661 = arith.mulf %get3A_587, %add3A_660 : vector<16xf32>
      %swap3A_662 = arith.index_cast %add3A_584 : i32 to index
      %swap3A_663 = arith.constant 0 : index
      %swap3A_664 = tpu.vector_load %arg7[%swap3A_662, %swap3A_663] {strides = array<i32>} : memref<512x64xf32, #tpu.memory_space<vmem>>, vector<16xf32>,
      tpu.vector_store %arg7[%swap3A_662, %swap3A_663], %mul3A_661 {strides = array<i32>} : memref<512x64xf32, #tpu.memory_space<vmem>>, vector<16xf32>,
      %mul3A_665 = arith.mulf %get3A_590, %add3A_660 : vector<16xf32>
      %swap3A_666 = arith.index_cast %add3A_584 : i32 to index
      %swap3A_667 = arith.constant 16 : index
      %swap3A_668 = tpu.vector_load %arg7[%swap3A_666, %swap3A_667] {strides = array<i32>} : memref<512x64xf32, #tpu.memory_space<vmem>>, vector<16xf32>,
      tpu.vector_store %arg7[%swap3A_666, %swap3A_667], %mul3A_665 {strides = array<i32>} : memref<512x64xf32, #tpu.memory_space<vmem>>, vector<16xf32>,
      %mul3A_669 = arith.mulf %get3A_593, %add3A_660 : vector<16xf32>
      %swap3A_670 = arith.index_cast %add3A_584 : i32 to index
      %swap3A_671 = arith.constant 32 : index
      %swap3A_672 = tpu.vector_load %arg7[%swap3A_670, %swap3A_671] {strides = array<i32>} : memref<512x64xf32, #tpu.memory_space<vmem>>, vector<16xf32>,
      tpu.vector_store %arg7[%swap3A_670, %swap3A_671], %mul3A_669 {strides = array<i32>} : memref<512x64xf32, #tpu.memory_space<vmem>>, vector<16xf32>,
      %mul3A_673 = arith.mulf %get3A_596, %add3A_660 : vector<16xf32>
      %swap3A_674 = arith.index_cast %add3A_584 : i32 to index
      %swap3A_675 = arith.constant 48 : index
      %swap3A_676 = tpu.vector_load %arg7[%swap3A_674, %swap3A_675] {strides = array<i32>} : memref<512x64xf32, #tpu.memory_space<vmem>>, vector<16xf32>,
      tpu.vector_store %arg7[%swap3A_674, %swap3A_675], %mul3A_673 {strides = array<i32>} : memref<512x64xf32, #tpu.memory_space<vmem>>, vector<16xf32>,
      %mul3A_677 = arith.constant 16 : i32
      %mul3A_678 = arith.muli %scan3A_8, %mul3A_677 : i32
      %add3A_679 = arith.constant 7 : i32
      %add3A_680 = arith.addi %mul3A_678, %add3A_679 : i32
      %get3A_681 = arith.index_cast %add3A_680 : i32 to index
      %get3A_682 = arith.constant 0 : index
      %get3A_683 = tpu.vector_load %arg7[%get3A_681, %get3A_682] {strides = array<i32>} : memref<512x64xf32, #tpu.memory_space<vmem>>, vector<16xf32>,
      %get3A_684 = arith.index_cast %add3A_680 : i32 to index
      %get3A_685 = arith.constant 16 : index
      %get3A_686 = tpu.vector_load %arg7[%get3A_684, %get3A_685] {strides = array<i32>} : memref<512x64xf32, #tpu.memory_space<vmem>>, vector<16xf32>,
      %get3A_687 = arith.index_cast %add3A_680 : i32 to index
      %get3A_688 = arith.constant 32 : index
      %get3A_689 = tpu.vector_load %arg7[%get3A_687, %get3A_688] {strides = array<i32>} : memref<512x64xf32, #tpu.memory_space<vmem>>, vector<16xf32>,
      %get3A_690 = arith.index_cast %add3A_680 : i32 to index
      %get3A_691 = arith.constant 48 : index
      %get3A_692 = tpu.vector_load %arg7[%get3A_690, %get3A_691] {strides = array<i32>} : memref<512x64xf32, #tpu.memory_space<vmem>>, vector<16xf32>,
      %mul3A_693 = arith.mulf %get3A_683, %get3A_683 : vector<16xf32>
      %mul3A_694 = arith.mulf %get3A_686, %get3A_686 : vector<16xf32>
      %add3A_695 = arith.addf %mul3A_693, %mul3A_694 : vector<16xf32>
      %mul3A_696 = arith.mulf %get3A_689, %get3A_689 : vector<16xf32>
      %add3A_697 = arith.addf %add3A_695, %mul3A_696 : vector<16xf32>
      %mul3A_698 = arith.mulf %get3A_692, %get3A_692 : vector<16xf32>
      %add3A_699 = arith.addf %add3A_697, %mul3A_698 : vector<16xf32>
      %reduce_sum3A_700 = arith.constant true
      %reduce_sum3A_701 = vector.broadcast %reduce_sum3A_700 : i1 to vector<16xi1>
      %reduce_sum3A_702 = tpu.scan <sum>, %add3A_699 masked %reduce_sum3A_701 : vector<16xf32>, vector<16xi1> -> vector<16xf32>
      %reduce_sum3A_703 = vector.extract %reduce_sum3A_702[15] : f32 from vector<16xf32>
      %max3A_704 = arith.constant 1.000000e-24 : f32
      %max3A_705 = arith.maximumf %reduce_sum3A_703, %max3A_704 : f32
      %broadcast_in_dim3A_706 = vector.broadcast %max3A_705 : f32 to vector<16xf32>
      %bitcast3A_707 = vector.bitcast %broadcast_in_dim3A_706 : vector<16xf32> to vector<16xi32>
      %shift_right_arithmetic3A_708 = arith.constant 1 : i32
      %shift_right_arithmetic3A_709 = vector.broadcast %shift_right_arithmetic3A_708 : i32 to vector<16xi32>
      %shift_right_arithmetic3A_710 = arith.shrsi %bitcast3A_707, %shift_right_arithmetic3A_709 : vector<16xi32>
      %sub3A_711 = arith.constant 1597463007 : i32
      %sub3A_712 = vector.broadcast %sub3A_711 : i32 to vector<16xi32>
      %sub3A_713 = arith.subi %sub3A_712, %shift_right_arithmetic3A_710 : vector<16xi32>
      %bitcast3A_714 = vector.bitcast %sub3A_713 : vector<16xi32> to vector<16xf32>
      %mul3A_715 = arith.constant 5.000000e-01 : f32
      %mul3A_716 = vector.broadcast %mul3A_715 : f32 to vector<16xf32>
      %mul3A_717 = arith.mulf %mul3A_716, %broadcast_in_dim3A_706 : vector<16xf32>
      %mul3A_718 = arith.mulf %mul3A_717, %bitcast3A_714 : vector<16xf32>
      %mul3A_719 = arith.mulf %mul3A_718, %bitcast3A_714 : vector<16xf32>
      %sub3A_720 = arith.constant 1.500000e+00 : f32
      %sub3A_721 = vector.broadcast %sub3A_720 : f32 to vector<16xf32>
      %sub3A_722 = arith.subf %sub3A_721, %mul3A_719 : vector<16xf32>
      %mul3A_723 = arith.mulf %bitcast3A_714, %sub3A_722 : vector<16xf32>
      %mul3A_724 = arith.constant 5.000000e-01 : f32
      %mul3A_725 = vector.broadcast %mul3A_724 : f32 to vector<16xf32>
      %mul3A_726 = arith.mulf %mul3A_725, %broadcast_in_dim3A_706 : vector<16xf32>
      %mul3A_727 = arith.mulf %mul3A_726, %mul3A_723 : vector<16xf32>
      %mul3A_728 = arith.mulf %mul3A_727, %mul3A_723 : vector<16xf32>
      %sub3A_729 = arith.constant 1.500000e+00 : f32
      %sub3A_730 = vector.broadcast %sub3A_729 : f32 to vector<16xf32>
      %sub3A_731 = arith.subf %sub3A_730, %mul3A_728 : vector<16xf32>
      %mul3A_732 = arith.mulf %mul3A_723, %sub3A_731 : vector<16xf32>
      %mul3A_733 = arith.constant 5.000000e-01 : f32
      %mul3A_734 = vector.broadcast %mul3A_733 : f32 to vector<16xf32>
      %mul3A_735 = arith.mulf %mul3A_734, %broadcast_in_dim3A_706 : vector<16xf32>
      %mul3A_736 = arith.mulf %mul3A_735, %mul3A_732 : vector<16xf32>
      %mul3A_737 = arith.mulf %mul3A_736, %mul3A_732 : vector<16xf32>
      %sub3A_738 = arith.constant 1.500000e+00 : f32
      %sub3A_739 = vector.broadcast %sub3A_738 : f32 to vector<16xf32>
      %sub3A_740 = arith.subf %sub3A_739, %mul3A_737 : vector<16xf32>
      %mul3A_741 = arith.mulf %mul3A_732, %sub3A_740 : vector<16xf32>
      %mul3A_742 = arith.constant 5.000000e-01 : f32
      %mul3A_743 = vector.broadcast %mul3A_742 : f32 to vector<16xf32>
      %mul3A_744 = arith.mulf %mul3A_743, %broadcast_in_dim3A_706 : vector<16xf32>
      %mul3A_745 = arith.mulf %mul3A_744, %mul3A_741 : vector<16xf32>
      %mul3A_746 = arith.mulf %mul3A_745, %mul3A_741 : vector<16xf32>
      %sub3A_747 = arith.constant 1.500000e+00 : f32
      %sub3A_748 = vector.broadcast %sub3A_747 : f32 to vector<16xf32>
      %sub3A_749 = arith.subf %sub3A_748, %mul3A_746 : vector<16xf32>
      %mul3A_750 = arith.mulf %mul3A_741, %sub3A_749 : vector<16xf32>
      %mul3A_751 = arith.constant 5.000000e-02 : f32
      %mul3A_752 = vector.broadcast %mul3A_751 : f32 to vector<16xf32>
      %mul3A_753 = arith.mulf %mul3A_752, %mul3A_750 : vector<16xf32>
      %add3A_754 = arith.constant 0.949999988 : f32
      %add3A_755 = vector.broadcast %add3A_754 : f32 to vector<16xf32>
      %add3A_756 = arith.addf %add3A_755, %mul3A_753 : vector<16xf32>
      %mul3A_757 = arith.mulf %get3A_683, %add3A_756 : vector<16xf32>
      %swap3A_758 = arith.index_cast %add3A_680 : i32 to index
      %swap3A_759 = arith.constant 0 : index
      %swap3A_760 = tpu.vector_load %arg7[%swap3A_758, %swap3A_759] {strides = array<i32>} : memref<512x64xf32, #tpu.memory_space<vmem>>, vector<16xf32>,
      tpu.vector_store %arg7[%swap3A_758, %swap3A_759], %mul3A_757 {strides = array<i32>} : memref<512x64xf32, #tpu.memory_space<vmem>>, vector<16xf32>,
      %mul3A_761 = arith.mulf %get3A_686, %add3A_756 : vector<16xf32>
      %swap3A_762 = arith.index_cast %add3A_680 : i32 to index
      %swap3A_763 = arith.constant 16 : index
      %swap3A_764 = tpu.vector_load %arg7[%swap3A_762, %swap3A_763] {strides = array<i32>} : memref<512x64xf32, #tpu.memory_space<vmem>>, vector<16xf32>,
      tpu.vector_store %arg7[%swap3A_762, %swap3A_763], %mul3A_761 {strides = array<i32>} : memref<512x64xf32, #tpu.memory_space<vmem>>, vector<16xf32>,
      %mul3A_765 = arith.mulf %get3A_689, %add3A_756 : vector<16xf32>
      %swap3A_766 = arith.index_cast %add3A_680 : i32 to index
      %swap3A_767 = arith.constant 32 : index
      %swap3A_768 = tpu.vector_load %arg7[%swap3A_766, %swap3A_767] {strides = array<i32>} : memref<512x64xf32, #tpu.memory_space<vmem>>, vector<16xf32>,
      tpu.vector_store %arg7[%swap3A_766, %swap3A_767], %mul3A_765 {strides = array<i32>} : memref<512x64xf32, #tpu.memory_space<vmem>>, vector<16xf32>,
      %mul3A_769 = arith.mulf %get3A_692, %add3A_756 : vector<16xf32>
      %swap3A_770 = arith.index_cast %add3A_680 : i32 to index
      %swap3A_771 = arith.constant 48 : index
      %swap3A_772 = tpu.vector_load %arg7[%swap3A_770, %swap3A_771] {strides = array<i32>} : memref<512x64xf32, #tpu.memory_space<vmem>>, vector<16xf32>,
      tpu.vector_store %arg7[%swap3A_770, %swap3A_771], %mul3A_769 {strides = array<i32>} : memref<512x64xf32, #tpu.memory_space<vmem>>, vector<16xf32>,
      %mul3A_773 = arith.constant 16 : i32
      %mul3A_774 = arith.muli %scan3A_8, %mul3A_773 : i32
      %add3A_775 = arith.constant 8 : i32
      %add3A_776 = arith.addi %mul3A_774, %add3A_775 : i32
      %get3A_777 = arith.index_cast %add3A_776 : i32 to index
      %get3A_778 = arith.constant 0 : index
      %get3A_779 = tpu.vector_load %arg7[%get3A_777, %get3A_778] {strides = array<i32>} : memref<512x64xf32, #tpu.memory_space<vmem>>, vector<16xf32>,
      %get3A_780 = arith.index_cast %add3A_776 : i32 to index
      %get3A_781 = arith.constant 16 : index
      %get3A_782 = tpu.vector_load %arg7[%get3A_780, %get3A_781] {strides = array<i32>} : memref<512x64xf32, #tpu.memory_space<vmem>>, vector<16xf32>,
      %get3A_783 = arith.index_cast %add3A_776 : i32 to index
      %get3A_784 = arith.constant 32 : index
      %get3A_785 = tpu.vector_load %arg7[%get3A_783, %get3A_784] {strides = array<i32>} : memref<512x64xf32, #tpu.memory_space<vmem>>, vector<16xf32>,
      %get3A_786 = arith.index_cast %add3A_776 : i32 to index
      %get3A_787 = arith.constant 48 : index
      %get3A_788 = tpu.vector_load %arg7[%get3A_786, %get3A_787] {strides = array<i32>} : memref<512x64xf32, #tpu.memory_space<vmem>>, vector<16xf32>,
      %mul3A_789 = arith.mulf %get3A_779, %get3A_779 : vector<16xf32>
      %mul3A_790 = arith.mulf %get3A_782, %get3A_782 : vector<16xf32>
      %add3A_791 = arith.addf %mul3A_789, %mul3A_790 : vector<16xf32>
      %mul3A_792 = arith.mulf %get3A_785, %get3A_785 : vector<16xf32>
      %add3A_793 = arith.addf %add3A_791, %mul3A_792 : vector<16xf32>
      %mul3A_794 = arith.mulf %get3A_788, %get3A_788 : vector<16xf32>
      %add3A_795 = arith.addf %add3A_793, %mul3A_794 : vector<16xf32>
      %reduce_sum3A_796 = arith.constant true
      %reduce_sum3A_797 = vector.broadcast %reduce_sum3A_796 : i1 to vector<16xi1>
      %reduce_sum3A_798 = tpu.scan <sum>, %add3A_795 masked %reduce_sum3A_797 : vector<16xf32>, vector<16xi1> -> vector<16xf32>
      %reduce_sum3A_799 = vector.extract %reduce_sum3A_798[15] : f32 from vector<16xf32>
      %max3A_800 = arith.constant 1.000000e-24 : f32
      %max3A_801 = arith.maximumf %reduce_sum3A_799, %max3A_800 : f32
      %broadcast_in_dim3A_802 = vector.broadcast %max3A_801 : f32 to vector<16xf32>
      %bitcast3A_803 = vector.bitcast %broadcast_in_dim3A_802 : vector<16xf32> to vector<16xi32>
      %shift_right_arithmetic3A_804 = arith.constant 1 : i32
      %shift_right_arithmetic3A_805 = vector.broadcast %shift_right_arithmetic3A_804 : i32 to vector<16xi32>
      %shift_right_arithmetic3A_806 = arith.shrsi %bitcast3A_803, %shift_right_arithmetic3A_805 : vector<16xi32>
      %sub3A_807 = arith.constant 1597463007 : i32
      %sub3A_808 = vector.broadcast %sub3A_807 : i32 to vector<16xi32>
      %sub3A_809 = arith.subi %sub3A_808, %shift_right_arithmetic3A_806 : vector<16xi32>
      %bitcast3A_810 = vector.bitcast %sub3A_809 : vector<16xi32> to vector<16xf32>
      %mul3A_811 = arith.constant 5.000000e-01 : f32
      %mul3A_812 = vector.broadcast %mul3A_811 : f32 to vector<16xf32>
      %mul3A_813 = arith.mulf %mul3A_812, %broadcast_in_dim3A_802 : vector<16xf32>
      %mul3A_814 = arith.mulf %mul3A_813, %bitcast3A_810 : vector<16xf32>
      %mul3A_815 = arith.mulf %mul3A_814, %bitcast3A_810 : vector<16xf32>
      %sub3A_816 = arith.constant 1.500000e+00 : f32
      %sub3A_817 = vector.broadcast %sub3A_816 : f32 to vector<16xf32>
      %sub3A_818 = arith.subf %sub3A_817, %mul3A_815 : vector<16xf32>
      %mul3A_819 = arith.mulf %bitcast3A_810, %sub3A_818 : vector<16xf32>
      %mul3A_820 = arith.constant 5.000000e-01 : f32
      %mul3A_821 = vector.broadcast %mul3A_820 : f32 to vector<16xf32>
      %mul3A_822 = arith.mulf %mul3A_821, %broadcast_in_dim3A_802 : vector<16xf32>
      %mul3A_823 = arith.mulf %mul3A_822, %mul3A_819 : vector<16xf32>
      %mul3A_824 = arith.mulf %mul3A_823, %mul3A_819 : vector<16xf32>
      %sub3A_825 = arith.constant 1.500000e+00 : f32
      %sub3A_826 = vector.broadcast %sub3A_825 : f32 to vector<16xf32>
      %sub3A_827 = arith.subf %sub3A_826, %mul3A_824 : vector<16xf32>
      %mul3A_828 = arith.mulf %mul3A_819, %sub3A_827 : vector<16xf32>
      %mul3A_829 = arith.constant 5.000000e-01 : f32
      %mul3A_830 = vector.broadcast %mul3A_829 : f32 to vector<16xf32>
      %mul3A_831 = arith.mulf %mul3A_830, %broadcast_in_dim3A_802 : vector<16xf32>
      %mul3A_832 = arith.mulf %mul3A_831, %mul3A_828 : vector<16xf32>
      %mul3A_833 = arith.mulf %mul3A_832, %mul3A_828 : vector<16xf32>
      %sub3A_834 = arith.constant 1.500000e+00 : f32
      %sub3A_835 = vector.broadcast %sub3A_834 : f32 to vector<16xf32>
      %sub3A_836 = arith.subf %sub3A_835, %mul3A_833 : vector<16xf32>
      %mul3A_837 = arith.mulf %mul3A_828, %sub3A_836 : vector<16xf32>
      %mul3A_838 = arith.constant 5.000000e-01 : f32
      %mul3A_839 = vector.broadcast %mul3A_838 : f32 to vector<16xf32>
      %mul3A_840 = arith.mulf %mul3A_839, %broadcast_in_dim3A_802 : vector<16xf32>
      %mul3A_841 = arith.mulf %mul3A_840, %mul3A_837 : vector<16xf32>
      %mul3A_842 = arith.mulf %mul3A_841, %mul3A_837 : vector<16xf32>
      %sub3A_843 = arith.constant 1.500000e+00 : f32
      %sub3A_844 = vector.broadcast %sub3A_843 : f32 to vector<16xf32>
      %sub3A_845 = arith.subf %sub3A_844, %mul3A_842 : vector<16xf32>
      %mul3A_846 = arith.mulf %mul3A_837, %sub3A_845 : vector<16xf32>
      %mul3A_847 = arith.constant 5.000000e-02 : f32
      %mul3A_848 = vector.broadcast %mul3A_847 : f32 to vector<16xf32>
      %mul3A_849 = arith.mulf %mul3A_848, %mul3A_846 : vector<16xf32>
      %add3A_850 = arith.constant 0.949999988 : f32
      %add3A_851 = vector.broadcast %add3A_850 : f32 to vector<16xf32>
      %add3A_852 = arith.addf %add3A_851, %mul3A_849 : vector<16xf32>
      %mul3A_853 = arith.mulf %get3A_779, %add3A_852 : vector<16xf32>
      %swap3A_854 = arith.index_cast %add3A_776 : i32 to index
      %swap3A_855 = arith.constant 0 : index
      %swap3A_856 = tpu.vector_load %arg7[%swap3A_854, %swap3A_855] {strides = array<i32>} : memref<512x64xf32, #tpu.memory_space<vmem>>, vector<16xf32>,
      tpu.vector_store %arg7[%swap3A_854, %swap3A_855], %mul3A_853 {strides = array<i32>} : memref<512x64xf32, #tpu.memory_space<vmem>>, vector<16xf32>,
      %mul3A_857 = arith.mulf %get3A_782, %add3A_852 : vector<16xf32>
      %swap3A_858 = arith.index_cast %add3A_776 : i32 to index
      %swap3A_859 = arith.constant 16 : index
      %swap3A_860 = tpu.vector_load %arg7[%swap3A_858, %swap3A_859] {strides = array<i32>} : memref<512x64xf32, #tpu.memory_space<vmem>>, vector<16xf32>,
      tpu.vector_store %arg7[%swap3A_858, %swap3A_859], %mul3A_857 {strides = array<i32>} : memref<512x64xf32, #tpu.memory_space<vmem>>, vector<16xf32>,
      %mul3A_861 = arith.mulf %get3A_785, %add3A_852 : vector<16xf32>
      %swap3A_862 = arith.index_cast %add3A_776 : i32 to index
      %swap3A_863 = arith.constant 32 : index
      %swap3A_864 = tpu.vector_load %arg7[%swap3A_862, %swap3A_863] {strides = array<i32>} : memref<512x64xf32, #tpu.memory_space<vmem>>, vector<16xf32>,
      tpu.vector_store %arg7[%swap3A_862, %swap3A_863], %mul3A_861 {strides = array<i32>} : memref<512x64xf32, #tpu.memory_space<vmem>>, vector<16xf32>,
      %mul3A_865 = arith.mulf %get3A_788, %add3A_852 : vector<16xf32>
      %swap3A_866 = arith.index_cast %add3A_776 : i32 to index
      %swap3A_867 = arith.constant 48 : index
      %swap3A_868 = tpu.vector_load %arg7[%swap3A_866, %swap3A_867] {strides = array<i32>} : memref<512x64xf32, #tpu.memory_space<vmem>>, vector<16xf32>,
      tpu.vector_store %arg7[%swap3A_866, %swap3A_867], %mul3A_865 {strides = array<i32>} : memref<512x64xf32, #tpu.memory_space<vmem>>, vector<16xf32>,
      %mul3A_869 = arith.constant 16 : i32
      %mul3A_870 = arith.muli %scan3A_8, %mul3A_869 : i32
      %add3A_871 = arith.constant 9 : i32
      %add3A_872 = arith.addi %mul3A_870, %add3A_871 : i32
      %get3A_873 = arith.index_cast %add3A_872 : i32 to index
      %get3A_874 = arith.constant 0 : index
      %get3A_875 = tpu.vector_load %arg7[%get3A_873, %get3A_874] {strides = array<i32>} : memref<512x64xf32, #tpu.memory_space<vmem>>, vector<16xf32>,
      %get3A_876 = arith.index_cast %add3A_872 : i32 to index
      %get3A_877 = arith.constant 16 : index
      %get3A_878 = tpu.vector_load %arg7[%get3A_876, %get3A_877] {strides = array<i32>} : memref<512x64xf32, #tpu.memory_space<vmem>>, vector<16xf32>,
      %get3A_879 = arith.index_cast %add3A_872 : i32 to index
      %get3A_880 = arith.constant 32 : index
      %get3A_881 = tpu.vector_load %arg7[%get3A_879, %get3A_880] {strides = array<i32>} : memref<512x64xf32, #tpu.memory_space<vmem>>, vector<16xf32>,
      %get3A_882 = arith.index_cast %add3A_872 : i32 to index
      %get3A_883 = arith.constant 48 : index
      %get3A_884 = tpu.vector_load %arg7[%get3A_882, %get3A_883] {strides = array<i32>} : memref<512x64xf32, #tpu.memory_space<vmem>>, vector<16xf32>,
      %mul3A_885 = arith.mulf %get3A_875, %get3A_875 : vector<16xf32>
      %mul3A_886 = arith.mulf %get3A_878, %get3A_878 : vector<16xf32>
      %add3A_887 = arith.addf %mul3A_885, %mul3A_886 : vector<16xf32>
      %mul3A_888 = arith.mulf %get3A_881, %get3A_881 : vector<16xf32>
      %add3A_889 = arith.addf %add3A_887, %mul3A_888 : vector<16xf32>
      %mul3A_890 = arith.mulf %get3A_884, %get3A_884 : vector<16xf32>
      %add3A_891 = arith.addf %add3A_889, %mul3A_890 : vector<16xf32>
      %reduce_sum3A_892 = arith.constant true
      %reduce_sum3A_893 = vector.broadcast %reduce_sum3A_892 : i1 to vector<16xi1>
      %reduce_sum3A_894 = tpu.scan <sum>, %add3A_891 masked %reduce_sum3A_893 : vector<16xf32>, vector<16xi1> -> vector<16xf32>
      %reduce_sum3A_895 = vector.extract %reduce_sum3A_894[15] : f32 from vector<16xf32>
      %max3A_896 = arith.constant 1.000000e-24 : f32
      %max3A_897 = arith.maximumf %reduce_sum3A_895, %max3A_896 : f32
      %broadcast_in_dim3A_898 = vector.broadcast %max3A_897 : f32 to vector<16xf32>
      %bitcast3A_899 = vector.bitcast %broadcast_in_dim3A_898 : vector<16xf32> to vector<16xi32>
      %shift_right_arithmetic3A_900 = arith.constant 1 : i32
      %shift_right_arithmetic3A_901 = vector.broadcast %shift_right_arithmetic3A_900 : i32 to vector<16xi32>
      %shift_right_arithmetic3A_902 = arith.shrsi %bitcast3A_899, %shift_right_arithmetic3A_901 : vector<16xi32>
      %sub3A_903 = arith.constant 1597463007 : i32
      %sub3A_904 = vector.broadcast %sub3A_903 : i32 to vector<16xi32>
      %sub3A_905 = arith.subi %sub3A_904, %shift_right_arithmetic3A_902 : vector<16xi32>
      %bitcast3A_906 = vector.bitcast %sub3A_905 : vector<16xi32> to vector<16xf32>
      %mul3A_907 = arith.constant 5.000000e-01 : f32
      %mul3A_908 = vector.broadcast %mul3A_907 : f32 to vector<16xf32>
      %mul3A_909 = arith.mulf %mul3A_908, %broadcast_in_dim3A_898 : vector<16xf32>
      %mul3A_910 = arith.mulf %mul3A_909, %bitcast3A_906 : vector<16xf32>
      %mul3A_911 = arith.mulf %mul3A_910, %bitcast3A_906 : vector<16xf32>
      %sub3A_912 = arith.constant 1.500000e+00 : f32
      %sub3A_913 = vector.broadcast %sub3A_912 : f32 to vector<16xf32>
      %sub3A_914 = arith.subf %sub3A_913, %mul3A_911 : vector<16xf32>
      %mul3A_915 = arith.mulf %bitcast3A_906, %sub3A_914 : vector<16xf32>
      %mul3A_916 = arith.constant 5.000000e-01 : f32
      %mul3A_917 = vector.broadcast %mul3A_916 : f32 to vector<16xf32>
      %mul3A_918 = arith.mulf %mul3A_917, %broadcast_in_dim3A_898 : vector<16xf32>
      %mul3A_919 = arith.mulf %mul3A_918, %mul3A_915 : vector<16xf32>
      %mul3A_920 = arith.mulf %mul3A_919, %mul3A_915 : vector<16xf32>
      %sub3A_921 = arith.constant 1.500000e+00 : f32
      %sub3A_922 = vector.broadcast %sub3A_921 : f32 to vector<16xf32>
      %sub3A_923 = arith.subf %sub3A_922, %mul3A_920 : vector<16xf32>
      %mul3A_924 = arith.mulf %mul3A_915, %sub3A_923 : vector<16xf32>
      %mul3A_925 = arith.constant 5.000000e-01 : f32
      %mul3A_926 = vector.broadcast %mul3A_925 : f32 to vector<16xf32>
      %mul3A_927 = arith.mulf %mul3A_926, %broadcast_in_dim3A_898 : vector<16xf32>
      %mul3A_928 = arith.mulf %mul3A_927, %mul3A_924 : vector<16xf32>
      %mul3A_929 = arith.mulf %mul3A_928, %mul3A_924 : vector<16xf32>
      %sub3A_930 = arith.constant 1.500000e+00 : f32
      %sub3A_931 = vector.broadcast %sub3A_930 : f32 to vector<16xf32>
      %sub3A_932 = arith.subf %sub3A_931, %mul3A_929 : vector<16xf32>
      %mul3A_933 = arith.mulf %mul3A_924, %sub3A_932 : vector<16xf32>
      %mul3A_934 = arith.constant 5.000000e-01 : f32
      %mul3A_935 = vector.broadcast %mul3A_934 : f32 to vector<16xf32>
      %mul3A_936 = arith.mulf %mul3A_935, %broadcast_in_dim3A_898 : vector<16xf32>
      %mul3A_937 = arith.mulf %mul3A_936, %mul3A_933 : vector<16xf32>
      %mul3A_938 = arith.mulf %mul3A_937, %mul3A_933 : vector<16xf32>
      %sub3A_939 = arith.constant 1.500000e+00 : f32
      %sub3A_940 = vector.broadcast %sub3A_939 : f32 to vector<16xf32>
      %sub3A_941 = arith.subf %sub3A_940, %mul3A_938 : vector<16xf32>
      %mul3A_942 = arith.mulf %mul3A_933, %sub3A_941 : vector<16xf32>
      %mul3A_943 = arith.constant 5.000000e-02 : f32
      %mul3A_944 = vector.broadcast %mul3A_943 : f32 to vector<16xf32>
      %mul3A_945 = arith.mulf %mul3A_944, %mul3A_942 : vector<16xf32>
      %add3A_946 = arith.constant 0.949999988 : f32
      %add3A_947 = vector.broadcast %add3A_946 : f32 to vector<16xf32>
      %add3A_948 = arith.addf %add3A_947, %mul3A_945 : vector<16xf32>
      %mul3A_949 = arith.mulf %get3A_875, %add3A_948 : vector<16xf32>
      %swap3A_950 = arith.index_cast %add3A_872 : i32 to index
      %swap3A_951 = arith.constant 0 : index
      %swap3A_952 = tpu.vector_load %arg7[%swap3A_950, %swap3A_951] {strides = array<i32>} : memref<512x64xf32, #tpu.memory_space<vmem>>, vector<16xf32>,
      tpu.vector_store %arg7[%swap3A_950, %swap3A_951], %mul3A_949 {strides = array<i32>} : memref<512x64xf32, #tpu.memory_space<vmem>>, vector<16xf32>,
      %mul3A_953 = arith.mulf %get3A_878, %add3A_948 : vector<16xf32>
      %swap3A_954 = arith.index_cast %add3A_872 : i32 to index
      %swap3A_955 = arith.constant 16 : index
      %swap3A_956 = tpu.vector_load %arg7[%swap3A_954, %swap3A_955] {strides = array<i32>} : memref<512x64xf32, #tpu.memory_space<vmem>>, vector<16xf32>,
      tpu.vector_store %arg7[%swap3A_954, %swap3A_955], %mul3A_953 {strides = array<i32>} : memref<512x64xf32, #tpu.memory_space<vmem>>, vector<16xf32>,
      %mul3A_957 = arith.mulf %get3A_881, %add3A_948 : vector<16xf32>
      %swap3A_958 = arith.index_cast %add3A_872 : i32 to index
      %swap3A_959 = arith.constant 32 : index
      %swap3A_960 = tpu.vector_load %arg7[%swap3A_958, %swap3A_959] {strides = array<i32>} : memref<512x64xf32, #tpu.memory_space<vmem>>, vector<16xf32>,
      tpu.vector_store %arg7[%swap3A_958, %swap3A_959], %mul3A_957 {strides = array<i32>} : memref<512x64xf32, #tpu.memory_space<vmem>>, vector<16xf32>,
      %mul3A_961 = arith.mulf %get3A_884, %add3A_948 : vector<16xf32>
      %swap3A_962 = arith.index_cast %add3A_872 : i32 to index
      %swap3A_963 = arith.constant 48 : index
      %swap3A_964 = tpu.vector_load %arg7[%swap3A_962, %swap3A_963] {strides = array<i32>} : memref<512x64xf32, #tpu.memory_space<vmem>>, vector<16xf32>,
      tpu.vector_store %arg7[%swap3A_962, %swap3A_963], %mul3A_961 {strides = array<i32>} : memref<512x64xf32, #tpu.memory_space<vmem>>, vector<16xf32>,
      %mul3A_965 = arith.constant 16 : i32
      %mul3A_966 = arith.muli %scan3A_8, %mul3A_965 : i32
      %add3A_967 = arith.constant 10 : i32
      %add3A_968 = arith.addi %mul3A_966, %add3A_967 : i32
      %get3A_969 = arith.index_cast %add3A_968 : i32 to index
      %get3A_970 = arith.constant 0 : index
      %get3A_971 = tpu.vector_load %arg7[%get3A_969, %get3A_970] {strides = array<i32>} : memref<512x64xf32, #tpu.memory_space<vmem>>, vector<16xf32>,
      %get3A_972 = arith.index_cast %add3A_968 : i32 to index
      %get3A_973 = arith.constant 16 : index
      %get3A_974 = tpu.vector_load %arg7[%get3A_972, %get3A_973] {strides = array<i32>} : memref<512x64xf32, #tpu.memory_space<vmem>>, vector<16xf32>,
      %get3A_975 = arith.index_cast %add3A_968 : i32 to index
      %get3A_976 = arith.constant 32 : index
      %get3A_977 = tpu.vector_load %arg7[%get3A_975, %get3A_976] {strides = array<i32>} : memref<512x64xf32, #tpu.memory_space<vmem>>, vector<16xf32>,
      %get3A_978 = arith.index_cast %add3A_968 : i32 to index
      %get3A_979 = arith.constant 48 : index
      %get3A_980 = tpu.vector_load %arg7[%get3A_978, %get3A_979] {strides = array<i32>} : memref<512x64xf32, #tpu.memory_space<vmem>>, vector<16xf32>,
      %mul3A_981 = arith.mulf %get3A_971, %get3A_971 : vector<16xf32>
      %mul3A_982 = arith.mulf %get3A_974, %get3A_974 : vector<16xf32>
      %add3A_983 = arith.addf %mul3A_981, %mul3A_982 : vector<16xf32>
      %mul3A_984 = arith.mulf %get3A_977, %get3A_977 : vector<16xf32>
      %add3A_985 = arith.addf %add3A_983, %mul3A_984 : vector<16xf32>
      %mul3A_986 = arith.mulf %get3A_980, %get3A_980 : vector<16xf32>
      %add3A_987 = arith.addf %add3A_985, %mul3A_986 : vector<16xf32>
      %reduce_sum3A_988 = arith.constant true
      %reduce_sum3A_989 = vector.broadcast %reduce_sum3A_988 : i1 to vector<16xi1>
      %reduce_sum3A_990 = tpu.scan <sum>, %add3A_987 masked %reduce_sum3A_989 : vector<16xf32>, vector<16xi1> -> vector<16xf32>
      %reduce_sum3A_991 = vector.extract %reduce_sum3A_990[15] : f32 from vector<16xf32>
      %max3A_992 = arith.constant 1.000000e-24 : f32
      %max3A_993 = arith.maximumf %reduce_sum3A_991, %max3A_992 : f32
      %broadcast_in_dim3A_994 = vector.broadcast %max3A_993 : f32 to vector<16xf32>
      %bitcast3A_995 = vector.bitcast %broadcast_in_dim3A_994 : vector<16xf32> to vector<16xi32>
      %shift_right_arithmetic3A_996 = arith.constant 1 : i32
      %shift_right_arithmetic3A_997 = vector.broadcast %shift_right_arithmetic3A_996 : i32 to vector<16xi32>
      %shift_right_arithmetic3A_998 = arith.shrsi %bitcast3A_995, %shift_right_arithmetic3A_997 : vector<16xi32>
      %sub3A_999 = arith.constant 1597463007 : i32
      %sub3A_1000 = vector.broadcast %sub3A_999 : i32 to vector<16xi32>
      %sub3A_1001 = arith.subi %sub3A_1000, %shift_right_arithmetic3A_998 : vector<16xi32>
      %bitcast3A_1002 = vector.bitcast %sub3A_1001 : vector<16xi32> to vector<16xf32>
      %mul3A_1003 = arith.constant 5.000000e-01 : f32
      %mul3A_1004 = vector.broadcast %mul3A_1003 : f32 to vector<16xf32>
      %mul3A_1005 = arith.mulf %mul3A_1004, %broadcast_in_dim3A_994 : vector<16xf32>
      %mul3A_1006 = arith.mulf %mul3A_1005, %bitcast3A_1002 : vector<16xf32>
      %mul3A_1007 = arith.mulf %mul3A_1006, %bitcast3A_1002 : vector<16xf32>
      %sub3A_1008 = arith.constant 1.500000e+00 : f32
      %sub3A_1009 = vector.broadcast %sub3A_1008 : f32 to vector<16xf32>
      %sub3A_1010 = arith.subf %sub3A_1009, %mul3A_1007 : vector<16xf32>
      %mul3A_1011 = arith.mulf %bitcast3A_1002, %sub3A_1010 : vector<16xf32>
      %mul3A_1012 = arith.constant 5.000000e-01 : f32
      %mul3A_1013 = vector.broadcast %mul3A_1012 : f32 to vector<16xf32>
      %mul3A_1014 = arith.mulf %mul3A_1013, %broadcast_in_dim3A_994 : vector<16xf32>
      %mul3A_1015 = arith.mulf %mul3A_1014, %mul3A_1011 : vector<16xf32>
      %mul3A_1016 = arith.mulf %mul3A_1015, %mul3A_1011 : vector<16xf32>
      %sub3A_1017 = arith.constant 1.500000e+00 : f32
      %sub3A_1018 = vector.broadcast %sub3A_1017 : f32 to vector<16xf32>
      %sub3A_1019 = arith.subf %sub3A_1018, %mul3A_1016 : vector<16xf32>
      %mul3A_1020 = arith.mulf %mul3A_1011, %sub3A_1019 : vector<16xf32>
      %mul3A_1021 = arith.constant 5.000000e-01 : f32
      %mul3A_1022 = vector.broadcast %mul3A_1021 : f32 to vector<16xf32>
      %mul3A_1023 = arith.mulf %mul3A_1022, %broadcast_in_dim3A_994 : vector<16xf32>
      %mul3A_1024 = arith.mulf %mul3A_1023, %mul3A_1020 : vector<16xf32>
      %mul3A_1025 = arith.mulf %mul3A_1024, %mul3A_1020 : vector<16xf32>
      %sub3A_1026 = arith.constant 1.500000e+00 : f32
      %sub3A_1027 = vector.broadcast %sub3A_1026 : f32 to vector<16xf32>
      %sub3A_1028 = arith.subf %sub3A_1027, %mul3A_1025 : vector<16xf32>
      %mul3A_1029 = arith.mulf %mul3A_1020, %sub3A_1028 : vector<16xf32>
      %mul3A_1030 = arith.constant 5.000000e-01 : f32
      %mul3A_1031 = vector.broadcast %mul3A_1030 : f32 to vector<16xf32>
      %mul3A_1032 = arith.mulf %mul3A_1031, %broadcast_in_dim3A_994 : vector<16xf32>
      %mul3A_1033 = arith.mulf %mul3A_1032, %mul3A_1029 : vector<16xf32>
      %mul3A_1034 = arith.mulf %mul3A_1033, %mul3A_1029 : vector<16xf32>
      %sub3A_1035 = arith.constant 1.500000e+00 : f32
      %sub3A_1036 = vector.broadcast %sub3A_1035 : f32 to vector<16xf32>
      %sub3A_1037 = arith.subf %sub3A_1036, %mul3A_1034 : vector<16xf32>
      %mul3A_1038 = arith.mulf %mul3A_1029, %sub3A_1037 : vector<16xf32>
      %mul3A_1039 = arith.constant 5.000000e-02 : f32
      %mul3A_1040 = vector.broadcast %mul3A_1039 : f32 to vector<16xf32>
      %mul3A_1041 = arith.mulf %mul3A_1040, %mul3A_1038 : vector<16xf32>
      %add3A_1042 = arith.constant 0.949999988 : f32
      %add3A_1043 = vector.broadcast %add3A_1042 : f32 to vector<16xf32>
      %add3A_1044 = arith.addf %add3A_1043, %mul3A_1041 : vector<16xf32>
      %mul3A_1045 = arith.mulf %get3A_971, %add3A_1044 : vector<16xf32>
      %swap3A_1046 = arith.index_cast %add3A_968 : i32 to index
      %swap3A_1047 = arith.constant 0 : index
      %swap3A_1048 = tpu.vector_load %arg7[%swap3A_1046, %swap3A_1047] {strides = array<i32>} : memref<512x64xf32, #tpu.memory_space<vmem>>, vector<16xf32>,
      tpu.vector_store %arg7[%swap3A_1046, %swap3A_1047], %mul3A_1045 {strides = array<i32>} : memref<512x64xf32, #tpu.memory_space<vmem>>, vector<16xf32>,
      %mul3A_1049 = arith.mulf %get3A_974, %add3A_1044 : vector<16xf32>
      %swap3A_1050 = arith.index_cast %add3A_968 : i32 to index
      %swap3A_1051 = arith.constant 16 : index
      %swap3A_1052 = tpu.vector_load %arg7[%swap3A_1050, %swap3A_1051] {strides = array<i32>} : memref<512x64xf32, #tpu.memory_space<vmem>>, vector<16xf32>,
      tpu.vector_store %arg7[%swap3A_1050, %swap3A_1051], %mul3A_1049 {strides = array<i32>} : memref<512x64xf32, #tpu.memory_space<vmem>>, vector<16xf32>,
      %mul3A_1053 = arith.mulf %get3A_977, %add3A_1044 : vector<16xf32>
      %swap3A_1054 = arith.index_cast %add3A_968 : i32 to index
      %swap3A_1055 = arith.constant 32 : index
      %swap3A_1056 = tpu.vector_load %arg7[%swap3A_1054, %swap3A_1055] {strides = array<i32>} : memref<512x64xf32, #tpu.memory_space<vmem>>, vector<16xf32>,
      tpu.vector_store %arg7[%swap3A_1054, %swap3A_1055], %mul3A_1053 {strides = array<i32>} : memref<512x64xf32, #tpu.memory_space<vmem>>, vector<16xf32>,
      %mul3A_1057 = arith.mulf %get3A_980, %add3A_1044 : vector<16xf32>
      %swap3A_1058 = arith.index_cast %add3A_968 : i32 to index
      %swap3A_1059 = arith.constant 48 : index
      %swap3A_1060 = tpu.vector_load %arg7[%swap3A_1058, %swap3A_1059] {strides = array<i32>} : memref<512x64xf32, #tpu.memory_space<vmem>>, vector<16xf32>,
      tpu.vector_store %arg7[%swap3A_1058, %swap3A_1059], %mul3A_1057 {strides = array<i32>} : memref<512x64xf32, #tpu.memory_space<vmem>>, vector<16xf32>,
      %mul3A_1061 = arith.constant 16 : i32
      %mul3A_1062 = arith.muli %scan3A_8, %mul3A_1061 : i32
      %add3A_1063 = arith.constant 11 : i32
      %add3A_1064 = arith.addi %mul3A_1062, %add3A_1063 : i32
      %get3A_1065 = arith.index_cast %add3A_1064 : i32 to index
      %get3A_1066 = arith.constant 0 : index
      %get3A_1067 = tpu.vector_load %arg7[%get3A_1065, %get3A_1066] {strides = array<i32>} : memref<512x64xf32, #tpu.memory_space<vmem>>, vector<16xf32>,
      %get3A_1068 = arith.index_cast %add3A_1064 : i32 to index
      %get3A_1069 = arith.constant 16 : index
      %get3A_1070 = tpu.vector_load %arg7[%get3A_1068, %get3A_1069] {strides = array<i32>} : memref<512x64xf32, #tpu.memory_space<vmem>>, vector<16xf32>,
      %get3A_1071 = arith.index_cast %add3A_1064 : i32 to index
      %get3A_1072 = arith.constant 32 : index
      %get3A_1073 = tpu.vector_load %arg7[%get3A_1071, %get3A_1072] {strides = array<i32>} : memref<512x64xf32, #tpu.memory_space<vmem>>, vector<16xf32>,
      %get3A_1074 = arith.index_cast %add3A_1064 : i32 to index
      %get3A_1075 = arith.constant 48 : index
      %get3A_1076 = tpu.vector_load %arg7[%get3A_1074, %get3A_1075] {strides = array<i32>} : memref<512x64xf32, #tpu.memory_space<vmem>>, vector<16xf32>,
      %mul3A_1077 = arith.mulf %get3A_1067, %get3A_1067 : vector<16xf32>
      %mul3A_1078 = arith.mulf %get3A_1070, %get3A_1070 : vector<16xf32>
      %add3A_1079 = arith.addf %mul3A_1077, %mul3A_1078 : vector<16xf32>
      %mul3A_1080 = arith.mulf %get3A_1073, %get3A_1073 : vector<16xf32>
      %add3A_1081 = arith.addf %add3A_1079, %mul3A_1080 : vector<16xf32>
      %mul3A_1082 = arith.mulf %get3A_1076, %get3A_1076 : vector<16xf32>
      %add3A_1083 = arith.addf %add3A_1081, %mul3A_1082 : vector<16xf32>
      %reduce_sum3A_1084 = arith.constant true
      %reduce_sum3A_1085 = vector.broadcast %reduce_sum3A_1084 : i1 to vector<16xi1>
      %reduce_sum3A_1086 = tpu.scan <sum>, %add3A_1083 masked %reduce_sum3A_1085 : vector<16xf32>, vector<16xi1> -> vector<16xf32>
      %reduce_sum3A_1087 = vector.extract %reduce_sum3A_1086[15] : f32 from vector<16xf32>
      %max3A_1088 = arith.constant 1.000000e-24 : f32
      %max3A_1089 = arith.maximumf %reduce_sum3A_1087, %max3A_1088 : f32
      %broadcast_in_dim3A_1090 = vector.broadcast %max3A_1089 : f32 to vector<16xf32>
      %bitcast3A_1091 = vector.bitcast %broadcast_in_dim3A_1090 : vector<16xf32> to vector<16xi32>
      %shift_right_arithmetic3A_1092 = arith.constant 1 : i32
      %shift_right_arithmetic3A_1093 = vector.broadcast %shift_right_arithmetic3A_1092 : i32 to vector<16xi32>
      %shift_right_arithmetic3A_1094 = arith.shrsi %bitcast3A_1091, %shift_right_arithmetic3A_1093 : vector<16xi32>
      %sub3A_1095 = arith.constant 1597463007 : i32
      %sub3A_1096 = vector.broadcast %sub3A_1095 : i32 to vector<16xi32>
      %sub3A_1097 = arith.subi %sub3A_1096, %shift_right_arithmetic3A_1094 : vector<16xi32>
      %bitcast3A_1098 = vector.bitcast %sub3A_1097 : vector<16xi32> to vector<16xf32>
      %mul3A_1099 = arith.constant 5.000000e-01 : f32
      %mul3A_1100 = vector.broadcast %mul3A_1099 : f32 to vector<16xf32>
      %mul3A_1101 = arith.mulf %mul3A_1100, %broadcast_in_dim3A_1090 : vector<16xf32>
      %mul3A_1102 = arith.mulf %mul3A_1101, %bitcast3A_1098 : vector<16xf32>
      %mul3A_1103 = arith.mulf %mul3A_1102, %bitcast3A_1098 : vector<16xf32>
      %sub3A_1104 = arith.constant 1.500000e+00 : f32
      %sub3A_1105 = vector.broadcast %sub3A_1104 : f32 to vector<16xf32>
      %sub3A_1106 = arith.subf %sub3A_1105, %mul3A_1103 : vector<16xf32>
      %mul3A_1107 = arith.mulf %bitcast3A_1098, %sub3A_1106 : vector<16xf32>
      %mul3A_1108 = arith.constant 5.000000e-01 : f32
      %mul3A_1109 = vector.broadcast %mul3A_1108 : f32 to vector<16xf32>
      %mul3A_1110 = arith.mulf %mul3A_1109, %broadcast_in_dim3A_1090 : vector<16xf32>
      %mul3A_1111 = arith.mulf %mul3A_1110, %mul3A_1107 : vector<16xf32>
      %mul3A_1112 = arith.mulf %mul3A_1111, %mul3A_1107 : vector<16xf32>
      %sub3A_1113 = arith.constant 1.500000e+00 : f32
      %sub3A_1114 = vector.broadcast %sub3A_1113 : f32 to vector<16xf32>
      %sub3A_1115 = arith.subf %sub3A_1114, %mul3A_1112 : vector<16xf32>
      %mul3A_1116 = arith.mulf %mul3A_1107, %sub3A_1115 : vector<16xf32>
      %mul3A_1117 = arith.constant 5.000000e-01 : f32
      %mul3A_1118 = vector.broadcast %mul3A_1117 : f32 to vector<16xf32>
      %mul3A_1119 = arith.mulf %mul3A_1118, %broadcast_in_dim3A_1090 : vector<16xf32>
      %mul3A_1120 = arith.mulf %mul3A_1119, %mul3A_1116 : vector<16xf32>
      %mul3A_1121 = arith.mulf %mul3A_1120, %mul3A_1116 : vector<16xf32>
      %sub3A_1122 = arith.constant 1.500000e+00 : f32
      %sub3A_1123 = vector.broadcast %sub3A_1122 : f32 to vector<16xf32>
      %sub3A_1124 = arith.subf %sub3A_1123, %mul3A_1121 : vector<16xf32>
      %mul3A_1125 = arith.mulf %mul3A_1116, %sub3A_1124 : vector<16xf32>
      %mul3A_1126 = arith.constant 5.000000e-01 : f32
      %mul3A_1127 = vector.broadcast %mul3A_1126 : f32 to vector<16xf32>
      %mul3A_1128 = arith.mulf %mul3A_1127, %broadcast_in_dim3A_1090 : vector<16xf32>
      %mul3A_1129 = arith.mulf %mul3A_1128, %mul3A_1125 : vector<16xf32>
      %mul3A_1130 = arith.mulf %mul3A_1129, %mul3A_1125 : vector<16xf32>
      %sub3A_1131 = arith.constant 1.500000e+00 : f32
      %sub3A_1132 = vector.broadcast %sub3A_1131 : f32 to vector<16xf32>
      %sub3A_1133 = arith.subf %sub3A_1132, %mul3A_1130 : vector<16xf32>
      %mul3A_1134 = arith.mulf %mul3A_1125, %sub3A_1133 : vector<16xf32>
      %mul3A_1135 = arith.constant 5.000000e-02 : f32
      %mul3A_1136 = vector.broadcast %mul3A_1135 : f32 to vector<16xf32>
      %mul3A_1137 = arith.mulf %mul3A_1136, %mul3A_1134 : vector<16xf32>
      %add3A_1138 = arith.constant 0.949999988 : f32
      %add3A_1139 = vector.broadcast %add3A_1138 : f32 to vector<16xf32>
      %add3A_1140 = arith.addf %add3A_1139, %mul3A_1137 : vector<16xf32>
      %mul3A_1141 = arith.mulf %get3A_1067, %add3A_1140 : vector<16xf32>
      %swap3A_1142 = arith.index_cast %add3A_1064 : i32 to index
      %swap3A_1143 = arith.constant 0 : index
      %swap3A_1144 = tpu.vector_load %arg7[%swap3A_1142, %swap3A_1143] {strides = array<i32>} : memref<512x64xf32, #tpu.memory_space<vmem>>, vector<16xf32>,
      tpu.vector_store %arg7[%swap3A_1142, %swap3A_1143], %mul3A_1141 {strides = array<i32>} : memref<512x64xf32, #tpu.memory_space<vmem>>, vector<16xf32>,
      %mul3A_1145 = arith.mulf %get3A_1070, %add3A_1140 : vector<16xf32>
      %swap3A_1146 = arith.index_cast %add3A_1064 : i32 to index
      %swap3A_1147 = arith.constant 16 : index
      %swap3A_1148 = tpu.vector_load %arg7[%swap3A_1146, %swap3A_1147] {strides = array<i32>} : memref<512x64xf32, #tpu.memory_space<vmem>>, vector<16xf32>,
      tpu.vector_store %arg7[%swap3A_1146, %swap3A_1147], %mul3A_1145 {strides = array<i32>} : memref<512x64xf32, #tpu.memory_space<vmem>>, vector<16xf32>,
      %mul3A_1149 = arith.mulf %get3A_1073, %add3A_1140 : vector<16xf32>
      %swap3A_1150 = arith.index_cast %add3A_1064 : i32 to index
      %swap3A_1151 = arith.constant 32 : index
      %swap3A_1152 = tpu.vector_load %arg7[%swap3A_1150, %swap3A_1151] {strides = array<i32>} : memref<512x64xf32, #tpu.memory_space<vmem>>, vector<16xf32>,
      tpu.vector_store %arg7[%swap3A_1150, %swap3A_1151], %mul3A_1149 {strides = array<i32>} : memref<512x64xf32, #tpu.memory_space<vmem>>, vector<16xf32>,
      %mul3A_1153 = arith.mulf %get3A_1076, %add3A_1140 : vector<16xf32>
      %swap3A_1154 = arith.index_cast %add3A_1064 : i32 to index
      %swap3A_1155 = arith.constant 48 : index
      %swap3A_1156 = tpu.vector_load %arg7[%swap3A_1154, %swap3A_1155] {strides = array<i32>} : memref<512x64xf32, #tpu.memory_space<vmem>>, vector<16xf32>,
      tpu.vector_store %arg7[%swap3A_1154, %swap3A_1155], %mul3A_1153 {strides = array<i32>} : memref<512x64xf32, #tpu.memory_space<vmem>>, vector<16xf32>,
      %mul3A_1157 = arith.constant 16 : i32
      %mul3A_1158 = arith.muli %scan3A_8, %mul3A_1157 : i32
      %add3A_1159 = arith.constant 12 : i32
      %add3A_1160 = arith.addi %mul3A_1158, %add3A_1159 : i32
      %get3A_1161 = arith.index_cast %add3A_1160 : i32 to index
      %get3A_1162 = arith.constant 0 : index
      %get3A_1163 = tpu.vector_load %arg7[%get3A_1161, %get3A_1162] {strides = array<i32>} : memref<512x64xf32, #tpu.memory_space<vmem>>, vector<16xf32>,
      %get3A_1164 = arith.index_cast %add3A_1160 : i32 to index
      %get3A_1165 = arith.constant 16 : index
      %get3A_1166 = tpu.vector_load %arg7[%get3A_1164, %get3A_1165] {strides = array<i32>} : memref<512x64xf32, #tpu.memory_space<vmem>>, vector<16xf32>,
      %get3A_1167 = arith.index_cast %add3A_1160 : i32 to index
      %get3A_1168 = arith.constant 32 : index
      %get3A_1169 = tpu.vector_load %arg7[%get3A_1167, %get3A_1168] {strides = array<i32>} : memref<512x64xf32, #tpu.memory_space<vmem>>, vector<16xf32>,
      %get3A_1170 = arith.index_cast %add3A_1160 : i32 to index
      %get3A_1171 = arith.constant 48 : index
      %get3A_1172 = tpu.vector_load %arg7[%get3A_1170, %get3A_1171] {strides = array<i32>} : memref<512x64xf32, #tpu.memory_space<vmem>>, vector<16xf32>,
      %mul3A_1173 = arith.mulf %get3A_1163, %get3A_1163 : vector<16xf32>
      %mul3A_1174 = arith.mulf %get3A_1166, %get3A_1166 : vector<16xf32>
      %add3A_1175 = arith.addf %mul3A_1173, %mul3A_1174 : vector<16xf32>
      %mul3A_1176 = arith.mulf %get3A_1169, %get3A_1169 : vector<16xf32>
      %add3A_1177 = arith.addf %add3A_1175, %mul3A_1176 : vector<16xf32>
      %mul3A_1178 = arith.mulf %get3A_1172, %get3A_1172 : vector<16xf32>
      %add3A_1179 = arith.addf %add3A_1177, %mul3A_1178 : vector<16xf32>
      %reduce_sum3A_1180 = arith.constant true
      %reduce_sum3A_1181 = vector.broadcast %reduce_sum3A_1180 : i1 to vector<16xi1>
      %reduce_sum3A_1182 = tpu.scan <sum>, %add3A_1179 masked %reduce_sum3A_1181 : vector<16xf32>, vector<16xi1> -> vector<16xf32>
      %reduce_sum3A_1183 = vector.extract %reduce_sum3A_1182[15] : f32 from vector<16xf32>
      %max3A_1184 = arith.constant 1.000000e-24 : f32
      %max3A_1185 = arith.maximumf %reduce_sum3A_1183, %max3A_1184 : f32
      %broadcast_in_dim3A_1186 = vector.broadcast %max3A_1185 : f32 to vector<16xf32>
      %bitcast3A_1187 = vector.bitcast %broadcast_in_dim3A_1186 : vector<16xf32> to vector<16xi32>
      %shift_right_arithmetic3A_1188 = arith.constant 1 : i32
      %shift_right_arithmetic3A_1189 = vector.broadcast %shift_right_arithmetic3A_1188 : i32 to vector<16xi32>
      %shift_right_arithmetic3A_1190 = arith.shrsi %bitcast3A_1187, %shift_right_arithmetic3A_1189 : vector<16xi32>
      %sub3A_1191 = arith.constant 1597463007 : i32
      %sub3A_1192 = vector.broadcast %sub3A_1191 : i32 to vector<16xi32>
      %sub3A_1193 = arith.subi %sub3A_1192, %shift_right_arithmetic3A_1190 : vector<16xi32>
      %bitcast3A_1194 = vector.bitcast %sub3A_1193 : vector<16xi32> to vector<16xf32>
      %mul3A_1195 = arith.constant 5.000000e-01 : f32
      %mul3A_1196 = vector.broadcast %mul3A_1195 : f32 to vector<16xf32>
      %mul3A_1197 = arith.mulf %mul3A_1196, %broadcast_in_dim3A_1186 : vector<16xf32>
      %mul3A_1198 = arith.mulf %mul3A_1197, %bitcast3A_1194 : vector<16xf32>
      %mul3A_1199 = arith.mulf %mul3A_1198, %bitcast3A_1194 : vector<16xf32>
      %sub3A_1200 = arith.constant 1.500000e+00 : f32
      %sub3A_1201 = vector.broadcast %sub3A_1200 : f32 to vector<16xf32>
      %sub3A_1202 = arith.subf %sub3A_1201, %mul3A_1199 : vector<16xf32>
      %mul3A_1203 = arith.mulf %bitcast3A_1194, %sub3A_1202 : vector<16xf32>
      %mul3A_1204 = arith.constant 5.000000e-01 : f32
      %mul3A_1205 = vector.broadcast %mul3A_1204 : f32 to vector<16xf32>
      %mul3A_1206 = arith.mulf %mul3A_1205, %broadcast_in_dim3A_1186 : vector<16xf32>
      %mul3A_1207 = arith.mulf %mul3A_1206, %mul3A_1203 : vector<16xf32>
      %mul3A_1208 = arith.mulf %mul3A_1207, %mul3A_1203 : vector<16xf32>
      %sub3A_1209 = arith.constant 1.500000e+00 : f32
      %sub3A_1210 = vector.broadcast %sub3A_1209 : f32 to vector<16xf32>
      %sub3A_1211 = arith.subf %sub3A_1210, %mul3A_1208 : vector<16xf32>
      %mul3A_1212 = arith.mulf %mul3A_1203, %sub3A_1211 : vector<16xf32>
      %mul3A_1213 = arith.constant 5.000000e-01 : f32
      %mul3A_1214 = vector.broadcast %mul3A_1213 : f32 to vector<16xf32>
      %mul3A_1215 = arith.mulf %mul3A_1214, %broadcast_in_dim3A_1186 : vector<16xf32>
      %mul3A_1216 = arith.mulf %mul3A_1215, %mul3A_1212 : vector<16xf32>
      %mul3A_1217 = arith.mulf %mul3A_1216, %mul3A_1212 : vector<16xf32>
      %sub3A_1218 = arith.constant 1.500000e+00 : f32
      %sub3A_1219 = vector.broadcast %sub3A_1218 : f32 to vector<16xf32>
      %sub3A_1220 = arith.subf %sub3A_1219, %mul3A_1217 : vector<16xf32>
      %mul3A_1221 = arith.mulf %mul3A_1212, %sub3A_1220 : vector<16xf32>
      %mul3A_1222 = arith.constant 5.000000e-01 : f32
      %mul3A_1223 = vector.broadcast %mul3A_1222 : f32 to vector<16xf32>
      %mul3A_1224 = arith.mulf %mul3A_1223, %broadcast_in_dim3A_1186 : vector<16xf32>
      %mul3A_1225 = arith.mulf %mul3A_1224, %mul3A_1221 : vector<16xf32>
      %mul3A_1226 = arith.mulf %mul3A_1225, %mul3A_1221 : vector<16xf32>
      %sub3A_1227 = arith.constant 1.500000e+00 : f32
      %sub3A_1228 = vector.broadcast %sub3A_1227 : f32 to vector<16xf32>
      %sub3A_1229 = arith.subf %sub3A_1228, %mul3A_1226 : vector<16xf32>
      %mul3A_1230 = arith.mulf %mul3A_1221, %sub3A_1229 : vector<16xf32>
      %mul3A_1231 = arith.constant 5.000000e-02 : f32
      %mul3A_1232 = vector.broadcast %mul3A_1231 : f32 to vector<16xf32>
      %mul3A_1233 = arith.mulf %mul3A_1232, %mul3A_1230 : vector<16xf32>
      %add3A_1234 = arith.constant 0.949999988 : f32
      %add3A_1235 = vector.broadcast %add3A_1234 : f32 to vector<16xf32>
      %add3A_1236 = arith.addf %add3A_1235, %mul3A_1233 : vector<16xf32>
      %mul3A_1237 = arith.mulf %get3A_1163, %add3A_1236 : vector<16xf32>
      %swap3A_1238 = arith.index_cast %add3A_1160 : i32 to index
      %swap3A_1239 = arith.constant 0 : index
      %swap3A_1240 = tpu.vector_load %arg7[%swap3A_1238, %swap3A_1239] {strides = array<i32>} : memref<512x64xf32, #tpu.memory_space<vmem>>, vector<16xf32>,
      tpu.vector_store %arg7[%swap3A_1238, %swap3A_1239], %mul3A_1237 {strides = array<i32>} : memref<512x64xf32, #tpu.memory_space<vmem>>, vector<16xf32>,
      %mul3A_1241 = arith.mulf %get3A_1166, %add3A_1236 : vector<16xf32>
      %swap3A_1242 = arith.index_cast %add3A_1160 : i32 to index
      %swap3A_1243 = arith.constant 16 : index
      %swap3A_1244 = tpu.vector_load %arg7[%swap3A_1242, %swap3A_1243] {strides = array<i32>} : memref<512x64xf32, #tpu.memory_space<vmem>>, vector<16xf32>,
      tpu.vector_store %arg7[%swap3A_1242, %swap3A_1243], %mul3A_1241 {strides = array<i32>} : memref<512x64xf32, #tpu.memory_space<vmem>>, vector<16xf32>,
      %mul3A_1245 = arith.mulf %get3A_1169, %add3A_1236 : vector<16xf32>
      %swap3A_1246 = arith.index_cast %add3A_1160 : i32 to index
      %swap3A_1247 = arith.constant 32 : index
      %swap3A_1248 = tpu.vector_load %arg7[%swap3A_1246, %swap3A_1247] {strides = array<i32>} : memref<512x64xf32, #tpu.memory_space<vmem>>, vector<16xf32>,
      tpu.vector_store %arg7[%swap3A_1246, %swap3A_1247], %mul3A_1245 {strides = array<i32>} : memref<512x64xf32, #tpu.memory_space<vmem>>, vector<16xf32>,
      %mul3A_1249 = arith.mulf %get3A_1172, %add3A_1236 : vector<16xf32>
      %swap3A_1250 = arith.index_cast %add3A_1160 : i32 to index
      %swap3A_1251 = arith.constant 48 : index
      %swap3A_1252 = tpu.vector_load %arg7[%swap3A_1250, %swap3A_1251] {strides = array<i32>} : memref<512x64xf32, #tpu.memory_space<vmem>>, vector<16xf32>,
      tpu.vector_store %arg7[%swap3A_1250, %swap3A_1251], %mul3A_1249 {strides = array<i32>} : memref<512x64xf32, #tpu.memory_space<vmem>>, vector<16xf32>,
      %mul3A_1253 = arith.constant 16 : i32
      %mul3A_1254 = arith.muli %scan3A_8, %mul3A_1253 : i32
      %add3A_1255 = arith.constant 13 : i32
      %add3A_1256 = arith.addi %mul3A_1254, %add3A_1255 : i32
      %get3A_1257 = arith.index_cast %add3A_1256 : i32 to index
      %get3A_1258 = arith.constant 0 : index
      %get3A_1259 = tpu.vector_load %arg7[%get3A_1257, %get3A_1258] {strides = array<i32>} : memref<512x64xf32, #tpu.memory_space<vmem>>, vector<16xf32>,
      %get3A_1260 = arith.index_cast %add3A_1256 : i32 to index
      %get3A_1261 = arith.constant 16 : index
      %get3A_1262 = tpu.vector_load %arg7[%get3A_1260, %get3A_1261] {strides = array<i32>} : memref<512x64xf32, #tpu.memory_space<vmem>>, vector<16xf32>,
      %get3A_1263 = arith.index_cast %add3A_1256 : i32 to index
      %get3A_1264 = arith.constant 32 : index
      %get3A_1265 = tpu.vector_load %arg7[%get3A_1263, %get3A_1264] {strides = array<i32>} : memref<512x64xf32, #tpu.memory_space<vmem>>, vector<16xf32>,
      %get3A_1266 = arith.index_cast %add3A_1256 : i32 to index
      %get3A_1267 = arith.constant 48 : index
      %get3A_1268 = tpu.vector_load %arg7[%get3A_1266, %get3A_1267] {strides = array<i32>} : memref<512x64xf32, #tpu.memory_space<vmem>>, vector<16xf32>,
      %mul3A_1269 = arith.mulf %get3A_1259, %get3A_1259 : vector<16xf32>
      %mul3A_1270 = arith.mulf %get3A_1262, %get3A_1262 : vector<16xf32>
      %add3A_1271 = arith.addf %mul3A_1269, %mul3A_1270 : vector<16xf32>
      %mul3A_1272 = arith.mulf %get3A_1265, %get3A_1265 : vector<16xf32>
      %add3A_1273 = arith.addf %add3A_1271, %mul3A_1272 : vector<16xf32>
      %mul3A_1274 = arith.mulf %get3A_1268, %get3A_1268 : vector<16xf32>
      %add3A_1275 = arith.addf %add3A_1273, %mul3A_1274 : vector<16xf32>
      %reduce_sum3A_1276 = arith.constant true
      %reduce_sum3A_1277 = vector.broadcast %reduce_sum3A_1276 : i1 to vector<16xi1>
      %reduce_sum3A_1278 = tpu.scan <sum>, %add3A_1275 masked %reduce_sum3A_1277 : vector<16xf32>, vector<16xi1> -> vector<16xf32>
      %reduce_sum3A_1279 = vector.extract %reduce_sum3A_1278[15] : f32 from vector<16xf32>
      %max3A_1280 = arith.constant 1.000000e-24 : f32
      %max3A_1281 = arith.maximumf %reduce_sum3A_1279, %max3A_1280 : f32
      %broadcast_in_dim3A_1282 = vector.broadcast %max3A_1281 : f32 to vector<16xf32>
      %bitcast3A_1283 = vector.bitcast %broadcast_in_dim3A_1282 : vector<16xf32> to vector<16xi32>
      %shift_right_arithmetic3A_1284 = arith.constant 1 : i32
      %shift_right_arithmetic3A_1285 = vector.broadcast %shift_right_arithmetic3A_1284 : i32 to vector<16xi32>
      %shift_right_arithmetic3A_1286 = arith.shrsi %bitcast3A_1283, %shift_right_arithmetic3A_1285 : vector<16xi32>
      %sub3A_1287 = arith.constant 1597463007 : i32
      %sub3A_1288 = vector.broadcast %sub3A_1287 : i32 to vector<16xi32>
      %sub3A_1289 = arith.subi %sub3A_1288, %shift_right_arithmetic3A_1286 : vector<16xi32>
      %bitcast3A_1290 = vector.bitcast %sub3A_1289 : vector<16xi32> to vector<16xf32>
      %mul3A_1291 = arith.constant 5.000000e-01 : f32
      %mul3A_1292 = vector.broadcast %mul3A_1291 : f32 to vector<16xf32>
      %mul3A_1293 = arith.mulf %mul3A_1292, %broadcast_in_dim3A_1282 : vector<16xf32>
      %mul3A_1294 = arith.mulf %mul3A_1293, %bitcast3A_1290 : vector<16xf32>
      %mul3A_1295 = arith.mulf %mul3A_1294, %bitcast3A_1290 : vector<16xf32>
      %sub3A_1296 = arith.constant 1.500000e+00 : f32
      %sub3A_1297 = vector.broadcast %sub3A_1296 : f32 to vector<16xf32>
      %sub3A_1298 = arith.subf %sub3A_1297, %mul3A_1295 : vector<16xf32>
      %mul3A_1299 = arith.mulf %bitcast3A_1290, %sub3A_1298 : vector<16xf32>
      %mul3A_1300 = arith.constant 5.000000e-01 : f32
      %mul3A_1301 = vector.broadcast %mul3A_1300 : f32 to vector<16xf32>
      %mul3A_1302 = arith.mulf %mul3A_1301, %broadcast_in_dim3A_1282 : vector<16xf32>
      %mul3A_1303 = arith.mulf %mul3A_1302, %mul3A_1299 : vector<16xf32>
      %mul3A_1304 = arith.mulf %mul3A_1303, %mul3A_1299 : vector<16xf32>
      %sub3A_1305 = arith.constant 1.500000e+00 : f32
      %sub3A_1306 = vector.broadcast %sub3A_1305 : f32 to vector<16xf32>
      %sub3A_1307 = arith.subf %sub3A_1306, %mul3A_1304 : vector<16xf32>
      %mul3A_1308 = arith.mulf %mul3A_1299, %sub3A_1307 : vector<16xf32>
      %mul3A_1309 = arith.constant 5.000000e-01 : f32
      %mul3A_1310 = vector.broadcast %mul3A_1309 : f32 to vector<16xf32>
      %mul3A_1311 = arith.mulf %mul3A_1310, %broadcast_in_dim3A_1282 : vector<16xf32>
      %mul3A_1312 = arith.mulf %mul3A_1311, %mul3A_1308 : vector<16xf32>
      %mul3A_1313 = arith.mulf %mul3A_1312, %mul3A_1308 : vector<16xf32>
      %sub3A_1314 = arith.constant 1.500000e+00 : f32
      %sub3A_1315 = vector.broadcast %sub3A_1314 : f32 to vector<16xf32>
      %sub3A_1316 = arith.subf %sub3A_1315, %mul3A_1313 : vector<16xf32>
      %mul3A_1317 = arith.mulf %mul3A_1308, %sub3A_1316 : vector<16xf32>
      %mul3A_1318 = arith.constant 5.000000e-01 : f32
      %mul3A_1319 = vector.broadcast %mul3A_1318 : f32 to vector<16xf32>
      %mul3A_1320 = arith.mulf %mul3A_1319, %broadcast_in_dim3A_1282 : vector<16xf32>
      %mul3A_1321 = arith.mulf %mul3A_1320, %mul3A_1317 : vector<16xf32>
      %mul3A_1322 = arith.mulf %mul3A_1321, %mul3A_1317 : vector<16xf32>
      %sub3A_1323 = arith.constant 1.500000e+00 : f32
      %sub3A_1324 = vector.broadcast %sub3A_1323 : f32 to vector<16xf32>
      %sub3A_1325 = arith.subf %sub3A_1324, %mul3A_1322 : vector<16xf32>
      %mul3A_1326 = arith.mulf %mul3A_1317, %sub3A_1325 : vector<16xf32>
      %mul3A_1327 = arith.constant 5.000000e-02 : f32
      %mul3A_1328 = vector.broadcast %mul3A_1327 : f32 to vector<16xf32>
      %mul3A_1329 = arith.mulf %mul3A_1328, %mul3A_1326 : vector<16xf32>
      %add3A_1330 = arith.constant 0.949999988 : f32
      %add3A_1331 = vector.broadcast %add3A_1330 : f32 to vector<16xf32>
      %add3A_1332 = arith.addf %add3A_1331, %mul3A_1329 : vector<16xf32>
      %mul3A_1333 = arith.mulf %get3A_1259, %add3A_1332 : vector<16xf32>
      %swap3A_1334 = arith.index_cast %add3A_1256 : i32 to index
      %swap3A_1335 = arith.constant 0 : index
      %swap3A_1336 = tpu.vector_load %arg7[%swap3A_1334, %swap3A_1335] {strides = array<i32>} : memref<512x64xf32, #tpu.memory_space<vmem>>, vector<16xf32>,
      tpu.vector_store %arg7[%swap3A_1334, %swap3A_1335], %mul3A_1333 {strides = array<i32>} : memref<512x64xf32, #tpu.memory_space<vmem>>, vector<16xf32>,
      %mul3A_1337 = arith.mulf %get3A_1262, %add3A_1332 : vector<16xf32>
      %swap3A_1338 = arith.index_cast %add3A_1256 : i32 to index
      %swap3A_1339 = arith.constant 16 : index
      %swap3A_1340 = tpu.vector_load %arg7[%swap3A_1338, %swap3A_1339] {strides = array<i32>} : memref<512x64xf32, #tpu.memory_space<vmem>>, vector<16xf32>,
      tpu.vector_store %arg7[%swap3A_1338, %swap3A_1339], %mul3A_1337 {strides = array<i32>} : memref<512x64xf32, #tpu.memory_space<vmem>>, vector<16xf32>,
      %mul3A_1341 = arith.mulf %get3A_1265, %add3A_1332 : vector<16xf32>
      %swap3A_1342 = arith.index_cast %add3A_1256 : i32 to index
      %swap3A_1343 = arith.constant 32 : index
      %swap3A_1344 = tpu.vector_load %arg7[%swap3A_1342, %swap3A_1343] {strides = array<i32>} : memref<512x64xf32, #tpu.memory_space<vmem>>, vector<16xf32>,
      tpu.vector_store %arg7[%swap3A_1342, %swap3A_1343], %mul3A_1341 {strides = array<i32>} : memref<512x64xf32, #tpu.memory_space<vmem>>, vector<16xf32>,
      %mul3A_1345 = arith.mulf %get3A_1268, %add3A_1332 : vector<16xf32>
      %swap3A_1346 = arith.index_cast %add3A_1256 : i32 to index
      %swap3A_1347 = arith.constant 48 : index
      %swap3A_1348 = tpu.vector_load %arg7[%swap3A_1346, %swap3A_1347] {strides = array<i32>} : memref<512x64xf32, #tpu.memory_space<vmem>>, vector<16xf32>,
      tpu.vector_store %arg7[%swap3A_1346, %swap3A_1347], %mul3A_1345 {strides = array<i32>} : memref<512x64xf32, #tpu.memory_space<vmem>>, vector<16xf32>,
      %mul3A_1349 = arith.constant 16 : i32
      %mul3A_1350 = arith.muli %scan3A_8, %mul3A_1349 : i32
      %add3A_1351 = arith.constant 14 : i32
      %add3A_1352 = arith.addi %mul3A_1350, %add3A_1351 : i32
      %get3A_1353 = arith.index_cast %add3A_1352 : i32 to index
      %get3A_1354 = arith.constant 0 : index
      %get3A_1355 = tpu.vector_load %arg7[%get3A_1353, %get3A_1354] {strides = array<i32>} : memref<512x64xf32, #tpu.memory_space<vmem>>, vector<16xf32>,
      %get3A_1356 = arith.index_cast %add3A_1352 : i32 to index
      %get3A_1357 = arith.constant 16 : index
      %get3A_1358 = tpu.vector_load %arg7[%get3A_1356, %get3A_1357] {strides = array<i32>} : memref<512x64xf32, #tpu.memory_space<vmem>>, vector<16xf32>,
      %get3A_1359 = arith.index_cast %add3A_1352 : i32 to index
      %get3A_1360 = arith.constant 32 : index
      %get3A_1361 = tpu.vector_load %arg7[%get3A_1359, %get3A_1360] {strides = array<i32>} : memref<512x64xf32, #tpu.memory_space<vmem>>, vector<16xf32>,
      %get3A_1362 = arith.index_cast %add3A_1352 : i32 to index
      %get3A_1363 = arith.constant 48 : index
      %get3A_1364 = tpu.vector_load %arg7[%get3A_1362, %get3A_1363] {strides = array<i32>} : memref<512x64xf32, #tpu.memory_space<vmem>>, vector<16xf32>,
      %mul3A_1365 = arith.mulf %get3A_1355, %get3A_1355 : vector<16xf32>
      %mul3A_1366 = arith.mulf %get3A_1358, %get3A_1358 : vector<16xf32>
      %add3A_1367 = arith.addf %mul3A_1365, %mul3A_1366 : vector<16xf32>
      %mul3A_1368 = arith.mulf %get3A_1361, %get3A_1361 : vector<16xf32>
      %add3A_1369 = arith.addf %add3A_1367, %mul3A_1368 : vector<16xf32>
      %mul3A_1370 = arith.mulf %get3A_1364, %get3A_1364 : vector<16xf32>
      %add3A_1371 = arith.addf %add3A_1369, %mul3A_1370 : vector<16xf32>
      %reduce_sum3A_1372 = arith.constant true
      %reduce_sum3A_1373 = vector.broadcast %reduce_sum3A_1372 : i1 to vector<16xi1>
      %reduce_sum3A_1374 = tpu.scan <sum>, %add3A_1371 masked %reduce_sum3A_1373 : vector<16xf32>, vector<16xi1> -> vector<16xf32>
      %reduce_sum3A_1375 = vector.extract %reduce_sum3A_1374[15] : f32 from vector<16xf32>
      %max3A_1376 = arith.constant 1.000000e-24 : f32
      %max3A_1377 = arith.maximumf %reduce_sum3A_1375, %max3A_1376 : f32
      %broadcast_in_dim3A_1378 = vector.broadcast %max3A_1377 : f32 to vector<16xf32>
      %bitcast3A_1379 = vector.bitcast %broadcast_in_dim3A_1378 : vector<16xf32> to vector<16xi32>
      %shift_right_arithmetic3A_1380 = arith.constant 1 : i32
      %shift_right_arithmetic3A_1381 = vector.broadcast %shift_right_arithmetic3A_1380 : i32 to vector<16xi32>
      %shift_right_arithmetic3A_1382 = arith.shrsi %bitcast3A_1379, %shift_right_arithmetic3A_1381 : vector<16xi32>
      %sub3A_1383 = arith.constant 1597463007 : i32
      %sub3A_1384 = vector.broadcast %sub3A_1383 : i32 to vector<16xi32>
      %sub3A_1385 = arith.subi %sub3A_1384, %shift_right_arithmetic3A_1382 : vector<16xi32>
      %bitcast3A_1386 = vector.bitcast %sub3A_1385 : vector<16xi32> to vector<16xf32>
      %mul3A_1387 = arith.constant 5.000000e-01 : f32
      %mul3A_1388 = vector.broadcast %mul3A_1387 : f32 to vector<16xf32>
      %mul3A_1389 = arith.mulf %mul3A_1388, %broadcast_in_dim3A_1378 : vector<16xf32>
      %mul3A_1390 = arith.mulf %mul3A_1389, %bitcast3A_1386 : vector<16xf32>
      %mul3A_1391 = arith.mulf %mul3A_1390, %bitcast3A_1386 : vector<16xf32>
      %sub3A_1392 = arith.constant 1.500000e+00 : f32
      %sub3A_1393 = vector.broadcast %sub3A_1392 : f32 to vector<16xf32>
      %sub3A_1394 = arith.subf %sub3A_1393, %mul3A_1391 : vector<16xf32>
      %mul3A_1395 = arith.mulf %bitcast3A_1386, %sub3A_1394 : vector<16xf32>
      %mul3A_1396 = arith.constant 5.000000e-01 : f32
      %mul3A_1397 = vector.broadcast %mul3A_1396 : f32 to vector<16xf32>
      %mul3A_1398 = arith.mulf %mul3A_1397, %broadcast_in_dim3A_1378 : vector<16xf32>
      %mul3A_1399 = arith.mulf %mul3A_1398, %mul3A_1395 : vector<16xf32>
      %mul3A_1400 = arith.mulf %mul3A_1399, %mul3A_1395 : vector<16xf32>
      %sub3A_1401 = arith.constant 1.500000e+00 : f32
      %sub3A_1402 = vector.broadcast %sub3A_1401 : f32 to vector<16xf32>
      %sub3A_1403 = arith.subf %sub3A_1402, %mul3A_1400 : vector<16xf32>
      %mul3A_1404 = arith.mulf %mul3A_1395, %sub3A_1403 : vector<16xf32>
      %mul3A_1405 = arith.constant 5.000000e-01 : f32
      %mul3A_1406 = vector.broadcast %mul3A_1405 : f32 to vector<16xf32>
      %mul3A_1407 = arith.mulf %mul3A_1406, %broadcast_in_dim3A_1378 : vector<16xf32>
      %mul3A_1408 = arith.mulf %mul3A_1407, %mul3A_1404 : vector<16xf32>
      %mul3A_1409 = arith.mulf %mul3A_1408, %mul3A_1404 : vector<16xf32>
      %sub3A_1410 = arith.constant 1.500000e+00 : f32
      %sub3A_1411 = vector.broadcast %sub3A_1410 : f32 to vector<16xf32>
      %sub3A_1412 = arith.subf %sub3A_1411, %mul3A_1409 : vector<16xf32>
      %mul3A_1413 = arith.mulf %mul3A_1404, %sub3A_1412 : vector<16xf32>
      %mul3A_1414 = arith.constant 5.000000e-01 : f32
      %mul3A_1415 = vector.broadcast %mul3A_1414 : f32 to vector<16xf32>
      %mul3A_1416 = arith.mulf %mul3A_1415, %broadcast_in_dim3A_1378 : vector<16xf32>
      %mul3A_1417 = arith.mulf %mul3A_1416, %mul3A_1413 : vector<16xf32>
      %mul3A_1418 = arith.mulf %mul3A_1417, %mul3A_1413 : vector<16xf32>
      %sub3A_1419 = arith.constant 1.500000e+00 : f32
      %sub3A_1420 = vector.broadcast %sub3A_1419 : f32 to vector<16xf32>
      %sub3A_1421 = arith.subf %sub3A_1420, %mul3A_1418 : vector<16xf32>
      %mul3A_1422 = arith.mulf %mul3A_1413, %sub3A_1421 : vector<16xf32>
      %mul3A_1423 = arith.constant 5.000000e-02 : f32
      %mul3A_1424 = vector.broadcast %mul3A_1423 : f32 to vector<16xf32>
      %mul3A_1425 = arith.mulf %mul3A_1424, %mul3A_1422 : vector<16xf32>
      %add3A_1426 = arith.constant 0.949999988 : f32
      %add3A_1427 = vector.broadcast %add3A_1426 : f32 to vector<16xf32>
      %add3A_1428 = arith.addf %add3A_1427, %mul3A_1425 : vector<16xf32>
      %mul3A_1429 = arith.mulf %get3A_1355, %add3A_1428 : vector<16xf32>
      %swap3A_1430 = arith.index_cast %add3A_1352 : i32 to index
      %swap3A_1431 = arith.constant 0 : index
      %swap3A_1432 = tpu.vector_load %arg7[%swap3A_1430, %swap3A_1431] {strides = array<i32>} : memref<512x64xf32, #tpu.memory_space<vmem>>, vector<16xf32>,
      tpu.vector_store %arg7[%swap3A_1430, %swap3A_1431], %mul3A_1429 {strides = array<i32>} : memref<512x64xf32, #tpu.memory_space<vmem>>, vector<16xf32>,
      %mul3A_1433 = arith.mulf %get3A_1358, %add3A_1428 : vector<16xf32>
      %swap3A_1434 = arith.index_cast %add3A_1352 : i32 to index
      %swap3A_1435 = arith.constant 16 : index
      %swap3A_1436 = tpu.vector_load %arg7[%swap3A_1434, %swap3A_1435] {strides = array<i32>} : memref<512x64xf32, #tpu.memory_space<vmem>>, vector<16xf32>,
      tpu.vector_store %arg7[%swap3A_1434, %swap3A_1435], %mul3A_1433 {strides = array<i32>} : memref<512x64xf32, #tpu.memory_space<vmem>>, vector<16xf32>,
      %mul3A_1437 = arith.mulf %get3A_1361, %add3A_1428 : vector<16xf32>
      %swap3A_1438 = arith.index_cast %add3A_1352 : i32 to index
      %swap3A_1439 = arith.constant 32 : index
      %swap3A_1440 = tpu.vector_load %arg7[%swap3A_1438, %swap3A_1439] {strides = array<i32>} : memref<512x64xf32, #tpu.memory_space<vmem>>, vector<16xf32>,
      tpu.vector_store %arg7[%swap3A_1438, %swap3A_1439], %mul3A_1437 {strides = array<i32>} : memref<512x64xf32, #tpu.memory_space<vmem>>, vector<16xf32>,
      %mul3A_1441 = arith.mulf %get3A_1364, %add3A_1428 : vector<16xf32>
      %swap3A_1442 = arith.index_cast %add3A_1352 : i32 to index
      %swap3A_1443 = arith.constant 48 : index
      %swap3A_1444 = tpu.vector_load %arg7[%swap3A_1442, %swap3A_1443] {strides = array<i32>} : memref<512x64xf32, #tpu.memory_space<vmem>>, vector<16xf32>,
      tpu.vector_store %arg7[%swap3A_1442, %swap3A_1443], %mul3A_1441 {strides = array<i32>} : memref<512x64xf32, #tpu.memory_space<vmem>>, vector<16xf32>,
      %mul3A_1445 = arith.constant 16 : i32
      %mul3A_1446 = arith.muli %scan3A_8, %mul3A_1445 : i32
      %add3A_1447 = arith.constant 15 : i32
      %add3A_1448 = arith.addi %mul3A_1446, %add3A_1447 : i32
      %get3A_1449 = arith.index_cast %add3A_1448 : i32 to index
      %get3A_1450 = arith.constant 0 : index
      %get3A_1451 = tpu.vector_load %arg7[%get3A_1449, %get3A_1450] {strides = array<i32>} : memref<512x64xf32, #tpu.memory_space<vmem>>, vector<16xf32>,
      %get3A_1452 = arith.index_cast %add3A_1448 : i32 to index
      %get3A_1453 = arith.constant 16 : index
      %get3A_1454 = tpu.vector_load %arg7[%get3A_1452, %get3A_1453] {strides = array<i32>} : memref<512x64xf32, #tpu.memory_space<vmem>>, vector<16xf32>,
      %get3A_1455 = arith.index_cast %add3A_1448 : i32 to index
      %get3A_1456 = arith.constant 32 : index
      %get3A_1457 = tpu.vector_load %arg7[%get3A_1455, %get3A_1456] {strides = array<i32>} : memref<512x64xf32, #tpu.memory_space<vmem>>, vector<16xf32>,
      %get3A_1458 = arith.index_cast %add3A_1448 : i32 to index
      %get3A_1459 = arith.constant 48 : index
      %get3A_1460 = tpu.vector_load %arg7[%get3A_1458, %get3A_1459] {strides = array<i32>} : memref<512x64xf32, #tpu.memory_space<vmem>>, vector<16xf32>,
      %mul3A_1461 = arith.mulf %get3A_1451, %get3A_1451 : vector<16xf32>
      %mul3A_1462 = arith.mulf %get3A_1454, %get3A_1454 : vector<16xf32>
      %add3A_1463 = arith.addf %mul3A_1461, %mul3A_1462 : vector<16xf32>
      %mul3A_1464 = arith.mulf %get3A_1457, %get3A_1457 : vector<16xf32>
      %add3A_1465 = arith.addf %add3A_1463, %mul3A_1464 : vector<16xf32>
      %mul3A_1466 = arith.mulf %get3A_1460, %get3A_1460 : vector<16xf32>
      %add3A_1467 = arith.addf %add3A_1465, %mul3A_1466 : vector<16xf32>
      %reduce_sum3A_1468 = arith.constant true
      %reduce_sum3A_1469 = vector.broadcast %reduce_sum3A_1468 : i1 to vector<16xi1>
      %reduce_sum3A_1470 = tpu.scan <sum>, %add3A_1467 masked %reduce_sum3A_1469 : vector<16xf32>, vector<16xi1> -> vector<16xf32>
      %reduce_sum3A_1471 = vector.extract %reduce_sum3A_1470[15] : f32 from vector<16xf32>
      %max3A_1472 = arith.constant 1.000000e-24 : f32
      %max3A_1473 = arith.maximumf %reduce_sum3A_1471, %max3A_1472 : f32
      %broadcast_in_dim3A_1474 = vector.broadcast %max3A_1473 : f32 to vector<16xf32>
      %bitcast3A_1475 = vector.bitcast %broadcast_in_dim3A_1474 : vector<16xf32> to vector<16xi32>
      %shift_right_arithmetic3A_1476 = arith.constant 1 : i32
      %shift_right_arithmetic3A_1477 = vector.broadcast %shift_right_arithmetic3A_1476 : i32 to vector<16xi32>
      %shift_right_arithmetic3A_1478 = arith.shrsi %bitcast3A_1475, %shift_right_arithmetic3A_1477 : vector<16xi32>
      %sub3A_1479 = arith.constant 1597463007 : i32
      %sub3A_1480 = vector.broadcast %sub3A_1479 : i32 to vector<16xi32>
      %sub3A_1481 = arith.subi %sub3A_1480, %shift_right_arithmetic3A_1478 : vector<16xi32>
      %bitcast3A_1482 = vector.bitcast %sub3A_1481 : vector<16xi32> to vector<16xf32>
      %mul3A_1483 = arith.constant 5.000000e-01 : f32
      %mul3A_1484 = vector.broadcast %mul3A_1483 : f32 to vector<16xf32>
      %mul3A_1485 = arith.mulf %mul3A_1484, %broadcast_in_dim3A_1474 : vector<16xf32>
      %mul3A_1486 = arith.mulf %mul3A_1485, %bitcast3A_1482 : vector<16xf32>
      %mul3A_1487 = arith.mulf %mul3A_1486, %bitcast3A_1482 : vector<16xf32>
      %sub3A_1488 = arith.constant 1.500000e+00 : f32
      %sub3A_1489 = vector.broadcast %sub3A_1488 : f32 to vector<16xf32>
      %sub3A_1490 = arith.subf %sub3A_1489, %mul3A_1487 : vector<16xf32>
      %mul3A_1491 = arith.mulf %bitcast3A_1482, %sub3A_1490 : vector<16xf32>
      %mul3A_1492 = arith.constant 5.000000e-01 : f32
      %mul3A_1493 = vector.broadcast %mul3A_1492 : f32 to vector<16xf32>
      %mul3A_1494 = arith.mulf %mul3A_1493, %broadcast_in_dim3A_1474 : vector<16xf32>
      %mul3A_1495 = arith.mulf %mul3A_1494, %mul3A_1491 : vector<16xf32>
      %mul3A_1496 = arith.mulf %mul3A_1495, %mul3A_1491 : vector<16xf32>
      %sub3A_1497 = arith.constant 1.500000e+00 : f32
      %sub3A_1498 = vector.broadcast %sub3A_1497 : f32 to vector<16xf32>
      %sub3A_1499 = arith.subf %sub3A_1498, %mul3A_1496 : vector<16xf32>
      %mul3A_1500 = arith.mulf %mul3A_1491, %sub3A_1499 : vector<16xf32>
      %mul3A_1501 = arith.constant 5.000000e-01 : f32
      %mul3A_1502 = vector.broadcast %mul3A_1501 : f32 to vector<16xf32>
      %mul3A_1503 = arith.mulf %mul3A_1502, %broadcast_in_dim3A_1474 : vector<16xf32>
      %mul3A_1504 = arith.mulf %mul3A_1503, %mul3A_1500 : vector<16xf32>
      %mul3A_1505 = arith.mulf %mul3A_1504, %mul3A_1500 : vector<16xf32>
      %sub3A_1506 = arith.constant 1.500000e+00 : f32
      %sub3A_1507 = vector.broadcast %sub3A_1506 : f32 to vector<16xf32>
      %sub3A_1508 = arith.subf %sub3A_1507, %mul3A_1505 : vector<16xf32>
      %mul3A_1509 = arith.mulf %mul3A_1500, %sub3A_1508 : vector<16xf32>
      %mul3A_1510 = arith.constant 5.000000e-01 : f32
      %mul3A_1511 = vector.broadcast %mul3A_1510 : f32 to vector<16xf32>
      %mul3A_1512 = arith.mulf %mul3A_1511, %broadcast_in_dim3A_1474 : vector<16xf32>
      %mul3A_1513 = arith.mulf %mul3A_1512, %mul3A_1509 : vector<16xf32>
      %mul3A_1514 = arith.mulf %mul3A_1513, %mul3A_1509 : vector<16xf32>
      %sub3A_1515 = arith.constant 1.500000e+00 : f32
      %sub3A_1516 = vector.broadcast %sub3A_1515 : f32 to vector<16xf32>
      %sub3A_1517 = arith.subf %sub3A_1516, %mul3A_1514 : vector<16xf32>
      %mul3A_1518 = arith.mulf %mul3A_1509, %sub3A_1517 : vector<16xf32>
      %mul3A_1519 = arith.constant 5.000000e-02 : f32
      %mul3A_1520 = vector.broadcast %mul3A_1519 : f32 to vector<16xf32>
      %mul3A_1521 = arith.mulf %mul3A_1520, %mul3A_1518 : vector<16xf32>
      %add3A_1522 = arith.constant 0.949999988 : f32
      %add3A_1523 = vector.broadcast %add3A_1522 : f32 to vector<16xf32>
      %add3A_1524 = arith.addf %add3A_1523, %mul3A_1521 : vector<16xf32>
      %mul3A_1525 = arith.mulf %get3A_1451, %add3A_1524 : vector<16xf32>
      %swap3A_1526 = arith.index_cast %add3A_1448 : i32 to index
      %swap3A_1527 = arith.constant 0 : index
      %swap3A_1528 = tpu.vector_load %arg7[%swap3A_1526, %swap3A_1527] {strides = array<i32>} : memref<512x64xf32, #tpu.memory_space<vmem>>, vector<16xf32>,
      tpu.vector_store %arg7[%swap3A_1526, %swap3A_1527], %mul3A_1525 {strides = array<i32>} : memref<512x64xf32, #tpu.memory_space<vmem>>, vector<16xf32>,
      %mul3A_1529 = arith.mulf %get3A_1454, %add3A_1524 : vector<16xf32>
      %swap3A_1530 = arith.index_cast %add3A_1448 : i32 to index
      %swap3A_1531 = arith.constant 16 : index
      %swap3A_1532 = tpu.vector_load %arg7[%swap3A_1530, %swap3A_1531] {strides = array<i32>} : memref<512x64xf32, #tpu.memory_space<vmem>>, vector<16xf32>,
      tpu.vector_store %arg7[%swap3A_1530, %swap3A_1531], %mul3A_1529 {strides = array<i32>} : memref<512x64xf32, #tpu.memory_space<vmem>>, vector<16xf32>,
      %mul3A_1533 = arith.mulf %get3A_1457, %add3A_1524 : vector<16xf32>
      %swap3A_1534 = arith.index_cast %add3A_1448 : i32 to index
      %swap3A_1535 = arith.constant 32 : index
      %swap3A_1536 = tpu.vector_load %arg7[%swap3A_1534, %swap3A_1535] {strides = array<i32>} : memref<512x64xf32, #tpu.memory_space<vmem>>, vector<16xf32>,
      tpu.vector_store %arg7[%swap3A_1534, %swap3A_1535], %mul3A_1533 {strides = array<i32>} : memref<512x64xf32, #tpu.memory_space<vmem>>, vector<16xf32>,
      %mul3A_1537 = arith.mulf %get3A_1460, %add3A_1524 : vector<16xf32>
      %swap3A_1538 = arith.index_cast %add3A_1448 : i32 to index
      %swap3A_1539 = arith.constant 48 : index
      %swap3A_1540 = tpu.vector_load %arg7[%swap3A_1538, %swap3A_1539] {strides = array<i32>} : memref<512x64xf32, #tpu.memory_space<vmem>>, vector<16xf32>,
      tpu.vector_store %arg7[%swap3A_1538, %swap3A_1539], %mul3A_1537 {strides = array<i32>} : memref<512x64xf32, #tpu.memory_space<vmem>>, vector<16xf32>,
      %mul3A_1541 = arith.constant 16 : i32
      %mul3A_1542 = arith.muli %scan3A_8, %mul3A_1541 : i32
      %add3A_1543 = arith.constant 0 : i32
      %add3A_1544 = arith.addi %mul3A_1542, %add3A_1543 : i32
      %slice3A = vector.extract_strided_slice %get3A_11 {offsets = [0], sizes = [1], strides = [1]} : vector<16xi32> to vector<1xi32>
      %squeeze3A = vector.extract %slice3A[0] : i32 from vector<1xi32>
      %dma_start3A = arith.constant 0 : i32
      %dma_start3A_1545 = tpu.memref_slice %arg7[%add3A_1544, %dma_start3A] : memref<512x64xf32, #tpu.memory_space<vmem>> -> memref<1x64xf32, #tpu.memory_space<vmem>>
      %dma_start3A_1546 = arith.constant 0 : i32
      %dma_start3A_1547 = tpu.memref_slice %arg5[%squeeze3A, %dma_start3A_1546] : memref<1000000x64xf32, #tpu.memory_space<hbm>> -> memref<1x64xf32, #tpu.memory_space<hbm>>
      %dma_start3A_1548 = arith.constant 0 : i32
      %dma_start3A_1549 = tpu.memref_slice %arg5[%squeeze3A, %dma_start3A_1548] : memref<1000000x64xf32, #tpu.memory_space<hbm>> -> memref<1x64xf32, #tpu.memory_space<hbm>>
      %dma_start3A_1550 = arith.constant 0 : i32
      %dma_start3A_1551 = tpu.memref_slice %arg7[%add3A_1544, %dma_start3A_1550] : memref<512x64xf32, #tpu.memory_space<vmem>> -> memref<1x64xf32, #tpu.memory_space<vmem>>
      tpu.enqueue_dma source(%dma_start3A_1551 : memref<1x64xf32, #tpu.memory_space<vmem>>) target(%dma_start3A_1549 : memref<1x64xf32, #tpu.memory_space<hbm>>) target_semaphore(%arg8 : memref<!tpu.dma_semaphore, #tpu.memory_space<semaphore_mem>>)
      %mul3A_1552 = arith.constant 16 : i32
      %mul3A_1553 = arith.muli %scan3A_8, %mul3A_1552 : i32
      %add3A_1554 = arith.constant 1 : i32
      %add3A_1555 = arith.addi %mul3A_1553, %add3A_1554 : i32
      %slice3A_1556 = vector.extract_strided_slice %get3A_11 {offsets = [1], sizes = [1], strides = [1]} : vector<16xi32> to vector<1xi32>
      %squeeze3A_1557 = vector.extract %slice3A_1556[0] : i32 from vector<1xi32>
      %dma_start3A_1558 = arith.constant 0 : i32
      %dma_start3A_1559 = tpu.memref_slice %arg7[%add3A_1555, %dma_start3A_1558] : memref<512x64xf32, #tpu.memory_space<vmem>> -> memref<1x64xf32, #tpu.memory_space<vmem>>
      %dma_start3A_1560 = arith.constant 0 : i32
      %dma_start3A_1561 = tpu.memref_slice %arg5[%squeeze3A_1557, %dma_start3A_1560] : memref<1000000x64xf32, #tpu.memory_space<hbm>> -> memref<1x64xf32, #tpu.memory_space<hbm>>
      %dma_start3A_1562 = arith.constant 0 : i32
      %dma_start3A_1563 = tpu.memref_slice %arg5[%squeeze3A_1557, %dma_start3A_1562] : memref<1000000x64xf32, #tpu.memory_space<hbm>> -> memref<1x64xf32, #tpu.memory_space<hbm>>
      %dma_start3A_1564 = arith.constant 0 : i32
      %dma_start3A_1565 = tpu.memref_slice %arg7[%add3A_1555, %dma_start3A_1564] : memref<512x64xf32, #tpu.memory_space<vmem>> -> memref<1x64xf32, #tpu.memory_space<vmem>>
      tpu.enqueue_dma source(%dma_start3A_1565 : memref<1x64xf32, #tpu.memory_space<vmem>>) target(%dma_start3A_1563 : memref<1x64xf32, #tpu.memory_space<hbm>>) target_semaphore(%arg8 : memref<!tpu.dma_semaphore, #tpu.memory_space<semaphore_mem>>)
      %mul3A_1566 = arith.constant 16 : i32
      %mul3A_1567 = arith.muli %scan3A_8, %mul3A_1566 : i32
      %add3A_1568 = arith.constant 2 : i32
      %add3A_1569 = arith.addi %mul3A_1567, %add3A_1568 : i32
      %slice3A_1570 = vector.extract_strided_slice %get3A_11 {offsets = [2], sizes = [1], strides = [1]} : vector<16xi32> to vector<1xi32>
      %squeeze3A_1571 = vector.extract %slice3A_1570[0] : i32 from vector<1xi32>
      %dma_start3A_1572 = arith.constant 0 : i32
      %dma_start3A_1573 = tpu.memref_slice %arg7[%add3A_1569, %dma_start3A_1572] : memref<512x64xf32, #tpu.memory_space<vmem>> -> memref<1x64xf32, #tpu.memory_space<vmem>>
      %dma_start3A_1574 = arith.constant 0 : i32
      %dma_start3A_1575 = tpu.memref_slice %arg5[%squeeze3A_1571, %dma_start3A_1574] : memref<1000000x64xf32, #tpu.memory_space<hbm>> -> memref<1x64xf32, #tpu.memory_space<hbm>>
      %dma_start3A_1576 = arith.constant 0 : i32
      %dma_start3A_1577 = tpu.memref_slice %arg5[%squeeze3A_1571, %dma_start3A_1576] : memref<1000000x64xf32, #tpu.memory_space<hbm>> -> memref<1x64xf32, #tpu.memory_space<hbm>>
      %dma_start3A_1578 = arith.constant 0 : i32
      %dma_start3A_1579 = tpu.memref_slice %arg7[%add3A_1569, %dma_start3A_1578] : memref<512x64xf32, #tpu.memory_space<vmem>> -> memref<1x64xf32, #tpu.memory_space<vmem>>
      tpu.enqueue_dma source(%dma_start3A_1579 : memref<1x64xf32, #tpu.memory_space<vmem>>) target(%dma_start3A_1577 : memref<1x64xf32, #tpu.memory_space<hbm>>) target_semaphore(%arg8 : memref<!tpu.dma_semaphore, #tpu.memory_space<semaphore_mem>>)
      %mul3A_1580 = arith.constant 16 : i32
      %mul3A_1581 = arith.muli %scan3A_8, %mul3A_1580 : i32
      %add3A_1582 = arith.constant 3 : i32
      %add3A_1583 = arith.addi %mul3A_1581, %add3A_1582 : i32
      %slice3A_1584 = vector.extract_strided_slice %get3A_11 {offsets = [3], sizes = [1], strides = [1]} : vector<16xi32> to vector<1xi32>
      %squeeze3A_1585 = vector.extract %slice3A_1584[0] : i32 from vector<1xi32>
      %dma_start3A_1586 = arith.constant 0 : i32
      %dma_start3A_1587 = tpu.memref_slice %arg7[%add3A_1583, %dma_start3A_1586] : memref<512x64xf32, #tpu.memory_space<vmem>> -> memref<1x64xf32, #tpu.memory_space<vmem>>
      %dma_start3A_1588 = arith.constant 0 : i32
      %dma_start3A_1589 = tpu.memref_slice %arg5[%squeeze3A_1585, %dma_start3A_1588] : memref<1000000x64xf32, #tpu.memory_space<hbm>> -> memref<1x64xf32, #tpu.memory_space<hbm>>
      %dma_start3A_1590 = arith.constant 0 : i32
      %dma_start3A_1591 = tpu.memref_slice %arg5[%squeeze3A_1585, %dma_start3A_1590] : memref<1000000x64xf32, #tpu.memory_space<hbm>> -> memref<1x64xf32, #tpu.memory_space<hbm>>
      %dma_start3A_1592 = arith.constant 0 : i32
      %dma_start3A_1593 = tpu.memref_slice %arg7[%add3A_1583, %dma_start3A_1592] : memref<512x64xf32, #tpu.memory_space<vmem>> -> memref<1x64xf32, #tpu.memory_space<vmem>>
      tpu.enqueue_dma source(%dma_start3A_1593 : memref<1x64xf32, #tpu.memory_space<vmem>>) target(%dma_start3A_1591 : memref<1x64xf32, #tpu.memory_space<hbm>>) target_semaphore(%arg8 : memref<!tpu.dma_semaphore, #tpu.memory_space<semaphore_mem>>)
      %mul3A_1594 = arith.constant 16 : i32
      %mul3A_1595 = arith.muli %scan3A_8, %mul3A_1594 : i32
      %add3A_1596 = arith.constant 4 : i32
      %add3A_1597 = arith.addi %mul3A_1595, %add3A_1596 : i32
      %slice3A_1598 = vector.extract_strided_slice %get3A_11 {offsets = [4], sizes = [1], strides = [1]} : vector<16xi32> to vector<1xi32>
      %squeeze3A_1599 = vector.extract %slice3A_1598[0] : i32 from vector<1xi32>
      %dma_start3A_1600 = arith.constant 0 : i32
      %dma_start3A_1601 = tpu.memref_slice %arg7[%add3A_1597, %dma_start3A_1600] : memref<512x64xf32, #tpu.memory_space<vmem>> -> memref<1x64xf32, #tpu.memory_space<vmem>>
      %dma_start3A_1602 = arith.constant 0 : i32
      %dma_start3A_1603 = tpu.memref_slice %arg5[%squeeze3A_1599, %dma_start3A_1602] : memref<1000000x64xf32, #tpu.memory_space<hbm>> -> memref<1x64xf32, #tpu.memory_space<hbm>>
      %dma_start3A_1604 = arith.constant 0 : i32
      %dma_start3A_1605 = tpu.memref_slice %arg5[%squeeze3A_1599, %dma_start3A_1604] : memref<1000000x64xf32, #tpu.memory_space<hbm>> -> memref<1x64xf32, #tpu.memory_space<hbm>>
      %dma_start3A_1606 = arith.constant 0 : i32
      %dma_start3A_1607 = tpu.memref_slice %arg7[%add3A_1597, %dma_start3A_1606] : memref<512x64xf32, #tpu.memory_space<vmem>> -> memref<1x64xf32, #tpu.memory_space<vmem>>
      tpu.enqueue_dma source(%dma_start3A_1607 : memref<1x64xf32, #tpu.memory_space<vmem>>) target(%dma_start3A_1605 : memref<1x64xf32, #tpu.memory_space<hbm>>) target_semaphore(%arg8 : memref<!tpu.dma_semaphore, #tpu.memory_space<semaphore_mem>>)
      %mul3A_1608 = arith.constant 16 : i32
      %mul3A_1609 = arith.muli %scan3A_8, %mul3A_1608 : i32
      %add3A_1610 = arith.constant 5 : i32
      %add3A_1611 = arith.addi %mul3A_1609, %add3A_1610 : i32
      %slice3A_1612 = vector.extract_strided_slice %get3A_11 {offsets = [5], sizes = [1], strides = [1]} : vector<16xi32> to vector<1xi32>
      %squeeze3A_1613 = vector.extract %slice3A_1612[0] : i32 from vector<1xi32>
      %dma_start3A_1614 = arith.constant 0 : i32
      %dma_start3A_1615 = tpu.memref_slice %arg7[%add3A_1611, %dma_start3A_1614] : memref<512x64xf32, #tpu.memory_space<vmem>> -> memref<1x64xf32, #tpu.memory_space<vmem>>
      %dma_start3A_1616 = arith.constant 0 : i32
      %dma_start3A_1617 = tpu.memref_slice %arg5[%squeeze3A_1613, %dma_start3A_1616] : memref<1000000x64xf32, #tpu.memory_space<hbm>> -> memref<1x64xf32, #tpu.memory_space<hbm>>
      %dma_start3A_1618 = arith.constant 0 : i32
      %dma_start3A_1619 = tpu.memref_slice %arg5[%squeeze3A_1613, %dma_start3A_1618] : memref<1000000x64xf32, #tpu.memory_space<hbm>> -> memref<1x64xf32, #tpu.memory_space<hbm>>
      %dma_start3A_1620 = arith.constant 0 : i32
      %dma_start3A_1621 = tpu.memref_slice %arg7[%add3A_1611, %dma_start3A_1620] : memref<512x64xf32, #tpu.memory_space<vmem>> -> memref<1x64xf32, #tpu.memory_space<vmem>>
      tpu.enqueue_dma source(%dma_start3A_1621 : memref<1x64xf32, #tpu.memory_space<vmem>>) target(%dma_start3A_1619 : memref<1x64xf32, #tpu.memory_space<hbm>>) target_semaphore(%arg8 : memref<!tpu.dma_semaphore, #tpu.memory_space<semaphore_mem>>)
      %mul3A_1622 = arith.constant 16 : i32
      %mul3A_1623 = arith.muli %scan3A_8, %mul3A_1622 : i32
      %add3A_1624 = arith.constant 6 : i32
      %add3A_1625 = arith.addi %mul3A_1623, %add3A_1624 : i32
      %slice3A_1626 = vector.extract_strided_slice %get3A_11 {offsets = [6], sizes = [1], strides = [1]} : vector<16xi32> to vector<1xi32>
      %squeeze3A_1627 = vector.extract %slice3A_1626[0] : i32 from vector<1xi32>
      %dma_start3A_1628 = arith.constant 0 : i32
      %dma_start3A_1629 = tpu.memref_slice %arg7[%add3A_1625, %dma_start3A_1628] : memref<512x64xf32, #tpu.memory_space<vmem>> -> memref<1x64xf32, #tpu.memory_space<vmem>>
      %dma_start3A_1630 = arith.constant 0 : i32
      %dma_start3A_1631 = tpu.memref_slice %arg5[%squeeze3A_1627, %dma_start3A_1630] : memref<1000000x64xf32, #tpu.memory_space<hbm>> -> memref<1x64xf32, #tpu.memory_space<hbm>>
      %dma_start3A_1632 = arith.constant 0 : i32
      %dma_start3A_1633 = tpu.memref_slice %arg5[%squeeze3A_1627, %dma_start3A_1632] : memref<1000000x64xf32, #tpu.memory_space<hbm>> -> memref<1x64xf32, #tpu.memory_space<hbm>>
      %dma_start3A_1634 = arith.constant 0 : i32
      %dma_start3A_1635 = tpu.memref_slice %arg7[%add3A_1625, %dma_start3A_1634] : memref<512x64xf32, #tpu.memory_space<vmem>> -> memref<1x64xf32, #tpu.memory_space<vmem>>
      tpu.enqueue_dma source(%dma_start3A_1635 : memref<1x64xf32, #tpu.memory_space<vmem>>) target(%dma_start3A_1633 : memref<1x64xf32, #tpu.memory_space<hbm>>) target_semaphore(%arg8 : memref<!tpu.dma_semaphore, #tpu.memory_space<semaphore_mem>>)
      %mul3A_1636 = arith.constant 16 : i32
      %mul3A_1637 = arith.muli %scan3A_8, %mul3A_1636 : i32
      %add3A_1638 = arith.constant 7 : i32
      %add3A_1639 = arith.addi %mul3A_1637, %add3A_1638 : i32
      %slice3A_1640 = vector.extract_strided_slice %get3A_11 {offsets = [7], sizes = [1], strides = [1]} : vector<16xi32> to vector<1xi32>
      %squeeze3A_1641 = vector.extract %slice3A_1640[0] : i32 from vector<1xi32>
      %dma_start3A_1642 = arith.constant 0 : i32
      %dma_start3A_1643 = tpu.memref_slice %arg7[%add3A_1639, %dma_start3A_1642] : memref<512x64xf32, #tpu.memory_space<vmem>> -> memref<1x64xf32, #tpu.memory_space<vmem>>
      %dma_start3A_1644 = arith.constant 0 : i32
      %dma_start3A_1645 = tpu.memref_slice %arg5[%squeeze3A_1641, %dma_start3A_1644] : memref<1000000x64xf32, #tpu.memory_space<hbm>> -> memref<1x64xf32, #tpu.memory_space<hbm>>
      %dma_start3A_1646 = arith.constant 0 : i32
      %dma_start3A_1647 = tpu.memref_slice %arg5[%squeeze3A_1641, %dma_start3A_1646] : memref<1000000x64xf32, #tpu.memory_space<hbm>> -> memref<1x64xf32, #tpu.memory_space<hbm>>
      %dma_start3A_1648 = arith.constant 0 : i32
      %dma_start3A_1649 = tpu.memref_slice %arg7[%add3A_1639, %dma_start3A_1648] : memref<512x64xf32, #tpu.memory_space<vmem>> -> memref<1x64xf32, #tpu.memory_space<vmem>>
      tpu.enqueue_dma source(%dma_start3A_1649 : memref<1x64xf32, #tpu.memory_space<vmem>>) target(%dma_start3A_1647 : memref<1x64xf32, #tpu.memory_space<hbm>>) target_semaphore(%arg8 : memref<!tpu.dma_semaphore, #tpu.memory_space<semaphore_mem>>)
      %mul3A_1650 = arith.constant 16 : i32
      %mul3A_1651 = arith.muli %scan3A_8, %mul3A_1650 : i32
      %add3A_1652 = arith.constant 8 : i32
      %add3A_1653 = arith.addi %mul3A_1651, %add3A_1652 : i32
      %slice3A_1654 = vector.extract_strided_slice %get3A_11 {offsets = [8], sizes = [1], strides = [1]} : vector<16xi32> to vector<1xi32>
      %squeeze3A_1655 = vector.extract %slice3A_1654[0] : i32 from vector<1xi32>
      %dma_start3A_1656 = arith.constant 0 : i32
      %dma_start3A_1657 = tpu.memref_slice %arg7[%add3A_1653, %dma_start3A_1656] : memref<512x64xf32, #tpu.memory_space<vmem>> -> memref<1x64xf32, #tpu.memory_space<vmem>>
      %dma_start3A_1658 = arith.constant 0 : i32
      %dma_start3A_1659 = tpu.memref_slice %arg5[%squeeze3A_1655, %dma_start3A_1658] : memref<1000000x64xf32, #tpu.memory_space<hbm>> -> memref<1x64xf32, #tpu.memory_space<hbm>>
      %dma_start3A_1660 = arith.constant 0 : i32
      %dma_start3A_1661 = tpu.memref_slice %arg5[%squeeze3A_1655, %dma_start3A_1660] : memref<1000000x64xf32, #tpu.memory_space<hbm>> -> memref<1x64xf32, #tpu.memory_space<hbm>>
      %dma_start3A_1662 = arith.constant 0 : i32
      %dma_start3A_1663 = tpu.memref_slice %arg7[%add3A_1653, %dma_start3A_1662] : memref<512x64xf32, #tpu.memory_space<vmem>> -> memref<1x64xf32, #tpu.memory_space<vmem>>
      tpu.enqueue_dma source(%dma_start3A_1663 : memref<1x64xf32, #tpu.memory_space<vmem>>) target(%dma_start3A_1661 : memref<1x64xf32, #tpu.memory_space<hbm>>) target_semaphore(%arg8 : memref<!tpu.dma_semaphore, #tpu.memory_space<semaphore_mem>>)
      %mul3A_1664 = arith.constant 16 : i32
      %mul3A_1665 = arith.muli %scan3A_8, %mul3A_1664 : i32
      %add3A_1666 = arith.constant 9 : i32
      %add3A_1667 = arith.addi %mul3A_1665, %add3A_1666 : i32
      %slice3A_1668 = vector.extract_strided_slice %get3A_11 {offsets = [9], sizes = [1], strides = [1]} : vector<16xi32> to vector<1xi32>
      %squeeze3A_1669 = vector.extract %slice3A_1668[0] : i32 from vector<1xi32>
      %dma_start3A_1670 = arith.constant 0 : i32
      %dma_start3A_1671 = tpu.memref_slice %arg7[%add3A_1667, %dma_start3A_1670] : memref<512x64xf32, #tpu.memory_space<vmem>> -> memref<1x64xf32, #tpu.memory_space<vmem>>
      %dma_start3A_1672 = arith.constant 0 : i32
      %dma_start3A_1673 = tpu.memref_slice %arg5[%squeeze3A_1669, %dma_start3A_1672] : memref<1000000x64xf32, #tpu.memory_space<hbm>> -> memref<1x64xf32, #tpu.memory_space<hbm>>
      %dma_start3A_1674 = arith.constant 0 : i32
      %dma_start3A_1675 = tpu.memref_slice %arg5[%squeeze3A_1669, %dma_start3A_1674] : memref<1000000x64xf32, #tpu.memory_space<hbm>> -> memref<1x64xf32, #tpu.memory_space<hbm>>
      %dma_start3A_1676 = arith.constant 0 : i32
      %dma_start3A_1677 = tpu.memref_slice %arg7[%add3A_1667, %dma_start3A_1676] : memref<512x64xf32, #tpu.memory_space<vmem>> -> memref<1x64xf32, #tpu.memory_space<vmem>>
      tpu.enqueue_dma source(%dma_start3A_1677 : memref<1x64xf32, #tpu.memory_space<vmem>>) target(%dma_start3A_1675 : memref<1x64xf32, #tpu.memory_space<hbm>>) target_semaphore(%arg8 : memref<!tpu.dma_semaphore, #tpu.memory_space<semaphore_mem>>)
      %mul3A_1678 = arith.constant 16 : i32
      %mul3A_1679 = arith.muli %scan3A_8, %mul3A_1678 : i32
      %add3A_1680 = arith.constant 10 : i32
      %add3A_1681 = arith.addi %mul3A_1679, %add3A_1680 : i32
      %slice3A_1682 = vector.extract_strided_slice %get3A_11 {offsets = [10], sizes = [1], strides = [1]} : vector<16xi32> to vector<1xi32>
      %squeeze3A_1683 = vector.extract %slice3A_1682[0] : i32 from vector<1xi32>
      %dma_start3A_1684 = arith.constant 0 : i32
      %dma_start3A_1685 = tpu.memref_slice %arg7[%add3A_1681, %dma_start3A_1684] : memref<512x64xf32, #tpu.memory_space<vmem>> -> memref<1x64xf32, #tpu.memory_space<vmem>>
      %dma_start3A_1686 = arith.constant 0 : i32
      %dma_start3A_1687 = tpu.memref_slice %arg5[%squeeze3A_1683, %dma_start3A_1686] : memref<1000000x64xf32, #tpu.memory_space<hbm>> -> memref<1x64xf32, #tpu.memory_space<hbm>>
      %dma_start3A_1688 = arith.constant 0 : i32
      %dma_start3A_1689 = tpu.memref_slice %arg5[%squeeze3A_1683, %dma_start3A_1688] : memref<1000000x64xf32, #tpu.memory_space<hbm>> -> memref<1x64xf32, #tpu.memory_space<hbm>>
      %dma_start3A_1690 = arith.constant 0 : i32
      %dma_start3A_1691 = tpu.memref_slice %arg7[%add3A_1681, %dma_start3A_1690] : memref<512x64xf32, #tpu.memory_space<vmem>> -> memref<1x64xf32, #tpu.memory_space<vmem>>
      tpu.enqueue_dma source(%dma_start3A_1691 : memref<1x64xf32, #tpu.memory_space<vmem>>) target(%dma_start3A_1689 : memref<1x64xf32, #tpu.memory_space<hbm>>) target_semaphore(%arg8 : memref<!tpu.dma_semaphore, #tpu.memory_space<semaphore_mem>>)
      %mul3A_1692 = arith.constant 16 : i32
      %mul3A_1693 = arith.muli %scan3A_8, %mul3A_1692 : i32
      %add3A_1694 = arith.constant 11 : i32
      %add3A_1695 = arith.addi %mul3A_1693, %add3A_1694 : i32
      %slice3A_1696 = vector.extract_strided_slice %get3A_11 {offsets = [11], sizes = [1], strides = [1]} : vector<16xi32> to vector<1xi32>
      %squeeze3A_1697 = vector.extract %slice3A_1696[0] : i32 from vector<1xi32>
      %dma_start3A_1698 = arith.constant 0 : i32
      %dma_start3A_1699 = tpu.memref_slice %arg7[%add3A_1695, %dma_start3A_1698] : memref<512x64xf32, #tpu.memory_space<vmem>> -> memref<1x64xf32, #tpu.memory_space<vmem>>
      %dma_start3A_1700 = arith.constant 0 : i32
      %dma_start3A_1701 = tpu.memref_slice %arg5[%squeeze3A_1697, %dma_start3A_1700] : memref<1000000x64xf32, #tpu.memory_space<hbm>> -> memref<1x64xf32, #tpu.memory_space<hbm>>
      %dma_start3A_1702 = arith.constant 0 : i32
      %dma_start3A_1703 = tpu.memref_slice %arg5[%squeeze3A_1697, %dma_start3A_1702] : memref<1000000x64xf32, #tpu.memory_space<hbm>> -> memref<1x64xf32, #tpu.memory_space<hbm>>
      %dma_start3A_1704 = arith.constant 0 : i32
      %dma_start3A_1705 = tpu.memref_slice %arg7[%add3A_1695, %dma_start3A_1704] : memref<512x64xf32, #tpu.memory_space<vmem>> -> memref<1x64xf32, #tpu.memory_space<vmem>>
      tpu.enqueue_dma source(%dma_start3A_1705 : memref<1x64xf32, #tpu.memory_space<vmem>>) target(%dma_start3A_1703 : memref<1x64xf32, #tpu.memory_space<hbm>>) target_semaphore(%arg8 : memref<!tpu.dma_semaphore, #tpu.memory_space<semaphore_mem>>)
      %mul3A_1706 = arith.constant 16 : i32
      %mul3A_1707 = arith.muli %scan3A_8, %mul3A_1706 : i32
      %add3A_1708 = arith.constant 12 : i32
      %add3A_1709 = arith.addi %mul3A_1707, %add3A_1708 : i32
      %slice3A_1710 = vector.extract_strided_slice %get3A_11 {offsets = [12], sizes = [1], strides = [1]} : vector<16xi32> to vector<1xi32>
      %squeeze3A_1711 = vector.extract %slice3A_1710[0] : i32 from vector<1xi32>
      %dma_start3A_1712 = arith.constant 0 : i32
      %dma_start3A_1713 = tpu.memref_slice %arg7[%add3A_1709, %dma_start3A_1712] : memref<512x64xf32, #tpu.memory_space<vmem>> -> memref<1x64xf32, #tpu.memory_space<vmem>>
      %dma_start3A_1714 = arith.constant 0 : i32
      %dma_start3A_1715 = tpu.memref_slice %arg5[%squeeze3A_1711, %dma_start3A_1714] : memref<1000000x64xf32, #tpu.memory_space<hbm>> -> memref<1x64xf32, #tpu.memory_space<hbm>>
      %dma_start3A_1716 = arith.constant 0 : i32
      %dma_start3A_1717 = tpu.memref_slice %arg5[%squeeze3A_1711, %dma_start3A_1716] : memref<1000000x64xf32, #tpu.memory_space<hbm>> -> memref<1x64xf32, #tpu.memory_space<hbm>>
      %dma_start3A_1718 = arith.constant 0 : i32
      %dma_start3A_1719 = tpu.memref_slice %arg7[%add3A_1709, %dma_start3A_1718] : memref<512x64xf32, #tpu.memory_space<vmem>> -> memref<1x64xf32, #tpu.memory_space<vmem>>
      tpu.enqueue_dma source(%dma_start3A_1719 : memref<1x64xf32, #tpu.memory_space<vmem>>) target(%dma_start3A_1717 : memref<1x64xf32, #tpu.memory_space<hbm>>) target_semaphore(%arg8 : memref<!tpu.dma_semaphore, #tpu.memory_space<semaphore_mem>>)
      %mul3A_1720 = arith.constant 16 : i32
      %mul3A_1721 = arith.muli %scan3A_8, %mul3A_1720 : i32
      %add3A_1722 = arith.constant 13 : i32
      %add3A_1723 = arith.addi %mul3A_1721, %add3A_1722 : i32
      %slice3A_1724 = vector.extract_strided_slice %get3A_11 {offsets = [13], sizes = [1], strides = [1]} : vector<16xi32> to vector<1xi32>
      %squeeze3A_1725 = vector.extract %slice3A_1724[0] : i32 from vector<1xi32>
      %dma_start3A_1726 = arith.constant 0 : i32
      %dma_start3A_1727 = tpu.memref_slice %arg7[%add3A_1723, %dma_start3A_1726] : memref<512x64xf32, #tpu.memory_space<vmem>> -> memref<1x64xf32, #tpu.memory_space<vmem>>
      %dma_start3A_1728 = arith.constant 0 : i32
      %dma_start3A_1729 = tpu.memref_slice %arg5[%squeeze3A_1725, %dma_start3A_1728] : memref<1000000x64xf32, #tpu.memory_space<hbm>> -> memref<1x64xf32, #tpu.memory_space<hbm>>
      %dma_start3A_1730 = arith.constant 0 : i32
      %dma_start3A_1731 = tpu.memref_slice %arg5[%squeeze3A_1725, %dma_start3A_1730] : memref<1000000x64xf32, #tpu.memory_space<hbm>> -> memref<1x64xf32, #tpu.memory_space<hbm>>
      %dma_start3A_1732 = arith.constant 0 : i32
      %dma_start3A_1733 = tpu.memref_slice %arg7[%add3A_1723, %dma_start3A_1732] : memref<512x64xf32, #tpu.memory_space<vmem>> -> memref<1x64xf32, #tpu.memory_space<vmem>>
      tpu.enqueue_dma source(%dma_start3A_1733 : memref<1x64xf32, #tpu.memory_space<vmem>>) target(%dma_start3A_1731 : memref<1x64xf32, #tpu.memory_space<hbm>>) target_semaphore(%arg8 : memref<!tpu.dma_semaphore, #tpu.memory_space<semaphore_mem>>)
      %mul3A_1734 = arith.constant 16 : i32
      %mul3A_1735 = arith.muli %scan3A_8, %mul3A_1734 : i32
      %add3A_1736 = arith.constant 14 : i32
      %add3A_1737 = arith.addi %mul3A_1735, %add3A_1736 : i32
      %slice3A_1738 = vector.extract_strided_slice %get3A_11 {offsets = [14], sizes = [1], strides = [1]} : vector<16xi32> to vector<1xi32>
      %squeeze3A_1739 = vector.extract %slice3A_1738[0] : i32 from vector<1xi32>
      %dma_start3A_1740 = arith.constant 0 : i32
      %dma_start3A_1741 = tpu.memref_slice %arg7[%add3A_1737, %dma_start3A_1740] : memref<512x64xf32, #tpu.memory_space<vmem>> -> memref<1x64xf32, #tpu.memory_space<vmem>>
      %dma_start3A_1742 = arith.constant 0 : i32
      %dma_start3A_1743 = tpu.memref_slice %arg5[%squeeze3A_1739, %dma_start3A_1742] : memref<1000000x64xf32, #tpu.memory_space<hbm>> -> memref<1x64xf32, #tpu.memory_space<hbm>>
      %dma_start3A_1744 = arith.constant 0 : i32
      %dma_start3A_1745 = tpu.memref_slice %arg5[%squeeze3A_1739, %dma_start3A_1744] : memref<1000000x64xf32, #tpu.memory_space<hbm>> -> memref<1x64xf32, #tpu.memory_space<hbm>>
      %dma_start3A_1746 = arith.constant 0 : i32
      %dma_start3A_1747 = tpu.memref_slice %arg7[%add3A_1737, %dma_start3A_1746] : memref<512x64xf32, #tpu.memory_space<vmem>> -> memref<1x64xf32, #tpu.memory_space<vmem>>
      tpu.enqueue_dma source(%dma_start3A_1747 : memref<1x64xf32, #tpu.memory_space<vmem>>) target(%dma_start3A_1745 : memref<1x64xf32, #tpu.memory_space<hbm>>) target_semaphore(%arg8 : memref<!tpu.dma_semaphore, #tpu.memory_space<semaphore_mem>>)
      %mul3A_1748 = arith.constant 16 : i32
      %mul3A_1749 = arith.muli %scan3A_8, %mul3A_1748 : i32
      %add3A_1750 = arith.constant 15 : i32
      %add3A_1751 = arith.addi %mul3A_1749, %add3A_1750 : i32
      %slice3A_1752 = vector.extract_strided_slice %get3A_11 {offsets = [15], sizes = [1], strides = [1]} : vector<16xi32> to vector<1xi32>
      %squeeze3A_1753 = vector.extract %slice3A_1752[0] : i32 from vector<1xi32>
      %dma_start3A_1754 = arith.constant 0 : i32
      %dma_start3A_1755 = tpu.memref_slice %arg7[%add3A_1751, %dma_start3A_1754] : memref<512x64xf32, #tpu.memory_space<vmem>> -> memref<1x64xf32, #tpu.memory_space<vmem>>
      %dma_start3A_1756 = arith.constant 0 : i32
      %dma_start3A_1757 = tpu.memref_slice %arg5[%squeeze3A_1753, %dma_start3A_1756] : memref<1000000x64xf32, #tpu.memory_space<hbm>> -> memref<1x64xf32, #tpu.memory_space<hbm>>
      %dma_start3A_1758 = arith.constant 0 : i32
      %dma_start3A_1759 = tpu.memref_slice %arg5[%squeeze3A_1753, %dma_start3A_1758] : memref<1000000x64xf32, #tpu.memory_space<hbm>> -> memref<1x64xf32, #tpu.memory_space<hbm>>
      %dma_start3A_1760 = arith.constant 0 : i32
      %dma_start3A_1761 = tpu.memref_slice %arg7[%add3A_1751, %dma_start3A_1760] : memref<512x64xf32, #tpu.memory_space<vmem>> -> memref<1x64xf32, #tpu.memory_space<vmem>>
      tpu.enqueue_dma source(%dma_start3A_1761 : memref<1x64xf32, #tpu.memory_space<vmem>>) target(%dma_start3A_1759 : memref<1x64xf32, #tpu.memory_space<hbm>>) target_semaphore(%arg8 : memref<!tpu.dma_semaphore, #tpu.memory_space<semaphore_mem>>)
      %dma_wait3A = arith.constant 0 : i32
      %dma_wait3A_1762 = tpu.memref_slice %arg7[%add3A_1544, %dma_wait3A] : memref<512x64xf32, #tpu.memory_space<vmem>> -> memref<1x64xf32, #tpu.memory_space<vmem>>
      %dma_wait3A_1763 = arith.constant 0 : i32
      %dma_wait3A_1764 = tpu.memref_slice %arg5[%squeeze3A, %dma_wait3A_1763] : memref<1000000x64xf32, #tpu.memory_space<hbm>> -> memref<1x64xf32, #tpu.memory_space<hbm>>
      %dma_wait3A_1765 = arith.constant 0 : i32
      %dma_wait3A_1766 = tpu.memref_slice %arg5[%squeeze3A, %dma_wait3A_1765] : memref<1000000x64xf32, #tpu.memory_space<hbm>> -> memref<1x64xf32, #tpu.memory_space<hbm>>
      %dma_wait3A_1767 = arith.constant 0 : i32
      %dma_wait3A_1768 = tpu.memref_slice %arg7[%add3A_1544, %dma_wait3A_1767] : memref<512x64xf32, #tpu.memory_space<vmem>> -> memref<1x64xf32, #tpu.memory_space<vmem>>
      tpu.wait_dma2 semaphore(%arg8 : memref<!tpu.dma_semaphore, #tpu.memory_space<semaphore_mem>>) src(%dma_wait3A_1768 : memref<1x64xf32, #tpu.memory_space<vmem>>) dst(%dma_wait3A_1766 : memref<1x64xf32, #tpu.memory_space<hbm>>)
      %dma_wait3A_1769 = arith.constant 0 : i32
      %dma_wait3A_1770 = tpu.memref_slice %arg7[%add3A_1555, %dma_wait3A_1769] : memref<512x64xf32, #tpu.memory_space<vmem>> -> memref<1x64xf32, #tpu.memory_space<vmem>>
      %dma_wait3A_1771 = arith.constant 0 : i32
      %dma_wait3A_1772 = tpu.memref_slice %arg5[%squeeze3A_1557, %dma_wait3A_1771] : memref<1000000x64xf32, #tpu.memory_space<hbm>> -> memref<1x64xf32, #tpu.memory_space<hbm>>
      %dma_wait3A_1773 = arith.constant 0 : i32
      %dma_wait3A_1774 = tpu.memref_slice %arg5[%squeeze3A_1557, %dma_wait3A_1773] : memref<1000000x64xf32, #tpu.memory_space<hbm>> -> memref<1x64xf32, #tpu.memory_space<hbm>>
      %dma_wait3A_1775 = arith.constant 0 : i32
      %dma_wait3A_1776 = tpu.memref_slice %arg7[%add3A_1555, %dma_wait3A_1775] : memref<512x64xf32, #tpu.memory_space<vmem>> -> memref<1x64xf32, #tpu.memory_space<vmem>>
      tpu.wait_dma2 semaphore(%arg8 : memref<!tpu.dma_semaphore, #tpu.memory_space<semaphore_mem>>) src(%dma_wait3A_1776 : memref<1x64xf32, #tpu.memory_space<vmem>>) dst(%dma_wait3A_1774 : memref<1x64xf32, #tpu.memory_space<hbm>>)
      %dma_wait3A_1777 = arith.constant 0 : i32
      %dma_wait3A_1778 = tpu.memref_slice %arg7[%add3A_1569, %dma_wait3A_1777] : memref<512x64xf32, #tpu.memory_space<vmem>> -> memref<1x64xf32, #tpu.memory_space<vmem>>
      %dma_wait3A_1779 = arith.constant 0 : i32
      %dma_wait3A_1780 = tpu.memref_slice %arg5[%squeeze3A_1571, %dma_wait3A_1779] : memref<1000000x64xf32, #tpu.memory_space<hbm>> -> memref<1x64xf32, #tpu.memory_space<hbm>>
      %dma_wait3A_1781 = arith.constant 0 : i32
      %dma_wait3A_1782 = tpu.memref_slice %arg5[%squeeze3A_1571, %dma_wait3A_1781] : memref<1000000x64xf32, #tpu.memory_space<hbm>> -> memref<1x64xf32, #tpu.memory_space<hbm>>
      %dma_wait3A_1783 = arith.constant 0 : i32
      %dma_wait3A_1784 = tpu.memref_slice %arg7[%add3A_1569, %dma_wait3A_1783] : memref<512x64xf32, #tpu.memory_space<vmem>> -> memref<1x64xf32, #tpu.memory_space<vmem>>
      tpu.wait_dma2 semaphore(%arg8 : memref<!tpu.dma_semaphore, #tpu.memory_space<semaphore_mem>>) src(%dma_wait3A_1784 : memref<1x64xf32, #tpu.memory_space<vmem>>) dst(%dma_wait3A_1782 : memref<1x64xf32, #tpu.memory_space<hbm>>)
      %dma_wait3A_1785 = arith.constant 0 : i32
      %dma_wait3A_1786 = tpu.memref_slice %arg7[%add3A_1583, %dma_wait3A_1785] : memref<512x64xf32, #tpu.memory_space<vmem>> -> memref<1x64xf32, #tpu.memory_space<vmem>>
      %dma_wait3A_1787 = arith.constant 0 : i32
      %dma_wait3A_1788 = tpu.memref_slice %arg5[%squeeze3A_1585, %dma_wait3A_1787] : memref<1000000x64xf32, #tpu.memory_space<hbm>> -> memref<1x64xf32, #tpu.memory_space<hbm>>
      %dma_wait3A_1789 = arith.constant 0 : i32
      %dma_wait3A_1790 = tpu.memref_slice %arg5[%squeeze3A_1585, %dma_wait3A_1789] : memref<1000000x64xf32, #tpu.memory_space<hbm>> -> memref<1x64xf32, #tpu.memory_space<hbm>>
      %dma_wait3A_1791 = arith.constant 0 : i32
      %dma_wait3A_1792 = tpu.memref_slice %arg7[%add3A_1583, %dma_wait3A_1791] : memref<512x64xf32, #tpu.memory_space<vmem>> -> memref<1x64xf32, #tpu.memory_space<vmem>>
      tpu.wait_dma2 semaphore(%arg8 : memref<!tpu.dma_semaphore, #tpu.memory_space<semaphore_mem>>) src(%dma_wait3A_1792 : memref<1x64xf32, #tpu.memory_space<vmem>>) dst(%dma_wait3A_1790 : memref<1x64xf32, #tpu.memory_space<hbm>>)
      %dma_wait3A_1793 = arith.constant 0 : i32
      %dma_wait3A_1794 = tpu.memref_slice %arg7[%add3A_1597, %dma_wait3A_1793] : memref<512x64xf32, #tpu.memory_space<vmem>> -> memref<1x64xf32, #tpu.memory_space<vmem>>
      %dma_wait3A_1795 = arith.constant 0 : i32
      %dma_wait3A_1796 = tpu.memref_slice %arg5[%squeeze3A_1599, %dma_wait3A_1795] : memref<1000000x64xf32, #tpu.memory_space<hbm>> -> memref<1x64xf32, #tpu.memory_space<hbm>>
      %dma_wait3A_1797 = arith.constant 0 : i32
      %dma_wait3A_1798 = tpu.memref_slice %arg5[%squeeze3A_1599, %dma_wait3A_1797] : memref<1000000x64xf32, #tpu.memory_space<hbm>> -> memref<1x64xf32, #tpu.memory_space<hbm>>
      %dma_wait3A_1799 = arith.constant 0 : i32
      %dma_wait3A_1800 = tpu.memref_slice %arg7[%add3A_1597, %dma_wait3A_1799] : memref<512x64xf32, #tpu.memory_space<vmem>> -> memref<1x64xf32, #tpu.memory_space<vmem>>
      tpu.wait_dma2 semaphore(%arg8 : memref<!tpu.dma_semaphore, #tpu.memory_space<semaphore_mem>>) src(%dma_wait3A_1800 : memref<1x64xf32, #tpu.memory_space<vmem>>) dst(%dma_wait3A_1798 : memref<1x64xf32, #tpu.memory_space<hbm>>)
      %dma_wait3A_1801 = arith.constant 0 : i32
      %dma_wait3A_1802 = tpu.memref_slice %arg7[%add3A_1611, %dma_wait3A_1801] : memref<512x64xf32, #tpu.memory_space<vmem>> -> memref<1x64xf32, #tpu.memory_space<vmem>>
      %dma_wait3A_1803 = arith.constant 0 : i32
      %dma_wait3A_1804 = tpu.memref_slice %arg5[%squeeze3A_1613, %dma_wait3A_1803] : memref<1000000x64xf32, #tpu.memory_space<hbm>> -> memref<1x64xf32, #tpu.memory_space<hbm>>
      %dma_wait3A_1805 = arith.constant 0 : i32
      %dma_wait3A_1806 = tpu.memref_slice %arg5[%squeeze3A_1613, %dma_wait3A_1805] : memref<1000000x64xf32, #tpu.memory_space<hbm>> -> memref<1x64xf32, #tpu.memory_space<hbm>>
      %dma_wait3A_1807 = arith.constant 0 : i32
      %dma_wait3A_1808 = tpu.memref_slice %arg7[%add3A_1611, %dma_wait3A_1807] : memref<512x64xf32, #tpu.memory_space<vmem>> -> memref<1x64xf32, #tpu.memory_space<vmem>>
      tpu.wait_dma2 semaphore(%arg8 : memref<!tpu.dma_semaphore, #tpu.memory_space<semaphore_mem>>) src(%dma_wait3A_1808 : memref<1x64xf32, #tpu.memory_space<vmem>>) dst(%dma_wait3A_1806 : memref<1x64xf32, #tpu.memory_space<hbm>>)
      %dma_wait3A_1809 = arith.constant 0 : i32
      %dma_wait3A_1810 = tpu.memref_slice %arg7[%add3A_1625, %dma_wait3A_1809] : memref<512x64xf32, #tpu.memory_space<vmem>> -> memref<1x64xf32, #tpu.memory_space<vmem>>
      %dma_wait3A_1811 = arith.constant 0 : i32
      %dma_wait3A_1812 = tpu.memref_slice %arg5[%squeeze3A_1627, %dma_wait3A_1811] : memref<1000000x64xf32, #tpu.memory_space<hbm>> -> memref<1x64xf32, #tpu.memory_space<hbm>>
      %dma_wait3A_1813 = arith.constant 0 : i32
      %dma_wait3A_1814 = tpu.memref_slice %arg5[%squeeze3A_1627, %dma_wait3A_1813] : memref<1000000x64xf32, #tpu.memory_space<hbm>> -> memref<1x64xf32, #tpu.memory_space<hbm>>
      %dma_wait3A_1815 = arith.constant 0 : i32
      %dma_wait3A_1816 = tpu.memref_slice %arg7[%add3A_1625, %dma_wait3A_1815] : memref<512x64xf32, #tpu.memory_space<vmem>> -> memref<1x64xf32, #tpu.memory_space<vmem>>
      tpu.wait_dma2 semaphore(%arg8 : memref<!tpu.dma_semaphore, #tpu.memory_space<semaphore_mem>>) src(%dma_wait3A_1816 : memref<1x64xf32, #tpu.memory_space<vmem>>) dst(%dma_wait3A_1814 : memref<1x64xf32, #tpu.memory_space<hbm>>)
      %dma_wait3A_1817 = arith.constant 0 : i32
      %dma_wait3A_1818 = tpu.memref_slice %arg7[%add3A_1639, %dma_wait3A_1817] : memref<512x64xf32, #tpu.memory_space<vmem>> -> memref<1x64xf32, #tpu.memory_space<vmem>>
      %dma_wait3A_1819 = arith.constant 0 : i32
      %dma_wait3A_1820 = tpu.memref_slice %arg5[%squeeze3A_1641, %dma_wait3A_1819] : memref<1000000x64xf32, #tpu.memory_space<hbm>> -> memref<1x64xf32, #tpu.memory_space<hbm>>
      %dma_wait3A_1821 = arith.constant 0 : i32
      %dma_wait3A_1822 = tpu.memref_slice %arg5[%squeeze3A_1641, %dma_wait3A_1821] : memref<1000000x64xf32, #tpu.memory_space<hbm>> -> memref<1x64xf32, #tpu.memory_space<hbm>>
      %dma_wait3A_1823 = arith.constant 0 : i32
      %dma_wait3A_1824 = tpu.memref_slice %arg7[%add3A_1639, %dma_wait3A_1823] : memref<512x64xf32, #tpu.memory_space<vmem>> -> memref<1x64xf32, #tpu.memory_space<vmem>>
      tpu.wait_dma2 semaphore(%arg8 : memref<!tpu.dma_semaphore, #tpu.memory_space<semaphore_mem>>) src(%dma_wait3A_1824 : memref<1x64xf32, #tpu.memory_space<vmem>>) dst(%dma_wait3A_1822 : memref<1x64xf32, #tpu.memory_space<hbm>>)
      %dma_wait3A_1825 = arith.constant 0 : i32
      %dma_wait3A_1826 = tpu.memref_slice %arg7[%add3A_1653, %dma_wait3A_1825] : memref<512x64xf32, #tpu.memory_space<vmem>> -> memref<1x64xf32, #tpu.memory_space<vmem>>
      %dma_wait3A_1827 = arith.constant 0 : i32
      %dma_wait3A_1828 = tpu.memref_slice %arg5[%squeeze3A_1655, %dma_wait3A_1827] : memref<1000000x64xf32, #tpu.memory_space<hbm>> -> memref<1x64xf32, #tpu.memory_space<hbm>>
      %dma_wait3A_1829 = arith.constant 0 : i32
      %dma_wait3A_1830 = tpu.memref_slice %arg5[%squeeze3A_1655, %dma_wait3A_1829] : memref<1000000x64xf32, #tpu.memory_space<hbm>> -> memref<1x64xf32, #tpu.memory_space<hbm>>
      %dma_wait3A_1831 = arith.constant 0 : i32
      %dma_wait3A_1832 = tpu.memref_slice %arg7[%add3A_1653, %dma_wait3A_1831] : memref<512x64xf32, #tpu.memory_space<vmem>> -> memref<1x64xf32, #tpu.memory_space<vmem>>
      tpu.wait_dma2 semaphore(%arg8 : memref<!tpu.dma_semaphore, #tpu.memory_space<semaphore_mem>>) src(%dma_wait3A_1832 : memref<1x64xf32, #tpu.memory_space<vmem>>) dst(%dma_wait3A_1830 : memref<1x64xf32, #tpu.memory_space<hbm>>)
      %dma_wait3A_1833 = arith.constant 0 : i32
      %dma_wait3A_1834 = tpu.memref_slice %arg7[%add3A_1667, %dma_wait3A_1833] : memref<512x64xf32, #tpu.memory_space<vmem>> -> memref<1x64xf32, #tpu.memory_space<vmem>>
      %dma_wait3A_1835 = arith.constant 0 : i32
      %dma_wait3A_1836 = tpu.memref_slice %arg5[%squeeze3A_1669, %dma_wait3A_1835] : memref<1000000x64xf32, #tpu.memory_space<hbm>> -> memref<1x64xf32, #tpu.memory_space<hbm>>
      %dma_wait3A_1837 = arith.constant 0 : i32
      %dma_wait3A_1838 = tpu.memref_slice %arg5[%squeeze3A_1669, %dma_wait3A_1837] : memref<1000000x64xf32, #tpu.memory_space<hbm>> -> memref<1x64xf32, #tpu.memory_space<hbm>>
      %dma_wait3A_1839 = arith.constant 0 : i32
      %dma_wait3A_1840 = tpu.memref_slice %arg7[%add3A_1667, %dma_wait3A_1839] : memref<512x64xf32, #tpu.memory_space<vmem>> -> memref<1x64xf32, #tpu.memory_space<vmem>>
      tpu.wait_dma2 semaphore(%arg8 : memref<!tpu.dma_semaphore, #tpu.memory_space<semaphore_mem>>) src(%dma_wait3A_1840 : memref<1x64xf32, #tpu.memory_space<vmem>>) dst(%dma_wait3A_1838 : memref<1x64xf32, #tpu.memory_space<hbm>>)
      %dma_wait3A_1841 = arith.constant 0 : i32
      %dma_wait3A_1842 = tpu.memref_slice %arg7[%add3A_1681, %dma_wait3A_1841] : memref<512x64xf32, #tpu.memory_space<vmem>> -> memref<1x64xf32, #tpu.memory_space<vmem>>
      %dma_wait3A_1843 = arith.constant 0 : i32
      %dma_wait3A_1844 = tpu.memref_slice %arg5[%squeeze3A_1683, %dma_wait3A_1843] : memref<1000000x64xf32, #tpu.memory_space<hbm>> -> memref<1x64xf32, #tpu.memory_space<hbm>>
      %dma_wait3A_1845 = arith.constant 0 : i32
      %dma_wait3A_1846 = tpu.memref_slice %arg5[%squeeze3A_1683, %dma_wait3A_1845] : memref<1000000x64xf32, #tpu.memory_space<hbm>> -> memref<1x64xf32, #tpu.memory_space<hbm>>
      %dma_wait3A_1847 = arith.constant 0 : i32
      %dma_wait3A_1848 = tpu.memref_slice %arg7[%add3A_1681, %dma_wait3A_1847] : memref<512x64xf32, #tpu.memory_space<vmem>> -> memref<1x64xf32, #tpu.memory_space<vmem>>
      tpu.wait_dma2 semaphore(%arg8 : memref<!tpu.dma_semaphore, #tpu.memory_space<semaphore_mem>>) src(%dma_wait3A_1848 : memref<1x64xf32, #tpu.memory_space<vmem>>) dst(%dma_wait3A_1846 : memref<1x64xf32, #tpu.memory_space<hbm>>)
      %dma_wait3A_1849 = arith.constant 0 : i32
      %dma_wait3A_1850 = tpu.memref_slice %arg7[%add3A_1695, %dma_wait3A_1849] : memref<512x64xf32, #tpu.memory_space<vmem>> -> memref<1x64xf32, #tpu.memory_space<vmem>>
      %dma_wait3A_1851 = arith.constant 0 : i32
      %dma_wait3A_1852 = tpu.memref_slice %arg5[%squeeze3A_1697, %dma_wait3A_1851] : memref<1000000x64xf32, #tpu.memory_space<hbm>> -> memref<1x64xf32, #tpu.memory_space<hbm>>
      %dma_wait3A_1853 = arith.constant 0 : i32
      %dma_wait3A_1854 = tpu.memref_slice %arg5[%squeeze3A_1697, %dma_wait3A_1853] : memref<1000000x64xf32, #tpu.memory_space<hbm>> -> memref<1x64xf32, #tpu.memory_space<hbm>>
      %dma_wait3A_1855 = arith.constant 0 : i32
      %dma_wait3A_1856 = tpu.memref_slice %arg7[%add3A_1695, %dma_wait3A_1855] : memref<512x64xf32, #tpu.memory_space<vmem>> -> memref<1x64xf32, #tpu.memory_space<vmem>>
      tpu.wait_dma2 semaphore(%arg8 : memref<!tpu.dma_semaphore, #tpu.memory_space<semaphore_mem>>) src(%dma_wait3A_1856 : memref<1x64xf32, #tpu.memory_space<vmem>>) dst(%dma_wait3A_1854 : memref<1x64xf32, #tpu.memory_space<hbm>>)
      %dma_wait3A_1857 = arith.constant 0 : i32
      %dma_wait3A_1858 = tpu.memref_slice %arg7[%add3A_1709, %dma_wait3A_1857] : memref<512x64xf32, #tpu.memory_space<vmem>> -> memref<1x64xf32, #tpu.memory_space<vmem>>
      %dma_wait3A_1859 = arith.constant 0 : i32
      %dma_wait3A_1860 = tpu.memref_slice %arg5[%squeeze3A_1711, %dma_wait3A_1859] : memref<1000000x64xf32, #tpu.memory_space<hbm>> -> memref<1x64xf32, #tpu.memory_space<hbm>>
      %dma_wait3A_1861 = arith.constant 0 : i32
      %dma_wait3A_1862 = tpu.memref_slice %arg5[%squeeze3A_1711, %dma_wait3A_1861] : memref<1000000x64xf32, #tpu.memory_space<hbm>> -> memref<1x64xf32, #tpu.memory_space<hbm>>
      %dma_wait3A_1863 = arith.constant 0 : i32
      %dma_wait3A_1864 = tpu.memref_slice %arg7[%add3A_1709, %dma_wait3A_1863] : memref<512x64xf32, #tpu.memory_space<vmem>> -> memref<1x64xf32, #tpu.memory_space<vmem>>
      tpu.wait_dma2 semaphore(%arg8 : memref<!tpu.dma_semaphore, #tpu.memory_space<semaphore_mem>>) src(%dma_wait3A_1864 : memref<1x64xf32, #tpu.memory_space<vmem>>) dst(%dma_wait3A_1862 : memref<1x64xf32, #tpu.memory_space<hbm>>)
      %dma_wait3A_1865 = arith.constant 0 : i32
      %dma_wait3A_1866 = tpu.memref_slice %arg7[%add3A_1723, %dma_wait3A_1865] : memref<512x64xf32, #tpu.memory_space<vmem>> -> memref<1x64xf32, #tpu.memory_space<vmem>>
      %dma_wait3A_1867 = arith.constant 0 : i32
      %dma_wait3A_1868 = tpu.memref_slice %arg5[%squeeze3A_1725, %dma_wait3A_1867] : memref<1000000x64xf32, #tpu.memory_space<hbm>> -> memref<1x64xf32, #tpu.memory_space<hbm>>
      %dma_wait3A_1869 = arith.constant 0 : i32
      %dma_wait3A_1870 = tpu.memref_slice %arg5[%squeeze3A_1725, %dma_wait3A_1869] : memref<1000000x64xf32, #tpu.memory_space<hbm>> -> memref<1x64xf32, #tpu.memory_space<hbm>>
      %dma_wait3A_1871 = arith.constant 0 : i32
      %dma_wait3A_1872 = tpu.memref_slice %arg7[%add3A_1723, %dma_wait3A_1871] : memref<512x64xf32, #tpu.memory_space<vmem>> -> memref<1x64xf32, #tpu.memory_space<vmem>>
      tpu.wait_dma2 semaphore(%arg8 : memref<!tpu.dma_semaphore, #tpu.memory_space<semaphore_mem>>) src(%dma_wait3A_1872 : memref<1x64xf32, #tpu.memory_space<vmem>>) dst(%dma_wait3A_1870 : memref<1x64xf32, #tpu.memory_space<hbm>>)
      %dma_wait3A_1873 = arith.constant 0 : i32
      %dma_wait3A_1874 = tpu.memref_slice %arg7[%add3A_1737, %dma_wait3A_1873] : memref<512x64xf32, #tpu.memory_space<vmem>> -> memref<1x64xf32, #tpu.memory_space<vmem>>
      %dma_wait3A_1875 = arith.constant 0 : i32
      %dma_wait3A_1876 = tpu.memref_slice %arg5[%squeeze3A_1739, %dma_wait3A_1875] : memref<1000000x64xf32, #tpu.memory_space<hbm>> -> memref<1x64xf32, #tpu.memory_space<hbm>>
      %dma_wait3A_1877 = arith.constant 0 : i32
      %dma_wait3A_1878 = tpu.memref_slice %arg5[%squeeze3A_1739, %dma_wait3A_1877] : memref<1000000x64xf32, #tpu.memory_space<hbm>> -> memref<1x64xf32, #tpu.memory_space<hbm>>
      %dma_wait3A_1879 = arith.constant 0 : i32
      %dma_wait3A_1880 = tpu.memref_slice %arg7[%add3A_1737, %dma_wait3A_1879] : memref<512x64xf32, #tpu.memory_space<vmem>> -> memref<1x64xf32, #tpu.memory_space<vmem>>
      tpu.wait_dma2 semaphore(%arg8 : memref<!tpu.dma_semaphore, #tpu.memory_space<semaphore_mem>>) src(%dma_wait3A_1880 : memref<1x64xf32, #tpu.memory_space<vmem>>) dst(%dma_wait3A_1878 : memref<1x64xf32, #tpu.memory_space<hbm>>)
      %dma_wait3A_1881 = arith.constant 0 : i32
      %dma_wait3A_1882 = tpu.memref_slice %arg7[%add3A_1751, %dma_wait3A_1881] : memref<512x64xf32, #tpu.memory_space<vmem>> -> memref<1x64xf32, #tpu.memory_space<vmem>>
      %dma_wait3A_1883 = arith.constant 0 : i32
      %dma_wait3A_1884 = tpu.memref_slice %arg5[%squeeze3A_1753, %dma_wait3A_1883] : memref<1000000x64xf32, #tpu.memory_space<hbm>> -> memref<1x64xf32, #tpu.memory_space<hbm>>
      %dma_wait3A_1885 = arith.constant 0 : i32
      %dma_wait3A_1886 = tpu.memref_slice %arg5[%squeeze3A_1753, %dma_wait3A_1885] : memref<1000000x64xf32, #tpu.memory_space<hbm>> -> memref<1x64xf32, #tpu.memory_space<hbm>>
      %dma_wait3A_1887 = arith.constant 0 : i32
      %dma_wait3A_1888 = tpu.memref_slice %arg7[%add3A_1751, %dma_wait3A_1887] : memref<512x64xf32, #tpu.memory_space<vmem>> -> memref<1x64xf32, #tpu.memory_space<vmem>>
      tpu.wait_dma2 semaphore(%arg8 : memref<!tpu.dma_semaphore, #tpu.memory_space<semaphore_mem>>) src(%dma_wait3A_1888 : memref<1x64xf32, #tpu.memory_space<vmem>>) dst(%dma_wait3A_1886 : memref<1x64xf32, #tpu.memory_space<hbm>>)
    }
    %scan3A_7 = arith.constant 32 : i32
    return
  }
}

module attributes {stable_mosaic.version = 14 : i64} {
  func.func @_tc_body(%arg0: i32, %arg1: memref<512x64xf32, #tpu.memory_space<vmem>>, %arg2: memref<512x64xf32, #tpu.memory_space<vmem>>, %arg3: memref<512x64xf32, #tpu.memory_space<vmem>>, %arg4: memref<64x64xf32, #tpu.memory_space<vmem>>, %arg5: memref<1x64xf32, #tpu.memory_space<vmem>>, %arg6: memref<64x64xf32, #tpu.memory_space<vmem>>, %arg7: memref<1x64xf32, #tpu.memory_space<vmem>>, %arg8: memref<64x64xf32, #tpu.memory_space<vmem>>, %arg9: memref<1x64xf32, #tpu.memory_space<vmem>>, %arg10: memref<64x64xf32, #tpu.memory_space<vmem>>, %arg11: memref<1x64xf32, #tpu.memory_space<vmem>>, %arg12: memref<64x1024xf32, #tpu.memory_space<vmem>>, %arg13: memref<1x1024xf32, #tpu.memory_space<vmem>>, %arg14: memref<1024x64xf32, #tpu.memory_space<vmem>>, %arg15: memref<1x64xf32, #tpu.memory_space<vmem>>, %arg16: memref<1x64xf32, #tpu.memory_space<vmem>>, %arg17: memref<1x64xf32, #tpu.memory_space<vmem>>, %arg18: memref<1x64xf32, #tpu.memory_space<vmem>>, %arg19: memref<1x64xf32, #tpu.memory_space<vmem>>, %arg20: memref<512x64xf32, #tpu.memory_space<vmem>>) attributes {dimension_semantics = [#tpu.dimension_semantics<arbitrary>], iteration_bounds = array<i64: 32>, scalar_prefetch = 0 : i64, scratch_operands = 0 : i64, tpu.core_type = #tpu.core_type<tc>, window_params = [{transform_indices = @transform_0, window_bounds = array<i64: 512, 64>}, {transform_indices = @transform_1, window_bounds = array<i64: 512, 64>}, {transform_indices = @transform_2, window_bounds = array<i64: 512, 64>}, {pipeline_mode = #tpu.pipeline_mode<synchronous>, transform_indices = @transform_3, window_bounds = array<i64: 64, 64>}, {pipeline_mode = #tpu.pipeline_mode<synchronous>, transform_indices = @transform_4, window_bounds = array<i64: 1, 64>}, {pipeline_mode = #tpu.pipeline_mode<synchronous>, transform_indices = @transform_5, window_bounds = array<i64: 64, 64>}, {pipeline_mode = #tpu.pipeline_mode<synchronous>, transform_indices = @transform_6, window_bounds = array<i64: 1, 64>}, {pipeline_mode = #tpu.pipeline_mode<synchronous>, transform_indices = @transform_7, window_bounds = array<i64: 64, 64>}, {pipeline_mode = #tpu.pipeline_mode<synchronous>, transform_indices = @transform_8, window_bounds = array<i64: 1, 64>}, {pipeline_mode = #tpu.pipeline_mode<synchronous>, transform_indices = @transform_9, window_bounds = array<i64: 64, 64>}, {pipeline_mode = #tpu.pipeline_mode<synchronous>, transform_indices = @transform_10, window_bounds = array<i64: 1, 64>}, {pipeline_mode = #tpu.pipeline_mode<synchronous>, transform_indices = @transform_11, window_bounds = array<i64: 64, 1024>}, {pipeline_mode = #tpu.pipeline_mode<synchronous>, transform_indices = @transform_12, window_bounds = array<i64: 1, 1024>}, {pipeline_mode = #tpu.pipeline_mode<synchronous>, transform_indices = @transform_13, window_bounds = array<i64: 1024, 64>}, {pipeline_mode = #tpu.pipeline_mode<synchronous>, transform_indices = @transform_14, window_bounds = array<i64: 1, 64>}, {pipeline_mode = #tpu.pipeline_mode<synchronous>, transform_indices = @transform_15, window_bounds = array<i64: 1, 64>}, {pipeline_mode = #tpu.pipeline_mode<synchronous>, transform_indices = @transform_16, window_bounds = array<i64: 1, 64>}, {pipeline_mode = #tpu.pipeline_mode<synchronous>, transform_indices = @transform_17, window_bounds = array<i64: 1, 64>}, {pipeline_mode = #tpu.pipeline_mode<synchronous>, transform_indices = @transform_18, window_bounds = array<i64: 1, 64>}, {transform_indices = @transform_19, window_bounds = array<i64: 512, 64>}]} {
    %get3A = arith.constant 0 : index
    %get3A_0 = arith.constant 0 : index
    %get3A_1 = vector.load %arg1[%get3A, %get3A_0] : memref<512x64xf32, #tpu.memory_space<vmem>>, vector<512x64xf32>
    %get3A_2 = arith.constant 0 : index
    %get3A_3 = arith.constant 0 : index
    %get3A_4 = vector.load %arg2[%get3A_2, %get3A_3] : memref<512x64xf32, #tpu.memory_space<vmem>>, vector<512x64xf32>
    %get3A_5 = arith.constant 0 : index
    %get3A_6 = arith.constant 0 : index
    %get3A_7 = vector.load %arg3[%get3A_5, %get3A_6] : memref<512x64xf32, #tpu.memory_space<vmem>>, vector<512x64xf32>
    %concatenate3A = tpu.concatenate %get3A_1, %get3A_4, %get3A_7 in 0 : vector<512x64xf32>, vector<512x64xf32>, vector<512x64xf32> -> vector<1536x64xf32>
    %get3A_8 = arith.constant 0 : index
    %get3A_9 = arith.constant 0 : index
    %get3A_10 = vector.load %arg4[%get3A_8, %get3A_9] : memref<64x64xf32, #tpu.memory_space<vmem>>, vector<64x64xf32>
    %dot_general3A = arith.constant dense<0.000000e+00> : vector<1536x64xf32>
    %dot_general3A_11 = tpu.matmul %concatenate3A, %get3A_10, %dot_general3A {dimension_numbers = #tpu.dot_dimension_numbers<[1], [0], [0], [1], [0, 0, 1, 1], [], []>, transpose_lhs_hint = false} : vector<1536x64xf32>, vector<64x64xf32>, vector<1536x64xf32> -> vector<1536x64xf32>
    %get3A_12 = arith.constant 0 : index
    %get3A_13 = arith.constant 0 : index
    %get3A_14 = vector.load %arg5[%get3A_12, %get3A_13] : memref<1x64xf32, #tpu.memory_space<vmem>>, vector<1x64xf32>
    %add3A = vector.broadcast %get3A_14 : vector<1x64xf32> to vector<1536x64xf32>
    %add3A_15 = arith.addf %dot_general3A_11, %add3A : vector<1536x64xf32>
    %get3A_16 = arith.constant 0 : index
    %get3A_17 = arith.constant 0 : index
    %get3A_18 = vector.load %arg6[%get3A_16, %get3A_17] : memref<64x64xf32, #tpu.memory_space<vmem>>, vector<64x64xf32>
    %dot_general3A_19 = arith.constant dense<0.000000e+00> : vector<1536x64xf32>
    %dot_general3A_20 = tpu.matmul %concatenate3A, %get3A_18, %dot_general3A_19 {dimension_numbers = #tpu.dot_dimension_numbers<[1], [0], [0], [1], [0, 0, 1, 1], [], []>, transpose_lhs_hint = false} : vector<1536x64xf32>, vector<64x64xf32>, vector<1536x64xf32> -> vector<1536x64xf32>
    %get3A_21 = arith.constant 0 : index
    %get3A_22 = arith.constant 0 : index
    %get3A_23 = vector.load %arg7[%get3A_21, %get3A_22] : memref<1x64xf32, #tpu.memory_space<vmem>>, vector<1x64xf32>
    %add3A_24 = vector.broadcast %get3A_23 : vector<1x64xf32> to vector<1536x64xf32>
    %add3A_25 = arith.addf %dot_general3A_20, %add3A_24 : vector<1536x64xf32>
    %get3A_26 = arith.constant 0 : index
    %get3A_27 = arith.constant 0 : index
    %get3A_28 = vector.load %arg8[%get3A_26, %get3A_27] : memref<64x64xf32, #tpu.memory_space<vmem>>, vector<64x64xf32>
    %dot_general3A_29 = arith.constant dense<0.000000e+00> : vector<1536x64xf32>
    %dot_general3A_30 = tpu.matmul %concatenate3A, %get3A_28, %dot_general3A_29 {dimension_numbers = #tpu.dot_dimension_numbers<[1], [0], [0], [1], [0, 0, 1, 1], [], []>, transpose_lhs_hint = false} : vector<1536x64xf32>, vector<64x64xf32>, vector<1536x64xf32> -> vector<1536x64xf32>
    %get3A_31 = arith.constant 0 : index
    %get3A_32 = arith.constant 0 : index
    %get3A_33 = vector.load %arg9[%get3A_31, %get3A_32] : memref<1x64xf32, #tpu.memory_space<vmem>>, vector<1x64xf32>
    %add3A_34 = vector.broadcast %get3A_33 : vector<1x64xf32> to vector<1536x64xf32>
    %add3A_35 = arith.addf %dot_general3A_30, %add3A_34 : vector<1536x64xf32>
    %slice3A = vector.extract_strided_slice %add3A_15 {offsets = [0, 0], sizes = [512, 64], strides = [1, 1]} : vector<1536x64xf32> to vector<512x64xf32>
    %slice3A_36 = vector.extract_strided_slice %add3A_15 {offsets = [512, 0], sizes = [512, 64], strides = [1, 1]} : vector<1536x64xf32> to vector<512x64xf32>
    %slice3A_37 = vector.extract_strided_slice %add3A_15 {offsets = [1024, 0], sizes = [512, 64], strides = [1, 1]} : vector<1536x64xf32> to vector<512x64xf32>
    %slice3A_38 = vector.extract_strided_slice %add3A_25 {offsets = [0, 0], sizes = [512, 64], strides = [1, 1]} : vector<1536x64xf32> to vector<512x64xf32>
    %slice3A_39 = vector.extract_strided_slice %add3A_25 {offsets = [512, 0], sizes = [512, 64], strides = [1, 1]} : vector<1536x64xf32> to vector<512x64xf32>
    %slice3A_40 = vector.extract_strided_slice %add3A_25 {offsets = [1024, 0], sizes = [512, 64], strides = [1, 1]} : vector<1536x64xf32> to vector<512x64xf32>
    %slice3A_41 = vector.extract_strided_slice %add3A_35 {offsets = [0, 0], sizes = [512, 64], strides = [1, 1]} : vector<1536x64xf32> to vector<512x64xf32>
    %slice3A_42 = vector.extract_strided_slice %add3A_35 {offsets = [512, 0], sizes = [512, 64], strides = [1, 1]} : vector<1536x64xf32> to vector<512x64xf32>
    %slice3A_43 = vector.extract_strided_slice %add3A_35 {offsets = [1024, 0], sizes = [512, 64], strides = [1, 1]} : vector<1536x64xf32> to vector<512x64xf32>
    %mul3A = arith.mulf %slice3A, %slice3A_38 : vector<512x64xf32>
    %reduce_sum3A = arith.constant dense<0.000000e+00> : vector<512xf32>
    %reduce_sum3A_44 = vector.multi_reduction <add>, %mul3A, %reduce_sum3A [1] : vector<512x64xf32> to vector<512xf32>
    %broadcast_in_dim3A = vector.shape_cast %reduce_sum3A_44 : vector<512xf32> to vector<512x1xf32>
    %mul3A_45 = arith.constant 1.250000e-01 : f32
    %mul3A_46 = vector.broadcast %mul3A_45 : f32 to vector<512x1xf32>
    %mul3A_47 = arith.mulf %broadcast_in_dim3A, %mul3A_46 : vector<512x1xf32>
    %mul3A_48 = arith.mulf %slice3A, %slice3A_39 : vector<512x64xf32>
    %reduce_sum3A_49 = arith.constant dense<0.000000e+00> : vector<512xf32>
    %reduce_sum3A_50 = vector.multi_reduction <add>, %mul3A_48, %reduce_sum3A_49 [1] : vector<512x64xf32> to vector<512xf32>
    %broadcast_in_dim3A_51 = vector.shape_cast %reduce_sum3A_50 : vector<512xf32> to vector<512x1xf32>
    %mul3A_52 = arith.constant 1.250000e-01 : f32
    %mul3A_53 = vector.broadcast %mul3A_52 : f32 to vector<512x1xf32>
    %mul3A_54 = arith.mulf %broadcast_in_dim3A_51, %mul3A_53 : vector<512x1xf32>
    %mul3A_55 = arith.mulf %slice3A, %slice3A_40 : vector<512x64xf32>
    %reduce_sum3A_56 = arith.constant dense<0.000000e+00> : vector<512xf32>
    %reduce_sum3A_57 = vector.multi_reduction <add>, %mul3A_55, %reduce_sum3A_56 [1] : vector<512x64xf32> to vector<512xf32>
    %broadcast_in_dim3A_58 = vector.shape_cast %reduce_sum3A_57 : vector<512xf32> to vector<512x1xf32>
    %mul3A_59 = arith.constant 1.250000e-01 : f32
    %mul3A_60 = vector.broadcast %mul3A_59 : f32 to vector<512x1xf32>
    %mul3A_61 = arith.mulf %broadcast_in_dim3A_58, %mul3A_60 : vector<512x1xf32>
    %max3A = arith.maximumf %mul3A_47, %mul3A_54 : vector<512x1xf32>
    %max3A_62 = arith.maximumf %max3A, %mul3A_61 : vector<512x1xf32>
    %sub3A = arith.subf %mul3A_47, %max3A_62 : vector<512x1xf32>
    %exp3A = math.exp %sub3A : vector<512x1xf32>
    %sub3A_63 = arith.subf %mul3A_54, %max3A_62 : vector<512x1xf32>
    %exp3A_64 = math.exp %sub3A_63 : vector<512x1xf32>
    %sub3A_65 = arith.subf %mul3A_61, %max3A_62 : vector<512x1xf32>
    %exp3A_66 = math.exp %sub3A_65 : vector<512x1xf32>
    %add3A_67 = arith.addf %exp3A, %exp3A_64 : vector<512x1xf32>
    %add3A_68 = arith.addf %add3A_67, %exp3A_66 : vector<512x1xf32>
    %mul3A_69 = vector.broadcast %exp3A : vector<512x1xf32> to vector<512x64xf32>
    %mul3A_70 = arith.mulf %mul3A_69, %slice3A_41 : vector<512x64xf32>
    %mul3A_71 = vector.broadcast %exp3A_64 : vector<512x1xf32> to vector<512x64xf32>
    %mul3A_72 = arith.mulf %mul3A_71, %slice3A_42 : vector<512x64xf32>
    %add3A_73 = arith.addf %mul3A_70, %mul3A_72 : vector<512x64xf32>
    %mul3A_74 = vector.broadcast %exp3A_66 : vector<512x1xf32> to vector<512x64xf32>
    %mul3A_75 = arith.mulf %mul3A_74, %slice3A_43 : vector<512x64xf32>
    %add3A_76 = arith.addf %add3A_73, %mul3A_75 : vector<512x64xf32>
    %div3A = vector.broadcast %add3A_68 : vector<512x1xf32> to vector<512x64xf32>
    %div3A_77 = arith.divf %add3A_76, %div3A : vector<512x64xf32>
    %mul3A_78 = arith.mulf %slice3A_36, %slice3A_38 : vector<512x64xf32>
    %reduce_sum3A_79 = arith.constant dense<0.000000e+00> : vector<512xf32>
    %reduce_sum3A_80 = vector.multi_reduction <add>, %mul3A_78, %reduce_sum3A_79 [1] : vector<512x64xf32> to vector<512xf32>
    %broadcast_in_dim3A_81 = vector.shape_cast %reduce_sum3A_80 : vector<512xf32> to vector<512x1xf32>
    %mul3A_82 = arith.constant 1.250000e-01 : f32
    %mul3A_83 = vector.broadcast %mul3A_82 : f32 to vector<512x1xf32>
    %mul3A_84 = arith.mulf %broadcast_in_dim3A_81, %mul3A_83 : vector<512x1xf32>
    %mul3A_85 = arith.mulf %slice3A_36, %slice3A_39 : vector<512x64xf32>
    %reduce_sum3A_86 = arith.constant dense<0.000000e+00> : vector<512xf32>
    %reduce_sum3A_87 = vector.multi_reduction <add>, %mul3A_85, %reduce_sum3A_86 [1] : vector<512x64xf32> to vector<512xf32>
    %broadcast_in_dim3A_88 = vector.shape_cast %reduce_sum3A_87 : vector<512xf32> to vector<512x1xf32>
    %mul3A_89 = arith.constant 1.250000e-01 : f32
    %mul3A_90 = vector.broadcast %mul3A_89 : f32 to vector<512x1xf32>
    %mul3A_91 = arith.mulf %broadcast_in_dim3A_88, %mul3A_90 : vector<512x1xf32>
    %mul3A_92 = arith.mulf %slice3A_36, %slice3A_40 : vector<512x64xf32>
    %reduce_sum3A_93 = arith.constant dense<0.000000e+00> : vector<512xf32>
    %reduce_sum3A_94 = vector.multi_reduction <add>, %mul3A_92, %reduce_sum3A_93 [1] : vector<512x64xf32> to vector<512xf32>
    %broadcast_in_dim3A_95 = vector.shape_cast %reduce_sum3A_94 : vector<512xf32> to vector<512x1xf32>
    %mul3A_96 = arith.constant 1.250000e-01 : f32
    %mul3A_97 = vector.broadcast %mul3A_96 : f32 to vector<512x1xf32>
    %mul3A_98 = arith.mulf %broadcast_in_dim3A_95, %mul3A_97 : vector<512x1xf32>
    %max3A_99 = arith.maximumf %mul3A_84, %mul3A_91 : vector<512x1xf32>
    %max3A_100 = arith.maximumf %max3A_99, %mul3A_98 : vector<512x1xf32>
    %sub3A_101 = arith.subf %mul3A_84, %max3A_100 : vector<512x1xf32>
    %exp3A_102 = math.exp %sub3A_101 : vector<512x1xf32>
    %sub3A_103 = arith.subf %mul3A_91, %max3A_100 : vector<512x1xf32>
    %exp3A_104 = math.exp %sub3A_103 : vector<512x1xf32>
    %sub3A_105 = arith.subf %mul3A_98, %max3A_100 : vector<512x1xf32>
    %exp3A_106 = math.exp %sub3A_105 : vector<512x1xf32>
    %add3A_107 = arith.addf %exp3A_102, %exp3A_104 : vector<512x1xf32>
    %add3A_108 = arith.addf %add3A_107, %exp3A_106 : vector<512x1xf32>
    %mul3A_109 = vector.broadcast %exp3A_102 : vector<512x1xf32> to vector<512x64xf32>
    %mul3A_110 = arith.mulf %mul3A_109, %slice3A_41 : vector<512x64xf32>
    %mul3A_111 = vector.broadcast %exp3A_104 : vector<512x1xf32> to vector<512x64xf32>
    %mul3A_112 = arith.mulf %mul3A_111, %slice3A_42 : vector<512x64xf32>
    %add3A_113 = arith.addf %mul3A_110, %mul3A_112 : vector<512x64xf32>
    %mul3A_114 = vector.broadcast %exp3A_106 : vector<512x1xf32> to vector<512x64xf32>
    %mul3A_115 = arith.mulf %mul3A_114, %slice3A_43 : vector<512x64xf32>
    %add3A_116 = arith.addf %add3A_113, %mul3A_115 : vector<512x64xf32>
    %div3A_117 = vector.broadcast %add3A_108 : vector<512x1xf32> to vector<512x64xf32>
    %div3A_118 = arith.divf %add3A_116, %div3A_117 : vector<512x64xf32>
    %mul3A_119 = arith.mulf %slice3A_37, %slice3A_38 : vector<512x64xf32>
    %reduce_sum3A_120 = arith.constant dense<0.000000e+00> : vector<512xf32>
    %reduce_sum3A_121 = vector.multi_reduction <add>, %mul3A_119, %reduce_sum3A_120 [1] : vector<512x64xf32> to vector<512xf32>
    %broadcast_in_dim3A_122 = vector.shape_cast %reduce_sum3A_121 : vector<512xf32> to vector<512x1xf32>
    %mul3A_123 = arith.constant 1.250000e-01 : f32
    %mul3A_124 = vector.broadcast %mul3A_123 : f32 to vector<512x1xf32>
    %mul3A_125 = arith.mulf %broadcast_in_dim3A_122, %mul3A_124 : vector<512x1xf32>
    %mul3A_126 = arith.mulf %slice3A_37, %slice3A_39 : vector<512x64xf32>
    %reduce_sum3A_127 = arith.constant dense<0.000000e+00> : vector<512xf32>
    %reduce_sum3A_128 = vector.multi_reduction <add>, %mul3A_126, %reduce_sum3A_127 [1] : vector<512x64xf32> to vector<512xf32>
    %broadcast_in_dim3A_129 = vector.shape_cast %reduce_sum3A_128 : vector<512xf32> to vector<512x1xf32>
    %mul3A_130 = arith.constant 1.250000e-01 : f32
    %mul3A_131 = vector.broadcast %mul3A_130 : f32 to vector<512x1xf32>
    %mul3A_132 = arith.mulf %broadcast_in_dim3A_129, %mul3A_131 : vector<512x1xf32>
    %mul3A_133 = arith.mulf %slice3A_37, %slice3A_40 : vector<512x64xf32>
    %reduce_sum3A_134 = arith.constant dense<0.000000e+00> : vector<512xf32>
    %reduce_sum3A_135 = vector.multi_reduction <add>, %mul3A_133, %reduce_sum3A_134 [1] : vector<512x64xf32> to vector<512xf32>
    %broadcast_in_dim3A_136 = vector.shape_cast %reduce_sum3A_135 : vector<512xf32> to vector<512x1xf32>
    %mul3A_137 = arith.constant 1.250000e-01 : f32
    %mul3A_138 = vector.broadcast %mul3A_137 : f32 to vector<512x1xf32>
    %mul3A_139 = arith.mulf %broadcast_in_dim3A_136, %mul3A_138 : vector<512x1xf32>
    %max3A_140 = arith.maximumf %mul3A_125, %mul3A_132 : vector<512x1xf32>
    %max3A_141 = arith.maximumf %max3A_140, %mul3A_139 : vector<512x1xf32>
    %sub3A_142 = arith.subf %mul3A_125, %max3A_141 : vector<512x1xf32>
    %exp3A_143 = math.exp %sub3A_142 : vector<512x1xf32>
    %sub3A_144 = arith.subf %mul3A_132, %max3A_141 : vector<512x1xf32>
    %exp3A_145 = math.exp %sub3A_144 : vector<512x1xf32>
    %sub3A_146 = arith.subf %mul3A_139, %max3A_141 : vector<512x1xf32>
    %exp3A_147 = math.exp %sub3A_146 : vector<512x1xf32>
    %add3A_148 = arith.addf %exp3A_143, %exp3A_145 : vector<512x1xf32>
    %add3A_149 = arith.addf %add3A_148, %exp3A_147 : vector<512x1xf32>
    %mul3A_150 = vector.broadcast %exp3A_143 : vector<512x1xf32> to vector<512x64xf32>
    %mul3A_151 = arith.mulf %mul3A_150, %slice3A_41 : vector<512x64xf32>
    %mul3A_152 = vector.broadcast %exp3A_145 : vector<512x1xf32> to vector<512x64xf32>
    %mul3A_153 = arith.mulf %mul3A_152, %slice3A_42 : vector<512x64xf32>
    %add3A_154 = arith.addf %mul3A_151, %mul3A_153 : vector<512x64xf32>
    %mul3A_155 = vector.broadcast %exp3A_147 : vector<512x1xf32> to vector<512x64xf32>
    %mul3A_156 = arith.mulf %mul3A_155, %slice3A_43 : vector<512x64xf32>
    %add3A_157 = arith.addf %add3A_154, %mul3A_156 : vector<512x64xf32>
    %div3A_158 = vector.broadcast %add3A_149 : vector<512x1xf32> to vector<512x64xf32>
    %div3A_159 = arith.divf %add3A_157, %div3A_158 : vector<512x64xf32>
    %concatenate3A_160 = tpu.concatenate %div3A_77, %div3A_118, %div3A_159 in 0 : vector<512x64xf32>, vector<512x64xf32>, vector<512x64xf32> -> vector<1536x64xf32>
    %get3A_161 = arith.constant 0 : index
    %get3A_162 = arith.constant 0 : index
    %get3A_163 = vector.load %arg10[%get3A_161, %get3A_162] : memref<64x64xf32, #tpu.memory_space<vmem>>, vector<64x64xf32>
    %dot_general3A_164 = arith.constant dense<0.000000e+00> : vector<1536x64xf32>
    %dot_general3A_165 = tpu.matmul %concatenate3A_160, %get3A_163, %dot_general3A_164 {dimension_numbers = #tpu.dot_dimension_numbers<[1], [0], [0], [1], [0, 0, 1, 1], [], []>, transpose_lhs_hint = false} : vector<1536x64xf32>, vector<64x64xf32>, vector<1536x64xf32> -> vector<1536x64xf32>
    %get3A_166 = arith.constant 0 : index
    %get3A_167 = arith.constant 0 : index
    %get3A_168 = vector.load %arg11[%get3A_166, %get3A_167] : memref<1x64xf32, #tpu.memory_space<vmem>>, vector<1x64xf32>
    %add3A_169 = vector.broadcast %get3A_168 : vector<1x64xf32> to vector<1536x64xf32>
    %add3A_170 = arith.addf %dot_general3A_165, %add3A_169 : vector<1536x64xf32>
    %add3A_171 = arith.addf %concatenate3A, %add3A_170 : vector<1536x64xf32>
    %get3A_172 = arith.constant 0 : index
    %get3A_173 = arith.constant 0 : index
    %get3A_174 = vector.load %arg16[%get3A_172, %get3A_173] : memref<1x64xf32, #tpu.memory_space<vmem>>, vector<1x64xf32>
    %get3A_175 = arith.constant 0 : index
    %get3A_176 = arith.constant 0 : index
    %get3A_177 = vector.load %arg17[%get3A_175, %get3A_176] : memref<1x64xf32, #tpu.memory_space<vmem>>, vector<1x64xf32>
    %reduce_sum3A_178 = arith.constant dense<0.000000e+00> : vector<1536xf32>
    %reduce_sum3A_179 = vector.multi_reduction <add>, %add3A_171, %reduce_sum3A_178 [1] : vector<1536x64xf32> to vector<1536xf32>
    %broadcast_in_dim3A_180 = vector.shape_cast %reduce_sum3A_179 : vector<1536xf32> to vector<1536x1xf32>
    %div3A_181 = arith.constant 6.400000e+01 : f32
    %div3A_182 = vector.broadcast %div3A_181 : f32 to vector<1536x1xf32>
    %div3A_183 = arith.divf %broadcast_in_dim3A_180, %div3A_182 : vector<1536x1xf32>
    %sub3A_184 = vector.broadcast %div3A_183 : vector<1536x1xf32> to vector<1536x64xf32>
    %sub3A_185 = arith.subf %add3A_171, %sub3A_184 : vector<1536x64xf32>
    %mul3A_186 = arith.mulf %sub3A_185, %sub3A_185 : vector<1536x64xf32>
    %reduce_sum3A_187 = arith.constant dense<0.000000e+00> : vector<1536xf32>
    %reduce_sum3A_188 = vector.multi_reduction <add>, %mul3A_186, %reduce_sum3A_187 [1] : vector<1536x64xf32> to vector<1536xf32>
    %broadcast_in_dim3A_189 = vector.shape_cast %reduce_sum3A_188 : vector<1536xf32> to vector<1536x1xf32>
    %div3A_190 = arith.constant 6.400000e+01 : f32
    %div3A_191 = vector.broadcast %div3A_190 : f32 to vector<1536x1xf32>
    %div3A_192 = arith.divf %broadcast_in_dim3A_189, %div3A_191 : vector<1536x1xf32>
    %add3A_193 = arith.constant 9.99999974E-6 : f32
    %add3A_194 = vector.broadcast %add3A_193 : f32 to vector<1536x1xf32>
    %add3A_195 = arith.addf %div3A_192, %add3A_194 : vector<1536x1xf32>
    %rsqrt3A = math.rsqrt %add3A_195 : vector<1536x1xf32>
    %mul3A_196 = vector.broadcast %rsqrt3A : vector<1536x1xf32> to vector<1536x64xf32>
    %mul3A_197 = arith.mulf %sub3A_185, %mul3A_196 : vector<1536x64xf32>
    %mul3A_198 = vector.broadcast %get3A_174 : vector<1x64xf32> to vector<1536x64xf32>
    %mul3A_199 = arith.mulf %mul3A_197, %mul3A_198 : vector<1536x64xf32>
    %add3A_200 = vector.broadcast %get3A_177 : vector<1x64xf32> to vector<1536x64xf32>
    %add3A_201 = arith.addf %mul3A_199, %add3A_200 : vector<1536x64xf32>
    %get3A_202 = arith.constant 0 : index
    %get3A_203 = arith.constant 0 : index
    %get3A_204 = vector.load %arg12[%get3A_202, %get3A_203] : memref<64x1024xf32, #tpu.memory_space<vmem>>, vector<64x1024xf32>
    %dot_general3A_205 = arith.constant dense<0.000000e+00> : vector<1536x1024xf32>
    %dot_general3A_206 = tpu.matmul %add3A_201, %get3A_204, %dot_general3A_205 {dimension_numbers = #tpu.dot_dimension_numbers<[1], [0], [0], [1], [0, 0, 1, 1], [], []>, transpose_lhs_hint = false} : vector<1536x64xf32>, vector<64x1024xf32>, vector<1536x1024xf32> -> vector<1536x1024xf32>
    %get3A_207 = arith.constant 0 : index
    %get3A_208 = arith.constant 0 : index
    %get3A_209 = vector.load %arg13[%get3A_207, %get3A_208] : memref<1x1024xf32, #tpu.memory_space<vmem>>, vector<1x1024xf32>
    %add3A_210 = vector.broadcast %get3A_209 : vector<1x1024xf32> to vector<1536x1024xf32>
    %add3A_211 = arith.addf %dot_general3A_206, %add3A_210 : vector<1536x1024xf32>
    %mul3A_212 = arith.constant 5.000000e-01 : f32
    %mul3A_213 = vector.broadcast %mul3A_212 : f32 to vector<1536x1024xf32>
    %mul3A_214 = arith.mulf %mul3A_213, %add3A_211 : vector<1536x1024xf32>
    %mul3A_215 = arith.constant 0.707106769 : f32
    %mul3A_216 = vector.broadcast %mul3A_215 : f32 to vector<1536x1024xf32>
    %mul3A_217 = arith.mulf %add3A_211, %mul3A_216 : vector<1536x1024xf32>
    %erf3A = math.erf %mul3A_217 : vector<1536x1024xf32>
    %add3A_218 = arith.constant 1.000000e+00 : f32
    %add3A_219 = vector.broadcast %add3A_218 : f32 to vector<1536x1024xf32>
    %add3A_220 = arith.addf %add3A_219, %erf3A : vector<1536x1024xf32>
    %mul3A_221 = arith.mulf %mul3A_214, %add3A_220 : vector<1536x1024xf32>
    %get3A_222 = arith.constant 0 : index
    %get3A_223 = arith.constant 0 : index
    %get3A_224 = vector.load %arg14[%get3A_222, %get3A_223] : memref<1024x64xf32, #tpu.memory_space<vmem>>, vector<1024x64xf32>
    %dot_general3A_225 = arith.constant dense<0.000000e+00> : vector<1536x64xf32>
    %dot_general3A_226 = tpu.matmul %mul3A_221, %get3A_224, %dot_general3A_225 {dimension_numbers = #tpu.dot_dimension_numbers<[1], [0], [0], [1], [0, 0, 1, 1], [], []>, transpose_lhs_hint = false} : vector<1536x1024xf32>, vector<1024x64xf32>, vector<1536x64xf32> -> vector<1536x64xf32>
    %get3A_227 = arith.constant 0 : index
    %get3A_228 = arith.constant 0 : index
    %get3A_229 = vector.load %arg15[%get3A_227, %get3A_228] : memref<1x64xf32, #tpu.memory_space<vmem>>, vector<1x64xf32>
    %add3A_230 = vector.broadcast %get3A_229 : vector<1x64xf32> to vector<1536x64xf32>
    %add3A_231 = arith.addf %dot_general3A_226, %add3A_230 : vector<1536x64xf32>
    %add3A_232 = arith.addf %add3A_201, %add3A_231 : vector<1536x64xf32>
    %get3A_233 = arith.constant 0 : index
    %get3A_234 = arith.constant 0 : index
    %get3A_235 = vector.load %arg18[%get3A_233, %get3A_234] : memref<1x64xf32, #tpu.memory_space<vmem>>, vector<1x64xf32>
    %get3A_236 = arith.constant 0 : index
    %get3A_237 = arith.constant 0 : index
    %get3A_238 = vector.load %arg19[%get3A_236, %get3A_237] : memref<1x64xf32, #tpu.memory_space<vmem>>, vector<1x64xf32>
    %reduce_sum3A_239 = arith.constant dense<0.000000e+00> : vector<1536xf32>
    %reduce_sum3A_240 = vector.multi_reduction <add>, %add3A_232, %reduce_sum3A_239 [1] : vector<1536x64xf32> to vector<1536xf32>
    %broadcast_in_dim3A_241 = vector.shape_cast %reduce_sum3A_240 : vector<1536xf32> to vector<1536x1xf32>
    %div3A_242 = arith.constant 6.400000e+01 : f32
    %div3A_243 = vector.broadcast %div3A_242 : f32 to vector<1536x1xf32>
    %div3A_244 = arith.divf %broadcast_in_dim3A_241, %div3A_243 : vector<1536x1xf32>
    %sub3A_245 = vector.broadcast %div3A_244 : vector<1536x1xf32> to vector<1536x64xf32>
    %sub3A_246 = arith.subf %add3A_232, %sub3A_245 : vector<1536x64xf32>
    %mul3A_247 = arith.mulf %sub3A_246, %sub3A_246 : vector<1536x64xf32>
    %reduce_sum3A_248 = arith.constant dense<0.000000e+00> : vector<1536xf32>
    %reduce_sum3A_249 = vector.multi_reduction <add>, %mul3A_247, %reduce_sum3A_248 [1] : vector<1536x64xf32> to vector<1536xf32>
    %broadcast_in_dim3A_250 = vector.shape_cast %reduce_sum3A_249 : vector<1536xf32> to vector<1536x1xf32>
    %div3A_251 = arith.constant 6.400000e+01 : f32
    %div3A_252 = vector.broadcast %div3A_251 : f32 to vector<1536x1xf32>
    %div3A_253 = arith.divf %broadcast_in_dim3A_250, %div3A_252 : vector<1536x1xf32>
    %add3A_254 = arith.constant 9.99999974E-6 : f32
    %add3A_255 = vector.broadcast %add3A_254 : f32 to vector<1536x1xf32>
    %add3A_256 = arith.addf %div3A_253, %add3A_255 : vector<1536x1xf32>
    %rsqrt3A_257 = math.rsqrt %add3A_256 : vector<1536x1xf32>
    %mul3A_258 = vector.broadcast %rsqrt3A_257 : vector<1536x1xf32> to vector<1536x64xf32>
    %mul3A_259 = arith.mulf %sub3A_246, %mul3A_258 : vector<1536x64xf32>
    %mul3A_260 = vector.broadcast %get3A_235 : vector<1x64xf32> to vector<1536x64xf32>
    %mul3A_261 = arith.mulf %mul3A_259, %mul3A_260 : vector<1536x64xf32>
    %add3A_262 = vector.broadcast %get3A_238 : vector<1x64xf32> to vector<1536x64xf32>
    %add3A_263 = arith.addf %mul3A_261, %add3A_262 : vector<1536x64xf32>
    %slice3A_264 = vector.extract_strided_slice %add3A_263 {offsets = [0, 0], sizes = [512, 64], strides = [1, 1]} : vector<1536x64xf32> to vector<512x64xf32>
    %slice3A_265 = vector.extract_strided_slice %add3A_263 {offsets = [512, 0], sizes = [512, 64], strides = [1, 1]} : vector<1536x64xf32> to vector<512x64xf32>
    %add3A_266 = arith.addf %slice3A_264, %slice3A_265 : vector<512x64xf32>
    %slice3A_267 = vector.extract_strided_slice %add3A_263 {offsets = [1024, 0], sizes = [512, 64], strides = [1, 1]} : vector<1536x64xf32> to vector<512x64xf32>
    %add3A_268 = arith.addf %add3A_266, %slice3A_267 : vector<512x64xf32>
    %mul3A_269 = arith.constant 0.333333343 : f32
    %mul3A_270 = vector.broadcast %mul3A_269 : f32 to vector<512x64xf32>
    %mul3A_271 = arith.mulf %add3A_268, %mul3A_270 : vector<512x64xf32>
    %swap3A = arith.constant 0 : index
    %swap3A_272 = arith.constant 0 : index
    %swap3A_273 = vector.load %arg20[%swap3A, %swap3A_272] : memref<512x64xf32, #tpu.memory_space<vmem>>, vector<512x64xf32>
    tpu.vector_store %arg20[%swap3A, %swap3A_272], %mul3A_271 {strides = array<i32>} : memref<512x64xf32, #tpu.memory_space<vmem>>, vector<512x64xf32>,
    return
  }
  func.func @transform_0(%arg0: i32) -> (i32, i32) {
    %c0_i32 = arith.constant 0 : i32
    %c0_i32_0 = arith.constant 0 : i32
    return %arg0, %c0_i32 : i32, i32
  }
  func.func @transform_1(%arg0: i32) -> (i32, i32) {
    %c0_i32 = arith.constant 0 : i32
    %c0_i32_0 = arith.constant 0 : i32
    return %arg0, %c0_i32 : i32, i32
  }
  func.func @transform_2(%arg0: i32) -> (i32, i32) {
    %c0_i32 = arith.constant 0 : i32
    %c0_i32_0 = arith.constant 0 : i32
    return %arg0, %c0_i32 : i32, i32
  }
  func.func @transform_3(%arg0: i32) -> (i32, i32) {
    %c0_i32 = arith.constant 0 : i32
    %c0_i32_0 = arith.constant 0 : i32
    %c0_i32_1 = arith.constant 0 : i32
    return %c0_i32, %c0_i32_0 : i32, i32
  }
  func.func @transform_4(%arg0: i32) -> (i32, i32) {
    %c0_i32 = arith.constant 0 : i32
    %c0_i32_0 = arith.constant 0 : i32
    %c0_i32_1 = arith.constant 0 : i32
    return %c0_i32, %c0_i32_0 : i32, i32
  }
  func.func @transform_5(%arg0: i32) -> (i32, i32) {
    %c0_i32 = arith.constant 0 : i32
    %c0_i32_0 = arith.constant 0 : i32
    %c0_i32_1 = arith.constant 0 : i32
    return %c0_i32, %c0_i32_0 : i32, i32
  }
  func.func @transform_6(%arg0: i32) -> (i32, i32) {
    %c0_i32 = arith.constant 0 : i32
    %c0_i32_0 = arith.constant 0 : i32
    %c0_i32_1 = arith.constant 0 : i32
    return %c0_i32, %c0_i32_0 : i32, i32
  }
  func.func @transform_7(%arg0: i32) -> (i32, i32) {
    %c0_i32 = arith.constant 0 : i32
    %c0_i32_0 = arith.constant 0 : i32
    %c0_i32_1 = arith.constant 0 : i32
    return %c0_i32, %c0_i32_0 : i32, i32
  }
  func.func @transform_8(%arg0: i32) -> (i32, i32) {
    %c0_i32 = arith.constant 0 : i32
    %c0_i32_0 = arith.constant 0 : i32
    %c0_i32_1 = arith.constant 0 : i32
    return %c0_i32, %c0_i32_0 : i32, i32
  }
  func.func @transform_9(%arg0: i32) -> (i32, i32) {
    %c0_i32 = arith.constant 0 : i32
    %c0_i32_0 = arith.constant 0 : i32
    %c0_i32_1 = arith.constant 0 : i32
    return %c0_i32, %c0_i32_0 : i32, i32
  }
  func.func @transform_10(%arg0: i32) -> (i32, i32) {
    %c0_i32 = arith.constant 0 : i32
    %c0_i32_0 = arith.constant 0 : i32
    %c0_i32_1 = arith.constant 0 : i32
    return %c0_i32, %c0_i32_0 : i32, i32
  }
  func.func @transform_11(%arg0: i32) -> (i32, i32) {
    %c0_i32 = arith.constant 0 : i32
    %c0_i32_0 = arith.constant 0 : i32
    %c0_i32_1 = arith.constant 0 : i32
    return %c0_i32, %c0_i32_0 : i32, i32
  }
  func.func @transform_12(%arg0: i32) -> (i32, i32) {
    %c0_i32 = arith.constant 0 : i32
    %c0_i32_0 = arith.constant 0 : i32
    %c0_i32_1 = arith.constant 0 : i32
    return %c0_i32, %c0_i32_0 : i32, i32
  }
  func.func @transform_13(%arg0: i32) -> (i32, i32) {
    %c0_i32 = arith.constant 0 : i32
    %c0_i32_0 = arith.constant 0 : i32
    %c0_i32_1 = arith.constant 0 : i32
    return %c0_i32, %c0_i32_0 : i32, i32
  }
  func.func @transform_14(%arg0: i32) -> (i32, i32) {
    %c0_i32 = arith.constant 0 : i32
    %c0_i32_0 = arith.constant 0 : i32
    %c0_i32_1 = arith.constant 0 : i32
    return %c0_i32, %c0_i32_0 : i32, i32
  }
  func.func @transform_15(%arg0: i32) -> (i32, i32) {
    %c0_i32 = arith.constant 0 : i32
    %c0_i32_0 = arith.constant 0 : i32
    %c0_i32_1 = arith.constant 0 : i32
    return %c0_i32, %c0_i32_0 : i32, i32
  }
  func.func @transform_16(%arg0: i32) -> (i32, i32) {
    %c0_i32 = arith.constant 0 : i32
    %c0_i32_0 = arith.constant 0 : i32
    %c0_i32_1 = arith.constant 0 : i32
    return %c0_i32, %c0_i32_0 : i32, i32
  }
  func.func @transform_17(%arg0: i32) -> (i32, i32) {
    %c0_i32 = arith.constant 0 : i32
    %c0_i32_0 = arith.constant 0 : i32
    %c0_i32_1 = arith.constant 0 : i32
    return %c0_i32, %c0_i32_0 : i32, i32
  }
  func.func @transform_18(%arg0: i32) -> (i32, i32) {
    %c0_i32 = arith.constant 0 : i32
    %c0_i32_0 = arith.constant 0 : i32
    %c0_i32_1 = arith.constant 0 : i32
    return %c0_i32, %c0_i32_0 : i32, i32
  }
  func.func @transform_19(%arg0: i32) -> (i32, i32) {
    %c0_i32 = arith.constant 0 : i32
    %c0_i32_0 = arith.constant 0 : i32
    return %arg0, %c0_i32 : i32, i32
  }
}

</mosaic_0001>

<sc_bundles>
// kernel: kernel.5.cloned.1.call-start
scs
__scs_entry_jumppad:
0x0: {  	(pc) =	sbr.rel $0x88, $3  }
0x1: {  	(tag) =	ssettag $0x0;
	lr =	simm.s32 $0x1  }
0x2: {  	[smem:$0x3F8D] =	sst lr;
	_ =	strace $0xD0000000  }
0x3: {  	_ = 	snop  }
0x4: {  	_ = 	snop  }
0x5: {  	_ = 	snop  }
0x6: {  	_ = 	snop  }
0x7: {  	_ = 	snop  }
__scs_overlays_trampoline_lowered:
0x8: {  	[smem:$0x3F9C] =	sst s0  }
0x9: {  	[smem:$0x3F9D] =	sst s1  }
0xa: {  	[smem:$0x3F9E] =	sst s2  }
0xb: {  	[smem:$0x3F9F] =	sst s3  }
0xc: {  	[smem:$0x3FA0] =	sst s4  }
0xd: {  	[smem:$0x3FA1] =	sst s5  }
0xe: {  	[smem:$0x3FA2] =	sst s6  }
0xf: {  	[smem:$0x3FA3] =	sst s7  }
0x10: {  	[smem:$0x3FA4] =	sst s8  }
0x11: {  	[smem:$0x3FA5] =	sst s9;
	s0 =	simm.s32 @!p0 $0x0  }
0x12: {  	s1 =	sld [smem:$0x3F8B];
	s0 =	simm.s32 @p0 $0x1  }
0x13: {  	[smem:$0x3FA6] =	sst s0;
	s0 =	simm.s32 @!p1 $0x0  }
0x14: {  	s2 =	sld [smem:$0x3F8A];
	s0 =	simm.s32 @p1 $0x1  }
0x15: {  	[smem:$0x3FA7] =	sst s0;
	s0 =	simm.s32 @!p2 $0x0  }
0x16: {  	s3 =	sld [smem:$0x3FDB];
	s0 =	simm.s32 @p2 $0x1  }
0x17: {  	s4 =	simm.s32 $0x1BF5;
	[smem:$0x3FA9] =	sst s0  }
0x18: {  	s0 =	sld [smem:$0x3F8C];
	_ =	swait.ge [sflag:s4], $0x0  }
0x19: {  	s7 =	sld [smem:$0x3F8D]  }
0x1a: {  	s8 =	sadd.s32 $0xFFFFE003, lr  }
0x1b: {  	s9 =	sadd.s32 $0xFFFFFEF7, lr;
	s5 =	simm.s32 $0xFFFFFFFF;
	p2 =	slt.u32 s8, $0xFFFFF086  }
0x1c: {  	p1 =	slt.u32 s9, $0xF7A;
	s5 =	simm.s32 @!p2 $0x0  }
0x1d: {  	s5 =	simm.s32 @p1 $0x1;
	p0 =	seq.s32 s7, s2  }
0x1e: {  	s7 =	smul.u32 @!p0 $0xF7A, s2;
	p2 =	seq.s32 @!p0 s5, $0x0  }
0x1f: {  	s9 =	smul.u32 $0xF7A, s1;
	s8 =	simm.s32 @!p0 $0x1BF5;
	p2 =	por !p2, p0  }
0x20: {  	[sflag:s8] =	ssyncset.s32 @!p0 $0xFFFFF086;
	s6 =	sadd.s32 @!p0 s3, s7;
	s7 =	simm.s32 @!p0 $0x108  }
0x21: {  	s3 =	sadd.s32 s3, s9;
	s6 =	sadd.s32 @!p0 $0x88, s6;
	s7 =	simm.s32 @p2 $0x1082  }
0x22: {  	[simem:s7], [sflag:s8] =	dma.local @!p0 [hbm:s6], $0xF7A  }
0x23: {  	s9 =	sor.u32 $0xD0000000, s2;
	s6 =	simm.s32 $0x108;
	_ =	swait.ge @!p0 [sflag:s8], $0x0  }
0x24: {  	s3 =	sadd.s32 $0x88, s3;
	s6 =	simm.s32 @!p1 $0x1082;
	[sflag:s4] =	ssyncset.s32 $0xFFFFF086  }
0x25: {  	[simem:s6], [sflag:s4] =	dma.local [hbm:s3], $0xF7A  }
0x26: {  	[smem:$0x3F8D] =	sst s1;
	(tag) =	ssettag s2;
	_ =	strace s9  }
0x27: {  	s1 =	sld [smem:$0x3F9D]  }
0x28: {  	s2 =	sld [smem:$0x3F9E]  }
0x29: {  	s4 =	sld [smem:$0x3FA0]  }
0x2a: {  	p0 =	seq.s32 s5, $0x0;
	s5 =	sld [smem:$0x3FA1]  }
0x2b: {  	s6 =	sld [smem:$0x3FA2]  }
0x2c: {  	s7 =	sld [smem:$0x3FA3]  }
0x2d: {  	s3 =	simm.s32 $0x108;
	s8 =	sld [smem:$0x3FA4]  }
0x2e: {  	s3 =	simm.s32 @!p0 $0x1082;
	s9 =	sld [smem:$0x3FA5]  }
0x2f: {  	lr =	sadd.s32 s0, s3;
	s0 =	sld [smem:$0x3F9C]  }
0x30: {  	s3 =	sld [smem:$0x3F9F]  }
0x31: {  	[smem:$0x3FA8] =	sst s10  }
0x32: {  	s10 =	sld [smem:$0x3FA6];
	_ =	sdelay $0x3  }
0x33: {  	p0 =	seq.s32 s10, $0x1;
	s10 =	sld [smem:$0x3FA8];
	_ =	sdelay $0x3  }
0x34: {  	[smem:$0x3FA8] =	sst s10  }
0x35: {  	s10 =	sld [smem:$0x3FA7];
	_ =	sdelay $0x3  }
0x36: {  	p1 =	seq.s32 s10, $0x1;
	s10 =	sld [smem:$0x3FA8];
	_ =	sdelay $0x3  }
0x37: {  	[smem:$0x3FA8] =	sst s10  }
0x38: {  	s10 =	sld [smem:$0x3FA9]  }
0x39: {  	_ = 	snop;
	(pc) =	sbr.ind lr, $3  }
0x3a: {  	_ = 	snop  }
0x3b: {  	_ = 	snop  }
0x3c: {  	p2 =	seq.s32 s10, $0x1;
	s10 =	sld [smem:$0x3FA8]  }
0x3d: {  	_ =	shalt  }
0x3e: {  	_ =	shalt  }
0x3f: {  	_ =	shalt  }
0x40: {  	_ =	shalt  }
0x41: {  	_ =	shalt  }
0x42: {  	_ =	shalt  }
0x43: {  	_ =	shalt  }
0x44: {  	_ =	shalt  }
0x45: {  	_ =	shalt  }
0x46: {  	_ =	shalt  }
0x47: {  	_ =	shalt  }
0x48: {  	_ =	shalt  }
0x49: {  	_ =	shalt  }
0x4a: {  	_ =	shalt  }
0x4b: {  	_ =	shalt  }
0x4c: {  	_ =	shalt  }
0x4d: {  	_ =	shalt  }
0x4e: {  	_ =	shalt  }
0x4f: {  	_ =	shalt  }
0x50: {  	_ =	shalt  }
0x51: {  	_ =	shalt  }
0x52: {  	_ =	shalt  }
0x53: {  	_ =	shalt  }
0x54: {  	_ =	shalt  }
0x55: {  	_ =	shalt  }
0x56: {  	_ =	shalt  }
0x57: {  	_ =	shalt  }
0x58: {  	_ =	shalt  }
0x59: {  	_ =	shalt  }
0x5a: {  	_ =	shalt  }
0x5b: {  	_ =	shalt  }
0x5c: {  	_ =	shalt  }
0x5d: {  	_ =	shalt  }
0x5e: {  	_ =	shalt  }
0x5f: {  	_ =	shalt  }
0x60: {  	_ =	shalt  }
0x61: {  	_ =	shalt  }
0x62: {  	_ =	shalt  }
0x63: {  	_ =	shalt  }
0x64: {  	_ =	shalt  }
0x65: {  	_ =	shalt  }
0x66: {  	_ =	shalt  }
0x67: {  	_ =	shalt  }
0x68: {  	_ =	shalt  }
0x69: {  	_ =	shalt  }
0x6a: {  	_ =	shalt  }
0x6b: {  	_ =	shalt  }
0x6c: {  	_ =	shalt  }
0x6d: {  	_ =	shalt  }
0x6e: {  	_ =	shalt  }
0x6f: {  	_ =	shalt  }
0x70: {  	_ =	shalt  }
0x71: {  	_ =	shalt  }
0x72: {  	_ =	shalt  }
0x73: {  	_ =	shalt  }
0x74: {  	_ =	shalt  }
0x75: {  	_ =	shalt  }
0x76: {  	_ =	shalt  }
0x77: {  	_ =	shalt  }
0x78: {  	_ =	shalt  }
0x79: {  	_ =	shalt  }
0x7a: {  	_ =	shalt  }
0x7b: {  	_ =	shalt  }
0x7c: {  	_ =	shalt  }
0x7d: {  	_ =	shalt  }
0x7e: {  	_ =	shalt  }
0x7f: {  	_ =	shalt  }
0x80: {  	_ =	shalt  }
0x81: {  	_ =	shalt  }
0x82: {  	_ =	shalt  }
0x83: {  	_ =	shalt  }
0x84: {  	_ =	shalt  }
0x85: {  	_ =	shalt  }
0x86: {  	_ =	shalt  }
0x87: {  	_ =	shalt  }
.Lfunc_end0:
.L_simem_size_0:
called_computation_lowered:
.L_overlay_start_0:
0x88: {  	s2 =	sld [smem:$0x3FD9]  }
0x89: {  	s3 =	sld [smem:$0x3FFE];
	_ =	sdelay $0x1  }
0x8a: {  	s1 =	srdreg.scid  }
0x8b: {  	s0 =	sand.u32 $0x1, s1  }
0x8c: {  	s14 =	sshll.u32 s0, $0xA;
	s2 =	sadd.s32 s3, s2  }
0x8d: {  	s2 =	sadd.s32 s2, s14  }
0x8e: {  	[smem:$0x3FB4] =	sst s2  }
0x8f: {  	_ = 	snop  }
0x90: {  	s2 =	sld [smem:$0x3FD0];
	_ =	sdelay $0x2  }
0x91: {  	s4 =	simm.s32 $0xA;
	s5 =	simm.s32 $0x10;
	s15 =	sld [smem:$0x3FC8]  }
0x92: {  	[smem:s5], [sflag:s4] =	dma.local [hbm:s2], $0x1  }
0x93: {  	_ =	swait.eq [sflag:s4], $0x1  }
0x94: {  	[sflag:s4] =	ssyncset.done $0x0  }
0x95: {  	[sflag:s4] =	ssyncadd.s32 $0xFFFFFFFF  }
0x96: {  	s16 =	sld [smem:$0x11];
	(tm) =	ssettm $0x1  }
0x97: {  	s17 =	sld [smem:$0x3FFB];
	_ =	sdelay $0x3  }
0x98: {  	_ =	strace s17  }
0x99: {  	s4 =	sld [smem:$0x3FFC];
	_ =	sdelay $0x3  }
0x9a: {  	_ =	strace s4  }
0x9b: {  	s4 =	sld [smem:$0x3FFD];
	_ =	sdelay $0x3  }
0x9c: {  	_ =	strace s4  }
0x9d: {  	_ =	strace $0x8FFFFFFF  }
0x9e: {  	s18 =	sld [smem:$0x3FDB];
	_ =	sdelay $0x1  }
0x9f: {  	s19 =	simm.s32 $_scs_section_size  }
0xa0: {  	s6 =	simm.s32 $_size__tile_overlayer_lowered;
	s7 =	simm.s32 $_tile_overlayer_lowered  }
0xa1: {  	s22 =	simm.s32 $0x1BFF;
	s21 =	sshll.u32 s7, $0x1;
	s4 =	sadd.s32 s19, s18  }
0xa2: {  	s8 =	simm.s32 $0x0;
	s20 =	sshll.u32 s6, $0x1;
	s6 =	sadd.s32 s21, s4  }
0xa3: {  	[timem:s8], [sflag:s22] =	dma.local [hbm:s6], s20  }
0xa4: {  	_ =	swait.ge [sflag:s22], s20  }
0xa5: {  	s5 =	ssub.s32 $0x0, s20;
	[sflag:s22] =	ssyncset.done $0x0  }
0xa6: {  	[sflag:s22] =	ssyncadd.s32 s5;
	_ =	sdelay $0x1  }
0xa7: {  	s23 =	simm.s32 $0x1B8B  }
0xa8: {  	_ =	swait.ge [sflag:s23], $0x1  }
0xa9: {  	[sflag:s23] =	ssyncset.done $0x0  }
0xaa: {  	s25 =	simm.s32 $0x1B8E;
	s24 =	sld [smem:$0x3FFE];
	[sflag:s23] =	ssyncadd.s32 $0xFFFFFFFF  }
0xab: {  	s26 =	simm.s32 $execute0_lowered;
	[smem:$0x3FD2] =	sst s25  }
0xac: {  	s6 =	sshll.u32 s26, $0x1;
	_ =	strace $0x80000046;
	[dreg:$0x1] =	wrdreg $0xFFFFFFFF  }
0xad: {  	s28 =	simm.s32 $_size_execute0_lowered;
	s4 =	sadd.s32 s4, s6;
	[dreg:$0x0] =	wrdreg $0x0  }
0xae: {  	s6 =	sshll.u32 s28, $0x1;
	[dreg:$0x2] =	wrdreg s4  }
0xaf: {  	[dreg:$0x3] =	wrdreg s6  }
0xb0: {  	[dreg:$0x4] =	wrdreg $0xC0  }
0xb1: {  	_ =	task [dreg:s8], $0x5FFFF  }
0xb2: {  	[dreg:$0x1] =	wrdreg $0xFFFFFFFF  }
0xb3: {  	[dreg:$0x0] =	wrdreg $0x60  }
0xb4: {  	[dreg:$0x2] =	wrdreg s15  }
0xb5: {  	[dreg:$0x3] =	wrdreg s24  }
0xb6: {  	[dreg:$0x4] =	wrdreg s16  }
0xb7: {  	[dreg:$0x5] =	wrdreg $0x9  }
0xb8: {  	_ =	task.clear_ibuf [dreg:s8], $0x6FFFF;
	_ =	strace $0x90000046  }
0xb9: {  	s29 =	simm.s32 $0x9;
	_ =	strace $0x80000048  }
0xba: {  	_ =	swait.ge [sflag:s29], $0x1  }
0xbb: {  	[sflag:s29] =	ssyncadd.s32 $0xFFFFFFFF  }
0xbc: {  	_ =	strace $0x90000048  }
0xbd: {  	_ =	sfence  }
0xbe: {  	s30 =	sld [smem:$0x0];
	_ =	sdelay $0x2  }
0xbf: {  	s31 =	sshll.u32 s1, $0xD;
	s1 =	sshrl.u32 s1, $0x2  }
0xc0: {  	s3 =	sand.u32 $0x4000, s31;
	s1 =	sadd.s32 s1, s30  }
0xc1: {  	s0 =	sor.u32 s3, s0;
	s1 =	sshll.u32 s1, $0x11  }
0xc2: {  	s0 =	sor.u32 s1, s0  }
0xc3: {  	s0 =	sadd.s32 $0x8F2B, s0  }
0xc4: {  	[sflag:s0] =	ssyncadd.remote.s32 $0x1  }
0xc5: {  	_ =	sfence.sel $0xFFFF  }
0xc6: {  	[dreg:$0x0] =	wrdreg $0xFFFFFFFF;
	(pc) =	sbr.abs _section_cstart, $3  }
0xc7: {  	[dreg:$0x1] =	wrdreg $0xFFFFFFFF  }
0xc8: {  	_ =	task.clear_ibuf [dreg:s8], $0x2FFFF;
	_ =	strace $0x9FFFFFFF  }
0xc9: {  	(tm) =	ssettm $0x7FFFFFFF  }
tec
execute0_lowered:
.L_overlay_start_1:
0x0: {  	(tag) =	ssettag $0x1  }
0x1: {  	s5 =	rddreg [dreg:$0x0]  }
0x2: {  	s6 =	rddreg [dreg:$0x1]  }
0x3: {  	s7 =	rddreg [dreg:$0x2]  }
0x4: {  	s3 =	srdreg.scid;
	s2 =	simm.s32 $0x0;
	s0 =	stileid.u32  }
0x5: {  	s12 =	simm.s32 $0x0;
	s8 =	sand.u32 $0x1, s3;
	[smem:$0x7FF] =	sst s2  }
0x6: {  	s4 =	sshll.u32 s0, $0xA;
	s3 =	sadd.s32 $0xF45200, s6;
	s9 =	sshll.u32 s8, $0x9  }
0x7: {  	_ =	strace $0x80000047;
	s8 =	ssub.s32 $0x2, s8;
	s9 =	sor.u32 s9, s4  }
0x8: {  	s4 =	sadd.s32 $0x2E00, s6;
	s31 =	sshrl.u32 s8, $0x1;
	s10 =	sshll.u32 s9, $0x4  }
0x9: {  	s9 =	sshrl.u32 s9, $0x3;
	s8 =	ssub.s32 s8, s31;
	s11 =	sadd.s32 s10, s6  }
0xa: {  	s5 =	sadd.s32 s5, s9;
	s6 =	sadd.s32 s7, s10;
	s8 =	smax.u32 s8, $0x1  }
0xb: {  	s9 =	simm.s32 $0x2;
	s10 =	simm.s32 $0x1;
	s7 =	sadd.s32 $0x1E87600, s11  }
.LBB2_1:
0xc: {  	[tilespmem:s2], [sflag:$0x2] =	stream.linear.gather [hbm4b:s5+s2], $0x200, $0x38;
	[tilespmem:$0x10280] =	vst v63  }
0xd: {  	_ =	swait.ge [sflag:s9], $0x200  }
0xe: {  	[sflag:s9] =	ssyncset.done $0x0  }
0xf: {  	[sflag:s9] =	ssyncadd.s32 $0xFFFFFE00  }
0x10: {  	v0 =	vld [tilespmem:s2+$0x0];
	_ =	sdelay $0x4  }
0x11: {  	v0 =	vshll.u32 v0, $0x4  }
0x12: {  	(v2sf) =	vpush v0, $0x0  }
0x13: {  	(v2sf) =	vpush v0, $0x1  }
0x14: {  	(v2sf) =	vpush v0, $0x2;
	_ =	sdelay $0x1  }
0x15: {  	(v2sf) =	vpush v0, $0x3;
	_ =	sdelay $0x1  }
0x16: {  	(v2sf) =	vpush v0, $0x4;
	_ =	sdelay $0x1  }
0x17: {  	(v2sf) =	vpush v0, $0x5;
	_ =	sdelay $0x1  }
0x18: {  	(v2sf) =	vpush v0, $0x6  }
0x19: {  	s15 =	simm.s32 $0x300;
	s16 =	simm.s32 $0x400  }
0x1a: {  	s17 =	simm.s32 $0x480;
	s18 =	simm.s32 $0x280;
	s19 =	simm.s32 $0x380;
	(v2sf) =	vpush v0, $0x7  }
0x1b: {  	s20 =	simm.s32 $0x500;
	s14 =	simm.s32 $0x880;
	s13 =	simm.s32 $0x900  }
0x1c: {  	s21 =	simm.s32 $0x580;
	s22 =	simm.s32 $0x780;
	s23 =	simm.s32 $0x800;
	(v2sf) =	vpush v0, $0x8  }
0x1d: {  	s24 =	simm.s32 $0x680;
	s25 =	simm.s32 $0x700;
	s26 =	spop (v2sf)  }
0x1e: {  	s28 =	simm.s32 $0x600;
	(v2sf) =	vpush v0, $0x9;
	s26 =	sand.u32 $0x1FFFFFF0, s26;
	s29 =	spop (v2sf)  }
0x1f: {  	s26 =	sadd.s32 s3, s26;
	s29 =	sand.u32 $0x1FFFFFF0, s29;
	s30 =	spop (v2sf)  }
0x20: {  	(v2sf) =	vpush v0, $0xA;
	[tilespmem:s18], [sflag:$0x1] =	stream.linear.gather [hbm4b:s26+s2], $0x80, $0x38;
	[tilespmem:$0x10280] =	vst v63  }
0x21: {  	s0 =	sadd.s32 s3, s29;
	s1 =	sand.u32 $0x1FFFFFF0, s30;
	s11 =	spop (v2sf)  }
0x22: {  	(v2sf) =	vpush v0, $0xB;
	[tilespmem:s15], [sflag:$0x1] =	stream.linear.gather [hbm4b:s0+s2], $0x80, $0x38;
	[tilespmem:$0x10280] =	vst v63  }
0x23: {  	s26 =	sadd.s32 s3, s1;
	s30 =	sand.u32 $0x1FFFFFF0, s11;
	s31 =	spop (v2sf)  }
0x24: {  	(v2sf) =	vpush v0, $0xC;
	[tilespmem:s19], [sflag:$0x1] =	stream.linear.gather [hbm4b:s26+s2], $0x80, $0x38;
	[tilespmem:$0x10280] =	vst v63  }
0x25: {  	s0 =	sadd.s32 s3, s30;
	s1 =	sand.u32 $0x1FFFFFF0, s31;
	s11 =	spop (v2sf)  }
0x26: {  	(v2sf) =	vpush v0, $0xD;
	[tilespmem:s16], [sflag:$0x1] =	stream.linear.gather [hbm4b:s0+s2], $0x80, $0x38;
	[tilespmem:$0x10280] =	vst v63  }
0x27: {  	s18 =	sadd.s32 s3, s1;
	s19 =	sand.u32 $0x1FFFFFF0, s11;
	s26 =	spop (v2sf)  }
0x28: {  	(v2sf) =	vpush v0, $0xE;
	[tilespmem:s17], [sflag:$0x1] =	stream.linear.gather [hbm4b:s18+s2], $0x80, $0x38;
	[tilespmem:$0x10280] =	vst v63  }
0x29: {  	s29 =	sadd.s32 s3, s19;
	s30 =	sand.u32 $0x1FFFFFF0, s26;
	s31 =	spop (v2sf)  }
0x2a: {  	(v2sf) =	vpush v0, $0xF;
	[tilespmem:s20], [sflag:$0x1] =	stream.linear.gather [hbm4b:s29+s2], $0x80, $0x38;
	[tilespmem:$0x10280] =	vst v63  }
0x2b: {  	s0 =	sadd.s32 s3, s30;
	s1 =	sand.u32 $0x1FFFFFF0, s31;
	s11 =	spop (v2sf)  }
0x2c: {  	[tilespmem:s21], [sflag:$0x1] =	stream.linear.gather [hbm4b:s0+s2], $0x80, $0x38;
	[tilespmem:$0x10280] =	vst v63  }
0x2d: {  	s19 =	sand.u32 $0x1FFFFFF0, s11;
	s18 =	sadd.s32 s3, s1;
	s20 =	spop (v2sf)  }
0x2e: {  	[tilespmem:s28], [sflag:$0x1] =	stream.linear.gather [hbm4b:s18+s2], $0x80, $0x38;
	[tilespmem:$0x10280] =	vst v63  }
0x2f: {  	s21 =	sadd.s32 s3, s19;
	s26 =	sand.u32 $0x1FFFFFF0, s20;
	s28 =	spop (v2sf)  }
0x30: {  	[tilespmem:s24], [sflag:$0x1] =	stream.linear.gather [hbm4b:s21+s2], $0x80, $0x38;
	[tilespmem:$0x10280] =	vst v63  }
0x31: {  	s29 =	sadd.s32 s3, s26;
	s30 =	sand.u32 $0x1FFFFFF0, s28;
	s31 =	spop (v2sf)  }
0x32: {  	[tilespmem:s25], [sflag:$0x1] =	stream.linear.gather [hbm4b:s29+s2], $0x80, $0x38;
	[tilespmem:$0x10280] =	vst v63  }
0x33: {  	s0 =	sadd.s32 s3, s30;
	s1 =	sand.u32 $0x1FFFFFF0, s31;
	s11 =	spop (v2sf)  }
0x34: {  	[tilespmem:s22], [sflag:$0x1] =	stream.linear.gather [hbm4b:s0+s2], $0x80, $0x38;
	[tilespmem:$0x10280] =	vst v63  }
0x35: {  	s16 =	sadd.s32 s3, s1;
	s18 =	sand.u32 $0x1FFFFFF0, s11;
	s19 =	spop (v2sf)  }
0x36: {  	[tilespmem:s23], [sflag:$0x1] =	stream.linear.gather [hbm4b:s16+s2], $0x80, $0x38;
	[tilespmem:$0x10280] =	vst v63  }
0x37: {  	s20 =	sadd.s32 s3, s18;
	s21 =	sand.u32 $0x1FFFFFF0, s19;
	s22 =	spop (v2sf)  }
0x38: {  	[tilespmem:s14], [sflag:$0x1] =	stream.linear.gather [hbm4b:s20+s2], $0x80, $0x38;
	[tilespmem:$0x10280] =	vst v63  }
0x39: {  	s24 =	sand.u32 $0x1FFFFFF0, s22;
	s25 =	spop (v2sf);
	s23 =	sadd.s32 s3, s21  }
0x3a: {  	[tilespmem:s13], [sflag:$0x1] =	stream.linear.gather [hbm4b:s23+s2], $0x80, $0x38;
	[tilespmem:$0x10280] =	vst v63  }
0x3b: {  	s26 =	simm.s32 $0x980;
	s28 =	sadd.s32 s3, s24;
	s29 =	sand.u32 $0x1FFFFFF0, s25  }
0x3c: {  	[tilespmem:s26], [sflag:$0x1] =	stream.linear.gather [hbm4b:s28+s2], $0x80, $0x38;
	[tilespmem:$0x10280] =	vst v63  }
0x3d: {  	s30 =	simm.s32 $0xA00;
	s31 =	sadd.s32 s3, s29  }
0x3e: {  	[tilespmem:s30], [sflag:$0x1] =	stream.linear.gather [hbm4b:s31+s2], $0x80, $0x38;
	[tilespmem:$0x10280] =	vst v63  }
0x3f: {  	_ =	swait.ge [sflag:s10], $0x80  }
0x40: {  	[sflag:s10] =	ssyncset.done $0x0  }
0x41: {  	[sflag:s10] =	ssyncadd.s32 $0xFFFFFF80  }
0x42: {  	_ =	swait.ge [sflag:s10], $0x80  }
0x43: {  	[sflag:s10] =	ssyncset.done $0x0  }
0x44: {  	[sflag:s10] =	ssyncadd.s32 $0xFFFFFF80  }
0x45: {  	_ =	swait.ge [sflag:s10], $0x80  }
0x46: {  	[sflag:s10] =	ssyncset.done $0x0  }
0x47: {  	[sflag:s10] =	ssyncadd.s32 $0xFFFFFF80  }
0x48: {  	_ =	swait.ge [sflag:s10], $0x80  }
0x49: {  	[sflag:s10] =	ssyncset.done $0x0  }
0x4a: {  	[sflag:s10] =	ssyncadd.s32 $0xFFFFFF80  }
0x4b: {  	_ =	swait.ge [sflag:s10], $0x80  }
0x4c: {  	[sflag:s10] =	ssyncset.done $0x0  }
0x4d: {  	[sflag:s10] =	ssyncadd.s32 $0xFFFFFF80  }
0x4e: {  	_ =	swait.ge [sflag:s10], $0x80  }
0x4f: {  	[sflag:s10] =	ssyncset.done $0x0  }
0x50: {  	[sflag:s10] =	ssyncadd.s32 $0xFFFFFF80  }
0x51: {  	_ =	swait.ge [sflag:s10], $0x80  }
0x52: {  	[sflag:s10] =	ssyncset.done $0x0  }
0x53: {  	[sflag:s10] =	ssyncadd.s32 $0xFFFFFF80  }
0x54: {  	_ =	swait.ge [sflag:s10], $0x80  }
0x55: {  	[sflag:s10] =	ssyncset.done $0x0  }
0x56: {  	[sflag:s10] =	ssyncadd.s32 $0xFFFFFF80  }
0x57: {  	_ =	swait.ge [sflag:s10], $0x80  }
0x58: {  	[sflag:s10] =	ssyncset.done $0x0  }
0x59: {  	[sflag:s10] =	ssyncadd.s32 $0xFFFFFF80  }
0x5a: {  	_ =	swait.ge [sflag:s10], $0x80  }
0x5b: {  	[sflag:s10] =	ssyncset.done $0x0  }
0x5c: {  	[sflag:s10] =	ssyncadd.s32 $0xFFFFFF80  }
0x5d: {  	_ =	swait.ge [sflag:s10], $0x80  }
0x5e: {  	[sflag:s10] =	ssyncset.done $0x0  }
0x5f: {  	[sflag:s10] =	ssyncadd.s32 $0xFFFFFF80  }
0x60: {  	_ =	swait.ge [sflag:s10], $0x80  }
0x61: {  	[sflag:s10] =	ssyncset.done $0x0  }
0x62: {  	[sflag:s10] =	ssyncadd.s32 $0xFFFFFF80  }
0x63: {  	_ =	swait.ge [sflag:s10], $0x80  }
0x64: {  	[sflag:s10] =	ssyncset.done $0x0  }
0x65: {  	[sflag:s10] =	ssyncadd.s32 $0xFFFFFF80  }
0x66: {  	s14 =	simm.s32 $0x0;
	s13 =	simm.s32 $0x2000;
	_ =	swait.ge [sflag:s10], $0x80  }
.LBB2_2:
0x67: {  	p0 =	sne.s32 s13, $0x3E000;
	[sflag:s10] =	ssyncset.done $0x0;
	s14 =	sadd.s32 $0x10, s14  }
0x68: {  	s15 =	smov.u32 s13;
	s13 =	sadd.s32 $0x2000, s13;
	[sflag:s10] =	ssyncadd.s32 $0xFFFFFF80  }
0x69: {  	_ =	swait.ge [sflag:s10], $0x80  }
0x6a: {  	[sflag:s10] =	ssyncset.done $0x0  }
0x6b: {  	[sflag:s10] =	ssyncadd.s32 $0xFFFFFF80  }
0x6c: {  	_ =	swait.ge [sflag:s10], $0x80  }
0x6d: {  	[sflag:s10] =	ssyncset.done $0x0  }
0x6e: {  	[sflag:s10] =	ssyncadd.s32 $0xFFFFFF80  }
0x6f: {  	v0 =	vld [tilespmem:s14+$0x0];
	_ =	sdelay $0x4  }
0x70: {  	v0 =	vshll.u32 v0, $0x4  }
0x71: {  	(v2sf) =	vpush v0, $0x0  }
0x72: {  	(v2sf) =	vpush v0, $0x1  }
0x73: {  	(v2sf) =	vpush v0, $0x2;
	_ =	sdelay $0x1  }
0x74: {  	(v2sf) =	vpush v0, $0x3;
	_ =	sdelay $0x1  }
0x75: {  	(v2sf) =	vpush v0, $0x4;
	_ =	sdelay $0x1  }
0x76: {  	(v2sf) =	vpush v0, $0x5  }
0x77: {  	s15 =	sshra.s32 s15, $0x2  }
0x78: {  	s23 =	sadd.s32 $0x300, s15;
	s24 =	sadd.s32 $0x400, s15;
	s25 =	sadd.s32 $0x480, s15;
	(v2sf) =	vpush v0, $0x6  }
0x79: {  	s26 =	sadd.s32 $0x280, s15;
	s28 =	sadd.s32 $0x380, s15  }
0x7a: {  	s29 =	sadd.s32 $0x500, s15;
	(v2sf) =	vpush v0, $0x7  }
0x7b: {  	s18 =	sadd.s32 $0x880, s15;
	s17 =	sadd.s32 $0x900, s15;
	s16 =	sadd.s32 $0xA00, s15  }
0x7c: {  	s30 =	sadd.s32 $0x580, s15;
	s20 =	sadd.s32 $0x780, s15;
	s19 =	sadd.s32 $0x800, s15;
	(v2sf) =	vpush v0, $0x8  }
0x7d: {  	s22 =	sadd.s32 $0x680, s15;
	s21 =	sadd.s32 $0x700, s15;
	s31 =	spop (v2sf)  }
0x7e: {  	s0 =	sadd.s32 $0x600, s15;
	s31 =	sand.u32 $0x1FFFFFF0, s31;
	s1 =	spop (v2sf);
	(v2sf) =	vpush v0, $0x9  }
0x7f: {  	s31 =	sadd.s32 s3, s31;
	s1 =	sand.u32 $0x1FFFFFF0, s1;
	s11 =	spop (v2sf)  }
0x80: {  	[tilespmem:s26], [sflag:$0x1] =	stream.linear.gather [hbm4b:s31+s2], $0x80, $0x38;
	(v2sf) =	vpush v0, $0xA;
	[tilespmem:$0x10280] =	vst v63  }
0x81: {  	s1 =	sadd.s32 s3, s1;
	s11 =	sand.u32 $0x1FFFFFF0, s11;
	s26 =	spop (v2sf)  }
0x82: {  	[tilespmem:s23], [sflag:$0x1] =	stream.linear.gather [hbm4b:s1+s2], $0x80, $0x38;
	(v2sf) =	vpush v0, $0xB;
	[tilespmem:$0x10280] =	vst v63  }
0x83: {  	s1 =	sadd.s32 s3, s11;
	s11 =	sand.u32 $0x1FFFFFF0, s26;
	s23 =	spop (v2sf)  }
0x84: {  	[tilespmem:s28], [sflag:$0x1] =	stream.linear.gather [hbm4b:s1+s2], $0x80, $0x38;
	(v2sf) =	vpush v0, $0xC;
	[tilespmem:$0x10280] =	vst v63  }
0x85: {  	s1 =	sadd.s32 s3, s11;
	s11 =	sand.u32 $0x1FFFFFF0, s23;
	s23 =	spop (v2sf)  }
0x86: {  	[tilespmem:s24], [sflag:$0x1] =	stream.linear.gather [hbm4b:s1+s2], $0x80, $0x38;
	(v2sf) =	vpush v0, $0xD;
	[tilespmem:$0x10280] =	vst v63  }
0x87: {  	s1 =	sadd.s32 s3, s11;
	s11 =	sand.u32 $0x1FFFFFF0, s23;
	s23 =	spop (v2sf)  }
0x88: {  	[tilespmem:s25], [sflag:$0x1] =	stream.linear.gather [hbm4b:s1+s2], $0x80, $0x38;
	(v2sf) =	vpush v0, $0xE;
	[tilespmem:$0x10280] =	vst v63  }
0x89: {  	s1 =	sadd.s32 s3, s11;
	s11 =	sand.u32 $0x1FFFFFF0, s23;
	s23 =	spop (v2sf)  }
0x8a: {  	[tilespmem:s29], [sflag:$0x1] =	stream.linear.gather [hbm4b:s1+s2], $0x80, $0x38;
	(v2sf) =	vpush v0, $0xF;
	[tilespmem:$0x10280] =	vst v63  }
0x8b: {  	s1 =	sadd.s32 s3, s11;
	s11 =	sand.u32 $0x1FFFFFF0, s23;
	s23 =	spop (v2sf)  }
0x8c: {  	[tilespmem:s30], [sflag:$0x1] =	stream.linear.gather [hbm4b:s1+s2], $0x80, $0x38;
	[tilespmem:$0x10280] =	vst v63  }
0x8d: {  	s1 =	sadd.s32 s3, s11;
	s11 =	sand.u32 $0x1FFFFFF0, s23;
	s23 =	spop (v2sf)  }
0x8e: {  	[tilespmem:s0], [sflag:$0x1] =	stream.linear.gather [hbm4b:s1+s2], $0x80, $0x38;
	[tilespmem:$0x10280] =	vst v63  }
0x8f: {  	s0 =	sadd.s32 s3, s11;
	s1 =	sand.u32 $0x1FFFFFF0, s23;
	s11 =	spop (v2sf)  }
0x90: {  	[tilespmem:s22], [sflag:$0x1] =	stream.linear.gather [hbm4b:s0+s2], $0x80, $0x38;
	[tilespmem:$0x10280] =	vst v63  }
0x91: {  	s0 =	sadd.s32 s3, s1;
	s1 =	sand.u32 $0x1FFFFFF0, s11;
	s11 =	spop (v2sf)  }
0x92: {  	[tilespmem:s21], [sflag:$0x1] =	stream.linear.gather [hbm4b:s0+s2], $0x80, $0x38;
	[tilespmem:$0x10280] =	vst v63  }
0x93: {  	s0 =	sadd.s32 s3, s1;
	s1 =	sand.u32 $0x1FFFFFF0, s11;
	s11 =	spop (v2sf)  }
0x94: {  	[tilespmem:s20], [sflag:$0x1] =	stream.linear.gather [hbm4b:s0+s2], $0x80, $0x38;
	[tilespmem:$0x10280] =	vst v63  }
0x95: {  	s0 =	sadd.s32 s3, s1;
	s1 =	sand.u32 $0x1FFFFFF0, s11;
	s11 =	spop (v2sf)  }
0x96: {  	[tilespmem:s19], [sflag:$0x1] =	stream.linear.gather [hbm4b:s0+s2], $0x80, $0x38;
	[tilespmem:$0x10280] =	vst v63  }
0x97: {  	s0 =	sadd.s32 s3, s1;
	s1 =	sand.u32 $0x1FFFFFF0, s11;
	s11 =	spop (v2sf)  }
0x98: {  	[tilespmem:s18], [sflag:$0x1] =	stream.linear.gather [hbm4b:s0+s2], $0x80, $0x38;
	[tilespmem:$0x10280] =	vst v63  }
0x99: {  	s0 =	sadd.s32 s3, s1;
	s1 =	sand.u32 $0x1FFFFFF0, s11;
	s11 =	spop (v2sf)  }
0x9a: {  	[tilespmem:s17], [sflag:$0x1] =	stream.linear.gather [hbm4b:s0+s2], $0x80, $0x38;
	[tilespmem:$0x10280] =	vst v63  }
0x9b: {  	s1 =	sadd.s32 s3, s1;
	s0 =	sadd.s32 $0x980, s15;
	s11 =	sand.u32 $0x1FFFFFF0, s11  }
0x9c: {  	[tilespmem:s0], [sflag:$0x1] =	stream.linear.gather [hbm4b:s1+s2], $0x80, $0x38;
	[tilespmem:$0x10280] =	vst v63  }
0x9d: {  	s0 =	sadd.s32 s3, s11  }
0x9e: {  	[tilespmem:s16], [sflag:$0x1] =	stream.linear.gather [hbm4b:s0+s2], $0x80, $0x38;
	[tilespmem:$0x10280] =	vst v63  }
0x9f: {  	_ =	swait.ge [sflag:s10], $0x80  }
0xa0: {  	[sflag:s10] =	ssyncset.done $0x0  }
0xa1: {  	[sflag:s10] =	ssyncadd.s32 $0xFFFFFF80  }
0xa2: {  	_ =	swait.ge [sflag:s10], $0x80  }
0xa3: {  	[sflag:s10] =	ssyncset.done $0x0  }
0xa4: {  	[sflag:s10] =	ssyncadd.s32 $0xFFFFFF80  }
0xa5: {  	_ =	swait.ge [sflag:s10], $0x80  }
0xa6: {  	[sflag:s10] =	ssyncset.done $0x0  }
0xa7: {  	[sflag:s10] =	ssyncadd.s32 $0xFFFFFF80  }
0xa8: {  	_ =	swait.ge [sflag:s10], $0x80  }
0xa9: {  	[sflag:s10] =	ssyncset.done $0x0  }
0xaa: {  	[sflag:s10] =	ssyncadd.s32 $0xFFFFFF80  }
0xab: {  	_ =	swait.ge [sflag:s10], $0x80  }
0xac: {  	[sflag:s10] =	ssyncset.done $0x0  }
0xad: {  	[sflag:s10] =	ssyncadd.s32 $0xFFFFFF80  }
0xae: {  	_ =	swait.ge [sflag:s10], $0x80  }
0xaf: {  	[sflag:s10] =	ssyncset.done $0x0  }
0xb0: {  	[sflag:s10] =	ssyncadd.s32 $0xFFFFFF80  }
0xb1: {  	_ =	swait.ge [sflag:s10], $0x80  }
0xb2: {  	[sflag:s10] =	ssyncset.done $0x0  }
0xb3: {  	[sflag:s10] =	ssyncadd.s32 $0xFFFFFF80  }
0xb4: {  	_ =	swait.ge [sflag:s10], $0x80  }
0xb5: {  	[sflag:s10] =	ssyncset.done $0x0  }
0xb6: {  	[sflag:s10] =	ssyncadd.s32 $0xFFFFFF80  }
0xb7: {  	_ =	swait.ge [sflag:s10], $0x80  }
0xb8: {  	[sflag:s10] =	ssyncset.done $0x0  }
0xb9: {  	[sflag:s10] =	ssyncadd.s32 $0xFFFFFF80  }
0xba: {  	_ =	swait.ge [sflag:s10], $0x80  }
0xbb: {  	[sflag:s10] =	ssyncset.done $0x0  }
0xbc: {  	[sflag:s10] =	ssyncadd.s32 $0xFFFFFF80  }
0xbd: {  	_ =	swait.ge [sflag:s10], $0x80  }
0xbe: {  	[sflag:s10] =	ssyncset.done $0x0  }
0xbf: {  	[sflag:s10] =	ssyncadd.s32 $0xFFFFFF80  }
0xc0: {  	_ =	swait.ge [sflag:s10], $0x80  }
0xc1: {  	[sflag:s10] =	ssyncset.done $0x0  }
.Ltmp0:
0xc2: {  	[sflag:s10] =	ssyncadd.s32 $0xFFFFFF80;
	(pc) =	sbr.rel @p0 .LBB2_2-.Ltmp0, $4  }
0xc3: {  	_ =	swait.ge [sflag:s10], $0x80  }
0xc4: {  	[sflag:s10] =	ssyncset.done $0x0  }
0xc5: {  	[sflag:s10] =	ssyncadd.s32 $0xFFFFFF80  }
0xc6: {  	_ =	swait.ge [sflag:s10], $0x80  }
0xc7: {  	[sflag:s10] =	ssyncset.done $0x0  }
0xc8: {  	[sflag:s10] =	ssyncadd.s32 $0xFFFFFF80  }
0xc9: {  	_ =	swait.ge [sflag:s10], $0x80  }
0xca: {  	[sflag:s10] =	ssyncset.done $0x0  }
0xcb: {  	[sflag:s10] =	ssyncadd.s32 $0xFFFFFF80  }
0xcc: {  	_ =	swait.ge [sflag:s10], $0x80  }
0xcd: {  	[sflag:s10] =	ssyncset.done $0x0  }
0xce: {  	s13 =	simm.s32 $0x0;
	s0 =	simm.s32 $0x280;
	[sflag:s10] =	ssyncadd.s32 $0xFFFFFF80  }
0xcf: {  	[hbm4b:s6+s13] =	stream.linear.scatter [tilespmem:s0], [sflag:$0x2], $0x10000, $0x38;
	[tilespmem:$0x10280] =	vst v63  }
0xd0: {  	_ =	swait.ge [sflag:s9], $0x10000  }
0xd1: {  	[sflag:s9] =	ssyncset.done $0x0  }
0xd2: {  	[sflag:s9] =	ssyncadd.s32 $0xFFFF0000  }
0xd3: {  	v0 =	vld [tilespmem:s13+$0x0];
	_ =	sdelay $0x4  }
0xd4: {  	v0 =	vshll.u32 v0, $0x4  }
0xd5: {  	(v2sf) =	vpush v0, $0x0  }
0xd6: {  	(v2sf) =	vpush v0, $0x1  }
0xd7: {  	(v2sf) =	vpush v0, $0x2;
	_ =	sdelay $0x1  }
0xd8: {  	(v2sf) =	vpush v0, $0x3;
	_ =	sdelay $0x1  }
0xd9: {  	(v2sf) =	vpush v0, $0x4;
	_ =	sdelay $0x1  }
0xda: {  	(v2sf) =	vpush v0, $0x5;
	_ =	sdelay $0x1  }
0xdb: {  	(v2sf) =	vpush v0, $0x6  }
0xdc: {  	s1 =	simm.s32 $0x400;
	s11 =	simm.s32 $0x480  }
0xdd: {  	s16 =	simm.s32 $0x280;
	s17 =	simm.s32 $0x380;
	s18 =	simm.s32 $0x500;
	(v2sf) =	vpush v0, $0x7  }
0xde: {  	s15 =	simm.s32 $0x880;
	s14 =	simm.s32 $0x900;
	s19 =	simm.s32 $0x580  }
0xdf: {  	s20 =	simm.s32 $0x780;
	s21 =	simm.s32 $0x800;
	s22 =	simm.s32 $0x680;
	(v2sf) =	vpush v0, $0x8  }
0xe0: {  	s23 =	simm.s32 $0x700;
	s25 =	simm.s32 $0x600;
	s24 =	spop (v2sf)  }
0xe1: {  	s0 =	simm.s32 $0x300;
	(v2sf) =	vpush v0, $0x9;
	s24 =	sand.u32 $0x1FFFFFF0, s24;
	s26 =	spop (v2sf)  }
0xe2: {  	s24 =	sadd.s32 s4, s24;
	s26 =	sand.u32 $0x1FFFFFF0, s26;
	s28 =	spop (v2sf)  }
0xe3: {  	(v2sf) =	vpush v0, $0xA;
	[tilespmem:s16], [sflag:$0x1] =	stream.linear.gather [hbm4b:s24+s2], $0x80, $0x38;
	[tilespmem:$0x10280] =	vst v63  }
0xe4: {  	s29 =	sadd.s32 s4, s26;
	s30 =	sand.u32 $0x1FFFFFF0, s28;
	s31 =	spop (v2sf)  }
0xe5: {  	(v2sf) =	vpush v0, $0xB;
	[tilespmem:s0], [sflag:$0x1] =	stream.linear.gather [hbm4b:s29+s2], $0x80, $0x38;
	[tilespmem:$0x10280] =	vst v63  }
0xe6: {  	s24 =	sadd.s32 s4, s30;
	s26 =	sand.u32 $0x1FFFFFF0, s31;
	s28 =	spop (v2sf)  }
0xe7: {  	(v2sf) =	vpush v0, $0xC;
	[tilespmem:s17], [sflag:$0x1] =	stream.linear.gather [hbm4b:s24+s2], $0x80, $0x38;
	[tilespmem:$0x10280] =	vst v63  }
0xe8: {  	s29 =	sadd.s32 s4, s26;
	s30 =	sand.u32 $0x1FFFFFF0, s28;
	s31 =	spop (v2sf)  }
0xe9: {  	(v2sf) =	vpush v0, $0xD;
	[tilespmem:s1], [sflag:$0x1] =	stream.linear.gather [hbm4b:s29+s2], $0x80, $0x38;
	[tilespmem:$0x10280] =	vst v63  }
0xea: {  	s26 =	sand.u32 $0x1FFFFFF0, s31;
	s28 =	spop (v2sf);
	s24 =	sadd.s32 s4, s30  }
0xeb: {  	(v2sf) =	vpush v0, $0xE;
	[tilespmem:s11], [sflag:$0x1] =	stream.linear.gather [hbm4b:s24+s2], $0x80, $0x38;
	[tilespmem:$0x10280] =	vst v63  }
0xec: {  	s30 =	sand.u32 $0x1FFFFFF0, s28;
	s31 =	spop (v2sf);
	s29 =	sadd.s32 s4, s26  }
0xed: {  	(v2sf) =	vpush v0, $0xF;
	[tilespmem:s18], [sflag:$0x1] =	stream.linear.gather [hbm4b:s29+s2], $0x80, $0x38;
	[tilespmem:$0x10280] =	vst v63  }
0xee: {  	s16 =	sand.u32 $0x1FFFFFF0, s31;
	s17 =	spop (v2sf);
	s1 =	sadd.s32 s4, s30  }
0xef: {  	[tilespmem:s19], [sflag:$0x1] =	stream.linear.gather [hbm4b:s1+s2], $0x80, $0x38;
	[tilespmem:$0x10280] =	vst v63  }
0xf0: {  	s18 =	sadd.s32 s4, s16;
	s19 =	sand.u32 $0x1FFFFFF0, s17;
	s24 =	spop (v2sf)  }
0xf1: {  	[tilespmem:s25], [sflag:$0x1] =	stream.linear.gather [hbm4b:s18+s2], $0x80, $0x38;
	[tilespmem:$0x10280] =	vst v63  }
0xf2: {  	s26 =	sand.u32 $0x1FFFFFF0, s24;
	s28 =	spop (v2sf);
	s25 =	sadd.s32 s4, s19  }
0xf3: {  	[tilespmem:s22], [sflag:$0x1] =	stream.linear.gather [hbm4b:s25+s2], $0x80, $0x38;
	[tilespmem:$0x10280] =	vst v63  }
0xf4: {  	s29 =	sadd.s32 s4, s26;
	s30 =	sand.u32 $0x1FFFFFF0, s28;
	s31 =	spop (v2sf)  }
0xf5: {  	[tilespmem:s23], [sflag:$0x1] =	stream.linear.gather [hbm4b:s29+s2], $0x80, $0x38;
	[tilespmem:$0x10280] =	vst v63  }
0xf6: {  	s1 =	sadd.s32 s4, s30;
	s16 =	sand.u32 $0x1FFFFFF0, s31;
	s17 =	spop (v2sf)  }
0xf7: {  	[tilespmem:s20], [sflag:$0x1] =	stream.linear.gather [hbm4b:s1+s2], $0x80, $0x38;
	[tilespmem:$0x10280] =	vst v63  }
0xf8: {  	s18 =	sadd.s32 s4, s16;
	s19 =	sand.u32 $0x1FFFFFF0, s17;
	s20 =	spop (v2sf)  }
0xf9: {  	[tilespmem:s21], [sflag:$0x1] =	stream.linear.gather [hbm4b:s18+s2], $0x80, $0x38;
	[tilespmem:$0x10280] =	vst v63  }
0xfa: {  	s22 =	sadd.s32 s4, s19;
	s23 =	sand.u32 $0x1FFFFFF0, s20;
	s24 =	spop (v2sf)  }
0xfb: {  	[tilespmem:s15], [sflag:$0x1] =	stream.linear.gather [hbm4b:s22+s2], $0x80, $0x38;
	[tilespmem:$0x10280] =	vst v63  }
0xfc: {  	s25 =	sadd.s32 s4, s23;
	s26 =	sand.u32 $0x1FFFFFF0, s24;
	s28 =	spop (v2sf)  }
0xfd: {  	[tilespmem:s14], [sflag:$0x1] =	stream.linear.gather [hbm4b:s25+s2], $0x80, $0x38;
	[tilespmem:$0x10280] =	vst v63  }
0xfe: {  	s29 =	simm.s32 $0x980;
	s1 =	sadd.s32 s4, s26;
	s11 =	sand.u32 $0x1FFFFFF0, s28  }
0xff: {  	[tilespmem:s29], [sflag:$0x1] =	stream.linear.gather [hbm4b:s1+s2], $0x80, $0x38;
	[tilespmem:$0x10280] =	vst v63  }
0x100: {  	s30 =	simm.s32 $0xA00;
	s31 =	sadd.s32 s4, s11  }
0x101: {  	[tilespmem:s30], [sflag:$0x1] =	stream.linear.gather [hbm4b:s31+s2], $0x80, $0x38;
	[tilespmem:$0x10280] =	vst v63  }
0x102: {  	_ =	swait.ge [sflag:s10], $0x80  }
0x103: {  	[sflag:s10] =	ssyncset.done $0x0  }
0x104: {  	[sflag:s10] =	ssyncadd.s32 $0xFFFFFF80  }
0x105: {  	_ =	swait.ge [sflag:s10], $0x80  }
0x106: {  	[sflag:s10] =	ssyncset.done $0x0  }
0x107: {  	[sflag:s10] =	ssyncadd.s32 $0xFFFFFF80  }
0x108: {  	_ =	swait.ge [sflag:s10], $0x80  }
0x109: {  	[sflag:s10] =	ssyncset.done $0x0  }
0x10a: {  	[sflag:s10] =	ssyncadd.s32 $0xFFFFFF80  }
0x10b: {  	_ =	swait.ge [sflag:s10], $0x80  }
0x10c: {  	[sflag:s10] =	ssyncset.done $0x0  }
0x10d: {  	[sflag:s10] =	ssyncadd.s32 $0xFFFFFF80  }
0x10e: {  	_ =	swait.ge [sflag:s10], $0x80  }
0x10f: {  	[sflag:s10] =	ssyncset.done $0x0  }
0x110: {  	[sflag:s10] =	ssyncadd.s32 $0xFFFFFF80  }
0x111: {  	_ =	swait.ge [sflag:s10], $0x80  }
0x112: {  	[sflag:s10] =	ssyncset.done $0x0  }
0x113: {  	[sflag:s10] =	ssyncadd.s32 $0xFFFFFF80  }
0x114: {  	_ =	swait.ge [sflag:s10], $0x80  }
0x115: {  	[sflag:s10] =	ssyncset.done $0x0  }
0x116: {  	[sflag:s10] =	ssyncadd.s32 $0xFFFFFF80  }
0x117: {  	_ =	swait.ge [sflag:s10], $0x80  }
0x118: {  	[sflag:s10] =	ssyncset.done $0x0  }
0x119: {  	[sflag:s10] =	ssyncadd.s32 $0xFFFFFF80  }
0x11a: {  	_ =	swait.ge [sflag:s10], $0x80  }
0x11b: {  	[sflag:s10] =	ssyncset.done $0x0  }
0x11c: {  	[sflag:s10] =	ssyncadd.s32 $0xFFFFFF80  }
0x11d: {  	_ =	swait.ge [sflag:s10], $0x80  }
0x11e: {  	[sflag:s10] =	ssyncset.done $0x0  }
0x11f: {  	[sflag:s10] =	ssyncadd.s32 $0xFFFFFF80  }
0x120: {  	_ =	swait.ge [sflag:s10], $0x80  }
0x121: {  	[sflag:s10] =	ssyncset.done $0x0  }
0x122: {  	[sflag:s10] =	ssyncadd.s32 $0xFFFFFF80  }
0x123: {  	_ =	swait.ge [sflag:s10], $0x80  }
0x124: {  	[sflag:s10] =	ssyncset.done $0x0  }
0x125: {  	[sflag:s10] =	ssyncadd.s32 $0xFFFFFF80  }
0x126: {  	_ =	swait.ge [sflag:s10], $0x80  }
0x127: {  	[sflag:s10] =	ssyncset.done $0x0  }
0x128: {  	[sflag:s10] =	ssyncadd.s32 $0xFFFFFF80  }
0x129: {  	s14 =	simm.s32 $0x2000;
	_ =	swait.ge [sflag:s10], $0x80  }
.LBB2_4:
0x12a: {  	p0 =	sne.s32 s14, $0x3E000;
	[sflag:s10] =	ssyncset.done $0x0;
	s13 =	sadd.s32 $0x10, s13  }
0x12b: {  	s0 =	smov.u32 s14;
	s14 =	sadd.s32 $0x2000, s14;
	[sflag:s10] =	ssyncadd.s32 $0xFFFFFF80  }
0x12c: {  	_ =	swait.ge [sflag:s10], $0x80  }
0x12d: {  	[sflag:s10] =	ssyncset.done $0x0  }
0x12e: {  	[sflag:s10] =	ssyncadd.s32 $0xFFFFFF80  }
0x12f: {  	_ =	swait.ge [sflag:s10], $0x80  }
0x130: {  	[sflag:s10] =	ssyncset.done $0x0  }
0x131: {  	[sflag:s10] =	ssyncadd.s32 $0xFFFFFF80  }
0x132: {  	v0 =	vld [tilespmem:s13+$0x0];
	_ =	sdelay $0x4  }
0x133: {  	v0 =	vshll.u32 v0, $0x4  }
0x134: {  	(v2sf) =	vpush v0, $0x0  }
0x135: {  	(v2sf) =	vpush v0, $0x1  }
0x136: {  	(v2sf) =	vpush v0, $0x2;
	_ =	sdelay $0x1  }
0x137: {  	(v2sf) =	vpush v0, $0x3;
	_ =	sdelay $0x1  }
0x138: {  	(v2sf) =	vpush v0, $0x4;
	_ =	sdelay $0x1  }
0x139: {  	(v2sf) =	vpush v0, $0x5  }
0x13a: {  	s15 =	sshra.s32 s0, $0x2  }
0x13b: {  	s0 =	sadd.s32 $0x300, s15;
	s1 =	sadd.s32 $0x400, s15;
	s11 =	sadd.s32 $0x480, s15;
	(v2sf) =	vpush v0, $0x6  }
0x13c: {  	s23 =	sadd.s32 $0x280, s15;
	s24 =	sadd.s32 $0x380, s15  }
0x13d: {  	s25 =	sadd.s32 $0x500, s15;
	(v2sf) =	vpush v0, $0x7  }
0x13e: {  	s18 =	sadd.s32 $0x880, s15;
	s17 =	sadd.s32 $0x900, s15;
	s16 =	sadd.s32 $0xA00, s15  }
0x13f: {  	s26 =	sadd.s32 $0x580, s15;
	s20 =	sadd.s32 $0x780, s15;
	s19 =	sadd.s32 $0x800, s15;
	(v2sf) =	vpush v0, $0x8  }
0x140: {  	s22 =	sadd.s32 $0x680, s15;
	s21 =	sadd.s32 $0x700, s15;
	s28 =	spop (v2sf)  }
0x141: {  	s29 =	sadd.s32 $0x600, s15;
	s28 =	sand.u32 $0x1FFFFFF0, s28;
	s30 =	spop (v2sf);
	(v2sf) =	vpush v0, $0x9  }
0x142: {  	s28 =	sadd.s32 s4, s28;
	s30 =	sand.u32 $0x1FFFFFF0, s30;
	s31 =	spop (v2sf)  }
0x143: {  	[tilespmem:s23], [sflag:$0x1] =	stream.linear.gather [hbm4b:s28+s2], $0x80, $0x38;
	(v2sf) =	vpush v0, $0xA;
	[tilespmem:$0x10280] =	vst v63  }
0x144: {  	s23 =	sadd.s32 s4, s30;
	s28 =	sand.u32 $0x1FFFFFF0, s31;
	s30 =	spop (v2sf)  }
0x145: {  	[tilespmem:s0], [sflag:$0x1] =	stream.linear.gather [hbm4b:s23+s2], $0x80, $0x38;
	(v2sf) =	vpush v0, $0xB;
	[tilespmem:$0x10280] =	vst v63  }
0x146: {  	s0 =	sadd.s32 s4, s28;
	s23 =	sand.u32 $0x1FFFFFF0, s30;
	s28 =	spop (v2sf)  }
0x147: {  	[tilespmem:s24], [sflag:$0x1] =	stream.linear.gather [hbm4b:s0+s2], $0x80, $0x38;
	(v2sf) =	vpush v0, $0xC;
	[tilespmem:$0x10280] =	vst v63  }
0x148: {  	s0 =	sadd.s32 s4, s23;
	s23 =	sand.u32 $0x1FFFFFF0, s28;
	s24 =	spop (v2sf)  }
0x149: {  	[tilespmem:s1], [sflag:$0x1] =	stream.linear.gather [hbm4b:s0+s2], $0x80, $0x38;
	(v2sf) =	vpush v0, $0xD;
	[tilespmem:$0x10280] =	vst v63  }
0x14a: {  	s0 =	sadd.s32 s4, s23;
	s1 =	sand.u32 $0x1FFFFFF0, s24;
	s23 =	spop (v2sf)  }
0x14b: {  	[tilespmem:s11], [sflag:$0x1] =	stream.linear.gather [hbm4b:s0+s2], $0x80, $0x38;
	(v2sf) =	vpush v0, $0xE;
	[tilespmem:$0x10280] =	vst v63  }
0x14c: {  	s0 =	sadd.s32 s4, s1;
	s1 =	sand.u32 $0x1FFFFFF0, s23;
	s11 =	spop (v2sf)  }
0x14d: {  	[tilespmem:s25], [sflag:$0x1] =	stream.linear.gather [hbm4b:s0+s2], $0x80, $0x38;
	(v2sf) =	vpush v0, $0xF;
	[tilespmem:$0x10280] =	vst v63  }
0x14e: {  	s0 =	sadd.s32 s4, s1;
	s1 =	sand.u32 $0x1FFFFFF0, s11;
	s11 =	spop (v2sf)  }
0x14f: {  	[tilespmem:s26], [sflag:$0x1] =	stream.linear.gather [hbm4b:s0+s2], $0x80, $0x38;
	[tilespmem:$0x10280] =	vst v63  }
0x150: {  	s0 =	sadd.s32 s4, s1;
	s1 =	sand.u32 $0x1FFFFFF0, s11;
	s11 =	spop (v2sf)  }
0x151: {  	[tilespmem:s29], [sflag:$0x1] =	stream.linear.gather [hbm4b:s0+s2], $0x80, $0x38;
	[tilespmem:$0x10280] =	vst v63  }
0x152: {  	s0 =	sadd.s32 s4, s1;
	s1 =	sand.u32 $0x1FFFFFF0, s11;
	s11 =	spop (v2sf)  }
0x153: {  	[tilespmem:s22], [sflag:$0x1] =	stream.linear.gather [hbm4b:s0+s2], $0x80, $0x38;
	[tilespmem:$0x10280] =	vst v63  }
0x154: {  	s0 =	sadd.s32 s4, s1;
	s1 =	sand.u32 $0x1FFFFFF0, s11;
	s11 =	spop (v2sf)  }
0x155: {  	[tilespmem:s21], [sflag:$0x1] =	stream.linear.gather [hbm4b:s0+s2], $0x80, $0x38;
	[tilespmem:$0x10280] =	vst v63  }
0x156: {  	s0 =	sadd.s32 s4, s1;
	s1 =	sand.u32 $0x1FFFFFF0, s11;
	s11 =	spop (v2sf)  }
0x157: {  	[tilespmem:s20], [sflag:$0x1] =	stream.linear.gather [hbm4b:s0+s2], $0x80, $0x38;
	[tilespmem:$0x10280] =	vst v63  }
0x158: {  	s0 =	sadd.s32 s4, s1;
	s1 =	sand.u32 $0x1FFFFFF0, s11;
	s11 =	spop (v2sf)  }
0x159: {  	[tilespmem:s19], [sflag:$0x1] =	stream.linear.gather [hbm4b:s0+s2], $0x80, $0x38;
	[tilespmem:$0x10280] =	vst v63  }
0x15a: {  	s0 =	sadd.s32 s4, s1;
	s1 =	sand.u32 $0x1FFFFFF0, s11;
	s11 =	spop (v2sf)  }
0x15b: {  	[tilespmem:s18], [sflag:$0x1] =	stream.linear.gather [hbm4b:s0+s2], $0x80, $0x38;
	[tilespmem:$0x10280] =	vst v63  }
0x15c: {  	s0 =	sadd.s32 s4, s1;
	s1 =	sand.u32 $0x1FFFFFF0, s11;
	s11 =	spop (v2sf)  }
0x15d: {  	[tilespmem:s17], [sflag:$0x1] =	stream.linear.gather [hbm4b:s0+s2], $0x80, $0x38;
	[tilespmem:$0x10280] =	vst v63  }
0x15e: {  	s1 =	sadd.s32 s4, s1;
	s0 =	sadd.s32 $0x980, s15;
	s11 =	sand.u32 $0x1FFFFFF0, s11  }
0x15f: {  	[tilespmem:s0], [sflag:$0x1] =	stream.linear.gather [hbm4b:s1+s2], $0x80, $0x38;
	[tilespmem:$0x10280] =	vst v63  }
0x160: {  	s0 =	sadd.s32 s4, s11  }
0x161: {  	[tilespmem:s16], [sflag:$0x1] =	stream.linear.gather [hbm4b:s0+s2], $0x80, $0x38;
	[tilespmem:$0x10280] =	vst v63  }
0x162: {  	_ =	swait.ge [sflag:s10], $0x80  }
0x163: {  	[sflag:s10] =	ssyncset.done $0x0  }
0x164: {  	[sflag:s10] =	ssyncadd.s32 $0xFFFFFF80  }
0x165: {  	_ =	swait.ge [sflag:s10], $0x80  }
0x166: {  	[sflag:s10] =	ssyncset.done $0x0  }
0x167: {  	[sflag:s10] =	ssyncadd.s32 $0xFFFFFF80  }
0x168: {  	_ =	swait.ge [sflag:s10], $0x80  }
0x169: {  	[sflag:s10] =	ssyncset.done $0x0  }
0x16a: {  	[sflag:s10] =	ssyncadd.s32 $0xFFFFFF80  }
0x16b: {  	_ =	swait.ge [sflag:s10], $0x80  }
0x16c: {  	[sflag:s10] =	ssyncset.done $0x0  }
0x16d: {  	[sflag:s10] =	ssyncadd.s32 $0xFFFFFF80  }
0x16e: {  	_ =	swait.ge [sflag:s10], $0x80  }
0x16f: {  	[sflag:s10] =	ssyncset.done $0x0  }
0x170: {  	[sflag:s10] =	ssyncadd.s32 $0xFFFFFF80  }
0x171: {  	_ =	swait.ge [sflag:s10], $0x80  }
0x172: {  	[sflag:s10] =	ssyncset.done $0x0  }
0x173: {  	[sflag:s10] =	ssyncadd.s32 $0xFFFFFF80  }
0x174: {  	_ =	swait.ge [sflag:s10], $0x80  }
0x175: {  	[sflag:s10] =	ssyncset.done $0x0  }
0x176: {  	[sflag:s10] =	ssyncadd.s32 $0xFFFFFF80  }
0x177: {  	_ =	swait.ge [sflag:s10], $0x80  }
0x178: {  	[sflag:s10] =	ssyncset.done $0x0  }
0x179: {  	[sflag:s10] =	ssyncadd.s32 $0xFFFFFF80  }
0x17a: {  	_ =	swait.ge [sflag:s10], $0x80  }
0x17b: {  	[sflag:s10] =	ssyncset.done $0x0  }
0x17c: {  	[sflag:s10] =	ssyncadd.s32 $0xFFFFFF80  }
0x17d: {  	_ =	swait.ge [sflag:s10], $0x80  }
0x17e: {  	[sflag:s10] =	ssyncset.done $0x0  }
0x17f: {  	[sflag:s10] =	ssyncadd.s32 $0xFFFFFF80  }
0x180: {  	_ =	swait.ge [sflag:s10], $0x80  }
0x181: {  	[sflag:s10] =	ssyncset.done $0x0  }
0x182: {  	[sflag:s10] =	ssyncadd.s32 $0xFFFFFF80  }
0x183: {  	_ =	swait.ge [sflag:s10], $0x80  }
0x184: {  	[sflag:s10] =	ssyncset.done $0x0  }
.Ltmp1:
0x185: {  	[sflag:s10] =	ssyncadd.s32 $0xFFFFFF80;
	(pc) =	sbr.rel @p0 .LBB2_4-.Ltmp1, $4  }
0x186: {  	_ =	swait.ge [sflag:s10], $0x80  }
0x187: {  	[sflag:s10] =	ssyncset.done $0x0  }
0x188: {  	[sflag:s10] =	ssyncadd.s32 $0xFFFFFF80  }
0x189: {  	_ =	swait.ge [sflag:s10], $0x80  }
0x18a: {  	[sflag:s10] =	ssyncset.done $0x0  }
0x18b: {  	[sflag:s10] =	ssyncadd.s32 $0xFFFFFF80  }
0x18c: {  	_ =	swait.ge [sflag:s10], $0x80  }
0x18d: {  	[sflag:s10] =	ssyncset.done $0x0  }
0x18e: {  	[sflag:s10] =	ssyncadd.s32 $0xFFFFFF80  }
0x18f: {  	s12 =	sadd.s32 $0x1, s12;
	_ =	swait.ge [sflag:s10], $0x80  }
0x190: {  	p0 =	sne.s32 s12, s8;
	[sflag:s10] =	ssyncset.done $0x0  }
.Ltmp2:
0x191: {  	s0 =	simm.s32 $0x280;
	[sflag:s10] =	ssyncadd.s32 $0xFFFFFF80;
	(pc) =	sbr.rel @p0 .LBB2_1-.Ltmp2, $4  }
0x192: {  	[hbm4b:s7+s2] =	stream.linear.scatter [tilespmem:s0], [sflag:$0x2], $0x10000, $0x38;
	[tilespmem:$0x10280] =	vst v63  }
0x193: {  	_ =	swait.ge [sflag:s9], $0x10000  }
0x194: {  	[sflag:s9] =	ssyncset.done $0x0  }
0x195: {  	[sflag:s9] =	ssyncadd.s32 $0xFFFF0000  }
0x196: {  	_ =	sfence.sel $0x180000  }
0x197: {  	[bflag:$0x0] =	sbarrier.arrive $0xFFFF  }
0x198: {  	_ =	strace $0x90000047  }
0x199: {  	s0 =	stileid.u32;
	[bflag:$0x2] =	sbarrier.arrive $0xFFFF  }
0x19a: {  	p0 =	sne.s32 s0, $0x0;
	s0 =	rddreg [dreg:$0x3]  }
0x19b: {  	s0 =	sadd.s32 @!p0 $0x100000, s0  }
0x19c: {  	[sflag:s0] =	ssyncadd.tile.s32 @!p0 $0x1;
	_ =	shalt  }
.Lfunc_end2:
_tile_overlayer_lowered:
.L_overlay_start_2:
0x19d: {  	(tag) =	ssettag $0x2  }
0x19e: {  	s0 =	rddreg [dreg:$0x0];
	s2 =	stileid.u32  }
0x19f: {  	s1 =	rddreg [dreg:$0x1];
	p0 =	sne.s32 s2, $0x0  }
0x1a0: {  	s3 =	rddreg [dreg:$0x2];
	[bflag:$0x3] =	sbarrier.arrive $0xFFFF;
	s2 =	simm.s32 @!p0 $0x1C02  }
0x1a1: {  	[timem:s3], [sflag:s2] =	dma.local @!p0 [hbm:s0], s1  }
0x1a2: {  	s0 =	simm.s32 @!p0 $0x2  }
0x1a3: {  	_ =	swait.ge @!p0 [sflag:s0], s1  }
0x1a4: {  	s1 =	ssub.s32 @!p0 $0x0, s1;
	[sflag:s0] =	ssyncset.done @!p0 $0x0  }
0x1a5: {  	[sflag:s0] =	ssyncadd.s32 @!p0 s1  }
0x1a6: {  	[bflag:$0x3] =	sbarrier.arrive $0xFFFF  }
0x1a7: {  	_ =	shalt  }

// kernel: kernel.8.cloned.1.call-start
scs
__scs_entry_jumppad:
0x0: {  	(pc) =	sbr.rel $0x88, $3  }
0x1: {  	(tag) =	ssettag $0x0;
	lr =	simm.s32 $0x1  }
0x2: {  	[smem:$0x3F8D] =	sst lr;
	_ =	strace $0xD0000000  }
0x3: {  	_ = 	snop  }
0x4: {  	_ = 	snop  }
0x5: {  	_ = 	snop  }
0x6: {  	_ = 	snop  }
0x7: {  	_ = 	snop  }
__scs_overlays_trampoline_lowered:
0x8: {  	[smem:$0x3F9C] =	sst s0  }
0x9: {  	[smem:$0x3F9D] =	sst s1  }
0xa: {  	[smem:$0x3F9E] =	sst s2  }
0xb: {  	[smem:$0x3F9F] =	sst s3  }
0xc: {  	[smem:$0x3FA0] =	sst s4  }
0xd: {  	[smem:$0x3FA1] =	sst s5  }
0xe: {  	[smem:$0x3FA2] =	sst s6  }
0xf: {  	[smem:$0x3FA3] =	sst s7  }
0x10: {  	[smem:$0x3FA4] =	sst s8  }
0x11: {  	[smem:$0x3FA5] =	sst s9;
	s0 =	simm.s32 @!p0 $0x0  }
0x12: {  	s1 =	sld [smem:$0x3F8B];
	s0 =	simm.s32 @p0 $0x1  }
0x13: {  	[smem:$0x3FA6] =	sst s0;
	s0 =	simm.s32 @!p1 $0x0  }
0x14: {  	s2 =	sld [smem:$0x3F8A];
	s0 =	simm.s32 @p1 $0x1  }
0x15: {  	[smem:$0x3FA7] =	sst s0;
	s0 =	simm.s32 @!p2 $0x0  }
0x16: {  	s3 =	sld [smem:$0x3FDB];
	s0 =	simm.s32 @p2 $0x1  }
0x17: {  	s4 =	simm.s32 $0x1BF5;
	[smem:$0x3FA9] =	sst s0  }
0x18: {  	s0 =	sld [smem:$0x3F8C];
	_ =	swait.ge [sflag:s4], $0x0  }
0x19: {  	s7 =	sld [smem:$0x3F8D]  }
0x1a: {  	s8 =	sadd.s32 $0xFFFFE003, lr  }
0x1b: {  	s9 =	sadd.s32 $0xFFFFFEF7, lr;
	s5 =	simm.s32 $0xFFFFFFFF;
	p2 =	slt.u32 s8, $0xFFFFF086  }
0x1c: {  	p1 =	slt.u32 s9, $0xF7A;
	s5 =	simm.s32 @!p2 $0x0  }
0x1d: {  	s5 =	simm.s32 @p1 $0x1;
	p0 =	seq.s32 s7, s2  }
0x1e: {  	s7 =	smul.u32 @!p0 $0xF7A, s2;
	p2 =	seq.s32 @!p0 s5, $0x0  }
0x1f: {  	s9 =	smul.u32 $0xF7A, s1;
	s8 =	simm.s32 @!p0 $0x1BF5;
	p2 =	por !p2, p0  }
0x20: {  	[sflag:s8] =	ssyncset.s32 @!p0 $0xFFFFF086;
	s6 =	sadd.s32 @!p0 s3, s7;
	s7 =	simm.s32 @!p0 $0x108  }
0x21: {  	s3 =	sadd.s32 s3, s9;
	s6 =	sadd.s32 @!p0 $0x88, s6;
	s7 =	simm.s32 @p2 $0x1082  }
0x22: {  	[simem:s7], [sflag:s8] =	dma.local @!p0 [hbm:s6], $0xF7A  }
0x23: {  	s9 =	sor.u32 $0xD0000000, s2;
	s6 =	simm.s32 $0x108;
	_ =	swait.ge @!p0 [sflag:s8], $0x0  }
0x24: {  	s3 =	sadd.s32 $0x88, s3;
	s6 =	simm.s32 @!p1 $0x1082;
	[sflag:s4] =	ssyncset.s32 $0xFFFFF086  }
0x25: {  	[simem:s6], [sflag:s4] =	dma.local [hbm:s3], $0xF7A  }
0x26: {  	[smem:$0x3F8D] =	sst s1;
	(tag) =	ssettag s2;
	_ =	strace s9  }
0x27: {  	s1 =	sld [smem:$0x3F9D]  }
0x28: {  	s2 =	sld [smem:$0x3F9E]  }
0x29: {  	s4 =	sld [smem:$0x3FA0]  }
0x2a: {  	p0 =	seq.s32 s5, $0x0;
	s5 =	sld [smem:$0x3FA1]  }
0x2b: {  	s6 =	sld [smem:$0x3FA2]  }
0x2c: {  	s7 =	sld [smem:$0x3FA3]  }
0x2d: {  	s3 =	simm.s32 $0x108;
	s8 =	sld [smem:$0x3FA4]  }
0x2e: {  	s3 =	simm.s32 @!p0 $0x1082;
	s9 =	sld [smem:$0x3FA5]  }
0x2f: {  	lr =	sadd.s32 s0, s3;
	s0 =	sld [smem:$0x3F9C]  }
0x30: {  	s3 =	sld [smem:$0x3F9F]  }
0x31: {  	[smem:$0x3FA8] =	sst s10  }
0x32: {  	s10 =	sld [smem:$0x3FA6];
	_ =	sdelay $0x3  }
0x33: {  	p0 =	seq.s32 s10, $0x1;
	s10 =	sld [smem:$0x3FA8];
	_ =	sdelay $0x3  }
0x34: {  	[smem:$0x3FA8] =	sst s10  }
0x35: {  	s10 =	sld [smem:$0x3FA7];
	_ =	sdelay $0x3  }
0x36: {  	p1 =	seq.s32 s10, $0x1;
	s10 =	sld [smem:$0x3FA8];
	_ =	sdelay $0x3  }
0x37: {  	[smem:$0x3FA8] =	sst s10  }
0x38: {  	s10 =	sld [smem:$0x3FA9]  }
0x39: {  	_ = 	snop;
	(pc) =	sbr.ind lr, $3  }
0x3a: {  	_ = 	snop  }
0x3b: {  	_ = 	snop  }
0x3c: {  	p2 =	seq.s32 s10, $0x1;
	s10 =	sld [smem:$0x3FA8]  }
0x3d: {  	_ =	shalt  }
0x3e: {  	_ =	shalt  }
0x3f: {  	_ =	shalt  }
0x40: {  	_ =	shalt  }
0x41: {  	_ =	shalt  }
0x42: {  	_ =	shalt  }
0x43: {  	_ =	shalt  }
0x44: {  	_ =	shalt  }
0x45: {  	_ =	shalt  }
0x46: {  	_ =	shalt  }
0x47: {  	_ =	shalt  }
0x48: {  	_ =	shalt  }
0x49: {  	_ =	shalt  }
0x4a: {  	_ =	shalt  }
0x4b: {  	_ =	shalt  }
0x4c: {  	_ =	shalt  }
0x4d: {  	_ =	shalt  }
0x4e: {  	_ =	shalt  }
0x4f: {  	_ =	shalt  }
0x50: {  	_ =	shalt  }
0x51: {  	_ =	shalt  }
0x52: {  	_ =	shalt  }
0x53: {  	_ =	shalt  }
0x54: {  	_ =	shalt  }
0x55: {  	_ =	shalt  }
0x56: {  	_ =	shalt  }
0x57: {  	_ =	shalt  }
0x58: {  	_ =	shalt  }
0x59: {  	_ =	shalt  }
0x5a: {  	_ =	shalt  }
0x5b: {  	_ =	shalt  }
0x5c: {  	_ =	shalt  }
0x5d: {  	_ =	shalt  }
0x5e: {  	_ =	shalt  }
0x5f: {  	_ =	shalt  }
0x60: {  	_ =	shalt  }
0x61: {  	_ =	shalt  }
0x62: {  	_ =	shalt  }
0x63: {  	_ =	shalt  }
0x64: {  	_ =	shalt  }
0x65: {  	_ =	shalt  }
0x66: {  	_ =	shalt  }
0x67: {  	_ =	shalt  }
0x68: {  	_ =	shalt  }
0x69: {  	_ =	shalt  }
0x6a: {  	_ =	shalt  }
0x6b: {  	_ =	shalt  }
0x6c: {  	_ =	shalt  }
0x6d: {  	_ =	shalt  }
0x6e: {  	_ =	shalt  }
0x6f: {  	_ =	shalt  }
0x70: {  	_ =	shalt  }
0x71: {  	_ =	shalt  }
0x72: {  	_ =	shalt  }
0x73: {  	_ =	shalt  }
0x74: {  	_ =	shalt  }
0x75: {  	_ =	shalt  }
0x76: {  	_ =	shalt  }
0x77: {  	_ =	shalt  }
0x78: {  	_ =	shalt  }
0x79: {  	_ =	shalt  }
0x7a: {  	_ =	shalt  }
0x7b: {  	_ =	shalt  }
0x7c: {  	_ =	shalt  }
0x7d: {  	_ =	shalt  }
0x7e: {  	_ =	shalt  }
0x7f: {  	_ =	shalt  }
0x80: {  	_ =	shalt  }
0x81: {  	_ =	shalt  }
0x82: {  	_ =	shalt  }
0x83: {  	_ =	shalt  }
0x84: {  	_ =	shalt  }
0x85: {  	_ =	shalt  }
0x86: {  	_ =	shalt  }
0x87: {  	_ =	shalt  }
.Lfunc_end0:
.L_simem_size_0:
called_computation.1_lowered:
.L_overlay_start_0:
0x88: {  	s2 =	sld [smem:$0x3FD9]  }
0x89: {  	s3 =	sld [smem:$0x3FFE];
	_ =	sdelay $0x1  }
0x8a: {  	s1 =	srdreg.scid  }
0x8b: {  	s0 =	sand.u32 $0x1, s1  }
0x8c: {  	s17 =	sshll.u32 s0, $0xA;
	s2 =	sadd.s32 s3, s2  }
0x8d: {  	s2 =	sadd.s32 s2, s17  }
0x8e: {  	[smem:$0x3FB4] =	sst s2  }
0x8f: {  	_ = 	snop  }
0x90: {  	s2 =	sld [smem:$0x3FC8];
	(tm) =	ssettm $0x1  }
0x91: {  	s18 =	sld [smem:$0x3FFB];
	_ =	sdelay $0x3  }
0x92: {  	_ =	strace s18  }
0x93: {  	s3 =	sld [smem:$0x3FFC];
	_ =	sdelay $0x3  }
0x94: {  	_ =	strace s3  }
0x95: {  	s3 =	sld [smem:$0x3FFD];
	_ =	sdelay $0x3  }
0x96: {  	_ =	strace s3  }
0x97: {  	_ =	strace $0x8FFFFFFF  }
0x98: {  	s19 =	sld [smem:$0x3FDB];
	_ =	sdelay $0x1  }
0x99: {  	s4 =	simm.s32 $_scs_section_size  }
0x9a: {  	s5 =	simm.s32 $_size__tile_overlayer_lowered;
	s6 =	simm.s32 $_tile_overlayer_lowered  }
0x9b: {  	s22 =	simm.s32 $0x1BFF;
	s21 =	sshll.u32 s6, $0x1;
	s3 =	sadd.s32 s4, s19  }
0x9c: {  	s7 =	simm.s32 $0x0;
	s20 =	sshll.u32 s5, $0x1;
	s5 =	sadd.s32 s21, s3  }
0x9d: {  	[timem:s7], [sflag:s22] =	dma.local [hbm:s5], s20  }
0x9e: {  	_ =	swait.ge [sflag:s22], s20  }
0x9f: {  	s4 =	ssub.s32 $0x0, s20;
	[sflag:s22] =	ssyncset.done $0x0  }
0xa0: {  	[sflag:s22] =	ssyncadd.s32 s4;
	_ =	sdelay $0x1  }
0xa1: {  	s23 =	simm.s32 $0x1B8B  }
0xa2: {  	_ =	swait.ge [sflag:s23], $0x1  }
0xa3: {  	[sflag:s23] =	ssyncset.done $0x0  }
0xa4: {  	s25 =	simm.s32 $0x1B8E;
	s24 =	sld [smem:$0x3FFE];
	[sflag:s23] =	ssyncadd.s32 $0xFFFFFFFF  }
0xa5: {  	s26 =	simm.s32 $execute0_lowered;
	[smem:$0x3FD2] =	sst s25  }
0xa6: {  	s5 =	sshll.u32 s26, $0x1;
	_ =	strace $0x80000049;
	[dreg:$0x1] =	wrdreg $0xFFFFFFFF  }
0xa7: {  	s28 =	simm.s32 $_size_execute0_lowered;
	s3 =	sadd.s32 s3, s5;
	[dreg:$0x0] =	wrdreg $0x0  }
0xa8: {  	s5 =	sshll.u32 s28, $0x1;
	[dreg:$0x2] =	wrdreg s3  }
0xa9: {  	[dreg:$0x3] =	wrdreg s5  }
0xaa: {  	[dreg:$0x4] =	wrdreg $0xC0  }
0xab: {  	_ =	task [dreg:s7], $0x5FFFF  }
0xac: {  	[dreg:$0x1] =	wrdreg $0xFFFFFFFF  }
0xad: {  	[dreg:$0x0] =	wrdreg $0x60  }
0xae: {  	[dreg:$0x2] =	wrdreg s2  }
0xaf: {  	[dreg:$0x3] =	wrdreg s24  }
0xb0: {  	[dreg:$0x4] =	wrdreg $0x9  }
0xb1: {  	_ =	task.clear_ibuf [dreg:s7], $0x5FFFF;
	_ =	strace $0x90000049  }
0xb2: {  	s29 =	simm.s32 $0x9;
	_ =	strace $0x8000004B  }
0xb3: {  	_ =	swait.ge [sflag:s29], $0x1  }
0xb4: {  	[sflag:s29] =	ssyncadd.s32 $0xFFFFFFFF  }
0xb5: {  	_ =	strace $0x9000004B  }
0xb6: {  	_ =	sfence  }
0xb7: {  	s30 =	sld [smem:$0x0];
	_ =	sdelay $0x2  }
0xb8: {  	s31 =	sshll.u32 s1, $0xD;
	s1 =	sshrl.u32 s1, $0x2  }
0xb9: {  	s3 =	sand.u32 $0x4000, s31;
	s1 =	sadd.s32 s1, s30  }
0xba: {  	s0 =	sor.u32 s3, s0;
	s1 =	sshll.u32 s1, $0x11  }
0xbb: {  	s0 =	sor.u32 s1, s0  }
0xbc: {  	s0 =	sadd.s32 $0x8F2B, s0  }
0xbd: {  	[sflag:s0] =	ssyncadd.remote.s32 $0x1  }
0xbe: {  	_ =	sfence.sel $0xFFFF  }
0xbf: {  	[dreg:$0x0] =	wrdreg $0xFFFFFFFF;
	(pc) =	sbr.abs _section_cstart, $3  }
0xc0: {  	[dreg:$0x1] =	wrdreg $0xFFFFFFFF  }
0xc1: {  	_ =	task.clear_ibuf [dreg:s7], $0x2FFFF;
	_ =	strace $0x9FFFFFFF  }
0xc2: {  	(tm) =	ssettm $0x7FFFFFFF  }
0xc3: {  	_ =	shalt  }
tec
execute0_lowered:
.L_overlay_start_1:
0x0: {  	(tag) =	ssettag $0x1  }
0x1: {  	s4 =	rddreg [dreg:$0x0]  }
0x2: {  	s3 =	rddreg [dreg:$0x1];
	s2 =	srdreg.scid  }
0x3: {  	s0 =	rddreg [dreg:$0x2];
	s1 =	stileid.u32  }
0x4: {  	s9 =	simm.s32 $0x1;
	s10 =	simm.s32 $0x0;
	s5 =	sand.u32 $0x1, s2  }
0x5: {  	s2 =	simm.s32 $0x0;
	s6 =	sshll.u32 s1, $0xA;
	s7 =	sshll.u32 s5, $0x9  }
0x6: {  	[smem:$0x7FF] =	sst s2;
	s5 =	ssub.s32 $0x2, s5;
	s6 =	sor.u32 s7, s6  }
0x7: {  	_ =	strace $0x8000004A;
	s8 =	sshrl.u32 s5, $0x1;
	s7 =	sshll.u32 s6, $0x4  }
0x8: {  	s6 =	sshrl.u32 s6, $0x3;
	s8 =	ssub.s32 s5, s8;
	s7 =	sadd.s32 s7, s3  }
0x9: {  	s3 =	sadd.s32 $0x2E00, s3;
	s4 =	sadd.s32 s4, s6;
	s6 =	smax.u32 s8, $0x1  }
0xa: {  	s8 =	simm.s32 $0x280;
	s5 =	sadd.s32 $0x1E87600, s7;
	s7 =	simm.s32 $0x2  }
.LBB2_1:
0xb: {  	[tilespmem:s2], [sflag:$0x2] =	stream.linear.gather [hbm4b:s4+s2], $0x200, $0x38;
	[tilespmem:$0x10280] =	vst v63  }
0xc: {  	_ =	swait.ge [sflag:s7], $0x200  }
0xd: {  	[sflag:s7] =	ssyncset.done $0x0  }
0xe: {  	[sflag:s7] =	ssyncadd.s32 $0xFFFFFE00  }
0xf: {  	[tilespmem:s8], [sflag:$0x2] =	stream.linear.gather [hbm4b:s5+s2], $0x10000, $0x38;
	[tilespmem:$0x10280] =	vst v63  }
0x10: {  	_ =	swait.ge [sflag:s7], $0x10000  }
0x11: {  	[sflag:s7] =	ssyncset.done $0x0  }
0x12: {  	s11 =	simm.s32 $0x0;
	s12 =	simm.s32 $0x0;
	[sflag:s7] =	ssyncadd.s32 $0xFFFF0000  }
.LBB2_2:
0x13: {  	s13 =	sshra.s32 s12, $0x2  }
0x14: {  	v2 =	vld [tilespmem:s13+$0x280]  }
0x15: {  	v9 =	vld [tilespmem:s13+$0x290];
	_ =	sdelay $0x1  }
0x16: {  	v18 =	vld [tilespmem:s13+$0x2A0];
	_ =	sdelay $0x1  }
0x17: {  	v15 =	vld [tilespmem:s13+$0x2B0]  }
0x18: {  	v0 =	vmul.f32 v2, v2;
	v1 =	vmul.f32 v9, v9  }
0x19: {  	v33 =	vld [tilespmem:s13+$0x300]  }
0x1a: {  	v32 =	vld [tilespmem:s13+$0x310];
	v19 =	vmul.f32 v18, v18;
	v0 =	vadd.f32 v1, v0;
	_ =	sdelay $0x1  }
0x1b: {  	v16 =	vld [tilespmem:s13+$0x320];
	v20 =	vmul.f32 v15, v15;
	v0 =	vadd.f32 v19, v0;
	_ =	sdelay $0x1  }
0x1c: {  	v1 =	vld [tilespmem:s13+$0x330];
	v0 =	vadd.f32 v20, v0  }
0x1d: {  	v21 =	vmul.f32 v33, v33;
	v3 =	vmul.f32 v32, v32  }
0x1e: {  	(xrf2) =	vadd.scan.msk.f32 $0xffff, v0  }
0x1f: {  	v22 =	vmul.f32 v16, v16;
	v0 =	vadd.f32 v3, v21;
	_ =	sdelay $0x1  }
0x20: {  	v7 =	vld [tilespmem:s13+$0x380];
	v4 =	vmul.f32 v1, v1;
	v0 =	vadd.f32 v22, v0  }
0x21: {  	v3 =	vld [tilespmem:s13+$0x390]  }
0x22: {  	v0 =	vadd.f32 v4, v0  }
0x23: {  	v4 =	vld [tilespmem:s13+$0x3A0]  }
0x24: {  	(xrf2) =	vadd.scan.msk.f32 $0xffff, v0  }
0x25: {  	v6 =	vld [tilespmem:s13+$0x3B0]  }
0x26: {  	v23 =	vmul.f32 v7, v7;
	v24 =	vmul.f32 v3, v3  }
0x27: {  	v5, _, _ =	vpop (xrf2)  }
0x28: {  	v0 =	vadd.f32 v24, v23;
	v25 =	vmul.f32 v4, v4;
	(v2sf) =	vpush v5, $0xF;
	_ =	sdelay $0x1  }
0x29: {  	v8 =	vld [tilespmem:s13+$0x400];
	v26 =	vmul.f32 v6, v6;
	v0 =	vadd.f32 v25, v0  }
0x2a: {  	v31 =	vld [tilespmem:s13+$0x410]  }
0x2b: {  	v0 =	vadd.f32 v26, v0  }
0x2c: {  	v5 =	vld [tilespmem:s13+$0x420]  }
0x2d: {  	v10, _, _ =	vpop (xrf2);
	(xrf2) =	vadd.scan.msk.f32 $0xffff, v0  }
0x2e: {  	v0 =	vld [tilespmem:s13+$0x430];
	(v2sf) =	vpush v10, $0xF  }
0x2f: {  	v27 =	vmul.f32 v8, v8;
	v11 =	vmul.f32 v31, v31;
	_ =	sdelay $0x1  }
0x30: {  	v28 =	vmul.f32 v5, v5;
	v10 =	vadd.f32 v11, v27;
	_ =	sdelay $0x1  }
0x31: {  	v10 =	vadd.f32 v28, v10;
	v29 =	vmul.f32 v0, v0;
	_ =	sdelay $0x1  }
0x32: {  	v20 =	vld [tilespmem:s13+$0x490];
	v10 =	vadd.f32 v29, v10  }
0x33: {  	v21 =	vld [tilespmem:s13+$0x480];
	s14 =	spop (v2sf)  }
0x34: {  	v34, _, _ =	vpop (xrf2);
	(xrf2) =	vadd.scan.msk.f32 $0xffff, v10;
	s14 =	smax.f32 s14, $1.000000020e-24  }
0x35: {  	v17 =	vld [tilespmem:s13+$0x4A0];
	(v2sf) =	vpush v34, $0xF;
	v12 =	vmov s14  }
0x36: {  	v22 =	vld [tilespmem:s13+$0x4B0];
	v13 =	vshra.s32 v12, $0x1;
	v12 =	vmul.f32 $5.000000000e-01, v12  }
0x37: {  	v38 =	vmul.f32 v20, v20;
	v30 =	vsub.s32 $0x5F3759DF, v13  }
0x38: {  	v37 =	vmul.f32 v21, v21;
	v14 =	vmul.f32 v30, v12;
	_ =	sdelay $0x1  }
0x39: {  	v39 =	vmul.f32 v17, v17;
	v13 =	vadd.f32 v38, v37;
	s15 =	spop (v2sf);
	v35 =	vmul.f32 v30, v14  }
0x3a: {  	v40 =	vmul.f32 v22, v22;
	s14 =	smax.f32 s15, $1.000000020e-24  }
0x3b: {  	v13 =	vadd.f32 v39, v13;
	v36 =	vmov s14;
	v10 =	vsub.f32 $1.500000000e+00, v35  }
0x3c: {  	v23 =	vshra.s32 v36, $0x1;
	v11 =	vmul.f32 $5.000000000e-01, v36  }
0x3d: {  	v13 =	vadd.f32 v40, v13;
	v24 =	vsub.s32 $0x5F3759DF, v23;
	v25, _, _ =	vpop (xrf2);
	v10 =	vmul.f32 v30, v10  }
0x3e: {  	v23 =	vmul.f32 v24, v11;
	(v2sf) =	vpush v25, $0xF  }
0x3f: {  	(xrf2) =	vadd.scan.msk.f32 $0xffff, v13;
	v19 =	vmul.f32 v10, v12  }
0x40: {  	v29 =	vld [tilespmem:s13+$0x510];
	v41 =	vmul.f32 v24, v23  }
0x41: {  	v19 =	vmul.f32 v19, v10  }
0x42: {  	v23 =	vld [tilespmem:s13+$0x500];
	v42 =	vsub.f32 $1.500000000e+00, v41  }
0x43: {  	s16 =	spop (v2sf);
	v19 =	vsub.f32 $1.500000000e+00, v19  }
0x44: {  	v28 =	vld [tilespmem:s13+$0x520];
	v43 =	vmul.f32 v24, v42;
	s14 =	smax.f32 s16, $1.000000020e-24  }
0x45: {  	v27 =	vmul.f32 v29, v29;
	v45 =	vmov s14;
	v10 =	vmul.f32 v19, v10  }
0x46: {  	v30 =	vld [tilespmem:s13+$0x530];
	v24 =	vmul.f32 v43, v11;
	v25 =	vmul.f32 $5.000000000e-01, v45;
	v19 =	vshra.s32 v45, $0x1  }
0x47: {  	v26 =	vmul.f32 v23, v23;
	v19 =	vsub.s32 $0x5F3759DF, v19;
	v44 =	vmul.f32 v10, v12  }
0x48: {  	v24 =	vmul.f32 v24, v43;
	v34 =	vmul.f32 v19, v25  }
0x49: {  	v46 =	vmul.f32 v28, v28;
	v26 =	vadd.f32 v27, v26;
	v49, _, _ =	vpop (xrf2);
	v14 =	vmul.f32 v44, v10  }
0x4a: {  	(v2sf) =	vpush v49, $0xF;
	v24 =	vsub.f32 $1.500000000e+00, v24;
	v34 =	vmul.f32 v19, v34  }
0x4b: {  	v47 =	vmul.f32 v30, v30;
	v26 =	vadd.f32 v46, v26;
	v14 =	vsub.f32 $1.500000000e+00, v14  }
0x4c: {  	v13 =	vmul.f32 v24, v43;
	v48 =	vsub.f32 $1.500000000e+00, v34  }
0x4d: {  	v26 =	vadd.f32 v47, v26;
	s17 =	spop (v2sf);
	v10 =	vmul.f32 v14, v10  }
0x4e: {  	v49 =	vld [tilespmem:s13+$0x600];
	v50 =	vmul.f32 v13, v11;
	v14 =	vmul.f32 v19, v48;
	s14 =	smax.f32 s17, $1.000000020e-24  }
0x4f: {  	(xrf2) =	vadd.scan.msk.f32 $0xffff, v26;
	v52 =	vmov s14;
	v12 =	vmul.f32 v10, v12  }
0x50: {  	v48 =	vld [tilespmem:s13+$0x610];
	v51 =	vmul.f32 v50, v13;
	v53 =	vmul.f32 v14, v25;
	v54 =	vshra.s32 v52, $0x1  }
0x51: {  	v34 =	vmul.f32 $5.000000000e-01, v52;
	v55 =	vsub.s32 $0x5F3759DF, v54  }
0x52: {  	v46 =	vld [tilespmem:s13+$0x620];
	v12 =	vmul.f32 v12, v10;
	v19 =	vsub.f32 $1.500000000e+00, v51;
	v26 =	vmul.f32 v53, v14  }
0x53: {  	v45 =	vld [tilespmem:s13+$0x630];
	v42 =	vmul.f32 v49, v49;
	v27 =	vmul.f32 v55, v34  }
0x54: {  	v12 =	vsub.f32 $1.500000000e+00, v12;
	v35 =	vmul.f32 v19, v13;
	v56 =	vsub.f32 $1.500000000e+00, v26;
	v26 =	vld [tilespmem:s13+$0x580]  }
0x55: {  	v43 =	vmul.f32 v48, v48;
	v57 =	vmul.f32 v55, v27;
	v27 =	vld [tilespmem:s13+$0x590]  }
0x56: {  	v13 =	vld [tilespmem:s13+$0x5A0];
	v10 =	vmul.f32 v12, v10;
	v11 =	vmul.f32 v35, v11  }
0x57: {  	v19 =	vld [tilespmem:s13+$0x5B0];
	v36 =	vmul.f32 v56, v14;
	v58 =	vsub.f32 $1.500000000e+00, v57;
	v14 =	vmul.f32 v46, v46  }
0x58: {  	v10 =	vmul.f32 $5.000000070e-02, v10;
	v59 =	vmul.f32 v11, v35  }
0x59: {  	v42 =	vadd.f32 v43, v42;
	v61, _, _ =	vpop (xrf2);
	s18 =	spop (v2sf);
	v60 =	vmul.f32 v36, v25;
	v24 =	vmul.f32 v55, v58  }
0x5a: {  	(v2sf) =	vpush v61, $0xF;
	s14 =	smax.f32 s18, $1.000000020e-24;
	v55 =	vmul.f32 v45, v45;
	v39 =	vmul.f32 v26, v26  }
0x5b: {  	v40 =	vmul.f32 v27, v27;
	v11 =	vmul.f32 v13, v13;
	v41 =	vmov s14  }
0x5c: {  	v12 =	vmul.f32 v19, v19;
	v37 =	vadd.f32 $9.499999880e-01, v10;
	v38 =	vmul.f32 v24, v34  }
0x5d: {  	v62 =	vsub.f32 $1.500000000e+00, v59;
	v63 =	vmul.f32 v60, v36;
	v44 =	vshra.s32 v41, $0x1  }
0x5e: {  	v51 =	vmul.f32 $5.000000000e-01, v41;
	v39 =	vadd.f32 v40, v39;
	v38 =	vmul.f32 v38, v24  }
0x5f: {  	v44 =	vsub.s32 $0x5F3759DF, v44;
	v2 =	vmul.f32 v37, v2;
	v10 =	vsub.f32 $1.500000000e+00, v63  }
0x60: {  	v41 =	vmul.f32 v44, v51;
	v39 =	vadd.f32 v11, v39;
	v38 =	vsub.f32 $1.500000000e+00, v38  }
0x61: {  	v54 =	vadd.f32 v14, v42;
	[tilespmem:$0x1FF10] =	vst v2;
	v2 =	vmul.f32 v62, v35;
	v35 =	vmul.f32 v10, v36  }
0x62: {  	v58 =	vmul.f32 v44, v41;
	v53 =	vadd.f32 v12, v39;
	v38 =	vmul.f32 v38, v24  }
0x63: {  	v39 =	vadd.f32 v55, v54;
	v2 =	vmul.f32 $5.000000070e-02, v2;
	v59 =	vmul.f32 v35, v25  }
0x64: {  	v40 =	vld [tilespmem:s13+$0x6A0];
	v9 =	vmul.f32 v37, v9;
	v62 =	vsub.f32 $1.500000000e+00, v58;
	(xrf2) =	vadd.scan.msk.f32 $0xffff, v53;
	v56 =	vmul.f32 v38, v34  }
0x65: {  	v60 =	vmul.f32 v37, v15;
	v2 =	vadd.f32 $9.499999880e-01, v2;
	(xrf2) =	vadd.scan.msk.f32 $0xffff, v39;
	v12 =	vmul.f32 v59, v35  }
0x66: {  	v47 =	vld [tilespmem:s13+$0x6B0];
	v15 =	vmul.f32 v44, v62;
	v36 =	vmul.f32 v56, v38  }
0x67: {  	v57 =	vmul.f32 v37, v18;
	v63 =	vmul.f32 v2, v32;
	v32 =	vsub.f32 $1.500000000e+00, v12  }
0x68: {  	v61 =	vmul.f32 v2, v33;
	v33 =	vld [tilespmem:s13+$0x680];
	v18 =	vmul.f32 v15, v51;
	v36 =	vsub.f32 $1.500000000e+00, v36  }
0x69: {  	v59 =	vmul.f32 v40, v40;
	v32 =	vmul.f32 v32, v35  }
0x6a: {  	v39 =	vmul.f32 v18, v15;
	s19 =	spop (v2sf);
	v38 =	vmul.f32 v36, v38;
	v36 =	vld [tilespmem:s13+$0x690]  }
0x6b: {  	v62 =	vmul.f32 v47, v47;
	v14 =	vmul.f32 v2, v16;
	s14 =	smax.f32 s19, $1.000000020e-24  }
0x6c: {  	v32 =	vmul.f32 $5.000000070e-02, v32;
	v39 =	vsub.f32 $1.500000000e+00, v39;
	v16 =	vmov s14  }
0x6d: {  	v55 =	vmul.f32 v33, v33;
	v24 =	vshra.s32 v16, $0x1;
	v53 =	vmul.f32 $5.000000000e-01, v16  }
0x6e: {  	v34 =	vmul.f32 v38, v34;
	v37 =	vmul.f32 v39, v15;
	v25 =	vsub.s32 $0x5F3759DF, v24;
	v52, _, _ =	vpop (xrf2)  }
0x6f: {  	v50 =	vmul.f32 v25, v53;
	(v2sf) =	vpush v52, $0xF;
	v54, _, _ =	vpop (xrf2);
	v56 =	vmul.f32 v36, v36  }
0x70: {  	[tilespmem:$0x1FF40] =	vst v60;
	v34 =	vmul.f32 v34, v38;
	v60 =	vmul.f32 v37, v51;
	(v2sf) =	vpush v54, $0xF  }
0x71: {  	[tilespmem:$0x1FF30] =	vst v57;
	v32 =	vadd.f32 $9.499999880e-01, v32;
	v41 =	vmul.f32 v25, v50;
	v58 =	vadd.f32 v56, v55  }
0x72: {  	v1 =	vmul.f32 v2, v1;
	[tilespmem:$0x1FF60] =	vst v63;
	v34 =	vsub.f32 $1.500000000e+00, v34;
	v63 =	vmul.f32 v60, v37  }
0x73: {  	[tilespmem:$0x1FF50] =	vst v61;
	v52 =	vld [tilespmem:s13+$0x700];
	v7 =	vmul.f32 v32, v7;
	v57 =	vsub.f32 $1.500000000e+00, v41;
	v61 =	vadd.f32 v59, v58  }
0x74: {  	v35 =	vld [tilespmem:s13+$0x710];
	v15 =	vmul.f32 v32, v4;
	v16 =	vmul.f32 v32, v6;
	v12 =	vsub.f32 $1.500000000e+00, v63  }
0x75: {  	v34 =	vmul.f32 v34, v38;
	v41 =	vld [tilespmem:s13+$0x720];
	v39 =	vmul.f32 v25, v57;
	v11 =	vadd.f32 v62, v61  }
0x76: {  	v50 =	vmul.f32 v32, v3;
	v18 =	vmul.f32 v12, v37  }
0x77: {  	[tilespmem:$0x1FF20] =	vst v9;
	v10 =	vmul.f32 $5.000000070e-02, v34;
	v9 =	vmul.f32 v39, v53;
	(xrf2) =	vadd.scan.msk.f32 $0xffff, v11  }
0x78: {  	v42 =	vld [tilespmem:s13+$0x730];
	[tilespmem:$0x1FF70] =	vst v14;
	v44 =	vmul.f32 v52, v52;
	v38 =	vmul.f32 v18, v51  }
0x79: {  	[tilespmem:$0x1FF80] =	vst v1;
	v1 =	vadd.f32 $9.499999880e-01, v10;
	v51 =	vmul.f32 v35, v35;
	v14 =	vmul.f32 v9, v39  }
0x7a: {  	v56 =	vmul.f32 v41, v41;
	v4 =	vmul.f32 v38, v18  }
0x7b: {  	v24 =	vld [tilespmem:s13+$0x780];
	v5 =	vmul.f32 v1, v5;
	v55 =	vadd.f32 v51, v44;
	v32 =	vsub.f32 $1.500000000e+00, v14  }
0x7c: {  	v0 =	vmul.f32 v1, v0;
	v57 =	vsub.f32 $1.500000000e+00, v4  }
0x7d: {  	v60 =	vmul.f32 v42, v42;
	[tilespmem:$0x1FFE0] =	vst v5;
	v5 =	vadd.f32 v56, v55;
	v3 =	vmul.f32 v32, v39  }
0x7e: {  	v34 =	vmul.f32 v1, v8;
	[tilespmem:$0x1FFF0] =	vst v0;
	v0 =	vmul.f32 v57, v18;
	s20 =	spop (v2sf)  }
0x7f: {  	v37 =	vmul.f32 v1, v31;
	v38 =	vld [tilespmem:s13+$0x790];
	v5 =	vadd.f32 v60, v5;
	v54 =	vmul.f32 v3, v53;
	s14 =	smax.f32 s20, $1.000000020e-24;
	s21 =	spop (v2sf)  }
0x80: {  	[tilespmem:$0x1FFA0] =	vst v15;
	v60 =	vmul.f32 v24, v24;
	v0 =	vmul.f32 $5.000000070e-02, v0;
	v59 =	vmov s14;
	s14 =	smax.f32 s21, $1.000000020e-24  }
0x81: {  	[tilespmem:$0x1FFB0] =	vst v16;
	v16 =	vld [tilespmem:s13+$0x7A0];
	v58 =	vmul.f32 v54, v3;
	v61 =	vshra.s32 v59, $0x1;
	v62 =	vmov s14;
	v63, _, _ =	vpop (xrf2)  }
0x82: {  	v44 =	vld [tilespmem:s13+$0x800];
	[tilespmem:$0x1FFC0] =	vst v34;
	v31 =	vmul.f32 $5.000000000e-01, v59;
	v12 =	vshra.s32 v62, $0x1;
	(v2sf) =	vpush v63, $0xF  }
0x83: {  	v18 =	vld [tilespmem:s13+$0x7B0];
	v34 =	vmul.f32 $5.000000000e-01, v62;
	v15 =	vsub.s32 $0x5F3759DF, v61;
	(xrf2) =	vadd.scan.msk.f32 $0xffff, v5;
	v1 =	vsub.f32 $1.500000000e+00, v58  }
0x84: {  	v54 =	vmul.f32 v38, v38;
	v25 =	vsub.s32 $0x5F3759DF, v12;
	v58 =	vmul.f32 v15, v31  }
0x85: {  	v43 =	vld [tilespmem:s13+$0x810];
	v59 =	vmul.f32 v25, v34;
	v14 =	vmul.f32 v1, v3  }
0x86: {  	v61 =	vmul.f32 v16, v16;
	v55 =	vmul.f32 v15, v58  }
0x87: {  	v39 =	vld [tilespmem:s13+$0x820];
	v5 =	vadd.f32 v54, v60;
	v3 =	vmul.f32 v25, v59;
	v53 =	vmul.f32 v14, v53  }
0x88: {  	v57 =	vmul.f32 v18, v18;
	v62 =	vmul.f32 v44, v44;
	v55 =	vsub.f32 $1.500000000e+00, v55  }
0x89: {  	v54 =	vadd.f32 v61, v5;
	v56 =	vsub.f32 $1.500000000e+00, v3;
	v53 =	vmul.f32 v53, v14  }
0x8a: {  	[tilespmem:$0x1FFD0] =	vst v37;
	v63 =	vmul.f32 v43, v43;
	v37 =	vmul.f32 v15, v55  }
0x8b: {  	v54 =	vadd.f32 v57, v54;
	v51 =	vmul.f32 v25, v56;
	v25 =	vld [tilespmem:s13+$0x830];
	v53 =	vsub.f32 $1.500000000e+00, v53  }
0x8c: {  	v0 =	vadd.f32 $9.499999880e-01, v0;
	v5 =	vmul.f32 v39, v39;
	v3 =	vmul.f32 v37, v31  }
0x8d: {  	v4 =	vadd.f32 v63, v62;
	(xrf2) =	vadd.scan.msk.f32 $0xffff, v54;
	v58 =	vmul.f32 v51, v34;
	v59, _, _ =	vpop (xrf2);
	v32 =	vmul.f32 v53, v14  }
0x8e: {  	v57 =	vmul.f32 v0, v20;
	v6 =	vmul.f32 v3, v37;
	(v2sf) =	vpush v59, $0xF  }
0x8f: {  	[tilespmem:$0x1FF90] =	vst v7;
	v54 =	vadd.f32 v5, v4;
	v7 =	vmul.f32 v58, v51;
	v9 =	vmul.f32 $5.000000070e-02, v32  }
0x90: {  	v56 =	vmul.f32 v0, v22;
	v8 =	vmul.f32 v25, v25;
	v10 =	vsub.f32 $1.500000000e+00, v6  }
0x91: {  	v59 =	vmul.f32 v0, v21;
	v11 =	vsub.f32 $1.500000000e+00, v7;
	v14 =	vadd.f32 $9.499999880e-01, v9;
	s22 =	spop (v2sf)  }
0x92: {  	v58 =	vmul.f32 v0, v17;
	v12 =	vadd.f32 v8, v54;
	v32 =	vmul.f32 v10, v37;
	s14 =	smax.f32 s22, $1.000000020e-24  }
0x93: {  	v20 =	vld [tilespmem:s13+$0x890];
	v37 =	vmul.f32 v11, v51;
	v60 =	vmul.f32 v14, v23;
	v1 =	vmov s14  }
0x94: {  	v17 =	vld [tilespmem:s13+$0x910];
	(xrf2) =	vadd.scan.msk.f32 $0xffff, v12;
	v3 =	vmul.f32 v32, v31;
	v2 =	vshra.s32 v1, $0x1;
	v10 =	vmul.f32 $5.000000000e-01, v1  }
0x95: {  	v23 =	vld [tilespmem:s13+$0x880];
	v61 =	vmul.f32 v14, v29;
	v62 =	vmul.f32 v14, v28;
	v5 =	vsub.s32 $0x5F3759DF, v2  }
0x96: {  	v22 =	vld [tilespmem:s13+$0x900];
	v4 =	vmul.f32 v37, v34;
	v6 =	vmul.f32 v5, v10  }
0x97: {  	v9, _, _ =	vpop (xrf2);
	v63 =	vmul.f32 v14, v30;
	v7 =	vmul.f32 v3, v32  }
0x98: {  	v21 =	vld [tilespmem:s13+$0x8A0];
	(v2sf) =	vpush v9, $0xF;
	v8 =	vmul.f32 v4, v37;
	v11 =	vmul.f32 v5, v6  }
0x99: {  	v9 =	vmul.f32 v17, v17;
	v4 =	vmul.f32 v20, v20;
	v12 =	vsub.f32 $1.500000000e+00, v7  }
0x9a: {  	v14 =	vsub.f32 $1.500000000e+00, v8;
	v15 =	vmul.f32 v23, v23;
	v28 =	vsub.f32 $1.500000000e+00, v11  }
0x9b: {  	v8 =	vmul.f32 v22, v22;
	v2 =	vmul.f32 v12, v32  }
0x9c: {  	v54 =	vmul.f32 v14, v37;
	v37 =	vmul.f32 v5, v28  }
0x9d: {  	v29 =	vld [tilespmem:s13+$0x8B0];
	v6 =	vmul.f32 v21, v21;
	v31 =	vmul.f32 v2, v31;
	s23 =	spop (v2sf)  }
0x9e: {  	v51 =	vadd.f32 v9, v8;
	v34 =	vmul.f32 v54, v34;
	v7, _, _ =	vpop (xrf2);
	s14 =	smax.f32 s23, $1.000000020e-24;
	v28 =	vld [tilespmem:s13+$0x920];
	v11 =	vmul.f32 v37, v10  }
0x9f: {  	v5 =	vadd.f32 v4, v15;
	(v2sf) =	vpush v7, $0xF;
	v12 =	vmov s14  }
0xa0: {  	v32 =	vld [tilespmem:s13+$0x990];
	v15 =	vshra.s32 v12, $0x1;
	v8 =	vmul.f32 $5.000000000e-01, v12;
	v14 =	vmul.f32 v11, v37  }
0xa1: {  	v55 =	vadd.f32 v6, v5;
	v0 =	vsub.s32 $0x5F3759DF, v15;
	v11 =	vmul.f32 v31, v2;
	v31 =	vld [tilespmem:s13+$0x980]  }
0xa2: {  	v30 =	vld [tilespmem:s13+$0x930];
	v12 =	vmul.f32 v0, v8;
	v53 =	vsub.f32 $1.500000000e+00, v14;
	v14 =	vmul.f32 v29, v29  }
0xa3: {  	v34 =	vmul.f32 v34, v54;
	v15 =	vmul.f32 v28, v28;
	v4 =	vsub.f32 $1.500000000e+00, v11  }
0xa4: {  	v5 =	vmul.f32 v0, v12;
	v37 =	vmul.f32 v53, v37;
	v3 =	vadd.f32 v14, v55  }
0xa5: {  	v11 =	vmul.f32 v4, v2;
	v4 =	vadd.f32 v15, v51;
	v51 =	vsub.f32 $1.500000000e+00, v34;
	v34 =	vld [tilespmem:s13+$0xA00]  }
0xa6: {  	v7 =	vmul.f32 v32, v32;
	v15 =	vld [tilespmem:s13+$0xA10];
	v6 =	vmul.f32 v31, v31;
	(xrf2) =	vadd.scan.msk.f32 $0xffff, v3;
	v3 =	vsub.f32 $1.500000000e+00, v5  }
0xa7: {  	v9 =	vmul.f32 v30, v30;
	s24 =	spop (v2sf);
	v53 =	vld [tilespmem:s13+$0x9A0];
	v5 =	vmul.f32 v37, v10  }
0xa8: {  	s14 =	smax.f32 s24, $1.000000020e-24;
	v12 =	vmul.f32 v51, v54;
	v51 =	vld [tilespmem:s13+$0xA20];
	v7 =	vadd.f32 v7, v6;
	v0 =	vmul.f32 v0, v3  }
0xa9: {  	v3 =	vadd.f32 v9, v4;
	v6 =	vmul.f32 v5, v37;
	v9 =	vmov s14  }
0xaa: {  	v14 =	vshra.s32 v9, $0x1;
	v9 =	vmul.f32 $5.000000000e-01, v9;
	v2 =	vmul.f32 v34, v34  }
0xab: {  	v55 =	vld [tilespmem:s13+$0x9B0];
	v1 =	vmul.f32 v15, v15;
	v54 =	vmul.f32 v0, v8;
	v5 =	vsub.s32 $0x5F3759DF, v14  }
0xac: {  	(xrf2) =	vadd.scan.msk.f32 $0xffff, v3;
	v14 =	vld [tilespmem:s13+$0xA30];
	v6 =	vsub.f32 $1.500000000e+00, v6;
	v3 =	vmul.f32 v53, v53;
	v4 =	vmul.f32 v5, v9  }
0xad: {  	v1 =	vadd.f32 v1, v2;
	v2 =	vmul.f32 v54, v0;
	v54 =	vmul.f32 v51, v51  }
0xae: {  	v12 =	vmul.f32 $5.000000070e-02, v12;
	v3 =	vadd.f32 v3, v7;
	v7 =	vmul.f32 $5.000000070e-02, v11  }
0xaf: {  	v6 =	vmul.f32 v6, v37;
	v4 =	vmul.f32 v5, v4;
	v1 =	vadd.f32 v54, v1  }
0xb0: {  	v37 =	vmul.f32 v55, v55;
	v2 =	vsub.f32 $1.500000000e+00, v2;
	v7 =	vadd.f32 $9.499999880e-01, v7  }
0xb1: {  	v10 =	vmul.f32 v6, v10;
	v4 =	vsub.f32 $1.500000000e+00, v4;
	v54 =	vmul.f32 v14, v14  }
0xb2: {  	s25 =	spop (v2sf);
	v2 =	vmul.f32 v2, v0;
	v0 =	vmul.f32 v7, v26  }
0xb3: {  	s14 =	smax.f32 s25, $1.000000020e-24;
	v3 =	vadd.f32 v37, v3;
	v11, _, _ =	vpop (xrf2);
	v26 =	vmul.f32 v7, v27;
	v4 =	vmul.f32 v5, v4  }
0xb4: {  	v27 =	vmov s14;
	(v2sf) =	vpush v11, $0xF;
	v5 =	vmul.f32 v2, v8  }
0xb5: {  	v37 =	vshra.s32 v27, $0x1;
	v27 =	vmul.f32 $5.000000000e-01, v27;
	v11 =	vmul.f32 v4, v9  }
0xb6: {  	(xrf2) =	vadd.scan.msk.f32 $0xffff, v3;
	v1 =	vadd.f32 v54, v1;
	v3 =	vsub.s32 $0x5F3759DF, v37;
	v54, _, _ =	vpop (xrf2);
	v37 =	vmul.f32 v5, v2  }
0xb7: {  	(v2sf) =	vpush v54, $0xF;
	v54 =	vmul.f32 v3, v27;
	v11 =	vmul.f32 v11, v4  }
0xb8: {  	v10 =	vmul.f32 v10, v6;
	v13 =	vmul.f32 v7, v13;
	(xrf2) =	vadd.scan.msk.f32 $0xffff, v1;
	v1 =	vsub.f32 $1.500000000e+00, v37  }
0xb9: {  	v5 =	vmul.f32 v3, v54;
	v11 =	vsub.f32 $1.500000000e+00, v11;
	v54 =	vadd.f32 $9.499999880e-01, v12  }
0xba: {  	v19 =	vmul.f32 v7, v19;
	v1 =	vmul.f32 v1, v2  }
0xbb: {  	v37 =	vsub.f32 $1.500000000e+00, v5;
	v4 =	vmul.f32 v11, v4;
	v7 =	vmul.f32 v54, v49  }
0xbc: {  	v11 =	vmul.f32 v54, v46;
	v12 =	vmul.f32 v1, v8  }
0xbd: {  	v10 =	vsub.f32 $1.500000000e+00, v10;
	v8 =	vmul.f32 v54, v48;
	v2 =	vmul.f32 v3, v37  }
0xbe: {  	v3 =	vmul.f32 v12, v1;
	v12 =	vmul.f32 v54, v45;
	v54 =	vld [tilespmem:$0x1FF10]  }
0xbf: {  	v5 =	vmul.f32 v10, v6  }
0xc0: {  	v46 =	vmul.f32 v4, v9  }
0xc1: {  	v10 =	vld [tilespmem:s11+$0x0];
	v5 =	vmul.f32 $5.000000070e-02, v5;
	v3 =	vsub.f32 $1.500000000e+00, v3  }
0xc2: {  	v37, _, _ =	vpop (xrf2);
	v6 =	vmul.f32 v2, v27;
	v49 =	vmul.f32 v46, v4;
	v46 =	vld [tilespmem:$0x1FF20]  }
0xc3: {  	v5 =	vadd.f32 $9.499999880e-01, v5;
	(v2sf) =	vpush v37, $0xF;
	v48, _, _ =	vpop (xrf2);
	v1 =	vmul.f32 v3, v1;
	[tilespmem:s13+$0x280] =	vst v54;
	v54 =	vld [tilespmem:$0x1FF40]  }
0xc4: {  	(v2sf) =	vpush v48, $0xF;
	v45 =	vmul.f32 v6, v2;
	v48 =	vsub.f32 $1.500000000e+00, v49;
	v49 =	vld [tilespmem:$0x1FF30]  }
0xc5: {  	s26 =	spop (v2sf);
	v1 =	vmul.f32 $5.000000070e-02, v1  }
0xc6: {  	v6 =	vmul.f32 v5, v33;
	v33 =	vmul.f32 v5, v36;
	v3 =	vsub.f32 $1.500000000e+00, v45;
	s14 =	smax.f32 s26, $1.000000020e-24  }
0xc7: {  	v37 =	vmul.f32 v5, v40;
	v45 =	vld [tilespmem:$0x1FF50];
	[tilespmem:s13+$0x290] =	vst v46;
	v46 =	vmov s14;
	s15 =	spop (v2sf);
	v1 =	vadd.f32 $9.499999880e-01, v1  }
0xc8: {  	v4 =	vmul.f32 v48, v4;
	v2 =	vmul.f32 v3, v2;
	v48 =	vshra.s32 v46, $0x1;
	s15 =	smax.f32 s15, $1.000000020e-24;
	[tilespmem:s13+$0x2B0] =	vst v54;
	v54 =	vld [tilespmem:$0x1FF70]  }
0xc9: {  	v3 =	vmul.f32 $5.000000000e-01, v46;
	[tilespmem:s13+$0x2A0] =	vst v49;
	v49 =	vmov s15;
	v46 =	vmul.f32 v1, v52;
	v52 =	vld [tilespmem:$0x1FF90]  }
0xca: {  	v36 =	vsub.s32 $0x5F3759DF, v48;
	v48 =	vshra.s32 v49, $0x1;
	v40 =	vmul.f32 $5.000000000e-01, v49;
	v49 =	vld [tilespmem:$0x1FF80];
	_ =	sdelay $0x1  }
0xcb: {  	[tilespmem:s13+$0x300] =	vst v45;
	v45 =	vsub.s32 $0x5F3759DF, v48  }
0xcc: {  	v5 =	vmul.f32 v5, v47;
	v47 =	vld [tilespmem:$0x1FF60];
	[tilespmem:s13+$0x320] =	vst v54;
	v54 =	vmul.f32 v45, v40  }
0xcd: {  	[tilespmem:s13+$0x380] =	vst v52;
	v52 =	vld [tilespmem:$0x1FFA0]  }
0xce: {  	[tilespmem:s13+$0x330] =	vst v49;
	v49 =	vmul.f32 v45, v54;
	v54 =	vld [tilespmem:$0x1FFB0];
	_ =	sdelay $0x1  }
0xcf: {  	[tilespmem:s13+$0x390] =	vst v50;
	v9 =	vmul.f32 v4, v9  }
0xd0: {  	[tilespmem:s13+$0x310] =	vst v47  }
0xd1: {  	v47 =	vmul.f32 v36, v3;
	v9 =	vmul.f32 v9, v4;
	[tilespmem:s13+$0x3A0] =	vst v52;
	v52 =	vld [tilespmem:$0x1FFC0]  }
0xd2: {  	v48 =	vmul.f32 v2, v27;
	[tilespmem:s13+$0x3B0] =	vst v54;
	v54 =	vld [tilespmem:$0x1FFD0]  }
0xd3: {  	[tilespmem:s13+$0x480] =	vst v59;
	v35 =	vmul.f32 v1, v35;
	v47 =	vmul.f32 v36, v47;
	v9 =	vsub.f32 $1.500000000e+00, v9  }
0xd4: {  	[tilespmem:s13+$0x490] =	vst v57;
	v41 =	vmul.f32 v1, v41;
	v48 =	vmul.f32 v48, v2;
	s28 =	spop (v2sf);
	v49 =	vsub.f32 $1.500000000e+00, v49  }
0xd5: {  	v50 =	vld [tilespmem:$0x1FFE0];
	[tilespmem:s13+$0x4A0] =	vst v58;
	v1 =	vmul.f32 v1, v42;
	v47 =	vsub.f32 $1.500000000e+00, v47;
	v4 =	vmul.f32 v9, v4;
	s14 =	smax.f32 s28, $1.000000020e-24  }
0xd6: {  	v48 =	vsub.f32 $1.500000000e+00, v48;
	v42 =	vmul.f32 v45, v49;
	v45 =	vmov s14;
	[tilespmem:s13+$0x400] =	vst v52;
	v52 =	vld [tilespmem:$0x1FFF0]  }
0xd7: {  	v36 =	vmul.f32 v36, v47;
	[tilespmem:s13+$0x410] =	vst v54;
	v54 =	vshra.s32 v45, $0x1;
	v45 =	vmul.f32 $5.000000000e-01, v45  }
0xd8: {  	[tilespmem:s13+$0x4B0] =	vst v56;
	v2 =	vmul.f32 v48, v2;
	s29 =	spop (v2sf);
	v49 =	vmul.f32 v42, v40;
	v48 =	vsub.s32 $0x5F3759DF, v54  }
0xd9: {  	[tilespmem:s13+$0x500] =	vst v60;
	v47 =	vmul.f32 v36, v3;
	s14 =	smax.f32 s29, $1.000000020e-24;
	v59 =	vmul.f32 v48, v45  }
0xda: {  	[tilespmem:s13+$0x420] =	vst v50;
	v27 =	vmul.f32 v2, v27;
	v50 =	vmov s14;
	v49 =	vmul.f32 v49, v42  }
0xdb: {  	v57 =	vshra.s32 v50, $0x1;
	v50 =	vmul.f32 $5.000000000e-01, v50;
	[tilespmem:s13+$0x430] =	vst v52;
	v52 =	vmul.f32 v48, v59  }
0xdc: {  	[tilespmem:s13+$0x510] =	vst v61;
	v47 =	vmul.f32 v47, v36;
	v60 =	vsub.f32 $1.500000000e+00, v49;
	v54 =	vsub.s32 $0x5F3759DF, v57  }
0xdd: {  	[tilespmem:s13+$0x520] =	vst v62;
	v27 =	vmul.f32 v27, v2;
	v56 =	vmul.f32 v54, v50;
	v61 =	vsub.f32 $1.500000000e+00, v52  }
0xde: {  	[tilespmem:s13+$0x530] =	vst v63;
	v4 =	vmul.f32 $5.000000070e-02, v4;
	v57 =	vmul.f32 v60, v42;
	v59 =	vsub.f32 $1.500000000e+00, v47  }
0xdf: {  	[tilespmem:s13+$0x580] =	vst v0;
	v49 =	vsub.f32 $1.500000000e+00, v27;
	v56 =	vmul.f32 v54, v56;
	v42 =	vmul.f32 v48, v61  }
0xe0: {  	[tilespmem:s13+$0x590] =	vst v26;
	v60 =	vmul.f32 v57, v40;
	v9 =	vmul.f32 v59, v36  }
0xe1: {  	[tilespmem:s13+$0x5A0] =	vst v13;
	v2 =	vmul.f32 v49, v2;
	v58 =	vsub.f32 $1.500000000e+00, v56;
	v61 =	vmul.f32 v42, v45  }
0xe2: {  	[tilespmem:s13+$0x5B0] =	vst v19;
	v62 =	vmul.f32 v60, v57;
	v59 =	vmul.f32 v9, v3  }
0xe3: {  	[tilespmem:s13+$0x600] =	vst v7;
	v26 =	vmul.f32 v54, v58;
	v63 =	vmul.f32 v61, v42  }
0xe4: {  	[tilespmem:s13+$0x620] =	vst v11;
	v4 =	vadd.f32 $9.499999880e-01, v4;
	v52 =	vsub.f32 $1.500000000e+00, v62;
	v0 =	vmul.f32 v59, v9  }
0xe5: {  	[tilespmem:s13+$0x610] =	vst v8;
	v2 =	vmul.f32 $5.000000070e-02, v2;
	v48 =	vmul.f32 v26, v50;
	v54 =	vsub.f32 $1.500000000e+00, v63  }
0xe6: {  	[tilespmem:s13+$0x630] =	vst v12;
	v60 =	vmul.f32 v4, v24;
	v57 =	vmul.f32 v52, v57;
	v0 =	vsub.f32 $1.500000000e+00, v0  }
0xe7: {  	[tilespmem:s13+$0x680] =	vst v6;
	v56 =	vmul.f32 v48, v26;
	v58 =	vmul.f32 v54, v42  }
0xe8: {  	[tilespmem:s13+$0x690] =	vst v33;
	v0 =	vmul.f32 v0, v9;
	v63 =	vmul.f32 v57, v40  }
0xe9: {  	[tilespmem:s13+$0x6A0] =	vst v37;
	v24 =	vmul.f32 v4, v16;
	v59 =	vsub.f32 $1.500000000e+00, v56;
	v61 =	vmul.f32 v58, v45  }
0xea: {  	[tilespmem:s13+$0x720] =	vst v41;
	v41 =	vshll.u32 v10, $0x4;
	v3 =	vmul.f32 v0, v3;
	v13 =	vmul.f32 v63, v57  }
0xeb: {  	[tilespmem:s13+$0x6B0] =	vst v5;
	(v2sf) =	vpush v41, $0x0;
	v9 =	vmul.f32 v59, v26;
	v19 =	vmul.f32 v61, v58  }
0xec: {  	[tilespmem:s13+$0x700] =	vst v46;
	v2 =	vadd.f32 $9.499999880e-01, v2;
	v3 =	vmul.f32 v3, v0;
	v13 =	vsub.f32 $1.500000000e+00, v13  }
0xed: {  	[tilespmem:s13+$0x710] =	vst v35;
	v62 =	vmul.f32 v4, v38;
	v26 =	vmul.f32 v9, v50;
	v5 =	vsub.f32 $1.500000000e+00, v19  }
0xee: {  	[tilespmem:s13+$0x730] =	vst v1;
	v4 =	vmul.f32 v4, v18;
	v3 =	vsub.f32 $1.500000000e+00, v3;
	v33 =	vmul.f32 v13, v57  }
0xef: {  	[tilespmem:s13+$0x780] =	vst v60;
	v35 =	vmul.f32 v26, v9;
	v27 =	vmul.f32 v5, v58  }
0xf0: {  	(v2sf) =	vpush v41, $0x1;
	v36 =	vmul.f32 v2, v44;
	[tilespmem:s13+$0x7A0] =	vst v24;
	v0 =	vmul.f32 v3, v0  }
0xf1: {  	[tilespmem:s13+$0x790] =	vst v62;
	v3 =	vmul.f32 $5.000000070e-02, v33;
	v5 =	vsub.f32 $1.500000000e+00, v35;
	v37 =	vmul.f32 v27, v45  }
0xf2: {  	(v2sf) =	vpush v41, $0x2;
	v38 =	vmul.f32 v2, v43;
	v39 =	vmul.f32 v2, v39;
	[tilespmem:s13+$0x7B0] =	vst v4  }
0xf3: {  	[tilespmem:s13+$0x800] =	vst v36;
	v3 =	vadd.f32 $9.499999880e-01, v3;
	v5 =	vmul.f32 v5, v9;
	v7 =	vmul.f32 v37, v27  }
0xf4: {  	v2 =	vmul.f32 v2, v25;
	[tilespmem:s13+$0x810] =	vst v38;
	v0 =	vmul.f32 $5.000000070e-02, v0  }
0xf5: {  	[tilespmem:s13+$0x820] =	vst v39;
	v47 =	vmul.f32 v3, v22;
	v43 =	vmul.f32 v5, v50;
	v40 =	vsub.f32 $1.500000000e+00, v7  }
0xf6: {  	(v2sf) =	vpush v41, $0x3;
	[tilespmem:s13+$0x830] =	vst v2;
	v49 =	vmul.f32 v3, v17;
	v52 =	vmul.f32 v3, v28  }
0xf7: {  	v0 =	vadd.f32 $9.499999880e-01, v0;
	[tilespmem:s13+$0x900] =	vst v47;
	v46 =	vmul.f32 v43, v5;
	v1 =	vmul.f32 v40, v27  }
0xf8: {  	(v2sf) =	vpush v41, $0x4;
	v54 =	vmul.f32 v3, v30;
	[tilespmem:s13+$0x910] =	vst v49  }
0xf9: {  	v42 =	vmul.f32 v0, v23;
	[tilespmem:s13+$0x920] =	vst v52;
	v48 =	vsub.f32 $1.500000000e+00, v46;
	v1 =	vmul.f32 $5.000000070e-02, v1  }
0xfa: {  	s30 =	spop (v2sf);
	(v2sf) =	vpush v41, $0x5;
	v44 =	vmul.f32 v0, v20;
	[tilespmem:s13+$0x930] =	vst v54  }
0xfb: {  	v45 =	vmul.f32 v0, v21;
	[tilespmem:s13+$0x880] =	vst v42;
	v50 =	vmul.f32 v48, v5;
	v1 =	vadd.f32 $9.499999880e-01, v1  }
0xfc: {  	v0 =	vmul.f32 v0, v29;
	[tilespmem:s13+$0x890] =	vst v44  }
0xfd: {  	[tilespmem:s13+$0x8A0] =	vst v45;
	v2 =	vmul.f32 $5.000000070e-02, v50;
	v56 =	vmul.f32 v1, v31  }
0xfe: {  	[tilespmem:s13+$0x8B0] =	vst v0;
	v57 =	vmul.f32 v1, v32  }
0xff: {  	v58 =	vmul.f32 v1, v53;
	v2 =	vadd.f32 $9.499999880e-01, v2;
	[tilespmem:s13+$0x980] =	vst v56  }
0x100: {  	v59 =	vmul.f32 v1, v55;
	[tilespmem:s13+$0x990] =	vst v57  }
0x101: {  	s15 =	spop (v2sf);
	[tilespmem:s13+$0x9A0] =	vst v58;
	v60 =	vmul.f32 v2, v34  }
0x102: {  	s17 =	spop (v2sf);
	(v2sf) =	vpush v41, $0x6;
	[tilespmem:s13+$0x9B0] =	vst v59;
	v61 =	vmul.f32 v2, v15  }
0x103: {  	v62 =	vmul.f32 v2, v51;
	[tilespmem:s13+$0xA00] =	vst v60  }
0x104: {  	v63 =	vmul.f32 v2, v14;
	[tilespmem:s13+$0xA10] =	vst v61  }
0x105: {  	s14 =	sand.u32 $0x1FFFFFF0, s30;
	s19 =	spop (v2sf);
	(v2sf) =	vpush v41, $0x7;
	[tilespmem:s13+$0xA20] =	vst v62  }
0x106: {  	s31 =	sadd.s32 $0x280, s13;
	s14 =	sadd.s32 s3, s14;
	[tilespmem:s13+$0xA30] =	vst v63  }
0x107: {  	[hbm4b:s14+s2] =	stream.linear.scatter [tilespmem:s31], [sflag:$0x1], $0x80, $0x38;
	[tilespmem:$0x10280] =	vst v63  }
0x108: {  	s21 =	spop (v2sf);
	(v2sf) =	vpush v41, $0x8;
	s14 =	sand.u32 $0x1FFFFFF0, s15  }
0x109: {  	s16 =	sadd.s32 $0x300, s13;
	s23 =	spop (v2sf);
	(v2sf) =	vpush v41, $0x9;
	s14 =	sadd.s32 s3, s14  }
0x10a: {  	[hbm4b:s14+s2] =	stream.linear.scatter [tilespmem:s16], [sflag:$0x1], $0x80, $0x38;
	[tilespmem:$0x10280] =	vst v63  }
0x10b: {  	s14 =	sand.u32 $0x1FFFFFF0, s17  }
0x10c: {  	s18 =	sadd.s32 $0x380, s13;
	s14 =	sadd.s32 s3, s14  }
0x10d: {  	[hbm4b:s14+s2] =	stream.linear.scatter [tilespmem:s18], [sflag:$0x1], $0x80, $0x38;
	[tilespmem:$0x10280] =	vst v63  }
0x10e: {  	(v2sf) =	vpush v41, $0xA;
	s14 =	sand.u32 $0x1FFFFFF0, s19  }
0x10f: {  	s20 =	sadd.s32 $0x400, s13;
	s14 =	sadd.s32 s3, s14  }
0x110: {  	[hbm4b:s14+s2] =	stream.linear.scatter [tilespmem:s20], [sflag:$0x1], $0x80, $0x38;
	[tilespmem:$0x10280] =	vst v63  }
0x111: {  	s25 =	spop (v2sf);
	(v2sf) =	vpush v41, $0xB;
	s14 =	sand.u32 $0x1FFFFFF0, s21  }
0x112: {  	s22 =	sadd.s32 $0x480, s13;
	s14 =	sadd.s32 s3, s14  }
0x113: {  	[hbm4b:s14+s2] =	stream.linear.scatter [tilespmem:s22], [sflag:$0x1], $0x80, $0x38;
	[tilespmem:$0x10280] =	vst v63  }
0x114: {  	s28 =	spop (v2sf);
	(v2sf) =	vpush v41, $0xC;
	s14 =	sand.u32 $0x1FFFFFF0, s23  }
0x115: {  	s24 =	sadd.s32 $0x500, s13;
	s14 =	sadd.s32 s3, s14  }
0x116: {  	[hbm4b:s14+s2] =	stream.linear.scatter [tilespmem:s24], [sflag:$0x1], $0x80, $0x38;
	[tilespmem:$0x10280] =	vst v63  }
0x117: {  	s30 =	spop (v2sf);
	(v2sf) =	vpush v41, $0xD;
	s14 =	sand.u32 $0x1FFFFFF0, s25  }
0x118: {  	s26 =	sadd.s32 $0x580, s13;
	s15 =	spop (v2sf);
	s14 =	sadd.s32 s3, s14  }
0x119: {  	(v2sf) =	vpush v41, $0xE;
	[hbm4b:s14+s2] =	stream.linear.scatter [tilespmem:s26], [sflag:$0x1], $0x80, $0x38;
	[tilespmem:$0x10280] =	vst v63  }
0x11a: {  	s14 =	sand.u32 $0x1FFFFFF0, s28  }
0x11b: {  	s29 =	sadd.s32 $0x600, s13;
	s14 =	sadd.s32 s3, s14  }
0x11c: {  	[hbm4b:s14+s2] =	stream.linear.scatter [tilespmem:s29], [sflag:$0x1], $0x80, $0x38;
	[tilespmem:$0x10280] =	vst v63  }
0x11d: {  	s17 =	spop (v2sf);
	(v2sf) =	vpush v41, $0xF;
	s14 =	sand.u32 $0x1FFFFFF0, s30  }
0x11e: {  	s31 =	sadd.s32 $0x680, s13;
	s14 =	sadd.s32 s3, s14  }
0x11f: {  	[hbm4b:s14+s2] =	stream.linear.scatter [tilespmem:s31], [sflag:$0x1], $0x80, $0x38;
	[tilespmem:$0x10280] =	vst v63  }
0x120: {  	s18 =	spop (v2sf);
	s14 =	sand.u32 $0x1FFFFFF0, s15  }
0x121: {  	s16 =	sadd.s32 $0x700, s13;
	s19 =	sand.u32 $0x1FFFFFF0, s18;
	s14 =	sadd.s32 s3, s14  }
0x122: {  	[hbm4b:s14+s2] =	stream.linear.scatter [tilespmem:s16], [sflag:$0x1], $0x80, $0x38;
	[tilespmem:$0x10280] =	vst v63  }
0x123: {  	s20 =	spop (v2sf);
	s21 =	sadd.s32 $0x800, s13;
	s14 =	sand.u32 $0x1FFFFFF0, s17  }
0x124: {  	s22 =	sand.u32 $0x1FFFFFF0, s20;
	s16 =	sadd.s32 $0x780, s13;
	s14 =	sadd.s32 s3, s14  }
0x125: {  	[hbm4b:s14+s2] =	stream.linear.scatter [tilespmem:s16], [sflag:$0x1], $0x80, $0x38;
	[tilespmem:$0x10280] =	vst v63  }
0x126: {  	s23 =	spop (v2sf);
	s24 =	sadd.s32 $0x880, s13;
	s14 =	sadd.s32 s3, s19  }
0x127: {  	[hbm4b:s14+s2] =	stream.linear.scatter [tilespmem:s21], [sflag:$0x1], $0x80, $0x38;
	[tilespmem:$0x10280] =	vst v63  }
0x128: {  	s25 =	sand.u32 $0x1FFFFFF0, s23;
	s26 =	spop (v2sf);
	s14 =	sadd.s32 s3, s22  }
0x129: {  	[hbm4b:s14+s2] =	stream.linear.scatter [tilespmem:s24], [sflag:$0x1], $0x80, $0x38;
	[tilespmem:$0x10280] =	vst v63  }
0x12a: {  	s28 =	sadd.s32 $0x900, s13;
	s29 =	sand.u32 $0x1FFFFFF0, s26;
	s14 =	sadd.s32 s3, s25  }
0x12b: {  	[hbm4b:s14+s2] =	stream.linear.scatter [tilespmem:s28], [sflag:$0x1], $0x80, $0x38;
	[tilespmem:$0x10280] =	vst v63  }
0x12c: {  	s30 =	sadd.s32 $0x980, s13;
	s31 =	spop (v2sf);
	s14 =	sadd.s32 s3, s29  }
0x12d: {  	[hbm4b:s14+s2] =	stream.linear.scatter [tilespmem:s30], [sflag:$0x1], $0x80, $0x38;
	[tilespmem:$0x10280] =	vst v63  }
0x12e: {  	s14 =	sand.u32 $0x1FFFFFF0, s31  }
0x12f: {  	s13 =	sadd.s32 $0xA00, s13;
	s14 =	sadd.s32 s3, s14  }
0x130: {  	[hbm4b:s14+s2] =	stream.linear.scatter [tilespmem:s13], [sflag:$0x1], $0x80, $0x38;
	[tilespmem:$0x10280] =	vst v63  }
0x131: {  	_ =	swait.ge [sflag:s9], $0x80  }
0x132: {  	[sflag:s9] =	ssyncset.done $0x0  }
0x133: {  	[sflag:s9] =	ssyncadd.s32 $0xFFFFFF80  }
0x134: {  	_ =	swait.ge [sflag:s9], $0x80  }
0x135: {  	[sflag:s9] =	ssyncset.done $0x0  }
0x136: {  	[sflag:s9] =	ssyncadd.s32 $0xFFFFFF80  }
0x137: {  	_ =	swait.ge [sflag:s9], $0x80  }
0x138: {  	[sflag:s9] =	ssyncset.done $0x0  }
0x139: {  	[sflag:s9] =	ssyncadd.s32 $0xFFFFFF80  }
0x13a: {  	_ =	swait.ge [sflag:s9], $0x80  }
0x13b: {  	[sflag:s9] =	ssyncset.done $0x0  }
0x13c: {  	[sflag:s9] =	ssyncadd.s32 $0xFFFFFF80  }
0x13d: {  	_ =	swait.ge [sflag:s9], $0x80  }
0x13e: {  	[sflag:s9] =	ssyncset.done $0x0  }
0x13f: {  	[sflag:s9] =	ssyncadd.s32 $0xFFFFFF80  }
0x140: {  	_ =	swait.ge [sflag:s9], $0x80  }
0x141: {  	[sflag:s9] =	ssyncset.done $0x0  }
0x142: {  	[sflag:s9] =	ssyncadd.s32 $0xFFFFFF80  }
0x143: {  	_ =	swait.ge [sflag:s9], $0x80  }
0x144: {  	[sflag:s9] =	ssyncset.done $0x0  }
0x145: {  	[sflag:s9] =	ssyncadd.s32 $0xFFFFFF80  }
0x146: {  	_ =	swait.ge [sflag:s9], $0x80  }
0x147: {  	[sflag:s9] =	ssyncset.done $0x0  }
0x148: {  	[sflag:s9] =	ssyncadd.s32 $0xFFFFFF80  }
0x149: {  	_ =	swait.ge [sflag:s9], $0x80  }
0x14a: {  	[sflag:s9] =	ssyncset.done $0x0  }
0x14b: {  	[sflag:s9] =	ssyncadd.s32 $0xFFFFFF80  }
0x14c: {  	_ =	swait.ge [sflag:s9], $0x80  }
0x14d: {  	[sflag:s9] =	ssyncset.done $0x0  }
0x14e: {  	[sflag:s9] =	ssyncadd.s32 $0xFFFFFF80  }
0x14f: {  	_ =	swait.ge [sflag:s9], $0x80  }
0x150: {  	[sflag:s9] =	ssyncset.done $0x0  }
0x151: {  	[sflag:s9] =	ssyncadd.s32 $0xFFFFFF80  }
0x152: {  	_ =	swait.ge [sflag:s9], $0x80  }
0x153: {  	[sflag:s9] =	ssyncset.done $0x0  }
0x154: {  	[sflag:s9] =	ssyncadd.s32 $0xFFFFFF80  }
0x155: {  	_ =	swait.ge [sflag:s9], $0x80  }
0x156: {  	[sflag:s9] =	ssyncset.done $0x0  }
0x157: {  	[sflag:s9] =	ssyncadd.s32 $0xFFFFFF80  }
0x158: {  	_ =	swait.ge [sflag:s9], $0x80  }
0x159: {  	[sflag:s9] =	ssyncset.done $0x0  }
0x15a: {  	[sflag:s9] =	ssyncadd.s32 $0xFFFFFF80  }
0x15b: {  	p0 =	sne.s32 s12, $0x3E000;
	_ =	swait.ge [sflag:s9], $0x80  }
.Ltmp0:
0x15c: {  	[sflag:s9] =	ssyncset.done $0x0;
	(pc) =	sbr.rel @p0 .LBB2_2-.Ltmp0, $4  }
0x15d: {  	[sflag:s9] =	ssyncadd.s32 $0xFFFFFF80  }
0x15e: {  	_ =	swait.ge [sflag:s9], $0x80  }
0x15f: {  	[sflag:s9] =	ssyncset.done $0x0  }
0x160: {  	s12 =	sadd.s32 $0x2000, s12;
	s11 =	sadd.s32 $0x10, s11;
	[sflag:s9] =	ssyncadd.s32 $0xFFFFFF80  }
0x161: {  	s10 =	sadd.s32 $0x1, s10  }
0x162: {  	p0 =	sne.s32 s10, s6  }
.Ltmp1:
0x163: {  	_ = 	snop;
	(pc) =	sbr.rel @p0 .LBB2_1-.Ltmp1, $1  }
0x164: {  	_ =	sdelay $0x3  }
0x165: {  	_ =	sfence.sel $0x180000  }
0x166: {  	[bflag:$0x0] =	sbarrier.arrive $0xFFFF  }
0x167: {  	p0 =	sne.s32 s1, $0x0;
	_ =	strace $0x9000004A  }
0x168: {  	s0 =	sadd.s32 @!p0 $0x100000, s0;
	[bflag:$0x2] =	sbarrier.arrive $0xFFFF  }
0x169: {  	[sflag:s0] =	ssyncadd.tile.s32 @!p0 $0x1;
	_ =	shalt  }
.Lfunc_end2:
_tile_overlayer_lowered:
.L_overlay_start_2:
0x16a: {  	(tag) =	ssettag $0x2  }
0x16b: {  	s0 =	rddreg [dreg:$0x0];
	s2 =	stileid.u32  }
0x16c: {  	s1 =	rddreg [dreg:$0x1];
	p0 =	sne.s32 s2, $0x0  }
0x16d: {  	s3 =	rddreg [dreg:$0x2];
	[bflag:$0x3] =	sbarrier.arrive $0xFFFF;
	s2 =	simm.s32 @!p0 $0x1C02  }
0x16e: {  	[timem:s3], [sflag:s2] =	dma.local @!p0 [hbm:s0], s1  }
0x16f: {  	s0 =	simm.s32 @!p0 $0x2  }
0x170: {  	_ =	swait.ge @!p0 [sflag:s0], s1  }
0x171: {  	s1 =	ssub.s32 @!p0 $0x0, s1;
	[sflag:s0] =	ssyncset.done @!p0 $0x0  }
0x172: {  	[sflag:s0] =	ssyncadd.s32 @!p0 s1  }
0x173: {  	[bflag:$0x3] =	sbarrier.arrive $0xFFFF  }
0x174: {  	_ =	shalt  }

</sc_bundles>
